<compile_context>
chip_gen: v7x
topology: tpu7x:2x2x1
jax: 0.10.2.dev20260603
libtpu: 0.0.44.dev20260713+nightly
codegen_flags: <defaults>
</compile_context>

<pallas_src>
import functools

import jax
import jax.numpy as jnp
from jax import lax
from jax.experimental import pallas as pl
from jax.experimental.pallas import tpu as pltpu
from jax.experimental.pallas import tpu_sc as plsc

_NC = 2
_NS = 16
_NW = _NC * _NS
_LANES = 16




def _seg_agg(values, src, dst, ew):
    n, d = values.shape
    e = src.shape[0]
    assert e % _NW == 0
    epw0 = e // _NW
    def _nch(c):
        k = -(-epw0 // c)
        return k + (k % 2)
    def _fits(c):
        per_sub = 2 * c * d + 3 * _nch(c) * c
        return n * d + _NS * per_sub <= 2_096_000
    c_len = next(c for c in range(128, 7, -8) if _fits(c))
    nchunk = _nch(c_len)
    epw = nchunk * c_len
    assert nchunk >= 8
    npt_lo = (n // _NS) // 16 * 16
    tail_rows = n - npt_lo * (_NS - 1)
    assert tail_rows % 16 == 0 and tail_rows > 0

    mesh = plsc.VectorSubcoreMesh(core_axis_name="c", subcore_axis_name="s",
                                  num_cores=_NC, num_subcores=_NS)

    @functools.partial(
        pl.kernel,
        out_type=jax.ShapeDtypeStruct((_NC, n, d), jnp.float32),
        mesh=mesh,
        compiler_params=pltpu.CompilerParams(needs_layout_passes=False,
                                             use_tc_tiling_on_sc=False),
        scratch_types=[
            pltpu.VMEM((nchunk, c_len), jnp.int32),
            pltpu.VMEM((nchunk, c_len), jnp.int32),
            pltpu.VMEM((nchunk, c_len), jnp.float32),
            pltpu.VMEM((2, c_len, d), jnp.float32),
            pltpu.VMEM_SHARED((n, d), jnp.float32),
            pltpu.SemaphoreType.DMA,
            pltpu.SemaphoreType.DMA,
        ],
    )
    def agg(vals_h, src_h, dst_h, ew_h, zeros_h, out_h, srcv, dstv, eww,
            rin, acc, g0, g1):
        cid = lax.axis_index("c")
        sid = lax.axis_index("s")
        wid = cid * _NS + sid
        stripe_base = sid * npt_lo
        gsem = (g0, g1)

        def gather_issue(ci, slot):
            pltpu.async_copy(vals_h.at[srcv.at[ci]], rin.at[slot],
                             gsem[slot])

        def gather_wait(slot):
            pltpu.make_async_copy(vals_h.at[srcv.at[0]], rin.at[slot],
                                  gsem[slot]).wait()

        def scale(ci, slot):
            def two(p, _):
                ei = 2 * p
                bc0 = plsc.load_gather(
                    eww, [jnp.full((_LANES,), ci, jnp.int32),
                          jnp.full((_LANES,), ei, jnp.int32)])
                bc1 = plsc.load_gather(
                    eww, [jnp.full((_LANES,), ci, jnp.int32),
                          jnp.full((_LANES,), ei + 1, jnp.int32)])
                for q in range(d // _LANES):
                    sl = pl.ds(q * _LANES, _LANES)
                    rin[slot, ei, sl] = rin[slot, ei, sl] * bc0
                    rin[slot, ei + 1, sl] = rin[slot, ei + 1, sl] * bc1
                return 0
            lax.fori_loop(0, c_len // 2, two, 0)

        pltpu.sync_copy(src_h.at[wid], srcv)
        pltpu.sync_copy(dst_h.at[wid], dstv)
        pltpu.sync_copy(ew_h.at[wid], eww)

        @pl.when(sid < _NS - 1)
        def _():
            pltpu.sync_copy(zeros_h.at[pl.ds(0, npt_lo)],
                            acc.at[pl.ds(stripe_base, npt_lo)])

        @pl.when(sid == _NS - 1)
        def _():
            pltpu.sync_copy(zeros_h, acc.at[pl.ds(stripe_base, tail_rows)])
        plsc.subcore_barrier()

        gather_issue(jnp.int32(0), 0)

        def pair(k, _):
            for b in range(2):
                i = 2 * k + b
                gather_wait(b)

                @pl.when(i + 1 < nchunk)
                def _():
                    gather_issue(i + 1, 1 - b)
                scale(i, b)
                pltpu.sync_copy(rin.at[b], acc.at[dstv.at[i]], add=True)
            return 0
        lax.fori_loop(0, nchunk // 2, pair, 0)
        plsc.subcore_barrier()

        @pl.when(sid < _NS - 1)
        def _():
            pltpu.sync_copy(acc.at[pl.ds(stripe_base, npt_lo)],
                            out_h.at[cid, pl.ds(stripe_base, npt_lo)])

        @pl.when(sid == _NS - 1)
        def _():
            pltpu.sync_copy(acc.at[pl.ds(stripe_base, tail_rows)],
                            out_h.at[cid, pl.ds(stripe_base, tail_rows)])

    pad = epw - epw0
    def _shape3(a):
        a2 = a.reshape(_NW, epw0)
        if pad:
            a2 = jnp.pad(a2, ((0, 0), (0, pad)))
        return a2.reshape(_NW, nchunk, c_len)
    zeros = jnp.zeros((tail_rows, d), jnp.float32)
    return agg(values, _shape3(src), _shape3(dst), _shape3(ew), zeros)


_BM = 1000


def _row_spec(d):
    return pl.BlockSpec((_BM, d), lambda i: (i, 0))


def _full_spec(shape):
    nd = len(shape)
    return pl.BlockSpec(shape, lambda i, _n=nd: (0,) * _n)


def _stage_a(x, wrelT, wrootT, brel):
    n, d = x.shape

    def body(x_ref, wr, wt, b, y_ref, r_ref):
        xv = x_ref[...]
        x0 = jnp.where(xv == -1.0, 0.0, xv)
        y_ref[...] = jnp.dot(x0, wr[...], preferred_element_type=jnp.float32)
        r_ref[...] = jnp.dot(x0, wt[...], preferred_element_type=jnp.float32) + b[...]

    return pl.pallas_call(
        body,
        grid=(n // _BM,),
        in_specs=[_row_spec(d), _full_spec(wrelT.shape), _full_spec(wrootT.shape),
                  _full_spec(brel.shape)],
        out_specs=[_row_spec(d), _row_spec(d)],
        out_shape=[jax.ShapeDtypeStruct((n, d), jnp.float32)] * 2,
    )(x, wrelT, wrootT, brel)


def _stage_b(sp, r0, wrelT, wrootT, brel):
    n, d = r0.shape

    def body(sa, sb, r0_ref, wr, wt, b, y_ref, r_ref):
        f1 = jax.nn.relu(sa[...] + sb[...] + r0_ref[...])
        y_ref[...] = jnp.dot(f1, wr[...], preferred_element_type=jnp.float32)
        r_ref[...] = jnp.dot(f1, wt[...], preferred_element_type=jnp.float32) + b[...]

    return pl.pallas_call(
        body,
        grid=(n // _BM,),
        in_specs=[_row_spec(d), _row_spec(d), _row_spec(d),
                  _full_spec(wrelT.shape), _full_spec(wrootT.shape), _full_spec(brel.shape)],
        out_specs=[_row_spec(d), _row_spec(d)],
        out_shape=[jax.ShapeDtypeStruct((n, d), jnp.float32)] * 2,
    )(sp[0], sp[1], r0, wrelT, wrootT, brel)


def _stage_c(s1p, r1, sdp, dur_x, gdWrelT, gdWrootT, gdb, gcWrelT, wcombT, bcomb):
    n, d = r1.shape
    dd = dur_x.shape[1]

    def body(sa, sb, r1_ref, da, db, dx, gwr, gwt, gb, cwr, cwt, cb, y_ref, r_ref):
        f2 = jax.nn.relu(sa[...] + sb[...] + r1_ref[...])
        dagg = da[...] + db[...]
        dvec = jax.nn.relu(
            jnp.dot(dagg, gwr[...], preferred_element_type=jnp.float32)
            + jnp.dot(dx[...], gwt[...], preferred_element_type=jnp.float32)
            + gb[...])
        h = jnp.concatenate([f2, dvec], axis=1)
        y_ref[...] = jnp.dot(h, cwr[...], preferred_element_type=jnp.float32)
        r_ref[...] = jnp.dot(h, cwt[...], preferred_element_type=jnp.float32) + cb[...]

    return pl.pallas_call(
        body,
        grid=(n // _BM,),
        in_specs=[_row_spec(d), _row_spec(d), _row_spec(d),
                  _row_spec(dd), _row_spec(dd), _row_spec(dd),
                  _full_spec(gdWrelT.shape), _full_spec(gdWrootT.shape), _full_spec(gdb.shape),
                  _full_spec(gcWrelT.shape), _full_spec(wcombT.shape), _full_spec(bcomb.shape)],
        out_specs=[_row_spec(d), _row_spec(d)],
        out_shape=[jax.ShapeDtypeStruct((n, d), jnp.float32)] * 2,
    )(s1p[0], s1p[1], r1, sdp[0], sdp[1], dur_x,
      gdWrelT, gdWrootT, gdb, gcWrelT, wcombT, bcomb)


def _stage_d(s2p, r2):
    n, d = r2.shape

    def body(sa, sb, r2_ref, ps_ref):
        g = jax.nn.relu(sa[...] + sb[...] + r2_ref[...])
        blk = jnp.sum(g, axis=0, keepdims=True)

        @pl.when(pl.program_id(0) == 0)
        def _():
            ps_ref[...] = blk

        @pl.when(pl.program_id(0) != 0)
        def _():
            ps_ref[...] = ps_ref[...] + blk

    return pl.pallas_call(
        body,
        grid=(n // _BM,),
        in_specs=[_row_spec(d), _row_spec(d), _row_spec(d)],
        out_specs=pl.BlockSpec((1, d), lambda i: (0, 0)),
        out_shape=jax.ShapeDtypeStruct((1, d), jnp.float32),
    )(s2p[0], s2p[1], r2)


def _tail(psum, n_nodes, seqf, fc0WT, fc0b, fccWT, fccb, clsWT, clsb):
    def body(ps, sf, fw, fb, cw, cb, kw, kb, out_ref):
        pooled = ps[...] * (1.0 / n_nodes)
        s = jax.nn.relu(jnp.dot(sf[...], fw[...], preferred_element_type=jnp.float32) + fb[...])
        c = jnp.concatenate([pooled, s], axis=1)
        c = jax.nn.relu(jnp.dot(c, cw[...], preferred_element_type=jnp.float32) + cb[...])
        out_ref[...] = jnp.dot(c, kw[...], preferred_element_type=jnp.float32) + kb[...]

    args = (psum, seqf, fc0WT, fc0b, fccWT, fccb, clsWT, clsb)
    return pl.pallas_call(
        body,
        in_specs=[pl.BlockSpec(a.shape, lambda _nd=a.ndim: (0,) * _nd) for a in args],
        out_specs=pl.BlockSpec((1, clsWT.shape[1]), lambda: (0, 0)),
        out_shape=jax.ShapeDtypeStruct((1, clsWT.shape[1]), jnp.float32),
    )(*args)


def kernel(x, edge_index, edge_attr, dur_x, dur_edge_index, dur_edge_attr,
           sequence_features, g0_Wrel, g0_brel, g0_Wroot, g1_Wrel, g1_brel,
           g1_Wroot, gd0_Wrel, gd0_brel, gd0_Wroot, gc0_Wrel, gc0_brel,
           gc0_Wroot, skip0_W, skip0_b, fc0_W, fc0_b, fcc0_W, fcc0_b,
           cls_W, cls_b):
    n = x.shape[0]
    src = edge_index[0].astype(jnp.int32)
    dst = edge_index[1].astype(jnp.int32)
    dsrc = dur_edge_index[0].astype(jnp.int32)
    ddst = dur_edge_index[1].astype(jnp.int32)
    ea = edge_attr.astype(jnp.float32)
    dea = dur_edge_attr.astype(jnp.float32)

    wcomb = gc0_Wroot + skip0_W
    bcomb = (gc0_brel + skip0_b).reshape(1, -1)

    sdp = _seg_agg(dur_x, dsrc, ddst, dea)

    y0, r0 = _stage_a(x, g0_Wrel.T, g0_Wroot.T, g0_brel.reshape(1, -1))
    s0p = _seg_agg(y0, src, dst, ea)
    y1, r1 = _stage_b(s0p, r0, g1_Wrel.T, g1_Wroot.T, g1_brel.reshape(1, -1))
    s1p = _seg_agg(y1, src, dst, ea)
    y2, r2 = _stage_c(s1p, r1, sdp, dur_x, gd0_Wrel.T, gd0_Wroot.T,
                      gd0_brel.reshape(1, -1), gc0_Wrel.T, wcomb.T, bcomb)
    s2p = _seg_agg(y2, src, dst, ea)
    psum = _stage_d(s2p, r2)
    return _tail(psum, n, sequence_features, fc0_W.T, fc0_b.reshape(1, -1),
                 fcc0_W.T, fcc0_b.reshape(1, -1), cls_W.T, cls_b.reshape(1, -1))

# --- scband reference (transcript-rebuilt; emitter-appended) ---
"""Pipeline reference for scband-event-sequence-duration-graph-conv-model-8022998909608 (READ-ONLY COPY).

The authoritative reference and input builder live on the scoring server;
editing this copy changes nothing except your own understanding.
"""

import jax, jax.numpy as jnp
import numpy as np


def _gc(x, src, dst, ew, Wrel, brel, Wroot, n):
    # PyG GraphConv with aggr='add': lin_rel(segment_sum(ew * x_src)) + lin_root(x)
    msg = x[src] * ew[:, None]
    agg = jax.ops.segment_sum(msg, dst, num_segments=n)
    return agg @ Wrel.T + brel + x @ Wroot.T


def setup_inputs(seed: int = 0):
    key = jax.random.key(seed)
    ks = jax.random.split(key, 24)
    N, E = 10000, 320000

    def _w(k, o, i):
        return jax.random.normal(k, (o, i), dtype=jnp.float32) * 0.05

    inp = {}
    inp['x'] = jax.random.normal(ks[0], (N, 128), dtype=jnp.float32)
    inp['edge_index'] = jax.random.randint(ks[1], (2, E), 0, N)
    inp['edge_attr'] = jax.random.uniform(ks[2], (E,), dtype=jnp.float32)
    inp['dur_x'] = jax.random.normal(ks[3], (N, 32), dtype=jnp.float32)
    inp['dur_edge_index'] = jax.random.randint(ks[4], (2, E), 0, N)
    inp['dur_edge_attr'] = jax.random.uniform(ks[5], (E,), dtype=jnp.float32)
    inp['sequence_features'] = jax.random.normal(ks[6], (1, 64), dtype=jnp.float32)
    # event GCN stack: 128 -> 128 -> 128
    inp['g0_Wrel'] = _w(ks[7], 128, 128); inp['g0_brel'] = jnp.zeros((128,), jnp.float32); inp['g0_Wroot'] = _w(ks[8], 128, 128)
    inp['g1_Wrel'] = _w(ks[9], 128, 128); inp['g1_brel'] = jnp.zeros((128,), jnp.float32); inp['g1_Wroot'] = _w(ks[10], 128, 128)
    # duration GCN: 32 -> 64
    inp['gd0_Wrel'] = _w(ks[11], 64, 32); inp['gd0_brel'] = jnp.zeros((64,), jnp.float32); inp['gd0_Wroot'] = _w(ks[12], 64, 32)
    # concat GCN: 192 -> 128 with skip Linear(192,128)
    inp['gc0_Wrel'] = _w(ks[13], 128, 192); inp['gc0_brel'] = jnp.zeros((128,), jnp.float32); inp['gc0_Wroot'] = _w(ks[14], 128, 192)
    inp['skip0_W'] = _w(ks[15], 128, 192); inp['skip0_b'] = jnp.zeros((128,), jnp.float32)
    # sequence FC: 64 -> 64
    inp['fc0_W'] = _w(ks[16], 64, 64); inp['fc0_b'] = jnp.zeros((64,), jnp.float32)
    # concat FC: 192 -> 128
    inp['fcc0_W'] = _w(ks[17], 128, 192); inp['fcc0_b'] = jnp.zeros((128,), jnp.float32)
    # classifier: 128 -> 8
    inp['cls_W'] = _w(ks[18], 8, 128); inp['cls_b'] = jnp.zeros((8,), jnp.float32)
    return inp


def reference(x, edge_index, edge_attr, dur_x, dur_edge_index, dur_edge_attr, sequence_features,
              g0_Wrel, g0_brel, g0_Wroot, g1_Wrel, g1_brel, g1_Wroot,
              gd0_Wrel, gd0_brel, gd0_Wroot, gc0_Wrel, gc0_brel, gc0_Wroot,
              skip0_W, skip0_b, fc0_W, fc0_b, fcc0_W, fcc0_b, cls_W, cls_b):
    N = x.shape[0]
    src, dst = edge_index[0], edge_index[1]
    dsrc, ddst = dur_edge_index[0], dur_edge_index[1]
    # event branch with -1 masking
    f = x
    mask = (f != -1).astype(f.dtype)
    f = f * mask
    for (Wr, br, Wt) in ((g0_Wrel, g0_brel, g0_Wroot), (g1_Wrel, g1_brel, g1_Wroot)):
        f = _gc(f, src, dst, edge_attr, Wr, br, Wt, N)
        mask = (f != -1).astype(f.dtype)
        f = f * mask
        f = jax.nn.relu(f)
        f = f * mask
    # duration branch
    d = dur_x
    d = _gc(d, dsrc, ddst, dur_edge_attr, gd0_Wrel, gd0_brel, gd0_Wroot, N)
    d = jax.nn.relu(d)
    # concat GCN with skip connection
    h = jnp.concatenate([f, d], axis=1)
    g = _gc(h, src, dst, edge_attr, gc0_Wrel, gc0_brel, gc0_Wroot, N)
    g = g + h @ skip0_W.T + skip0_b
    g = jax.nn.relu(g)
    # mean pooling over nodes (single graph)
    pooled = jnp.mean(g, axis=0, keepdims=True)
    # sequence FC branch
    s = jax.nn.relu(sequence_features @ fc0_W.T + fc0_b)
    # concat FC + classifier
    c = jnp.concatenate([pooled, s], axis=1)
    c = jax.nn.relu(c @ fcc0_W.T + fcc0_b)
    out = c @ cls_W.T + cls_b
    return out

if __name__ == "__main__":
    import jax
    _d = setup_inputs()
    print(jax.jit(kernel)(*tuple(_d.values())))

</pallas_src>

<mosaic_0001>
#map = affine_map<(d0, d1) -> (0, 0)>
#map1 = affine_map<(d0, d1) -> (0, 0, 0)>
module attributes {stable_mosaic.version = 14 : i64} {
  func.func @agg(%arg0: i32, %arg1: i32, %arg2: memref<10000x128xf32, #tpu.memory_space<hbm>>, %arg3: memref<32x126x80xi32, #tpu.memory_space<hbm>>, %arg4: memref<32x126x80xi32, #tpu.memory_space<hbm>>, %arg5: memref<32x126x80xf32, #tpu.memory_space<hbm>>, %arg6: memref<640x128xf32, #tpu.memory_space<hbm>>, %arg7: memref<2x10000x128xf32, #tpu.memory_space<hbm>>, %arg8: memref<126x80xi32, #tpu.memory_space<vmem>>, %arg9: memref<126x80xi32, #tpu.memory_space<vmem>>, %arg10: memref<126x80xf32, #tpu.memory_space<vmem>>, %arg11: memref<2x80x128xf32, #tpu.memory_space<vmem>>, %arg12: memref<10000x128xf32, #tpu.memory_space<vmem_shared>>, %arg13: memref<!tpu.dma_semaphore, #tpu.memory_space<semaphore_mem>>, %arg14: memref<!tpu.dma_semaphore, #tpu.memory_space<semaphore_mem>>) attributes {dimension_semantics = [#tpu.dimension_semantics<core_parallel>, #tpu.dimension_semantics<subcore_parallel>], iteration_bounds = array<i64: 2, 16>, scalar_prefetch = 0 : i64, scratch_operands = 7 : i64, tpu.core_type = #tpu.core_type<sc_vector_subcore>, window_params = [{transform_indices = #map}, {transform_indices = #map1}, {transform_indices = #map1}, {transform_indices = #map1}, {transform_indices = #map}, {transform_indices = #map1}]} {
    %mul3A = arith.constant 16 : i32
    %mul3A_0 = arith.muli %arg0, %mul3A : i32
    %add3A = arith.addi %mul3A_0, %arg1 : i32
    %mul3A_1 = arith.constant 624 : i32
    %mul3A_2 = arith.muli %arg1, %mul3A_1 : i32
    "tpu.region"() ({
      %run_scoped3A = tpu.sem_alloc : memref<!tpu.dma_semaphore, #tpu.memory_space<semaphore_mem>>
      %dma_start3A_37 = arith.constant 0 : i32
      %dma_start3A_38 = arith.constant 0 : i32
      %dma_start3A_39 = tpu.memref_slice %arg3[%add3A, %dma_start3A_37, %dma_start3A_38] : memref<32x126x80xi32, #tpu.memory_space<hbm>> -> memref<1x126x80xi32, #tpu.memory_space<hbm>>
      %dma_start3A_40 = tpu.memref_squeeze %dma_start3A_39 : memref<1x126x80xi32, #tpu.memory_space<hbm>> -> memref<126x80xi32, #tpu.memory_space<hbm>>
      %dma_start3A_41 = arith.constant 0 : i32
      %dma_start3A_42 = arith.constant 0 : i32
      %dma_start3A_43 = tpu.memref_slice %arg3[%add3A, %dma_start3A_41, %dma_start3A_42] : memref<32x126x80xi32, #tpu.memory_space<hbm>> -> memref<1x126x80xi32, #tpu.memory_space<hbm>>
      %dma_start3A_44 = tpu.memref_squeeze %dma_start3A_43 : memref<1x126x80xi32, #tpu.memory_space<hbm>> -> memref<126x80xi32, #tpu.memory_space<hbm>>
      tpu.enqueue_dma source(%dma_start3A_44 : memref<126x80xi32, #tpu.memory_space<hbm>>) target(%arg8 : memref<126x80xi32, #tpu.memory_space<vmem>>) target_semaphore(%run_scoped3A : memref<!tpu.dma_semaphore, #tpu.memory_space<semaphore_mem>>)
      %dma_wait3A = arith.constant 0 : i32
      %dma_wait3A_45 = arith.constant 0 : i32
      %dma_wait3A_46 = tpu.memref_slice %arg3[%add3A, %dma_wait3A, %dma_wait3A_45] : memref<32x126x80xi32, #tpu.memory_space<hbm>> -> memref<1x126x80xi32, #tpu.memory_space<hbm>>
      %dma_wait3A_47 = tpu.memref_squeeze %dma_wait3A_46 : memref<1x126x80xi32, #tpu.memory_space<hbm>> -> memref<126x80xi32, #tpu.memory_space<hbm>>
      %dma_wait3A_48 = arith.constant 0 : i32
      %dma_wait3A_49 = arith.constant 0 : i32
      %dma_wait3A_50 = tpu.memref_slice %arg3[%add3A, %dma_wait3A_48, %dma_wait3A_49] : memref<32x126x80xi32, #tpu.memory_space<hbm>> -> memref<1x126x80xi32, #tpu.memory_space<hbm>>
      %dma_wait3A_51 = tpu.memref_squeeze %dma_wait3A_50 : memref<1x126x80xi32, #tpu.memory_space<hbm>> -> memref<126x80xi32, #tpu.memory_space<hbm>>
      tpu.wait_dma2 semaphore(%run_scoped3A : memref<!tpu.dma_semaphore, #tpu.memory_space<semaphore_mem>>) src(%dma_wait3A_51 : memref<126x80xi32, #tpu.memory_space<hbm>>) dst(%arg8 : memref<126x80xi32, #tpu.memory_space<vmem>>)
      tpu.yield
    }) : () -> ()
    "tpu.region"() ({
      %run_scoped3A = tpu.sem_alloc : memref<!tpu.dma_semaphore, #tpu.memory_space<semaphore_mem>>
      %dma_start3A_37 = arith.constant 0 : i32
      %dma_start3A_38 = arith.constant 0 : i32
      %dma_start3A_39 = tpu.memref_slice %arg4[%add3A, %dma_start3A_37, %dma_start3A_38] : memref<32x126x80xi32, #tpu.memory_space<hbm>> -> memref<1x126x80xi32, #tpu.memory_space<hbm>>
      %dma_start3A_40 = tpu.memref_squeeze %dma_start3A_39 : memref<1x126x80xi32, #tpu.memory_space<hbm>> -> memref<126x80xi32, #tpu.memory_space<hbm>>
      %dma_start3A_41 = arith.constant 0 : i32
      %dma_start3A_42 = arith.constant 0 : i32
      %dma_start3A_43 = tpu.memref_slice %arg4[%add3A, %dma_start3A_41, %dma_start3A_42] : memref<32x126x80xi32, #tpu.memory_space<hbm>> -> memref<1x126x80xi32, #tpu.memory_space<hbm>>
      %dma_start3A_44 = tpu.memref_squeeze %dma_start3A_43 : memref<1x126x80xi32, #tpu.memory_space<hbm>> -> memref<126x80xi32, #tpu.memory_space<hbm>>
      tpu.enqueue_dma source(%dma_start3A_44 : memref<126x80xi32, #tpu.memory_space<hbm>>) target(%arg9 : memref<126x80xi32, #tpu.memory_space<vmem>>) target_semaphore(%run_scoped3A : memref<!tpu.dma_semaphore, #tpu.memory_space<semaphore_mem>>)
      %dma_wait3A = arith.constant 0 : i32
      %dma_wait3A_45 = arith.constant 0 : i32
      %dma_wait3A_46 = tpu.memref_slice %arg4[%add3A, %dma_wait3A, %dma_wait3A_45] : memref<32x126x80xi32, #tpu.memory_space<hbm>> -> memref<1x126x80xi32, #tpu.memory_space<hbm>>
      %dma_wait3A_47 = tpu.memref_squeeze %dma_wait3A_46 : memref<1x126x80xi32, #tpu.memory_space<hbm>> -> memref<126x80xi32, #tpu.memory_space<hbm>>
      %dma_wait3A_48 = arith.constant 0 : i32
      %dma_wait3A_49 = arith.constant 0 : i32
      %dma_wait3A_50 = tpu.memref_slice %arg4[%add3A, %dma_wait3A_48, %dma_wait3A_49] : memref<32x126x80xi32, #tpu.memory_space<hbm>> -> memref<1x126x80xi32, #tpu.memory_space<hbm>>
      %dma_wait3A_51 = tpu.memref_squeeze %dma_wait3A_50 : memref<1x126x80xi32, #tpu.memory_space<hbm>> -> memref<126x80xi32, #tpu.memory_space<hbm>>
      tpu.wait_dma2 semaphore(%run_scoped3A : memref<!tpu.dma_semaphore, #tpu.memory_space<semaphore_mem>>) src(%dma_wait3A_51 : memref<126x80xi32, #tpu.memory_space<hbm>>) dst(%arg9 : memref<126x80xi32, #tpu.memory_space<vmem>>)
      tpu.yield
    }) : () -> ()
    "tpu.region"() ({
      %run_scoped3A = tpu.sem_alloc : memref<!tpu.dma_semaphore, #tpu.memory_space<semaphore_mem>>
      %dma_start3A_37 = arith.constant 0 : i32
      %dma_start3A_38 = arith.constant 0 : i32
      %dma_start3A_39 = tpu.memref_slice %arg5[%add3A, %dma_start3A_37, %dma_start3A_38] : memref<32x126x80xf32, #tpu.memory_space<hbm>> -> memref<1x126x80xf32, #tpu.memory_space<hbm>>
      %dma_start3A_40 = tpu.memref_squeeze %dma_start3A_39 : memref<1x126x80xf32, #tpu.memory_space<hbm>> -> memref<126x80xf32, #tpu.memory_space<hbm>>
      %dma_start3A_41 = arith.constant 0 : i32
      %dma_start3A_42 = arith.constant 0 : i32
      %dma_start3A_43 = tpu.memref_slice %arg5[%add3A, %dma_start3A_41, %dma_start3A_42] : memref<32x126x80xf32, #tpu.memory_space<hbm>> -> memref<1x126x80xf32, #tpu.memory_space<hbm>>
      %dma_start3A_44 = tpu.memref_squeeze %dma_start3A_43 : memref<1x126x80xf32, #tpu.memory_space<hbm>> -> memref<126x80xf32, #tpu.memory_space<hbm>>
      tpu.enqueue_dma source(%dma_start3A_44 : memref<126x80xf32, #tpu.memory_space<hbm>>) target(%arg10 : memref<126x80xf32, #tpu.memory_space<vmem>>) target_semaphore(%run_scoped3A : memref<!tpu.dma_semaphore, #tpu.memory_space<semaphore_mem>>)
      %dma_wait3A = arith.constant 0 : i32
      %dma_wait3A_45 = arith.constant 0 : i32
      %dma_wait3A_46 = tpu.memref_slice %arg5[%add3A, %dma_wait3A, %dma_wait3A_45] : memref<32x126x80xf32, #tpu.memory_space<hbm>> -> memref<1x126x80xf32, #tpu.memory_space<hbm>>
      %dma_wait3A_47 = tpu.memref_squeeze %dma_wait3A_46 : memref<1x126x80xf32, #tpu.memory_space<hbm>> -> memref<126x80xf32, #tpu.memory_space<hbm>>
      %dma_wait3A_48 = arith.constant 0 : i32
      %dma_wait3A_49 = arith.constant 0 : i32
      %dma_wait3A_50 = tpu.memref_slice %arg5[%add3A, %dma_wait3A_48, %dma_wait3A_49] : memref<32x126x80xf32, #tpu.memory_space<hbm>> -> memref<1x126x80xf32, #tpu.memory_space<hbm>>
      %dma_wait3A_51 = tpu.memref_squeeze %dma_wait3A_50 : memref<1x126x80xf32, #tpu.memory_space<hbm>> -> memref<126x80xf32, #tpu.memory_space<hbm>>
      tpu.wait_dma2 semaphore(%run_scoped3A : memref<!tpu.dma_semaphore, #tpu.memory_space<semaphore_mem>>) src(%dma_wait3A_51 : memref<126x80xf32, #tpu.memory_space<hbm>>) dst(%arg10 : memref<126x80xf32, #tpu.memory_space<vmem>>)
      tpu.yield
    }) : () -> ()
    %lt3A = arith.constant 15 : i32
    %lt3A_3 = arith.cmpi slt, %arg1, %lt3A : i32
    %convert_element_type3A = arith.extui %lt3A_3 : i1 to i32
    %cond3A = arith.constant 0 : i32
    %cond3A_4 = arith.cmpi ne, %convert_element_type3A, %cond3A : i32
    scf.if %cond3A_4 {
      "tpu.region"() ({
        %run_scoped3A = tpu.sem_alloc : memref<!tpu.dma_semaphore, #tpu.memory_space<semaphore_mem>>
        %dma_start3A_37 = arith.constant 0 : i32
        %dma_start3A_38 = tpu.memref_slice %arg12[%mul3A_2, %dma_start3A_37] : memref<10000x128xf32, #tpu.memory_space<vmem_shared>> -> memref<624x128xf32, #tpu.memory_space<vmem_shared>>
        %dma_start3A_39 = arith.constant 0 : i32
        %dma_start3A_40 = arith.constant 0 : i32
        %dma_start3A_41 = tpu.memref_slice %arg6[%dma_start3A_39, %dma_start3A_40] : memref<640x128xf32, #tpu.memory_space<hbm>> -> memref<624x128xf32, #tpu.memory_space<hbm>>
        tpu.enqueue_dma source(%dma_start3A_41 : memref<624x128xf32, #tpu.memory_space<hbm>>) target(%dma_start3A_38 : memref<624x128xf32, #tpu.memory_space<vmem_shared>>) target_semaphore(%run_scoped3A : memref<!tpu.dma_semaphore, #tpu.memory_space<semaphore_mem>>)
        %dma_wait3A = arith.constant 0 : i32
        %dma_wait3A_42 = tpu.memref_slice %arg12[%mul3A_2, %dma_wait3A] : memref<10000x128xf32, #tpu.memory_space<vmem_shared>> -> memref<624x128xf32, #tpu.memory_space<vmem_shared>>
        %dma_wait3A_43 = arith.constant 0 : i32
        %dma_wait3A_44 = arith.constant 0 : i32
        %dma_wait3A_45 = tpu.memref_slice %arg6[%dma_wait3A_43, %dma_wait3A_44] : memref<640x128xf32, #tpu.memory_space<hbm>> -> memref<624x128xf32, #tpu.memory_space<hbm>>
        tpu.wait_dma2 semaphore(%run_scoped3A : memref<!tpu.dma_semaphore, #tpu.memory_space<semaphore_mem>>) src(%dma_wait3A_45 : memref<624x128xf32, #tpu.memory_space<hbm>>) dst(%dma_wait3A_42 : memref<624x128xf32, #tpu.memory_space<vmem_shared>>)
        tpu.yield
      }) : () -> ()
    } else {
    }
    %eq3A = arith.constant 15 : i32
    %eq3A_5 = arith.cmpi eq, %arg1, %eq3A : i32
    %convert_element_type3A_6 = arith.extui %eq3A_5 : i1 to i32
    %cond3A_7 = arith.constant 0 : i32
    %cond3A_8 = arith.cmpi ne, %convert_element_type3A_6, %cond3A_7 : i32
    scf.if %cond3A_8 {
      "tpu.region"() ({
        %run_scoped3A = tpu.sem_alloc : memref<!tpu.dma_semaphore, #tpu.memory_space<semaphore_mem>>
        %dma_start3A_37 = arith.constant 0 : i32
        %dma_start3A_38 = tpu.memref_slice %arg12[%mul3A_2, %dma_start3A_37] : memref<10000x128xf32, #tpu.memory_space<vmem_shared>> -> memref<640x128xf32, #tpu.memory_space<vmem_shared>>
        tpu.enqueue_dma source(%arg6 : memref<640x128xf32, #tpu.memory_space<hbm>>) target(%dma_start3A_38 : memref<640x128xf32, #tpu.memory_space<vmem_shared>>) target_semaphore(%run_scoped3A : memref<!tpu.dma_semaphore, #tpu.memory_space<semaphore_mem>>)
        %dma_wait3A = arith.constant 0 : i32
        %dma_wait3A_39 = tpu.memref_slice %arg12[%mul3A_2, %dma_wait3A] : memref<10000x128xf32, #tpu.memory_space<vmem_shared>> -> memref<640x128xf32, #tpu.memory_space<vmem_shared>>
        tpu.wait_dma2 semaphore(%run_scoped3A : memref<!tpu.dma_semaphore, #tpu.memory_space<semaphore_mem>>) src(%arg6 : memref<640x128xf32, #tpu.memory_space<hbm>>) dst(%dma_wait3A_39 : memref<640x128xf32, #tpu.memory_space<vmem_shared>>)
        tpu.yield
      }) : () -> ()
    } else {
    }
    %barrier3A = arith.constant 0 : index
    tpu.barrier barrier_id(%barrier3A)
    %dma_start3A = arith.constant 0 : i32
    %dma_start3A_9 = arith.constant 0 : i32
    %dma_start3A_10 = arith.constant 0 : i32
    %dma_start3A_11 = arith.constant 0 : i32
    %dma_start3A_12 = tpu.memref_slice %arg11[%dma_start3A_9, %dma_start3A_10, %dma_start3A_11] : memref<2x80x128xf32, #tpu.memory_space<vmem>> -> memref<1x80x128xf32, #tpu.memory_space<vmem>>
    %dma_start3A_13 = tpu.memref_squeeze %dma_start3A_12 : memref<1x80x128xf32, #tpu.memory_space<vmem>> -> memref<80x128xf32, #tpu.memory_space<vmem>>
    %dma_start3A_14 = arith.constant 0 : i32
    %dma_start3A_15 = tpu.memref_slice %arg8[%dma_start3A, %dma_start3A_14] : memref<126x80xi32, #tpu.memory_space<vmem>> -> memref<1x80xi32, #tpu.memory_space<vmem>>
    %dma_start3A_16 = tpu.memref_squeeze %dma_start3A_15 : memref<1x80xi32, #tpu.memory_space<vmem>> -> memref<80xi32, #tpu.memory_space<vmem>>
    %dma_start3A_17 = arith.constant 0 : i32
    %dma_start3A_18 = arith.constant 0 : i32
    %dma_start3A_19 = tpu.memref_slice %arg2[%dma_start3A_17, %dma_start3A_18] : memref<10000x128xf32, #tpu.memory_space<hbm>> -> memref<10000x128xf32, #tpu.memory_space<hbm>>
    tpu.enqueue_indirect_dma source(%dma_start3A_19 : memref<10000x128xf32, #tpu.memory_space<hbm>>) target(%dma_start3A_13 : memref<80x128xf32, #tpu.memory_space<vmem>>) offsets(%dma_start3A_16 : memref<80xi32, #tpu.memory_space<vmem>>) semaphore(%arg13 : memref<!tpu.dma_semaphore, #tpu.memory_space<semaphore_mem>>)
    %scan3A = arith.constant 0 : i32
    %scan3A_20 = arith.constant 0 : i32
    %scan3A_21 = arith.constant 63 : i32
    %scan3A_22 = arith.addi %scan3A_20, %scan3A_21 : i32
    %scan3A_23 = arith.constant 1 : i32
    %scan3A_24 = scf.for %scan3A_37 = %scan3A_20 to %scan3A_22 step %scan3A_23 iter_args(%scan3A_38 = %scan3A) -> (i32)  : i32 {
      %mul3A_39 = arith.constant 2 : i32
      %mul3A_40 = arith.muli %mul3A_39, %scan3A_37 : i32
      %add3A_41 = arith.constant 0 : i32
      %add3A_42 = arith.addi %mul3A_40, %add3A_41 : i32
      %dma_wait3A = arith.constant 0 : i32
      %dma_wait3A_43 = arith.constant 0 : i32
      %dma_wait3A_44 = arith.constant 0 : i32
      %dma_wait3A_45 = arith.constant 0 : i32
      %dma_wait3A_46 = tpu.memref_slice %arg11[%dma_wait3A_43, %dma_wait3A_44, %dma_wait3A_45] : memref<2x80x128xf32, #tpu.memory_space<vmem>> -> memref<1x80x128xf32, #tpu.memory_space<vmem>>
      %dma_wait3A_47 = tpu.memref_squeeze %dma_wait3A_46 : memref<1x80x128xf32, #tpu.memory_space<vmem>> -> memref<80x128xf32, #tpu.memory_space<vmem>>
      %dma_wait3A_48 = arith.constant 0 : i32
      %dma_wait3A_49 = tpu.memref_slice %arg8[%dma_wait3A, %dma_wait3A_48] : memref<126x80xi32, #tpu.memory_space<vmem>> -> memref<1x80xi32, #tpu.memory_space<vmem>>
      %dma_wait3A_50 = tpu.memref_squeeze %dma_wait3A_49 : memref<1x80xi32, #tpu.memory_space<vmem>> -> memref<80xi32, #tpu.memory_space<vmem>>
      %dma_wait3A_51 = arith.constant 0 : i32
      %dma_wait3A_52 = arith.constant 0 : i32
      %dma_wait3A_53 = tpu.memref_slice %arg2[%dma_wait3A_51, %dma_wait3A_52] : memref<10000x128xf32, #tpu.memory_space<hbm>> -> memref<10000x128xf32, #tpu.memory_space<hbm>>
      tpu.wait_indirect_dma semaphore(%arg13 : memref<!tpu.dma_semaphore, #tpu.memory_space<semaphore_mem>>) src(%dma_wait3A_53 : memref<10000x128xf32, #tpu.memory_space<hbm>>) dst(%dma_wait3A_47 : memref<80x128xf32, #tpu.memory_space<vmem>>)
      %add3A_54 = arith.constant 1 : i32
      %add3A_55 = arith.addi %add3A_42, %add3A_54 : i32
      %lt3A_56 = arith.constant 126 : i32
      %lt3A_57 = arith.cmpi slt, %add3A_55, %lt3A_56 : i32
      %convert_element_type3A_58 = arith.extui %lt3A_57 : i1 to i32
      %cond3A_59 = arith.constant 0 : i32
      %cond3A_60 = arith.cmpi ne, %convert_element_type3A_58, %cond3A_59 : i32
      scf.if %cond3A_60 {
        %add3A_100 = arith.constant 1 : i32
        %add3A_101 = arith.addi %add3A_42, %add3A_100 : i32
        %dma_start3A_102 = arith.constant 1 : i32
        %dma_start3A_103 = arith.constant 0 : i32
        %dma_start3A_104 = arith.constant 0 : i32
        %dma_start3A_105 = tpu.memref_slice %arg11[%dma_start3A_102, %dma_start3A_103, %dma_start3A_104] : memref<2x80x128xf32, #tpu.memory_space<vmem>> -> memref<1x80x128xf32, #tpu.memory_space<vmem>>
        %dma_start3A_106 = tpu.memref_squeeze %dma_start3A_105 : memref<1x80x128xf32, #tpu.memory_space<vmem>> -> memref<80x128xf32, #tpu.memory_space<vmem>>
        %dma_start3A_107 = arith.constant 0 : i32
        %dma_start3A_108 = tpu.memref_slice %arg8[%add3A_101, %dma_start3A_107] : memref<126x80xi32, #tpu.memory_space<vmem>> -> memref<1x80xi32, #tpu.memory_space<vmem>>
        %dma_start3A_109 = tpu.memref_squeeze %dma_start3A_108 : memref<1x80xi32, #tpu.memory_space<vmem>> -> memref<80xi32, #tpu.memory_space<vmem>>
        %dma_start3A_110 = arith.constant 0 : i32
        %dma_start3A_111 = arith.constant 0 : i32
        %dma_start3A_112 = tpu.memref_slice %arg2[%dma_start3A_110, %dma_start3A_111] : memref<10000x128xf32, #tpu.memory_space<hbm>> -> memref<10000x128xf32, #tpu.memory_space<hbm>>
        tpu.enqueue_indirect_dma source(%dma_start3A_112 : memref<10000x128xf32, #tpu.memory_space<hbm>>) target(%dma_start3A_106 : memref<80x128xf32, #tpu.memory_space<vmem>>) offsets(%dma_start3A_109 : memref<80xi32, #tpu.memory_space<vmem>>) semaphore(%arg14 : memref<!tpu.dma_semaphore, #tpu.memory_space<semaphore_mem>>)
      } else {
      }
      %scan3A_61 = arith.constant 0 : i32
      %scan3A_62 = arith.constant 0 : i32
      %scan3A_63 = arith.constant 40 : i32
      %scan3A_64 = arith.addi %scan3A_62, %scan3A_63 : i32
      %scan3A_65 = arith.constant 1 : i32
      %scan3A_66 = scf.for %scan3A_100 = %scan3A_62 to %scan3A_64 step %scan3A_65 iter_args(%scan3A_101 = %scan3A_61) -> (i32)  : i32 {
        %mul3A_102 = arith.constant 2 : i32
        %mul3A_103 = arith.muli %mul3A_102, %scan3A_100 : i32
        %broadcast_in_dim3A = vector.broadcast %add3A_42 : i32 to vector<16xi32>
        %broadcast_in_dim3A_104 = vector.broadcast %mul3A_103 : i32 to vector<16xi32>
        %gather3A = tpu.vector_load_idx %arg10[%broadcast_in_dim3A, %broadcast_in_dim3A_104] : memref<126x80xf32, #tpu.memory_space<vmem>>[vector<16xi32>, vector<16xi32>], vector<16xf32>,
        %broadcast_in_dim3A_105 = vector.broadcast %add3A_42 : i32 to vector<16xi32>
        %add3A_106 = arith.constant 1 : i32
        %add3A_107 = arith.addi %mul3A_103, %add3A_106 : i32
        %broadcast_in_dim3A_108 = vector.broadcast %add3A_107 : i32 to vector<16xi32>
        %gather3A_109 = tpu.vector_load_idx %arg10[%broadcast_in_dim3A_105, %broadcast_in_dim3A_108] : memref<126x80xf32, #tpu.memory_space<vmem>>[vector<16xi32>, vector<16xi32>], vector<16xf32>,
        %get3A = arith.constant 0 : i32
        %get3A_110 = arith.index_cast %get3A : i32 to index
        %get3A_111 = arith.index_cast %mul3A_103 : i32 to index
        %get3A_112 = arith.constant 0 : index
        %get3A_113 = tpu.vector_load %arg11[%get3A_110, %get3A_111, %get3A_112] {strides = array<i32>} : memref<2x80x128xf32, #tpu.memory_space<vmem>>, vector<16xf32>,
        %mul3A_114 = arith.mulf %get3A_113, %gather3A : vector<16xf32>
        %swap3A = arith.constant 0 : i32
        %swap3A_115 = arith.index_cast %swap3A : i32 to index
        %swap3A_116 = arith.index_cast %mul3A_103 : i32 to index
        %swap3A_117 = arith.constant 0 : index
        %swap3A_118 = tpu.vector_load %arg11[%swap3A_115, %swap3A_116, %swap3A_117] {strides = array<i32>} : memref<2x80x128xf32, #tpu.memory_space<vmem>>, vector<16xf32>,
        tpu.vector_store %arg11[%swap3A_115, %swap3A_116, %swap3A_117], %mul3A_114 {strides = array<i32>} : memref<2x80x128xf32, #tpu.memory_space<vmem>>, vector<16xf32>,
        %add3A_119 = arith.constant 1 : i32
        %add3A_120 = arith.addi %mul3A_103, %add3A_119 : i32
        %get3A_121 = arith.constant 0 : i32
        %get3A_122 = arith.index_cast %get3A_121 : i32 to index
        %get3A_123 = arith.index_cast %add3A_120 : i32 to index
        %get3A_124 = arith.constant 0 : index
        %get3A_125 = tpu.vector_load %arg11[%get3A_122, %get3A_123, %get3A_124] {strides = array<i32>} : memref<2x80x128xf32, #tpu.memory_space<vmem>>, vector<16xf32>,
        %mul3A_126 = arith.mulf %get3A_125, %gather3A_109 : vector<16xf32>
        %add3A_127 = arith.constant 1 : i32
        %add3A_128 = arith.addi %mul3A_103, %add3A_127 : i32
        %swap3A_129 = arith.constant 0 : i32
        %swap3A_130 = arith.index_cast %swap3A_129 : i32 to index
        %swap3A_131 = arith.index_cast %add3A_128 : i32 to index
        %swap3A_132 = arith.constant 0 : index
        %swap3A_133 = tpu.vector_load %arg11[%swap3A_130, %swap3A_131, %swap3A_132] {strides = array<i32>} : memref<2x80x128xf32, #tpu.memory_space<vmem>>, vector<16xf32>,
        tpu.vector_store %arg11[%swap3A_130, %swap3A_131, %swap3A_132], %mul3A_126 {strides = array<i32>} : memref<2x80x128xf32, #tpu.memory_space<vmem>>, vector<16xf32>,
        %get3A_134 = arith.constant 0 : i32
        %get3A_135 = arith.index_cast %get3A_134 : i32 to index
        %get3A_136 = arith.index_cast %mul3A_103 : i32 to index
        %get3A_137 = arith.constant 16 : index
        %get3A_138 = tpu.vector_load %arg11[%get3A_135, %get3A_136, %get3A_137] {strides = array<i32>} : memref<2x80x128xf32, #tpu.memory_space<vmem>>, vector<16xf32>,
        %mul3A_139 = arith.mulf %get3A_138, %gather3A : vector<16xf32>
        %swap3A_140 = arith.constant 0 : i32
        %swap3A_141 = arith.index_cast %swap3A_140 : i32 to index
        %swap3A_142 = arith.index_cast %mul3A_103 : i32 to index
        %swap3A_143 = arith.constant 16 : index
        %swap3A_144 = tpu.vector_load %arg11[%swap3A_141, %swap3A_142, %swap3A_143] {strides = array<i32>} : memref<2x80x128xf32, #tpu.memory_space<vmem>>, vector<16xf32>,
        tpu.vector_store %arg11[%swap3A_141, %swap3A_142, %swap3A_143], %mul3A_139 {strides = array<i32>} : memref<2x80x128xf32, #tpu.memory_space<vmem>>, vector<16xf32>,
        %add3A_145 = arith.constant 1 : i32
        %add3A_146 = arith.addi %mul3A_103, %add3A_145 : i32
        %get3A_147 = arith.constant 0 : i32
        %get3A_148 = arith.index_cast %get3A_147 : i32 to index
        %get3A_149 = arith.index_cast %add3A_146 : i32 to index
        %get3A_150 = arith.constant 16 : index
        %get3A_151 = tpu.vector_load %arg11[%get3A_148, %get3A_149, %get3A_150] {strides = array<i32>} : memref<2x80x128xf32, #tpu.memory_space<vmem>>, vector<16xf32>,
        %mul3A_152 = arith.mulf %get3A_151, %gather3A_109 : vector<16xf32>
        %add3A_153 = arith.constant 1 : i32
        %add3A_154 = arith.addi %mul3A_103, %add3A_153 : i32
        %swap3A_155 = arith.constant 0 : i32
        %swap3A_156 = arith.index_cast %swap3A_155 : i32 to index
        %swap3A_157 = arith.index_cast %add3A_154 : i32 to index
        %swap3A_158 = arith.constant 16 : index
        %swap3A_159 = tpu.vector_load %arg11[%swap3A_156, %swap3A_157, %swap3A_158] {strides = array<i32>} : memref<2x80x128xf32, #tpu.memory_space<vmem>>, vector<16xf32>,
        tpu.vector_store %arg11[%swap3A_156, %swap3A_157, %swap3A_158], %mul3A_152 {strides = array<i32>} : memref<2x80x128xf32, #tpu.memory_space<vmem>>, vector<16xf32>,
        %get3A_160 = arith.constant 0 : i32
        %get3A_161 = arith.index_cast %get3A_160 : i32 to index
        %get3A_162 = arith.index_cast %mul3A_103 : i32 to index
        %get3A_163 = arith.constant 32 : index
        %get3A_164 = tpu.vector_load %arg11[%get3A_161, %get3A_162, %get3A_163] {strides = array<i32>} : memref<2x80x128xf32, #tpu.memory_space<vmem>>, vector<16xf32>,
        %mul3A_165 = arith.mulf %get3A_164, %gather3A : vector<16xf32>
        %swap3A_166 = arith.constant 0 : i32
        %swap3A_167 = arith.index_cast %swap3A_166 : i32 to index
        %swap3A_168 = arith.index_cast %mul3A_103 : i32 to index
        %swap3A_169 = arith.constant 32 : index
        %swap3A_170 = tpu.vector_load %arg11[%swap3A_167, %swap3A_168, %swap3A_169] {strides = array<i32>} : memref<2x80x128xf32, #tpu.memory_space<vmem>>, vector<16xf32>,
        tpu.vector_store %arg11[%swap3A_167, %swap3A_168, %swap3A_169], %mul3A_165 {strides = array<i32>} : memref<2x80x128xf32, #tpu.memory_space<vmem>>, vector<16xf32>,
        %add3A_171 = arith.constant 1 : i32
        %add3A_172 = arith.addi %mul3A_103, %add3A_171 : i32
        %get3A_173 = arith.constant 0 : i32
        %get3A_174 = arith.index_cast %get3A_173 : i32 to index
        %get3A_175 = arith.index_cast %add3A_172 : i32 to index
        %get3A_176 = arith.constant 32 : index
        %get3A_177 = tpu.vector_load %arg11[%get3A_174, %get3A_175, %get3A_176] {strides = array<i32>} : memref<2x80x128xf32, #tpu.memory_space<vmem>>, vector<16xf32>,
        %mul3A_178 = arith.mulf %get3A_177, %gather3A_109 : vector<16xf32>
        %add3A_179 = arith.constant 1 : i32
        %add3A_180 = arith.addi %mul3A_103, %add3A_179 : i32
        %swap3A_181 = arith.constant 0 : i32
        %swap3A_182 = arith.index_cast %swap3A_181 : i32 to index
        %swap3A_183 = arith.index_cast %add3A_180 : i32 to index
        %swap3A_184 = arith.constant 32 : index
        %swap3A_185 = tpu.vector_load %arg11[%swap3A_182, %swap3A_183, %swap3A_184] {strides = array<i32>} : memref<2x80x128xf32, #tpu.memory_space<vmem>>, vector<16xf32>,
        tpu.vector_store %arg11[%swap3A_182, %swap3A_183, %swap3A_184], %mul3A_178 {strides = array<i32>} : memref<2x80x128xf32, #tpu.memory_space<vmem>>, vector<16xf32>,
        %get3A_186 = arith.constant 0 : i32
        %get3A_187 = arith.index_cast %get3A_186 : i32 to index
        %get3A_188 = arith.index_cast %mul3A_103 : i32 to index
        %get3A_189 = arith.constant 48 : index
        %get3A_190 = tpu.vector_load %arg11[%get3A_187, %get3A_188, %get3A_189] {strides = array<i32>} : memref<2x80x128xf32, #tpu.memory_space<vmem>>, vector<16xf32>,
        %mul3A_191 = arith.mulf %get3A_190, %gather3A : vector<16xf32>
        %swap3A_192 = arith.constant 0 : i32
        %swap3A_193 = arith.index_cast %swap3A_192 : i32 to index
        %swap3A_194 = arith.index_cast %mul3A_103 : i32 to index
        %swap3A_195 = arith.constant 48 : index
        %swap3A_196 = tpu.vector_load %arg11[%swap3A_193, %swap3A_194, %swap3A_195] {strides = array<i32>} : memref<2x80x128xf32, #tpu.memory_space<vmem>>, vector<16xf32>,
        tpu.vector_store %arg11[%swap3A_193, %swap3A_194, %swap3A_195], %mul3A_191 {strides = array<i32>} : memref<2x80x128xf32, #tpu.memory_space<vmem>>, vector<16xf32>,
        %add3A_197 = arith.constant 1 : i32
        %add3A_198 = arith.addi %mul3A_103, %add3A_197 : i32
        %get3A_199 = arith.constant 0 : i32
        %get3A_200 = arith.index_cast %get3A_199 : i32 to index
        %get3A_201 = arith.index_cast %add3A_198 : i32 to index
        %get3A_202 = arith.constant 48 : index
        %get3A_203 = tpu.vector_load %arg11[%get3A_200, %get3A_201, %get3A_202] {strides = array<i32>} : memref<2x80x128xf32, #tpu.memory_space<vmem>>, vector<16xf32>,
        %mul3A_204 = arith.mulf %get3A_203, %gather3A_109 : vector<16xf32>
        %add3A_205 = arith.constant 1 : i32
        %add3A_206 = arith.addi %mul3A_103, %add3A_205 : i32
        %swap3A_207 = arith.constant 0 : i32
        %swap3A_208 = arith.index_cast %swap3A_207 : i32 to index
        %swap3A_209 = arith.index_cast %add3A_206 : i32 to index
        %swap3A_210 = arith.constant 48 : index
        %swap3A_211 = tpu.vector_load %arg11[%swap3A_208, %swap3A_209, %swap3A_210] {strides = array<i32>} : memref<2x80x128xf32, #tpu.memory_space<vmem>>, vector<16xf32>,
        tpu.vector_store %arg11[%swap3A_208, %swap3A_209, %swap3A_210], %mul3A_204 {strides = array<i32>} : memref<2x80x128xf32, #tpu.memory_space<vmem>>, vector<16xf32>,
        %get3A_212 = arith.constant 0 : i32
        %get3A_213 = arith.index_cast %get3A_212 : i32 to index
        %get3A_214 = arith.index_cast %mul3A_103 : i32 to index
        %get3A_215 = arith.constant 64 : index
        %get3A_216 = tpu.vector_load %arg11[%get3A_213, %get3A_214, %get3A_215] {strides = array<i32>} : memref<2x80x128xf32, #tpu.memory_space<vmem>>, vector<16xf32>,
        %mul3A_217 = arith.mulf %get3A_216, %gather3A : vector<16xf32>
        %swap3A_218 = arith.constant 0 : i32
        %swap3A_219 = arith.index_cast %swap3A_218 : i32 to index
        %swap3A_220 = arith.index_cast %mul3A_103 : i32 to index
        %swap3A_221 = arith.constant 64 : index
        %swap3A_222 = tpu.vector_load %arg11[%swap3A_219, %swap3A_220, %swap3A_221] {strides = array<i32>} : memref<2x80x128xf32, #tpu.memory_space<vmem>>, vector<16xf32>,
        tpu.vector_store %arg11[%swap3A_219, %swap3A_220, %swap3A_221], %mul3A_217 {strides = array<i32>} : memref<2x80x128xf32, #tpu.memory_space<vmem>>, vector<16xf32>,
        %add3A_223 = arith.constant 1 : i32
        %add3A_224 = arith.addi %mul3A_103, %add3A_223 : i32
        %get3A_225 = arith.constant 0 : i32
        %get3A_226 = arith.index_cast %get3A_225 : i32 to index
        %get3A_227 = arith.index_cast %add3A_224 : i32 to index
        %get3A_228 = arith.constant 64 : index
        %get3A_229 = tpu.vector_load %arg11[%get3A_226, %get3A_227, %get3A_228] {strides = array<i32>} : memref<2x80x128xf32, #tpu.memory_space<vmem>>, vector<16xf32>,
        %mul3A_230 = arith.mulf %get3A_229, %gather3A_109 : vector<16xf32>
        %add3A_231 = arith.constant 1 : i32
        %add3A_232 = arith.addi %mul3A_103, %add3A_231 : i32
        %swap3A_233 = arith.constant 0 : i32
        %swap3A_234 = arith.index_cast %swap3A_233 : i32 to index
        %swap3A_235 = arith.index_cast %add3A_232 : i32 to index
        %swap3A_236 = arith.constant 64 : index
        %swap3A_237 = tpu.vector_load %arg11[%swap3A_234, %swap3A_235, %swap3A_236] {strides = array<i32>} : memref<2x80x128xf32, #tpu.memory_space<vmem>>, vector<16xf32>,
        tpu.vector_store %arg11[%swap3A_234, %swap3A_235, %swap3A_236], %mul3A_230 {strides = array<i32>} : memref<2x80x128xf32, #tpu.memory_space<vmem>>, vector<16xf32>,
        %get3A_238 = arith.constant 0 : i32
        %get3A_239 = arith.index_cast %get3A_238 : i32 to index
        %get3A_240 = arith.index_cast %mul3A_103 : i32 to index
        %get3A_241 = arith.constant 80 : index
        %get3A_242 = tpu.vector_load %arg11[%get3A_239, %get3A_240, %get3A_241] {strides = array<i32>} : memref<2x80x128xf32, #tpu.memory_space<vmem>>, vector<16xf32>,
        %mul3A_243 = arith.mulf %get3A_242, %gather3A : vector<16xf32>
        %swap3A_244 = arith.constant 0 : i32
        %swap3A_245 = arith.index_cast %swap3A_244 : i32 to index
        %swap3A_246 = arith.index_cast %mul3A_103 : i32 to index
        %swap3A_247 = arith.constant 80 : index
        %swap3A_248 = tpu.vector_load %arg11[%swap3A_245, %swap3A_246, %swap3A_247] {strides = array<i32>} : memref<2x80x128xf32, #tpu.memory_space<vmem>>, vector<16xf32>,
        tpu.vector_store %arg11[%swap3A_245, %swap3A_246, %swap3A_247], %mul3A_243 {strides = array<i32>} : memref<2x80x128xf32, #tpu.memory_space<vmem>>, vector<16xf32>,
        %add3A_249 = arith.constant 1 : i32
        %add3A_250 = arith.addi %mul3A_103, %add3A_249 : i32
        %get3A_251 = arith.constant 0 : i32
        %get3A_252 = arith.index_cast %get3A_251 : i32 to index
        %get3A_253 = arith.index_cast %add3A_250 : i32 to index
        %get3A_254 = arith.constant 80 : index
        %get3A_255 = tpu.vector_load %arg11[%get3A_252, %get3A_253, %get3A_254] {strides = array<i32>} : memref<2x80x128xf32, #tpu.memory_space<vmem>>, vector<16xf32>,
        %mul3A_256 = arith.mulf %get3A_255, %gather3A_109 : vector<16xf32>
        %add3A_257 = arith.constant 1 : i32
        %add3A_258 = arith.addi %mul3A_103, %add3A_257 : i32
        %swap3A_259 = arith.constant 0 : i32
        %swap3A_260 = arith.index_cast %swap3A_259 : i32 to index
        %swap3A_261 = arith.index_cast %add3A_258 : i32 to index
        %swap3A_262 = arith.constant 80 : index
        %swap3A_263 = tpu.vector_load %arg11[%swap3A_260, %swap3A_261, %swap3A_262] {strides = array<i32>} : memref<2x80x128xf32, #tpu.memory_space<vmem>>, vector<16xf32>,
        tpu.vector_store %arg11[%swap3A_260, %swap3A_261, %swap3A_262], %mul3A_256 {strides = array<i32>} : memref<2x80x128xf32, #tpu.memory_space<vmem>>, vector<16xf32>,
        %get3A_264 = arith.constant 0 : i32
        %get3A_265 = arith.index_cast %get3A_264 : i32 to index
        %get3A_266 = arith.index_cast %mul3A_103 : i32 to index
        %get3A_267 = arith.constant 96 : index
        %get3A_268 = tpu.vector_load %arg11[%get3A_265, %get3A_266, %get3A_267] {strides = array<i32>} : memref<2x80x128xf32, #tpu.memory_space<vmem>>, vector<16xf32>,
        %mul3A_269 = arith.mulf %get3A_268, %gather3A : vector<16xf32>
        %swap3A_270 = arith.constant 0 : i32
        %swap3A_271 = arith.index_cast %swap3A_270 : i32 to index
        %swap3A_272 = arith.index_cast %mul3A_103 : i32 to index
        %swap3A_273 = arith.constant 96 : index
        %swap3A_274 = tpu.vector_load %arg11[%swap3A_271, %swap3A_272, %swap3A_273] {strides = array<i32>} : memref<2x80x128xf32, #tpu.memory_space<vmem>>, vector<16xf32>,
        tpu.vector_store %arg11[%swap3A_271, %swap3A_272, %swap3A_273], %mul3A_269 {strides = array<i32>} : memref<2x80x128xf32, #tpu.memory_space<vmem>>, vector<16xf32>,
        %add3A_275 = arith.constant 1 : i32
        %add3A_276 = arith.addi %mul3A_103, %add3A_275 : i32
        %get3A_277 = arith.constant 0 : i32
        %get3A_278 = arith.index_cast %get3A_277 : i32 to index
        %get3A_279 = arith.index_cast %add3A_276 : i32 to index
        %get3A_280 = arith.constant 96 : index
        %get3A_281 = tpu.vector_load %arg11[%get3A_278, %get3A_279, %get3A_280] {strides = array<i32>} : memref<2x80x128xf32, #tpu.memory_space<vmem>>, vector<16xf32>,
        %mul3A_282 = arith.mulf %get3A_281, %gather3A_109 : vector<16xf32>
        %add3A_283 = arith.constant 1 : i32
        %add3A_284 = arith.addi %mul3A_103, %add3A_283 : i32
        %swap3A_285 = arith.constant 0 : i32
        %swap3A_286 = arith.index_cast %swap3A_285 : i32 to index
        %swap3A_287 = arith.index_cast %add3A_284 : i32 to index
        %swap3A_288 = arith.constant 96 : index
        %swap3A_289 = tpu.vector_load %arg11[%swap3A_286, %swap3A_287, %swap3A_288] {strides = array<i32>} : memref<2x80x128xf32, #tpu.memory_space<vmem>>, vector<16xf32>,
        tpu.vector_store %arg11[%swap3A_286, %swap3A_287, %swap3A_288], %mul3A_282 {strides = array<i32>} : memref<2x80x128xf32, #tpu.memory_space<vmem>>, vector<16xf32>,
        %get3A_290 = arith.constant 0 : i32
        %get3A_291 = arith.index_cast %get3A_290 : i32 to index
        %get3A_292 = arith.index_cast %mul3A_103 : i32 to index
        %get3A_293 = arith.constant 112 : index
        %get3A_294 = tpu.vector_load %arg11[%get3A_291, %get3A_292, %get3A_293] {strides = array<i32>} : memref<2x80x128xf32, #tpu.memory_space<vmem>>, vector<16xf32>,
        %mul3A_295 = arith.mulf %get3A_294, %gather3A : vector<16xf32>
        %swap3A_296 = arith.constant 0 : i32
        %swap3A_297 = arith.index_cast %swap3A_296 : i32 to index
        %swap3A_298 = arith.index_cast %mul3A_103 : i32 to index
        %swap3A_299 = arith.constant 112 : index
        %swap3A_300 = tpu.vector_load %arg11[%swap3A_297, %swap3A_298, %swap3A_299] {strides = array<i32>} : memref<2x80x128xf32, #tpu.memory_space<vmem>>, vector<16xf32>,
        tpu.vector_store %arg11[%swap3A_297, %swap3A_298, %swap3A_299], %mul3A_295 {strides = array<i32>} : memref<2x80x128xf32, #tpu.memory_space<vmem>>, vector<16xf32>,
        %add3A_301 = arith.constant 1 : i32
        %add3A_302 = arith.addi %mul3A_103, %add3A_301 : i32
        %get3A_303 = arith.constant 0 : i32
        %get3A_304 = arith.index_cast %get3A_303 : i32 to index
        %get3A_305 = arith.index_cast %add3A_302 : i32 to index
        %get3A_306 = arith.constant 112 : index
        %get3A_307 = tpu.vector_load %arg11[%get3A_304, %get3A_305, %get3A_306] {strides = array<i32>} : memref<2x80x128xf32, #tpu.memory_space<vmem>>, vector<16xf32>,
        %mul3A_308 = arith.mulf %get3A_307, %gather3A_109 : vector<16xf32>
        %add3A_309 = arith.constant 1 : i32
        %add3A_310 = arith.addi %mul3A_103, %add3A_309 : i32
        %swap3A_311 = arith.constant 0 : i32
        %swap3A_312 = arith.index_cast %swap3A_311 : i32 to index
        %swap3A_313 = arith.index_cast %add3A_310 : i32 to index
        %swap3A_314 = arith.constant 112 : index
        %swap3A_315 = tpu.vector_load %arg11[%swap3A_312, %swap3A_313, %swap3A_314] {strides = array<i32>} : memref<2x80x128xf32, #tpu.memory_space<vmem>>, vector<16xf32>,
        tpu.vector_store %arg11[%swap3A_312, %swap3A_313, %swap3A_314], %mul3A_308 {strides = array<i32>} : memref<2x80x128xf32, #tpu.memory_space<vmem>>, vector<16xf32>,
        %scan3A_316 = arith.constant 0 : i32
        scf.yield %scan3A_316 : i32
      }
      %scan3A_67 = arith.constant 40 : i32
      %run_scoped3A = arith.constant 0 : i32
      "tpu.region"() ({
        %run_scoped3A_100 = tpu.sem_alloc : memref<!tpu.dma_semaphore, #tpu.memory_space<semaphore_mem>>
        %dma_start3A_101 = arith.constant 0 : i32
        %dma_start3A_102 = arith.constant 0 : i32
        %dma_start3A_103 = tpu.memref_slice %arg11[%run_scoped3A, %dma_start3A_101, %dma_start3A_102] : memref<2x80x128xf32, #tpu.memory_space<vmem>> -> memref<1x80x128xf32, #tpu.memory_space<vmem>>
        %dma_start3A_104 = tpu.memref_squeeze %dma_start3A_103 : memref<1x80x128xf32, #tpu.memory_space<vmem>> -> memref<80x128xf32, #tpu.memory_space<vmem>>
        %dma_start3A_105 = arith.constant 0 : i32
        %dma_start3A_106 = tpu.memref_slice %arg9[%add3A_42, %dma_start3A_105] : memref<126x80xi32, #tpu.memory_space<vmem>> -> memref<1x80xi32, #tpu.memory_space<vmem>>
        %dma_start3A_107 = tpu.memref_squeeze %dma_start3A_106 : memref<1x80xi32, #tpu.memory_space<vmem>> -> memref<80xi32, #tpu.memory_space<vmem>>
        %dma_start3A_108 = arith.constant 0 : i32
        %dma_start3A_109 = arith.constant 0 : i32
        %dma_start3A_110 = tpu.memref_slice %arg12[%dma_start3A_108, %dma_start3A_109] : memref<10000x128xf32, #tpu.memory_space<vmem_shared>> -> memref<10000x128xf32, #tpu.memory_space<vmem_shared>>
        tpu.enqueue_indirect_dma source(%dma_start3A_104 : memref<80x128xf32, #tpu.memory_space<vmem>>) target(%dma_start3A_110 : memref<10000x128xf32, #tpu.memory_space<vmem_shared>>) offsets(%dma_start3A_107 : memref<80xi32, #tpu.memory_space<vmem>>) semaphore(%run_scoped3A_100 : memref<!tpu.dma_semaphore, #tpu.memory_space<semaphore_mem>>) {add = true}
        %dma_wait3A_111 = arith.constant 0 : i32
        %dma_wait3A_112 = arith.constant 0 : i32
        %dma_wait3A_113 = tpu.memref_slice %arg11[%run_scoped3A, %dma_wait3A_111, %dma_wait3A_112] : memref<2x80x128xf32, #tpu.memory_space<vmem>> -> memref<1x80x128xf32, #tpu.memory_space<vmem>>
        %dma_wait3A_114 = tpu.memref_squeeze %dma_wait3A_113 : memref<1x80x128xf32, #tpu.memory_space<vmem>> -> memref<80x128xf32, #tpu.memory_space<vmem>>
        %dma_wait3A_115 = arith.constant 0 : i32
        %dma_wait3A_116 = tpu.memref_slice %arg9[%add3A_42, %dma_wait3A_115] : memref<126x80xi32, #tpu.memory_space<vmem>> -> memref<1x80xi32, #tpu.memory_space<vmem>>
        %dma_wait3A_117 = tpu.memref_squeeze %dma_wait3A_116 : memref<1x80xi32, #tpu.memory_space<vmem>> -> memref<80xi32, #tpu.memory_space<vmem>>
        %dma_wait3A_118 = arith.constant 0 : i32
        %dma_wait3A_119 = arith.constant 0 : i32
        %dma_wait3A_120 = tpu.memref_slice %arg12[%dma_wait3A_118, %dma_wait3A_119] : memref<10000x128xf32, #tpu.memory_space<vmem_shared>> -> memref<10000x128xf32, #tpu.memory_space<vmem_shared>>
        tpu.wait_indirect_dma semaphore(%run_scoped3A_100 : memref<!tpu.dma_semaphore, #tpu.memory_space<semaphore_mem>>) src(%dma_wait3A_114 : memref<80x128xf32, #tpu.memory_space<vmem>>) dst(%dma_wait3A_120 : memref<10000x128xf32, #tpu.memory_space<vmem_shared>>)
        tpu.yield
      }) : () -> ()
      %mul3A_68 = arith.constant 2 : i32
      %mul3A_69 = arith.muli %mul3A_68, %scan3A_37 : i32
      %add3A_70 = arith.constant 1 : i32
      %add3A_71 = arith.addi %mul3A_69, %add3A_70 : i32
      %dma_wait3A_72 = arith.constant 0 : i32
      %dma_wait3A_73 = arith.constant 1 : i32
      %dma_wait3A_74 = arith.constant 0 : i32
      %dma_wait3A_75 = arith.constant 0 : i32
      %dma_wait3A_76 = tpu.memref_slice %arg11[%dma_wait3A_73, %dma_wait3A_74, %dma_wait3A_75] : memref<2x80x128xf32, #tpu.memory_space<vmem>> -> memref<1x80x128xf32, #tpu.memory_space<vmem>>
      %dma_wait3A_77 = tpu.memref_squeeze %dma_wait3A_76 : memref<1x80x128xf32, #tpu.memory_space<vmem>> -> memref<80x128xf32, #tpu.memory_space<vmem>>
      %dma_wait3A_78 = arith.constant 0 : i32
      %dma_wait3A_79 = tpu.memref_slice %arg8[%dma_wait3A_72, %dma_wait3A_78] : memref<126x80xi32, #tpu.memory_space<vmem>> -> memref<1x80xi32, #tpu.memory_space<vmem>>
      %dma_wait3A_80 = tpu.memref_squeeze %dma_wait3A_79 : memref<1x80xi32, #tpu.memory_space<vmem>> -> memref<80xi32, #tpu.memory_space<vmem>>
      %dma_wait3A_81 = arith.constant 0 : i32
      %dma_wait3A_82 = arith.constant 0 : i32
      %dma_wait3A_83 = tpu.memref_slice %arg2[%dma_wait3A_81, %dma_wait3A_82] : memref<10000x128xf32, #tpu.memory_space<hbm>> -> memref<10000x128xf32, #tpu.memory_space<hbm>>
      tpu.wait_indirect_dma semaphore(%arg14 : memref<!tpu.dma_semaphore, #tpu.memory_space<semaphore_mem>>) src(%dma_wait3A_83 : memref<10000x128xf32, #tpu.memory_space<hbm>>) dst(%dma_wait3A_77 : memref<80x128xf32, #tpu.memory_space<vmem>>)
      %add3A_84 = arith.constant 1 : i32
      %add3A_85 = arith.addi %add3A_71, %add3A_84 : i32
      %lt3A_86 = arith.constant 126 : i32
      %lt3A_87 = arith.cmpi slt, %add3A_85, %lt3A_86 : i32
      %convert_element_type3A_88 = arith.extui %lt3A_87 : i1 to i32
      %cond3A_89 = arith.constant 0 : i32
      %cond3A_90 = arith.cmpi ne, %convert_element_type3A_88, %cond3A_89 : i32
      scf.if %cond3A_90 {
        %add3A_100 = arith.constant 1 : i32
        %add3A_101 = arith.addi %add3A_71, %add3A_100 : i32
        %dma_start3A_102 = arith.constant 0 : i32
        %dma_start3A_103 = arith.constant 0 : i32
        %dma_start3A_104 = arith.constant 0 : i32
        %dma_start3A_105 = tpu.memref_slice %arg11[%dma_start3A_102, %dma_start3A_103, %dma_start3A_104] : memref<2x80x128xf32, #tpu.memory_space<vmem>> -> memref<1x80x128xf32, #tpu.memory_space<vmem>>
        %dma_start3A_106 = tpu.memref_squeeze %dma_start3A_105 : memref<1x80x128xf32, #tpu.memory_space<vmem>> -> memref<80x128xf32, #tpu.memory_space<vmem>>
        %dma_start3A_107 = arith.constant 0 : i32
        %dma_start3A_108 = tpu.memref_slice %arg8[%add3A_101, %dma_start3A_107] : memref<126x80xi32, #tpu.memory_space<vmem>> -> memref<1x80xi32, #tpu.memory_space<vmem>>
        %dma_start3A_109 = tpu.memref_squeeze %dma_start3A_108 : memref<1x80xi32, #tpu.memory_space<vmem>> -> memref<80xi32, #tpu.memory_space<vmem>>
        %dma_start3A_110 = arith.constant 0 : i32
        %dma_start3A_111 = arith.constant 0 : i32
        %dma_start3A_112 = tpu.memref_slice %arg2[%dma_start3A_110, %dma_start3A_111] : memref<10000x128xf32, #tpu.memory_space<hbm>> -> memref<10000x128xf32, #tpu.memory_space<hbm>>
        tpu.enqueue_indirect_dma source(%dma_start3A_112 : memref<10000x128xf32, #tpu.memory_space<hbm>>) target(%dma_start3A_106 : memref<80x128xf32, #tpu.memory_space<vmem>>) offsets(%dma_start3A_109 : memref<80xi32, #tpu.memory_space<vmem>>) semaphore(%arg13 : memref<!tpu.dma_semaphore, #tpu.memory_space<semaphore_mem>>)
      } else {
      }
      %scan3A_91 = arith.constant 0 : i32
      %scan3A_92 = arith.constant 0 : i32
      %scan3A_93 = arith.constant 40 : i32
      %scan3A_94 = arith.addi %scan3A_92, %scan3A_93 : i32
      %scan3A_95 = arith.constant 1 : i32
      %scan3A_96 = scf.for %scan3A_100 = %scan3A_92 to %scan3A_94 step %scan3A_95 iter_args(%scan3A_101 = %scan3A_91) -> (i32)  : i32 {
        %mul3A_102 = arith.constant 2 : i32
        %mul3A_103 = arith.muli %mul3A_102, %scan3A_100 : i32
        %broadcast_in_dim3A = vector.broadcast %add3A_71 : i32 to vector<16xi32>
        %broadcast_in_dim3A_104 = vector.broadcast %mul3A_103 : i32 to vector<16xi32>
        %gather3A = tpu.vector_load_idx %arg10[%broadcast_in_dim3A, %broadcast_in_dim3A_104] : memref<126x80xf32, #tpu.memory_space<vmem>>[vector<16xi32>, vector<16xi32>], vector<16xf32>,
        %broadcast_in_dim3A_105 = vector.broadcast %add3A_71 : i32 to vector<16xi32>
        %add3A_106 = arith.constant 1 : i32
        %add3A_107 = arith.addi %mul3A_103, %add3A_106 : i32
        %broadcast_in_dim3A_108 = vector.broadcast %add3A_107 : i32 to vector<16xi32>
        %gather3A_109 = tpu.vector_load_idx %arg10[%broadcast_in_dim3A_105, %broadcast_in_dim3A_108] : memref<126x80xf32, #tpu.memory_space<vmem>>[vector<16xi32>, vector<16xi32>], vector<16xf32>,
        %get3A = arith.constant 1 : i32
        %get3A_110 = arith.index_cast %get3A : i32 to index
        %get3A_111 = arith.index_cast %mul3A_103 : i32 to index
        %get3A_112 = arith.constant 0 : index
        %get3A_113 = tpu.vector_load %arg11[%get3A_110, %get3A_111, %get3A_112] {strides = array<i32>} : memref<2x80x128xf32, #tpu.memory_space<vmem>>, vector<16xf32>,
        %mul3A_114 = arith.mulf %get3A_113, %gather3A : vector<16xf32>
        %swap3A = arith.constant 1 : i32
        %swap3A_115 = arith.index_cast %swap3A : i32 to index
        %swap3A_116 = arith.index_cast %mul3A_103 : i32 to index
        %swap3A_117 = arith.constant 0 : index
        %swap3A_118 = tpu.vector_load %arg11[%swap3A_115, %swap3A_116, %swap3A_117] {strides = array<i32>} : memref<2x80x128xf32, #tpu.memory_space<vmem>>, vector<16xf32>,
        tpu.vector_store %arg11[%swap3A_115, %swap3A_116, %swap3A_117], %mul3A_114 {strides = array<i32>} : memref<2x80x128xf32, #tpu.memory_space<vmem>>, vector<16xf32>,
        %add3A_119 = arith.constant 1 : i32
        %add3A_120 = arith.addi %mul3A_103, %add3A_119 : i32
        %get3A_121 = arith.constant 1 : i32
        %get3A_122 = arith.index_cast %get3A_121 : i32 to index
        %get3A_123 = arith.index_cast %add3A_120 : i32 to index
        %get3A_124 = arith.constant 0 : index
        %get3A_125 = tpu.vector_load %arg11[%get3A_122, %get3A_123, %get3A_124] {strides = array<i32>} : memref<2x80x128xf32, #tpu.memory_space<vmem>>, vector<16xf32>,
        %mul3A_126 = arith.mulf %get3A_125, %gather3A_109 : vector<16xf32>
        %add3A_127 = arith.constant 1 : i32
        %add3A_128 = arith.addi %mul3A_103, %add3A_127 : i32
        %swap3A_129 = arith.constant 1 : i32
        %swap3A_130 = arith.index_cast %swap3A_129 : i32 to index
        %swap3A_131 = arith.index_cast %add3A_128 : i32 to index
        %swap3A_132 = arith.constant 0 : index
        %swap3A_133 = tpu.vector_load %arg11[%swap3A_130, %swap3A_131, %swap3A_132] {strides = array<i32>} : memref<2x80x128xf32, #tpu.memory_space<vmem>>, vector<16xf32>,
        tpu.vector_store %arg11[%swap3A_130, %swap3A_131, %swap3A_132], %mul3A_126 {strides = array<i32>} : memref<2x80x128xf32, #tpu.memory_space<vmem>>, vector<16xf32>,
        %get3A_134 = arith.constant 1 : i32
        %get3A_135 = arith.index_cast %get3A_134 : i32 to index
        %get3A_136 = arith.index_cast %mul3A_103 : i32 to index
        %get3A_137 = arith.constant 16 : index
        %get3A_138 = tpu.vector_load %arg11[%get3A_135, %get3A_136, %get3A_137] {strides = array<i32>} : memref<2x80x128xf32, #tpu.memory_space<vmem>>, vector<16xf32>,
        %mul3A_139 = arith.mulf %get3A_138, %gather3A : vector<16xf32>
        %swap3A_140 = arith.constant 1 : i32
        %swap3A_141 = arith.index_cast %swap3A_140 : i32 to index
        %swap3A_142 = arith.index_cast %mul3A_103 : i32 to index
        %swap3A_143 = arith.constant 16 : index
        %swap3A_144 = tpu.vector_load %arg11[%swap3A_141, %swap3A_142, %swap3A_143] {strides = array<i32>} : memref<2x80x128xf32, #tpu.memory_space<vmem>>, vector<16xf32>,
        tpu.vector_store %arg11[%swap3A_141, %swap3A_142, %swap3A_143], %mul3A_139 {strides = array<i32>} : memref<2x80x128xf32, #tpu.memory_space<vmem>>, vector<16xf32>,
        %add3A_145 = arith.constant 1 : i32
        %add3A_146 = arith.addi %mul3A_103, %add3A_145 : i32
        %get3A_147 = arith.constant 1 : i32
        %get3A_148 = arith.index_cast %get3A_147 : i32 to index
        %get3A_149 = arith.index_cast %add3A_146 : i32 to index
        %get3A_150 = arith.constant 16 : index
        %get3A_151 = tpu.vector_load %arg11[%get3A_148, %get3A_149, %get3A_150] {strides = array<i32>} : memref<2x80x128xf32, #tpu.memory_space<vmem>>, vector<16xf32>,
        %mul3A_152 = arith.mulf %get3A_151, %gather3A_109 : vector<16xf32>
        %add3A_153 = arith.constant 1 : i32
        %add3A_154 = arith.addi %mul3A_103, %add3A_153 : i32
        %swap3A_155 = arith.constant 1 : i32
        %swap3A_156 = arith.index_cast %swap3A_155 : i32 to index
        %swap3A_157 = arith.index_cast %add3A_154 : i32 to index
        %swap3A_158 = arith.constant 16 : index
        %swap3A_159 = tpu.vector_load %arg11[%swap3A_156, %swap3A_157, %swap3A_158] {strides = array<i32>} : memref<2x80x128xf32, #tpu.memory_space<vmem>>, vector<16xf32>,
        tpu.vector_store %arg11[%swap3A_156, %swap3A_157, %swap3A_158], %mul3A_152 {strides = array<i32>} : memref<2x80x128xf32, #tpu.memory_space<vmem>>, vector<16xf32>,
        %get3A_160 = arith.constant 1 : i32
        %get3A_161 = arith.index_cast %get3A_160 : i32 to index
        %get3A_162 = arith.index_cast %mul3A_103 : i32 to index
        %get3A_163 = arith.constant 32 : index
        %get3A_164 = tpu.vector_load %arg11[%get3A_161, %get3A_162, %get3A_163] {strides = array<i32>} : memref<2x80x128xf32, #tpu.memory_space<vmem>>, vector<16xf32>,
        %mul3A_165 = arith.mulf %get3A_164, %gather3A : vector<16xf32>
        %swap3A_166 = arith.constant 1 : i32
        %swap3A_167 = arith.index_cast %swap3A_166 : i32 to index
        %swap3A_168 = arith.index_cast %mul3A_103 : i32 to index
        %swap3A_169 = arith.constant 32 : index
        %swap3A_170 = tpu.vector_load %arg11[%swap3A_167, %swap3A_168, %swap3A_169] {strides = array<i32>} : memref<2x80x128xf32, #tpu.memory_space<vmem>>, vector<16xf32>,
        tpu.vector_store %arg11[%swap3A_167, %swap3A_168, %swap3A_169], %mul3A_165 {strides = array<i32>} : memref<2x80x128xf32, #tpu.memory_space<vmem>>, vector<16xf32>,
        %add3A_171 = arith.constant 1 : i32
        %add3A_172 = arith.addi %mul3A_103, %add3A_171 : i32
        %get3A_173 = arith.constant 1 : i32
        %get3A_174 = arith.index_cast %get3A_173 : i32 to index
        %get3A_175 = arith.index_cast %add3A_172 : i32 to index
        %get3A_176 = arith.constant 32 : index
        %get3A_177 = tpu.vector_load %arg11[%get3A_174, %get3A_175, %get3A_176] {strides = array<i32>} : memref<2x80x128xf32, #tpu.memory_space<vmem>>, vector<16xf32>,
        %mul3A_178 = arith.mulf %get3A_177, %gather3A_109 : vector<16xf32>
        %add3A_179 = arith.constant 1 : i32
        %add3A_180 = arith.addi %mul3A_103, %add3A_179 : i32
        %swap3A_181 = arith.constant 1 : i32
        %swap3A_182 = arith.index_cast %swap3A_181 : i32 to index
        %swap3A_183 = arith.index_cast %add3A_180 : i32 to index
        %swap3A_184 = arith.constant 32 : index
        %swap3A_185 = tpu.vector_load %arg11[%swap3A_182, %swap3A_183, %swap3A_184] {strides = array<i32>} : memref<2x80x128xf32, #tpu.memory_space<vmem>>, vector<16xf32>,
        tpu.vector_store %arg11[%swap3A_182, %swap3A_183, %swap3A_184], %mul3A_178 {strides = array<i32>} : memref<2x80x128xf32, #tpu.memory_space<vmem>>, vector<16xf32>,
        %get3A_186 = arith.constant 1 : i32
        %get3A_187 = arith.index_cast %get3A_186 : i32 to index
        %get3A_188 = arith.index_cast %mul3A_103 : i32 to index
        %get3A_189 = arith.constant 48 : index
        %get3A_190 = tpu.vector_load %arg11[%get3A_187, %get3A_188, %get3A_189] {strides = array<i32>} : memref<2x80x128xf32, #tpu.memory_space<vmem>>, vector<16xf32>,
        %mul3A_191 = arith.mulf %get3A_190, %gather3A : vector<16xf32>
        %swap3A_192 = arith.constant 1 : i32
        %swap3A_193 = arith.index_cast %swap3A_192 : i32 to index
        %swap3A_194 = arith.index_cast %mul3A_103 : i32 to index
        %swap3A_195 = arith.constant 48 : index
        %swap3A_196 = tpu.vector_load %arg11[%swap3A_193, %swap3A_194, %swap3A_195] {strides = array<i32>} : memref<2x80x128xf32, #tpu.memory_space<vmem>>, vector<16xf32>,
        tpu.vector_store %arg11[%swap3A_193, %swap3A_194, %swap3A_195], %mul3A_191 {strides = array<i32>} : memref<2x80x128xf32, #tpu.memory_space<vmem>>, vector<16xf32>,
        %add3A_197 = arith.constant 1 : i32
        %add3A_198 = arith.addi %mul3A_103, %add3A_197 : i32
        %get3A_199 = arith.constant 1 : i32
        %get3A_200 = arith.index_cast %get3A_199 : i32 to index
        %get3A_201 = arith.index_cast %add3A_198 : i32 to index
        %get3A_202 = arith.constant 48 : index
        %get3A_203 = tpu.vector_load %arg11[%get3A_200, %get3A_201, %get3A_202] {strides = array<i32>} : memref<2x80x128xf32, #tpu.memory_space<vmem>>, vector<16xf32>,
        %mul3A_204 = arith.mulf %get3A_203, %gather3A_109 : vector<16xf32>
        %add3A_205 = arith.constant 1 : i32
        %add3A_206 = arith.addi %mul3A_103, %add3A_205 : i32
        %swap3A_207 = arith.constant 1 : i32
        %swap3A_208 = arith.index_cast %swap3A_207 : i32 to index
        %swap3A_209 = arith.index_cast %add3A_206 : i32 to index
        %swap3A_210 = arith.constant 48 : index
        %swap3A_211 = tpu.vector_load %arg11[%swap3A_208, %swap3A_209, %swap3A_210] {strides = array<i32>} : memref<2x80x128xf32, #tpu.memory_space<vmem>>, vector<16xf32>,
        tpu.vector_store %arg11[%swap3A_208, %swap3A_209, %swap3A_210], %mul3A_204 {strides = array<i32>} : memref<2x80x128xf32, #tpu.memory_space<vmem>>, vector<16xf32>,
        %get3A_212 = arith.constant 1 : i32
        %get3A_213 = arith.index_cast %get3A_212 : i32 to index
        %get3A_214 = arith.index_cast %mul3A_103 : i32 to index
        %get3A_215 = arith.constant 64 : index
        %get3A_216 = tpu.vector_load %arg11[%get3A_213, %get3A_214, %get3A_215] {strides = array<i32>} : memref<2x80x128xf32, #tpu.memory_space<vmem>>, vector<16xf32>,
        %mul3A_217 = arith.mulf %get3A_216, %gather3A : vector<16xf32>
        %swap3A_218 = arith.constant 1 : i32
        %swap3A_219 = arith.index_cast %swap3A_218 : i32 to index
        %swap3A_220 = arith.index_cast %mul3A_103 : i32 to index
        %swap3A_221 = arith.constant 64 : index
        %swap3A_222 = tpu.vector_load %arg11[%swap3A_219, %swap3A_220, %swap3A_221] {strides = array<i32>} : memref<2x80x128xf32, #tpu.memory_space<vmem>>, vector<16xf32>,
        tpu.vector_store %arg11[%swap3A_219, %swap3A_220, %swap3A_221], %mul3A_217 {strides = array<i32>} : memref<2x80x128xf32, #tpu.memory_space<vmem>>, vector<16xf32>,
        %add3A_223 = arith.constant 1 : i32
        %add3A_224 = arith.addi %mul3A_103, %add3A_223 : i32
        %get3A_225 = arith.constant 1 : i32
        %get3A_226 = arith.index_cast %get3A_225 : i32 to index
        %get3A_227 = arith.index_cast %add3A_224 : i32 to index
        %get3A_228 = arith.constant 64 : index
        %get3A_229 = tpu.vector_load %arg11[%get3A_226, %get3A_227, %get3A_228] {strides = array<i32>} : memref<2x80x128xf32, #tpu.memory_space<vmem>>, vector<16xf32>,
        %mul3A_230 = arith.mulf %get3A_229, %gather3A_109 : vector<16xf32>
        %add3A_231 = arith.constant 1 : i32
        %add3A_232 = arith.addi %mul3A_103, %add3A_231 : i32
        %swap3A_233 = arith.constant 1 : i32
        %swap3A_234 = arith.index_cast %swap3A_233 : i32 to index
        %swap3A_235 = arith.index_cast %add3A_232 : i32 to index
        %swap3A_236 = arith.constant 64 : index
        %swap3A_237 = tpu.vector_load %arg11[%swap3A_234, %swap3A_235, %swap3A_236] {strides = array<i32>} : memref<2x80x128xf32, #tpu.memory_space<vmem>>, vector<16xf32>,
        tpu.vector_store %arg11[%swap3A_234, %swap3A_235, %swap3A_236], %mul3A_230 {strides = array<i32>} : memref<2x80x128xf32, #tpu.memory_space<vmem>>, vector<16xf32>,
        %get3A_238 = arith.constant 1 : i32
        %get3A_239 = arith.index_cast %get3A_238 : i32 to index
        %get3A_240 = arith.index_cast %mul3A_103 : i32 to index
        %get3A_241 = arith.constant 80 : index
        %get3A_242 = tpu.vector_load %arg11[%get3A_239, %get3A_240, %get3A_241] {strides = array<i32>} : memref<2x80x128xf32, #tpu.memory_space<vmem>>, vector<16xf32>,
        %mul3A_243 = arith.mulf %get3A_242, %gather3A : vector<16xf32>
        %swap3A_244 = arith.constant 1 : i32
        %swap3A_245 = arith.index_cast %swap3A_244 : i32 to index
        %swap3A_246 = arith.index_cast %mul3A_103 : i32 to index
        %swap3A_247 = arith.constant 80 : index
        %swap3A_248 = tpu.vector_load %arg11[%swap3A_245, %swap3A_246, %swap3A_247] {strides = array<i32>} : memref<2x80x128xf32, #tpu.memory_space<vmem>>, vector<16xf32>,
        tpu.vector_store %arg11[%swap3A_245, %swap3A_246, %swap3A_247], %mul3A_243 {strides = array<i32>} : memref<2x80x128xf32, #tpu.memory_space<vmem>>, vector<16xf32>,
        %add3A_249 = arith.constant 1 : i32
        %add3A_250 = arith.addi %mul3A_103, %add3A_249 : i32
        %get3A_251 = arith.constant 1 : i32
        %get3A_252 = arith.index_cast %get3A_251 : i32 to index
        %get3A_253 = arith.index_cast %add3A_250 : i32 to index
        %get3A_254 = arith.constant 80 : index
        %get3A_255 = tpu.vector_load %arg11[%get3A_252, %get3A_253, %get3A_254] {strides = array<i32>} : memref<2x80x128xf32, #tpu.memory_space<vmem>>, vector<16xf32>,
        %mul3A_256 = arith.mulf %get3A_255, %gather3A_109 : vector<16xf32>
        %add3A_257 = arith.constant 1 : i32
        %add3A_258 = arith.addi %mul3A_103, %add3A_257 : i32
        %swap3A_259 = arith.constant 1 : i32
        %swap3A_260 = arith.index_cast %swap3A_259 : i32 to index
        %swap3A_261 = arith.index_cast %add3A_258 : i32 to index
        %swap3A_262 = arith.constant 80 : index
        %swap3A_263 = tpu.vector_load %arg11[%swap3A_260, %swap3A_261, %swap3A_262] {strides = array<i32>} : memref<2x80x128xf32, #tpu.memory_space<vmem>>, vector<16xf32>,
        tpu.vector_store %arg11[%swap3A_260, %swap3A_261, %swap3A_262], %mul3A_256 {strides = array<i32>} : memref<2x80x128xf32, #tpu.memory_space<vmem>>, vector<16xf32>,
        %get3A_264 = arith.constant 1 : i32
        %get3A_265 = arith.index_cast %get3A_264 : i32 to index
        %get3A_266 = arith.index_cast %mul3A_103 : i32 to index
        %get3A_267 = arith.constant 96 : index
        %get3A_268 = tpu.vector_load %arg11[%get3A_265, %get3A_266, %get3A_267] {strides = array<i32>} : memref<2x80x128xf32, #tpu.memory_space<vmem>>, vector<16xf32>,
        %mul3A_269 = arith.mulf %get3A_268, %gather3A : vector<16xf32>
        %swap3A_270 = arith.constant 1 : i32
        %swap3A_271 = arith.index_cast %swap3A_270 : i32 to index
        %swap3A_272 = arith.index_cast %mul3A_103 : i32 to index
        %swap3A_273 = arith.constant 96 : index
        %swap3A_274 = tpu.vector_load %arg11[%swap3A_271, %swap3A_272, %swap3A_273] {strides = array<i32>} : memref<2x80x128xf32, #tpu.memory_space<vmem>>, vector<16xf32>,
        tpu.vector_store %arg11[%swap3A_271, %swap3A_272, %swap3A_273], %mul3A_269 {strides = array<i32>} : memref<2x80x128xf32, #tpu.memory_space<vmem>>, vector<16xf32>,
        %add3A_275 = arith.constant 1 : i32
        %add3A_276 = arith.addi %mul3A_103, %add3A_275 : i32
        %get3A_277 = arith.constant 1 : i32
        %get3A_278 = arith.index_cast %get3A_277 : i32 to index
        %get3A_279 = arith.index_cast %add3A_276 : i32 to index
        %get3A_280 = arith.constant 96 : index
        %get3A_281 = tpu.vector_load %arg11[%get3A_278, %get3A_279, %get3A_280] {strides = array<i32>} : memref<2x80x128xf32, #tpu.memory_space<vmem>>, vector<16xf32>,
        %mul3A_282 = arith.mulf %get3A_281, %gather3A_109 : vector<16xf32>
        %add3A_283 = arith.constant 1 : i32
        %add3A_284 = arith.addi %mul3A_103, %add3A_283 : i32
        %swap3A_285 = arith.constant 1 : i32
        %swap3A_286 = arith.index_cast %swap3A_285 : i32 to index
        %swap3A_287 = arith.index_cast %add3A_284 : i32 to index
        %swap3A_288 = arith.constant 96 : index
        %swap3A_289 = tpu.vector_load %arg11[%swap3A_286, %swap3A_287, %swap3A_288] {strides = array<i32>} : memref<2x80x128xf32, #tpu.memory_space<vmem>>, vector<16xf32>,
        tpu.vector_store %arg11[%swap3A_286, %swap3A_287, %swap3A_288], %mul3A_282 {strides = array<i32>} : memref<2x80x128xf32, #tpu.memory_space<vmem>>, vector<16xf32>,
        %get3A_290 = arith.constant 1 : i32
        %get3A_291 = arith.index_cast %get3A_290 : i32 to index
        %get3A_292 = arith.index_cast %mul3A_103 : i32 to index
        %get3A_293 = arith.constant 112 : index
        %get3A_294 = tpu.vector_load %arg11[%get3A_291, %get3A_292, %get3A_293] {strides = array<i32>} : memref<2x80x128xf32, #tpu.memory_space<vmem>>, vector<16xf32>,
        %mul3A_295 = arith.mulf %get3A_294, %gather3A : vector<16xf32>
        %swap3A_296 = arith.constant 1 : i32
        %swap3A_297 = arith.index_cast %swap3A_296 : i32 to index
        %swap3A_298 = arith.index_cast %mul3A_103 : i32 to index
        %swap3A_299 = arith.constant 112 : index
        %swap3A_300 = tpu.vector_load %arg11[%swap3A_297, %swap3A_298, %swap3A_299] {strides = array<i32>} : memref<2x80x128xf32, #tpu.memory_space<vmem>>, vector<16xf32>,
        tpu.vector_store %arg11[%swap3A_297, %swap3A_298, %swap3A_299], %mul3A_295 {strides = array<i32>} : memref<2x80x128xf32, #tpu.memory_space<vmem>>, vector<16xf32>,
        %add3A_301 = arith.constant 1 : i32
        %add3A_302 = arith.addi %mul3A_103, %add3A_301 : i32
        %get3A_303 = arith.constant 1 : i32
        %get3A_304 = arith.index_cast %get3A_303 : i32 to index
        %get3A_305 = arith.index_cast %add3A_302 : i32 to index
        %get3A_306 = arith.constant 112 : index
        %get3A_307 = tpu.vector_load %arg11[%get3A_304, %get3A_305, %get3A_306] {strides = array<i32>} : memref<2x80x128xf32, #tpu.memory_space<vmem>>, vector<16xf32>,
        %mul3A_308 = arith.mulf %get3A_307, %gather3A_109 : vector<16xf32>
        %add3A_309 = arith.constant 1 : i32
        %add3A_310 = arith.addi %mul3A_103, %add3A_309 : i32
        %swap3A_311 = arith.constant 1 : i32
        %swap3A_312 = arith.index_cast %swap3A_311 : i32 to index
        %swap3A_313 = arith.index_cast %add3A_310 : i32 to index
        %swap3A_314 = arith.constant 112 : index
        %swap3A_315 = tpu.vector_load %arg11[%swap3A_312, %swap3A_313, %swap3A_314] {strides = array<i32>} : memref<2x80x128xf32, #tpu.memory_space<vmem>>, vector<16xf32>,
        tpu.vector_store %arg11[%swap3A_312, %swap3A_313, %swap3A_314], %mul3A_308 {strides = array<i32>} : memref<2x80x128xf32, #tpu.memory_space<vmem>>, vector<16xf32>,
        %scan3A_316 = arith.constant 0 : i32
        scf.yield %scan3A_316 : i32
      }
      %scan3A_97 = arith.constant 40 : i32
      %run_scoped3A_98 = arith.constant 1 : i32
      "tpu.region"() ({
        %run_scoped3A_100 = tpu.sem_alloc : memref<!tpu.dma_semaphore, #tpu.memory_space<semaphore_mem>>
        %dma_start3A_101 = arith.constant 0 : i32
        %dma_start3A_102 = arith.constant 0 : i32
        %dma_start3A_103 = tpu.memref_slice %arg11[%run_scoped3A_98, %dma_start3A_101, %dma_start3A_102] : memref<2x80x128xf32, #tpu.memory_space<vmem>> -> memref<1x80x128xf32, #tpu.memory_space<vmem>>
        %dma_start3A_104 = tpu.memref_squeeze %dma_start3A_103 : memref<1x80x128xf32, #tpu.memory_space<vmem>> -> memref<80x128xf32, #tpu.memory_space<vmem>>
        %dma_start3A_105 = arith.constant 0 : i32
        %dma_start3A_106 = tpu.memref_slice %arg9[%add3A_71, %dma_start3A_105] : memref<126x80xi32, #tpu.memory_space<vmem>> -> memref<1x80xi32, #tpu.memory_space<vmem>>
        %dma_start3A_107 = tpu.memref_squeeze %dma_start3A_106 : memref<1x80xi32, #tpu.memory_space<vmem>> -> memref<80xi32, #tpu.memory_space<vmem>>
        %dma_start3A_108 = arith.constant 0 : i32
        %dma_start3A_109 = arith.constant 0 : i32
        %dma_start3A_110 = tpu.memref_slice %arg12[%dma_start3A_108, %dma_start3A_109] : memref<10000x128xf32, #tpu.memory_space<vmem_shared>> -> memref<10000x128xf32, #tpu.memory_space<vmem_shared>>
        tpu.enqueue_indirect_dma source(%dma_start3A_104 : memref<80x128xf32, #tpu.memory_space<vmem>>) target(%dma_start3A_110 : memref<10000x128xf32, #tpu.memory_space<vmem_shared>>) offsets(%dma_start3A_107 : memref<80xi32, #tpu.memory_space<vmem>>) semaphore(%run_scoped3A_100 : memref<!tpu.dma_semaphore, #tpu.memory_space<semaphore_mem>>) {add = true}
        %dma_wait3A_111 = arith.constant 0 : i32
        %dma_wait3A_112 = arith.constant 0 : i32
        %dma_wait3A_113 = tpu.memref_slice %arg11[%run_scoped3A_98, %dma_wait3A_111, %dma_wait3A_112] : memref<2x80x128xf32, #tpu.memory_space<vmem>> -> memref<1x80x128xf32, #tpu.memory_space<vmem>>
        %dma_wait3A_114 = tpu.memref_squeeze %dma_wait3A_113 : memref<1x80x128xf32, #tpu.memory_space<vmem>> -> memref<80x128xf32, #tpu.memory_space<vmem>>
        %dma_wait3A_115 = arith.constant 0 : i32
        %dma_wait3A_116 = tpu.memref_slice %arg9[%add3A_71, %dma_wait3A_115] : memref<126x80xi32, #tpu.memory_space<vmem>> -> memref<1x80xi32, #tpu.memory_space<vmem>>
        %dma_wait3A_117 = tpu.memref_squeeze %dma_wait3A_116 : memref<1x80xi32, #tpu.memory_space<vmem>> -> memref<80xi32, #tpu.memory_space<vmem>>
        %dma_wait3A_118 = arith.constant 0 : i32
        %dma_wait3A_119 = arith.constant 0 : i32
        %dma_wait3A_120 = tpu.memref_slice %arg12[%dma_wait3A_118, %dma_wait3A_119] : memref<10000x128xf32, #tpu.memory_space<vmem_shared>> -> memref<10000x128xf32, #tpu.memory_space<vmem_shared>>
        tpu.wait_indirect_dma semaphore(%run_scoped3A_100 : memref<!tpu.dma_semaphore, #tpu.memory_space<semaphore_mem>>) src(%dma_wait3A_114 : memref<80x128xf32, #tpu.memory_space<vmem>>) dst(%dma_wait3A_120 : memref<10000x128xf32, #tpu.memory_space<vmem_shared>>)
        tpu.yield
      }) : () -> ()
      %scan3A_99 = arith.constant 0 : i32
      scf.yield %scan3A_99 : i32
    }
    %scan3A_25 = arith.constant 63 : i32
    %barrier3A_26 = arith.constant 0 : index
    tpu.barrier barrier_id(%barrier3A_26)
    %lt3A_27 = arith.constant 15 : i32
    %lt3A_28 = arith.cmpi slt, %arg1, %lt3A_27 : i32
    %convert_element_type3A_29 = arith.extui %lt3A_28 : i1 to i32
    %cond3A_30 = arith.constant 0 : i32
    %cond3A_31 = arith.cmpi ne, %convert_element_type3A_29, %cond3A_30 : i32
    scf.if %cond3A_31 {
      "tpu.region"() ({
        %run_scoped3A = tpu.sem_alloc : memref<!tpu.dma_semaphore, #tpu.memory_space<semaphore_mem>>
        %dma_start3A_37 = arith.constant 0 : i32
        %dma_start3A_38 = tpu.memref_slice %arg7[%arg0, %mul3A_2, %dma_start3A_37] : memref<2x10000x128xf32, #tpu.memory_space<hbm>> -> memref<1x624x128xf32, #tpu.memory_space<hbm>>
        %dma_start3A_39 = tpu.memref_squeeze %dma_start3A_38 : memref<1x624x128xf32, #tpu.memory_space<hbm>> -> memref<624x128xf32, #tpu.memory_space<hbm>>
        %dma_start3A_40 = arith.constant 0 : i32
        %dma_start3A_41 = tpu.memref_slice %arg12[%mul3A_2, %dma_start3A_40] : memref<10000x128xf32, #tpu.memory_space<vmem_shared>> -> memref<624x128xf32, #tpu.memory_space<vmem_shared>>
        tpu.enqueue_dma source(%dma_start3A_41 : memref<624x128xf32, #tpu.memory_space<vmem_shared>>) target(%dma_start3A_39 : memref<624x128xf32, #tpu.memory_space<hbm>>) target_semaphore(%run_scoped3A : memref<!tpu.dma_semaphore, #tpu.memory_space<semaphore_mem>>)
        %dma_wait3A = arith.constant 0 : i32
        %dma_wait3A_42 = tpu.memref_slice %arg7[%arg0, %mul3A_2, %dma_wait3A] : memref<2x10000x128xf32, #tpu.memory_space<hbm>> -> memref<1x624x128xf32, #tpu.memory_space<hbm>>
        %dma_wait3A_43 = tpu.memref_squeeze %dma_wait3A_42 : memref<1x624x128xf32, #tpu.memory_space<hbm>> -> memref<624x128xf32, #tpu.memory_space<hbm>>
        %dma_wait3A_44 = arith.constant 0 : i32
        %dma_wait3A_45 = tpu.memref_slice %arg12[%mul3A_2, %dma_wait3A_44] : memref<10000x128xf32, #tpu.memory_space<vmem_shared>> -> memref<624x128xf32, #tpu.memory_space<vmem_shared>>
        tpu.wait_dma2 semaphore(%run_scoped3A : memref<!tpu.dma_semaphore, #tpu.memory_space<semaphore_mem>>) src(%dma_wait3A_45 : memref<624x128xf32, #tpu.memory_space<vmem_shared>>) dst(%dma_wait3A_43 : memref<624x128xf32, #tpu.memory_space<hbm>>)
        tpu.yield
      }) : () -> ()
    } else {
    }
    %eq3A_32 = arith.constant 15 : i32
    %eq3A_33 = arith.cmpi eq, %arg1, %eq3A_32 : i32
    %convert_element_type3A_34 = arith.extui %eq3A_33 : i1 to i32
    %cond3A_35 = arith.constant 0 : i32
    %cond3A_36 = arith.cmpi ne, %convert_element_type3A_34, %cond3A_35 : i32
    scf.if %cond3A_36 {
      "tpu.region"() ({
        %run_scoped3A = tpu.sem_alloc : memref<!tpu.dma_semaphore, #tpu.memory_space<semaphore_mem>>
        %dma_start3A_37 = arith.constant 0 : i32
        %dma_start3A_38 = tpu.memref_slice %arg7[%arg0, %mul3A_2, %dma_start3A_37] : memref<2x10000x128xf32, #tpu.memory_space<hbm>> -> memref<1x640x128xf32, #tpu.memory_space<hbm>>
        %dma_start3A_39 = tpu.memref_squeeze %dma_start3A_38 : memref<1x640x128xf32, #tpu.memory_space<hbm>> -> memref<640x128xf32, #tpu.memory_space<hbm>>
        %dma_start3A_40 = arith.constant 0 : i32
        %dma_start3A_41 = tpu.memref_slice %arg12[%mul3A_2, %dma_start3A_40] : memref<10000x128xf32, #tpu.memory_space<vmem_shared>> -> memref<640x128xf32, #tpu.memory_space<vmem_shared>>
        tpu.enqueue_dma source(%dma_start3A_41 : memref<640x128xf32, #tpu.memory_space<vmem_shared>>) target(%dma_start3A_39 : memref<640x128xf32, #tpu.memory_space<hbm>>) target_semaphore(%run_scoped3A : memref<!tpu.dma_semaphore, #tpu.memory_space<semaphore_mem>>)
        %dma_wait3A = arith.constant 0 : i32
        %dma_wait3A_42 = tpu.memref_slice %arg7[%arg0, %mul3A_2, %dma_wait3A] : memref<2x10000x128xf32, #tpu.memory_space<hbm>> -> memref<1x640x128xf32, #tpu.memory_space<hbm>>
        %dma_wait3A_43 = tpu.memref_squeeze %dma_wait3A_42 : memref<1x640x128xf32, #tpu.memory_space<hbm>> -> memref<640x128xf32, #tpu.memory_space<hbm>>
        %dma_wait3A_44 = arith.constant 0 : i32
        %dma_wait3A_45 = tpu.memref_slice %arg12[%mul3A_2, %dma_wait3A_44] : memref<10000x128xf32, #tpu.memory_space<vmem_shared>> -> memref<640x128xf32, #tpu.memory_space<vmem_shared>>
        tpu.wait_dma2 semaphore(%run_scoped3A : memref<!tpu.dma_semaphore, #tpu.memory_space<semaphore_mem>>) src(%dma_wait3A_45 : memref<640x128xf32, #tpu.memory_space<vmem_shared>>) dst(%dma_wait3A_43 : memref<640x128xf32, #tpu.memory_space<hbm>>)
        tpu.yield
      }) : () -> ()
    } else {
    }
    return
  }
}

#map = affine_map<(d0, d1) -> (0, 0)>
#map1 = affine_map<(d0, d1) -> (0, 0, 0)>
module attributes {stable_mosaic.version = 14 : i64} {
  func.func @agg(%arg0: i32, %arg1: i32, %arg2: memref<10000x32xf32, #tpu.memory_space<hbm>>, %arg3: memref<32x80x128xi32, #tpu.memory_space<hbm>>, %arg4: memref<32x80x128xi32, #tpu.memory_space<hbm>>, %arg5: memref<32x80x128xf32, #tpu.memory_space<hbm>>, %arg6: memref<640x32xf32, #tpu.memory_space<hbm>>, %arg7: memref<2x10000x32xf32, #tpu.memory_space<hbm>>, %arg8: memref<80x128xi32, #tpu.memory_space<vmem>>, %arg9: memref<80x128xi32, #tpu.memory_space<vmem>>, %arg10: memref<80x128xf32, #tpu.memory_space<vmem>>, %arg11: memref<2x128x32xf32, #tpu.memory_space<vmem>>, %arg12: memref<10000x32xf32, #tpu.memory_space<vmem_shared>>, %arg13: memref<!tpu.dma_semaphore, #tpu.memory_space<semaphore_mem>>, %arg14: memref<!tpu.dma_semaphore, #tpu.memory_space<semaphore_mem>>) attributes {dimension_semantics = [#tpu.dimension_semantics<core_parallel>, #tpu.dimension_semantics<subcore_parallel>], iteration_bounds = array<i64: 2, 16>, scalar_prefetch = 0 : i64, scratch_operands = 7 : i64, tpu.core_type = #tpu.core_type<sc_vector_subcore>, window_params = [{transform_indices = #map}, {transform_indices = #map1}, {transform_indices = #map1}, {transform_indices = #map1}, {transform_indices = #map}, {transform_indices = #map1}]} {
    %mul3A = arith.constant 16 : i32
    %mul3A_0 = arith.muli %arg0, %mul3A : i32
    %add3A = arith.addi %mul3A_0, %arg1 : i32
    %mul3A_1 = arith.constant 624 : i32
    %mul3A_2 = arith.muli %arg1, %mul3A_1 : i32
    "tpu.region"() ({
      %run_scoped3A = tpu.sem_alloc : memref<!tpu.dma_semaphore, #tpu.memory_space<semaphore_mem>>
      %dma_start3A_37 = arith.constant 0 : i32
      %dma_start3A_38 = arith.constant 0 : i32
      %dma_start3A_39 = tpu.memref_slice %arg3[%add3A, %dma_start3A_37, %dma_start3A_38] : memref<32x80x128xi32, #tpu.memory_space<hbm>> -> memref<1x80x128xi32, #tpu.memory_space<hbm>>
      %dma_start3A_40 = tpu.memref_squeeze %dma_start3A_39 : memref<1x80x128xi32, #tpu.memory_space<hbm>> -> memref<80x128xi32, #tpu.memory_space<hbm>>
      %dma_start3A_41 = arith.constant 0 : i32
      %dma_start3A_42 = arith.constant 0 : i32
      %dma_start3A_43 = tpu.memref_slice %arg3[%add3A, %dma_start3A_41, %dma_start3A_42] : memref<32x80x128xi32, #tpu.memory_space<hbm>> -> memref<1x80x128xi32, #tpu.memory_space<hbm>>
      %dma_start3A_44 = tpu.memref_squeeze %dma_start3A_43 : memref<1x80x128xi32, #tpu.memory_space<hbm>> -> memref<80x128xi32, #tpu.memory_space<hbm>>
      tpu.enqueue_dma source(%dma_start3A_44 : memref<80x128xi32, #tpu.memory_space<hbm>>) target(%arg8 : memref<80x128xi32, #tpu.memory_space<vmem>>) target_semaphore(%run_scoped3A : memref<!tpu.dma_semaphore, #tpu.memory_space<semaphore_mem>>)
      %dma_wait3A = arith.constant 0 : i32
      %dma_wait3A_45 = arith.constant 0 : i32
      %dma_wait3A_46 = tpu.memref_slice %arg3[%add3A, %dma_wait3A, %dma_wait3A_45] : memref<32x80x128xi32, #tpu.memory_space<hbm>> -> memref<1x80x128xi32, #tpu.memory_space<hbm>>
      %dma_wait3A_47 = tpu.memref_squeeze %dma_wait3A_46 : memref<1x80x128xi32, #tpu.memory_space<hbm>> -> memref<80x128xi32, #tpu.memory_space<hbm>>
      %dma_wait3A_48 = arith.constant 0 : i32
      %dma_wait3A_49 = arith.constant 0 : i32
      %dma_wait3A_50 = tpu.memref_slice %arg3[%add3A, %dma_wait3A_48, %dma_wait3A_49] : memref<32x80x128xi32, #tpu.memory_space<hbm>> -> memref<1x80x128xi32, #tpu.memory_space<hbm>>
      %dma_wait3A_51 = tpu.memref_squeeze %dma_wait3A_50 : memref<1x80x128xi32, #tpu.memory_space<hbm>> -> memref<80x128xi32, #tpu.memory_space<hbm>>
      tpu.wait_dma2 semaphore(%run_scoped3A : memref<!tpu.dma_semaphore, #tpu.memory_space<semaphore_mem>>) src(%dma_wait3A_51 : memref<80x128xi32, #tpu.memory_space<hbm>>) dst(%arg8 : memref<80x128xi32, #tpu.memory_space<vmem>>)
      tpu.yield
    }) : () -> ()
    "tpu.region"() ({
      %run_scoped3A = tpu.sem_alloc : memref<!tpu.dma_semaphore, #tpu.memory_space<semaphore_mem>>
      %dma_start3A_37 = arith.constant 0 : i32
      %dma_start3A_38 = arith.constant 0 : i32
      %dma_start3A_39 = tpu.memref_slice %arg4[%add3A, %dma_start3A_37, %dma_start3A_38] : memref<32x80x128xi32, #tpu.memory_space<hbm>> -> memref<1x80x128xi32, #tpu.memory_space<hbm>>
      %dma_start3A_40 = tpu.memref_squeeze %dma_start3A_39 : memref<1x80x128xi32, #tpu.memory_space<hbm>> -> memref<80x128xi32, #tpu.memory_space<hbm>>
      %dma_start3A_41 = arith.constant 0 : i32
      %dma_start3A_42 = arith.constant 0 : i32
      %dma_start3A_43 = tpu.memref_slice %arg4[%add3A, %dma_start3A_41, %dma_start3A_42] : memref<32x80x128xi32, #tpu.memory_space<hbm>> -> memref<1x80x128xi32, #tpu.memory_space<hbm>>
      %dma_start3A_44 = tpu.memref_squeeze %dma_start3A_43 : memref<1x80x128xi32, #tpu.memory_space<hbm>> -> memref<80x128xi32, #tpu.memory_space<hbm>>
      tpu.enqueue_dma source(%dma_start3A_44 : memref<80x128xi32, #tpu.memory_space<hbm>>) target(%arg9 : memref<80x128xi32, #tpu.memory_space<vmem>>) target_semaphore(%run_scoped3A : memref<!tpu.dma_semaphore, #tpu.memory_space<semaphore_mem>>)
      %dma_wait3A = arith.constant 0 : i32
      %dma_wait3A_45 = arith.constant 0 : i32
      %dma_wait3A_46 = tpu.memref_slice %arg4[%add3A, %dma_wait3A, %dma_wait3A_45] : memref<32x80x128xi32, #tpu.memory_space<hbm>> -> memref<1x80x128xi32, #tpu.memory_space<hbm>>
      %dma_wait3A_47 = tpu.memref_squeeze %dma_wait3A_46 : memref<1x80x128xi32, #tpu.memory_space<hbm>> -> memref<80x128xi32, #tpu.memory_space<hbm>>
      %dma_wait3A_48 = arith.constant 0 : i32
      %dma_wait3A_49 = arith.constant 0 : i32
      %dma_wait3A_50 = tpu.memref_slice %arg4[%add3A, %dma_wait3A_48, %dma_wait3A_49] : memref<32x80x128xi32, #tpu.memory_space<hbm>> -> memref<1x80x128xi32, #tpu.memory_space<hbm>>
      %dma_wait3A_51 = tpu.memref_squeeze %dma_wait3A_50 : memref<1x80x128xi32, #tpu.memory_space<hbm>> -> memref<80x128xi32, #tpu.memory_space<hbm>>
      tpu.wait_dma2 semaphore(%run_scoped3A : memref<!tpu.dma_semaphore, #tpu.memory_space<semaphore_mem>>) src(%dma_wait3A_51 : memref<80x128xi32, #tpu.memory_space<hbm>>) dst(%arg9 : memref<80x128xi32, #tpu.memory_space<vmem>>)
      tpu.yield
    }) : () -> ()
    "tpu.region"() ({
      %run_scoped3A = tpu.sem_alloc : memref<!tpu.dma_semaphore, #tpu.memory_space<semaphore_mem>>
      %dma_start3A_37 = arith.constant 0 : i32
      %dma_start3A_38 = arith.constant 0 : i32
      %dma_start3A_39 = tpu.memref_slice %arg5[%add3A, %dma_start3A_37, %dma_start3A_38] : memref<32x80x128xf32, #tpu.memory_space<hbm>> -> memref<1x80x128xf32, #tpu.memory_space<hbm>>
      %dma_start3A_40 = tpu.memref_squeeze %dma_start3A_39 : memref<1x80x128xf32, #tpu.memory_space<hbm>> -> memref<80x128xf32, #tpu.memory_space<hbm>>
      %dma_start3A_41 = arith.constant 0 : i32
      %dma_start3A_42 = arith.constant 0 : i32
      %dma_start3A_43 = tpu.memref_slice %arg5[%add3A, %dma_start3A_41, %dma_start3A_42] : memref<32x80x128xf32, #tpu.memory_space<hbm>> -> memref<1x80x128xf32, #tpu.memory_space<hbm>>
      %dma_start3A_44 = tpu.memref_squeeze %dma_start3A_43 : memref<1x80x128xf32, #tpu.memory_space<hbm>> -> memref<80x128xf32, #tpu.memory_space<hbm>>
      tpu.enqueue_dma source(%dma_start3A_44 : memref<80x128xf32, #tpu.memory_space<hbm>>) target(%arg10 : memref<80x128xf32, #tpu.memory_space<vmem>>) target_semaphore(%run_scoped3A : memref<!tpu.dma_semaphore, #tpu.memory_space<semaphore_mem>>)
      %dma_wait3A = arith.constant 0 : i32
      %dma_wait3A_45 = arith.constant 0 : i32
      %dma_wait3A_46 = tpu.memref_slice %arg5[%add3A, %dma_wait3A, %dma_wait3A_45] : memref<32x80x128xf32, #tpu.memory_space<hbm>> -> memref<1x80x128xf32, #tpu.memory_space<hbm>>
      %dma_wait3A_47 = tpu.memref_squeeze %dma_wait3A_46 : memref<1x80x128xf32, #tpu.memory_space<hbm>> -> memref<80x128xf32, #tpu.memory_space<hbm>>
      %dma_wait3A_48 = arith.constant 0 : i32
      %dma_wait3A_49 = arith.constant 0 : i32
      %dma_wait3A_50 = tpu.memref_slice %arg5[%add3A, %dma_wait3A_48, %dma_wait3A_49] : memref<32x80x128xf32, #tpu.memory_space<hbm>> -> memref<1x80x128xf32, #tpu.memory_space<hbm>>
      %dma_wait3A_51 = tpu.memref_squeeze %dma_wait3A_50 : memref<1x80x128xf32, #tpu.memory_space<hbm>> -> memref<80x128xf32, #tpu.memory_space<hbm>>
      tpu.wait_dma2 semaphore(%run_scoped3A : memref<!tpu.dma_semaphore, #tpu.memory_space<semaphore_mem>>) src(%dma_wait3A_51 : memref<80x128xf32, #tpu.memory_space<hbm>>) dst(%arg10 : memref<80x128xf32, #tpu.memory_space<vmem>>)
      tpu.yield
    }) : () -> ()
    %lt3A = arith.constant 15 : i32
    %lt3A_3 = arith.cmpi slt, %arg1, %lt3A : i32
    %convert_element_type3A = arith.extui %lt3A_3 : i1 to i32
    %cond3A = arith.constant 0 : i32
    %cond3A_4 = arith.cmpi ne, %convert_element_type3A, %cond3A : i32
    scf.if %cond3A_4 {
      "tpu.region"() ({
        %run_scoped3A = tpu.sem_alloc : memref<!tpu.dma_semaphore, #tpu.memory_space<semaphore_mem>>
        %dma_start3A_37 = arith.constant 0 : i32
        %dma_start3A_38 = tpu.memref_slice %arg12[%mul3A_2, %dma_start3A_37] : memref<10000x32xf32, #tpu.memory_space<vmem_shared>> -> memref<624x32xf32, #tpu.memory_space<vmem_shared>>
        %dma_start3A_39 = arith.constant 0 : i32
        %dma_start3A_40 = arith.constant 0 : i32
        %dma_start3A_41 = tpu.memref_slice %arg6[%dma_start3A_39, %dma_start3A_40] : memref<640x32xf32, #tpu.memory_space<hbm>> -> memref<624x32xf32, #tpu.memory_space<hbm>>
        tpu.enqueue_dma source(%dma_start3A_41 : memref<624x32xf32, #tpu.memory_space<hbm>>) target(%dma_start3A_38 : memref<624x32xf32, #tpu.memory_space<vmem_shared>>) target_semaphore(%run_scoped3A : memref<!tpu.dma_semaphore, #tpu.memory_space<semaphore_mem>>)
        %dma_wait3A = arith.constant 0 : i32
        %dma_wait3A_42 = tpu.memref_slice %arg12[%mul3A_2, %dma_wait3A] : memref<10000x32xf32, #tpu.memory_space<vmem_shared>> -> memref<624x32xf32, #tpu.memory_space<vmem_shared>>
        %dma_wait3A_43 = arith.constant 0 : i32
        %dma_wait3A_44 = arith.constant 0 : i32
        %dma_wait3A_45 = tpu.memref_slice %arg6[%dma_wait3A_43, %dma_wait3A_44] : memref<640x32xf32, #tpu.memory_space<hbm>> -> memref<624x32xf32, #tpu.memory_space<hbm>>
        tpu.wait_dma2 semaphore(%run_scoped3A : memref<!tpu.dma_semaphore, #tpu.memory_space<semaphore_mem>>) src(%dma_wait3A_45 : memref<624x32xf32, #tpu.memory_space<hbm>>) dst(%dma_wait3A_42 : memref<624x32xf32, #tpu.memory_space<vmem_shared>>)
        tpu.yield
      }) : () -> ()
    } else {
    }
    %eq3A = arith.constant 15 : i32
    %eq3A_5 = arith.cmpi eq, %arg1, %eq3A : i32
    %convert_element_type3A_6 = arith.extui %eq3A_5 : i1 to i32
    %cond3A_7 = arith.constant 0 : i32
    %cond3A_8 = arith.cmpi ne, %convert_element_type3A_6, %cond3A_7 : i32
    scf.if %cond3A_8 {
      "tpu.region"() ({
        %run_scoped3A = tpu.sem_alloc : memref<!tpu.dma_semaphore, #tpu.memory_space<semaphore_mem>>
        %dma_start3A_37 = arith.constant 0 : i32
        %dma_start3A_38 = tpu.memref_slice %arg12[%mul3A_2, %dma_start3A_37] : memref<10000x32xf32, #tpu.memory_space<vmem_shared>> -> memref<640x32xf32, #tpu.memory_space<vmem_shared>>
        tpu.enqueue_dma source(%arg6 : memref<640x32xf32, #tpu.memory_space<hbm>>) target(%dma_start3A_38 : memref<640x32xf32, #tpu.memory_space<vmem_shared>>) target_semaphore(%run_scoped3A : memref<!tpu.dma_semaphore, #tpu.memory_space<semaphore_mem>>)
        %dma_wait3A = arith.constant 0 : i32
        %dma_wait3A_39 = tpu.memref_slice %arg12[%mul3A_2, %dma_wait3A] : memref<10000x32xf32, #tpu.memory_space<vmem_shared>> -> memref<640x32xf32, #tpu.memory_space<vmem_shared>>
        tpu.wait_dma2 semaphore(%run_scoped3A : memref<!tpu.dma_semaphore, #tpu.memory_space<semaphore_mem>>) src(%arg6 : memref<640x32xf32, #tpu.memory_space<hbm>>) dst(%dma_wait3A_39 : memref<640x32xf32, #tpu.memory_space<vmem_shared>>)
        tpu.yield
      }) : () -> ()
    } else {
    }
    %barrier3A = arith.constant 0 : index
    tpu.barrier barrier_id(%barrier3A)
    %dma_start3A = arith.constant 0 : i32
    %dma_start3A_9 = arith.constant 0 : i32
    %dma_start3A_10 = arith.constant 0 : i32
    %dma_start3A_11 = arith.constant 0 : i32
    %dma_start3A_12 = tpu.memref_slice %arg11[%dma_start3A_9, %dma_start3A_10, %dma_start3A_11] : memref<2x128x32xf32, #tpu.memory_space<vmem>> -> memref<1x128x32xf32, #tpu.memory_space<vmem>>
    %dma_start3A_13 = tpu.memref_squeeze %dma_start3A_12 : memref<1x128x32xf32, #tpu.memory_space<vmem>> -> memref<128x32xf32, #tpu.memory_space<vmem>>
    %dma_start3A_14 = arith.constant 0 : i32
    %dma_start3A_15 = tpu.memref_slice %arg8[%dma_start3A, %dma_start3A_14] : memref<80x128xi32, #tpu.memory_space<vmem>> -> memref<1x128xi32, #tpu.memory_space<vmem>>
    %dma_start3A_16 = tpu.memref_squeeze %dma_start3A_15 : memref<1x128xi32, #tpu.memory_space<vmem>> -> memref<128xi32, #tpu.memory_space<vmem>>
    %dma_start3A_17 = arith.constant 0 : i32
    %dma_start3A_18 = arith.constant 0 : i32
    %dma_start3A_19 = tpu.memref_slice %arg2[%dma_start3A_17, %dma_start3A_18] : memref<10000x32xf32, #tpu.memory_space<hbm>> -> memref<10000x32xf32, #tpu.memory_space<hbm>>
    tpu.enqueue_indirect_dma source(%dma_start3A_19 : memref<10000x32xf32, #tpu.memory_space<hbm>>) target(%dma_start3A_13 : memref<128x32xf32, #tpu.memory_space<vmem>>) offsets(%dma_start3A_16 : memref<128xi32, #tpu.memory_space<vmem>>) semaphore(%arg13 : memref<!tpu.dma_semaphore, #tpu.memory_space<semaphore_mem>>)
    %scan3A = arith.constant 0 : i32
    %scan3A_20 = arith.constant 0 : i32
    %scan3A_21 = arith.constant 40 : i32
    %scan3A_22 = arith.addi %scan3A_20, %scan3A_21 : i32
    %scan3A_23 = arith.constant 1 : i32
    %scan3A_24 = scf.for %scan3A_37 = %scan3A_20 to %scan3A_22 step %scan3A_23 iter_args(%scan3A_38 = %scan3A) -> (i32)  : i32 {
      %mul3A_39 = arith.constant 2 : i32
      %mul3A_40 = arith.muli %mul3A_39, %scan3A_37 : i32
      %add3A_41 = arith.constant 0 : i32
      %add3A_42 = arith.addi %mul3A_40, %add3A_41 : i32
      %dma_wait3A = arith.constant 0 : i32
      %dma_wait3A_43 = arith.constant 0 : i32
      %dma_wait3A_44 = arith.constant 0 : i32
      %dma_wait3A_45 = arith.constant 0 : i32
      %dma_wait3A_46 = tpu.memref_slice %arg11[%dma_wait3A_43, %dma_wait3A_44, %dma_wait3A_45] : memref<2x128x32xf32, #tpu.memory_space<vmem>> -> memref<1x128x32xf32, #tpu.memory_space<vmem>>
      %dma_wait3A_47 = tpu.memref_squeeze %dma_wait3A_46 : memref<1x128x32xf32, #tpu.memory_space<vmem>> -> memref<128x32xf32, #tpu.memory_space<vmem>>
      %dma_wait3A_48 = arith.constant 0 : i32
      %dma_wait3A_49 = tpu.memref_slice %arg8[%dma_wait3A, %dma_wait3A_48] : memref<80x128xi32, #tpu.memory_space<vmem>> -> memref<1x128xi32, #tpu.memory_space<vmem>>
      %dma_wait3A_50 = tpu.memref_squeeze %dma_wait3A_49 : memref<1x128xi32, #tpu.memory_space<vmem>> -> memref<128xi32, #tpu.memory_space<vmem>>
      %dma_wait3A_51 = arith.constant 0 : i32
      %dma_wait3A_52 = arith.constant 0 : i32
      %dma_wait3A_53 = tpu.memref_slice %arg2[%dma_wait3A_51, %dma_wait3A_52] : memref<10000x32xf32, #tpu.memory_space<hbm>> -> memref<10000x32xf32, #tpu.memory_space<hbm>>
      tpu.wait_indirect_dma semaphore(%arg13 : memref<!tpu.dma_semaphore, #tpu.memory_space<semaphore_mem>>) src(%dma_wait3A_53 : memref<10000x32xf32, #tpu.memory_space<hbm>>) dst(%dma_wait3A_47 : memref<128x32xf32, #tpu.memory_space<vmem>>)
      %add3A_54 = arith.constant 1 : i32
      %add3A_55 = arith.addi %add3A_42, %add3A_54 : i32
      %lt3A_56 = arith.constant 80 : i32
      %lt3A_57 = arith.cmpi slt, %add3A_55, %lt3A_56 : i32
      %convert_element_type3A_58 = arith.extui %lt3A_57 : i1 to i32
      %cond3A_59 = arith.constant 0 : i32
      %cond3A_60 = arith.cmpi ne, %convert_element_type3A_58, %cond3A_59 : i32
      scf.if %cond3A_60 {
        %add3A_100 = arith.constant 1 : i32
        %add3A_101 = arith.addi %add3A_42, %add3A_100 : i32
        %dma_start3A_102 = arith.constant 1 : i32
        %dma_start3A_103 = arith.constant 0 : i32
        %dma_start3A_104 = arith.constant 0 : i32
        %dma_start3A_105 = tpu.memref_slice %arg11[%dma_start3A_102, %dma_start3A_103, %dma_start3A_104] : memref<2x128x32xf32, #tpu.memory_space<vmem>> -> memref<1x128x32xf32, #tpu.memory_space<vmem>>
        %dma_start3A_106 = tpu.memref_squeeze %dma_start3A_105 : memref<1x128x32xf32, #tpu.memory_space<vmem>> -> memref<128x32xf32, #tpu.memory_space<vmem>>
        %dma_start3A_107 = arith.constant 0 : i32
        %dma_start3A_108 = tpu.memref_slice %arg8[%add3A_101, %dma_start3A_107] : memref<80x128xi32, #tpu.memory_space<vmem>> -> memref<1x128xi32, #tpu.memory_space<vmem>>
        %dma_start3A_109 = tpu.memref_squeeze %dma_start3A_108 : memref<1x128xi32, #tpu.memory_space<vmem>> -> memref<128xi32, #tpu.memory_space<vmem>>
        %dma_start3A_110 = arith.constant 0 : i32
        %dma_start3A_111 = arith.constant 0 : i32
        %dma_start3A_112 = tpu.memref_slice %arg2[%dma_start3A_110, %dma_start3A_111] : memref<10000x32xf32, #tpu.memory_space<hbm>> -> memref<10000x32xf32, #tpu.memory_space<hbm>>
        tpu.enqueue_indirect_dma source(%dma_start3A_112 : memref<10000x32xf32, #tpu.memory_space<hbm>>) target(%dma_start3A_106 : memref<128x32xf32, #tpu.memory_space<vmem>>) offsets(%dma_start3A_109 : memref<128xi32, #tpu.memory_space<vmem>>) semaphore(%arg14 : memref<!tpu.dma_semaphore, #tpu.memory_space<semaphore_mem>>)
      } else {
      }
      %scan3A_61 = arith.constant 0 : i32
      %scan3A_62 = arith.constant 0 : i32
      %scan3A_63 = arith.constant 64 : i32
      %scan3A_64 = arith.addi %scan3A_62, %scan3A_63 : i32
      %scan3A_65 = arith.constant 1 : i32
      %scan3A_66 = scf.for %scan3A_100 = %scan3A_62 to %scan3A_64 step %scan3A_65 iter_args(%scan3A_101 = %scan3A_61) -> (i32)  : i32 {
        %mul3A_102 = arith.constant 2 : i32
        %mul3A_103 = arith.muli %mul3A_102, %scan3A_100 : i32
        %broadcast_in_dim3A = vector.broadcast %add3A_42 : i32 to vector<16xi32>
        %broadcast_in_dim3A_104 = vector.broadcast %mul3A_103 : i32 to vector<16xi32>
        %gather3A = tpu.vector_load_idx %arg10[%broadcast_in_dim3A, %broadcast_in_dim3A_104] : memref<80x128xf32, #tpu.memory_space<vmem>>[vector<16xi32>, vector<16xi32>], vector<16xf32>,
        %broadcast_in_dim3A_105 = vector.broadcast %add3A_42 : i32 to vector<16xi32>
        %add3A_106 = arith.constant 1 : i32
        %add3A_107 = arith.addi %mul3A_103, %add3A_106 : i32
        %broadcast_in_dim3A_108 = vector.broadcast %add3A_107 : i32 to vector<16xi32>
        %gather3A_109 = tpu.vector_load_idx %arg10[%broadcast_in_dim3A_105, %broadcast_in_dim3A_108] : memref<80x128xf32, #tpu.memory_space<vmem>>[vector<16xi32>, vector<16xi32>], vector<16xf32>,
        %get3A = arith.constant 0 : i32
        %get3A_110 = arith.index_cast %get3A : i32 to index
        %get3A_111 = arith.index_cast %mul3A_103 : i32 to index
        %get3A_112 = arith.constant 0 : index
        %get3A_113 = tpu.vector_load %arg11[%get3A_110, %get3A_111, %get3A_112] {strides = array<i32>} : memref<2x128x32xf32, #tpu.memory_space<vmem>>, vector<16xf32>,
        %mul3A_114 = arith.mulf %get3A_113, %gather3A : vector<16xf32>
        %swap3A = arith.constant 0 : i32
        %swap3A_115 = arith.index_cast %swap3A : i32 to index
        %swap3A_116 = arith.index_cast %mul3A_103 : i32 to index
        %swap3A_117 = arith.constant 0 : index
        %swap3A_118 = tpu.vector_load %arg11[%swap3A_115, %swap3A_116, %swap3A_117] {strides = array<i32>} : memref<2x128x32xf32, #tpu.memory_space<vmem>>, vector<16xf32>,
        tpu.vector_store %arg11[%swap3A_115, %swap3A_116, %swap3A_117], %mul3A_114 {strides = array<i32>} : memref<2x128x32xf32, #tpu.memory_space<vmem>>, vector<16xf32>,
        %add3A_119 = arith.constant 1 : i32
        %add3A_120 = arith.addi %mul3A_103, %add3A_119 : i32
        %get3A_121 = arith.constant 0 : i32
        %get3A_122 = arith.index_cast %get3A_121 : i32 to index
        %get3A_123 = arith.index_cast %add3A_120 : i32 to index
        %get3A_124 = arith.constant 0 : index
        %get3A_125 = tpu.vector_load %arg11[%get3A_122, %get3A_123, %get3A_124] {strides = array<i32>} : memref<2x128x32xf32, #tpu.memory_space<vmem>>, vector<16xf32>,
        %mul3A_126 = arith.mulf %get3A_125, %gather3A_109 : vector<16xf32>
        %add3A_127 = arith.constant 1 : i32
        %add3A_128 = arith.addi %mul3A_103, %add3A_127 : i32
        %swap3A_129 = arith.constant 0 : i32
        %swap3A_130 = arith.index_cast %swap3A_129 : i32 to index
        %swap3A_131 = arith.index_cast %add3A_128 : i32 to index
        %swap3A_132 = arith.constant 0 : index
        %swap3A_133 = tpu.vector_load %arg11[%swap3A_130, %swap3A_131, %swap3A_132] {strides = array<i32>} : memref<2x128x32xf32, #tpu.memory_space<vmem>>, vector<16xf32>,
        tpu.vector_store %arg11[%swap3A_130, %swap3A_131, %swap3A_132], %mul3A_126 {strides = array<i32>} : memref<2x128x32xf32, #tpu.memory_space<vmem>>, vector<16xf32>,
        %get3A_134 = arith.constant 0 : i32
        %get3A_135 = arith.index_cast %get3A_134 : i32 to index
        %get3A_136 = arith.index_cast %mul3A_103 : i32 to index
        %get3A_137 = arith.constant 16 : index
        %get3A_138 = tpu.vector_load %arg11[%get3A_135, %get3A_136, %get3A_137] {strides = array<i32>} : memref<2x128x32xf32, #tpu.memory_space<vmem>>, vector<16xf32>,
        %mul3A_139 = arith.mulf %get3A_138, %gather3A : vector<16xf32>
        %swap3A_140 = arith.constant 0 : i32
        %swap3A_141 = arith.index_cast %swap3A_140 : i32 to index
        %swap3A_142 = arith.index_cast %mul3A_103 : i32 to index
        %swap3A_143 = arith.constant 16 : index
        %swap3A_144 = tpu.vector_load %arg11[%swap3A_141, %swap3A_142, %swap3A_143] {strides = array<i32>} : memref<2x128x32xf32, #tpu.memory_space<vmem>>, vector<16xf32>,
        tpu.vector_store %arg11[%swap3A_141, %swap3A_142, %swap3A_143], %mul3A_139 {strides = array<i32>} : memref<2x128x32xf32, #tpu.memory_space<vmem>>, vector<16xf32>,
        %add3A_145 = arith.constant 1 : i32
        %add3A_146 = arith.addi %mul3A_103, %add3A_145 : i32
        %get3A_147 = arith.constant 0 : i32
        %get3A_148 = arith.index_cast %get3A_147 : i32 to index
        %get3A_149 = arith.index_cast %add3A_146 : i32 to index
        %get3A_150 = arith.constant 16 : index
        %get3A_151 = tpu.vector_load %arg11[%get3A_148, %get3A_149, %get3A_150] {strides = array<i32>} : memref<2x128x32xf32, #tpu.memory_space<vmem>>, vector<16xf32>,
        %mul3A_152 = arith.mulf %get3A_151, %gather3A_109 : vector<16xf32>
        %add3A_153 = arith.constant 1 : i32
        %add3A_154 = arith.addi %mul3A_103, %add3A_153 : i32
        %swap3A_155 = arith.constant 0 : i32
        %swap3A_156 = arith.index_cast %swap3A_155 : i32 to index
        %swap3A_157 = arith.index_cast %add3A_154 : i32 to index
        %swap3A_158 = arith.constant 16 : index
        %swap3A_159 = tpu.vector_load %arg11[%swap3A_156, %swap3A_157, %swap3A_158] {strides = array<i32>} : memref<2x128x32xf32, #tpu.memory_space<vmem>>, vector<16xf32>,
        tpu.vector_store %arg11[%swap3A_156, %swap3A_157, %swap3A_158], %mul3A_152 {strides = array<i32>} : memref<2x128x32xf32, #tpu.memory_space<vmem>>, vector<16xf32>,
        %scan3A_160 = arith.constant 0 : i32
        scf.yield %scan3A_160 : i32
      }
      %scan3A_67 = arith.constant 64 : i32
      %run_scoped3A = arith.constant 0 : i32
      "tpu.region"() ({
        %run_scoped3A_100 = tpu.sem_alloc : memref<!tpu.dma_semaphore, #tpu.memory_space<semaphore_mem>>
        %dma_start3A_101 = arith.constant 0 : i32
        %dma_start3A_102 = arith.constant 0 : i32
        %dma_start3A_103 = tpu.memref_slice %arg11[%run_scoped3A, %dma_start3A_101, %dma_start3A_102] : memref<2x128x32xf32, #tpu.memory_space<vmem>> -> memref<1x128x32xf32, #tpu.memory_space<vmem>>
        %dma_start3A_104 = tpu.memref_squeeze %dma_start3A_103 : memref<1x128x32xf32, #tpu.memory_space<vmem>> -> memref<128x32xf32, #tpu.memory_space<vmem>>
        %dma_start3A_105 = arith.constant 0 : i32
        %dma_start3A_106 = tpu.memref_slice %arg9[%add3A_42, %dma_start3A_105] : memref<80x128xi32, #tpu.memory_space<vmem>> -> memref<1x128xi32, #tpu.memory_space<vmem>>
        %dma_start3A_107 = tpu.memref_squeeze %dma_start3A_106 : memref<1x128xi32, #tpu.memory_space<vmem>> -> memref<128xi32, #tpu.memory_space<vmem>>
        %dma_start3A_108 = arith.constant 0 : i32
        %dma_start3A_109 = arith.constant 0 : i32
        %dma_start3A_110 = tpu.memref_slice %arg12[%dma_start3A_108, %dma_start3A_109] : memref<10000x32xf32, #tpu.memory_space<vmem_shared>> -> memref<10000x32xf32, #tpu.memory_space<vmem_shared>>
        tpu.enqueue_indirect_dma source(%dma_start3A_104 : memref<128x32xf32, #tpu.memory_space<vmem>>) target(%dma_start3A_110 : memref<10000x32xf32, #tpu.memory_space<vmem_shared>>) offsets(%dma_start3A_107 : memref<128xi32, #tpu.memory_space<vmem>>) semaphore(%run_scoped3A_100 : memref<!tpu.dma_semaphore, #tpu.memory_space<semaphore_mem>>) {add = true}
        %dma_wait3A_111 = arith.constant 0 : i32
        %dma_wait3A_112 = arith.constant 0 : i32
        %dma_wait3A_113 = tpu.memref_slice %arg11[%run_scoped3A, %dma_wait3A_111, %dma_wait3A_112] : memref<2x128x32xf32, #tpu.memory_space<vmem>> -> memref<1x128x32xf32, #tpu.memory_space<vmem>>
        %dma_wait3A_114 = tpu.memref_squeeze %dma_wait3A_113 : memref<1x128x32xf32, #tpu.memory_space<vmem>> -> memref<128x32xf32, #tpu.memory_space<vmem>>
        %dma_wait3A_115 = arith.constant 0 : i32
        %dma_wait3A_116 = tpu.memref_slice %arg9[%add3A_42, %dma_wait3A_115] : memref<80x128xi32, #tpu.memory_space<vmem>> -> memref<1x128xi32, #tpu.memory_space<vmem>>
        %dma_wait3A_117 = tpu.memref_squeeze %dma_wait3A_116 : memref<1x128xi32, #tpu.memory_space<vmem>> -> memref<128xi32, #tpu.memory_space<vmem>>
        %dma_wait3A_118 = arith.constant 0 : i32
        %dma_wait3A_119 = arith.constant 0 : i32
        %dma_wait3A_120 = tpu.memref_slice %arg12[%dma_wait3A_118, %dma_wait3A_119] : memref<10000x32xf32, #tpu.memory_space<vmem_shared>> -> memref<10000x32xf32, #tpu.memory_space<vmem_shared>>
        tpu.wait_indirect_dma semaphore(%run_scoped3A_100 : memref<!tpu.dma_semaphore, #tpu.memory_space<semaphore_mem>>) src(%dma_wait3A_114 : memref<128x32xf32, #tpu.memory_space<vmem>>) dst(%dma_wait3A_120 : memref<10000x32xf32, #tpu.memory_space<vmem_shared>>)
        tpu.yield
      }) : () -> ()
      %mul3A_68 = arith.constant 2 : i32
      %mul3A_69 = arith.muli %mul3A_68, %scan3A_37 : i32
      %add3A_70 = arith.constant 1 : i32
      %add3A_71 = arith.addi %mul3A_69, %add3A_70 : i32
      %dma_wait3A_72 = arith.constant 0 : i32
      %dma_wait3A_73 = arith.constant 1 : i32
      %dma_wait3A_74 = arith.constant 0 : i32
      %dma_wait3A_75 = arith.constant 0 : i32
      %dma_wait3A_76 = tpu.memref_slice %arg11[%dma_wait3A_73, %dma_wait3A_74, %dma_wait3A_75] : memref<2x128x32xf32, #tpu.memory_space<vmem>> -> memref<1x128x32xf32, #tpu.memory_space<vmem>>
      %dma_wait3A_77 = tpu.memref_squeeze %dma_wait3A_76 : memref<1x128x32xf32, #tpu.memory_space<vmem>> -> memref<128x32xf32, #tpu.memory_space<vmem>>
      %dma_wait3A_78 = arith.constant 0 : i32
      %dma_wait3A_79 = tpu.memref_slice %arg8[%dma_wait3A_72, %dma_wait3A_78] : memref<80x128xi32, #tpu.memory_space<vmem>> -> memref<1x128xi32, #tpu.memory_space<vmem>>
      %dma_wait3A_80 = tpu.memref_squeeze %dma_wait3A_79 : memref<1x128xi32, #tpu.memory_space<vmem>> -> memref<128xi32, #tpu.memory_space<vmem>>
      %dma_wait3A_81 = arith.constant 0 : i32
      %dma_wait3A_82 = arith.constant 0 : i32
      %dma_wait3A_83 = tpu.memref_slice %arg2[%dma_wait3A_81, %dma_wait3A_82] : memref<10000x32xf32, #tpu.memory_space<hbm>> -> memref<10000x32xf32, #tpu.memory_space<hbm>>
      tpu.wait_indirect_dma semaphore(%arg14 : memref<!tpu.dma_semaphore, #tpu.memory_space<semaphore_mem>>) src(%dma_wait3A_83 : memref<10000x32xf32, #tpu.memory_space<hbm>>) dst(%dma_wait3A_77 : memref<128x32xf32, #tpu.memory_space<vmem>>)
      %add3A_84 = arith.constant 1 : i32
      %add3A_85 = arith.addi %add3A_71, %add3A_84 : i32
      %lt3A_86 = arith.constant 80 : i32
      %lt3A_87 = arith.cmpi slt, %add3A_85, %lt3A_86 : i32
      %convert_element_type3A_88 = arith.extui %lt3A_87 : i1 to i32
      %cond3A_89 = arith.constant 0 : i32
      %cond3A_90 = arith.cmpi ne, %convert_element_type3A_88, %cond3A_89 : i32
      scf.if %cond3A_90 {
        %add3A_100 = arith.constant 1 : i32
        %add3A_101 = arith.addi %add3A_71, %add3A_100 : i32
        %dma_start3A_102 = arith.constant 0 : i32
        %dma_start3A_103 = arith.constant 0 : i32
        %dma_start3A_104 = arith.constant 0 : i32
        %dma_start3A_105 = tpu.memref_slice %arg11[%dma_start3A_102, %dma_start3A_103, %dma_start3A_104] : memref<2x128x32xf32, #tpu.memory_space<vmem>> -> memref<1x128x32xf32, #tpu.memory_space<vmem>>
        %dma_start3A_106 = tpu.memref_squeeze %dma_start3A_105 : memref<1x128x32xf32, #tpu.memory_space<vmem>> -> memref<128x32xf32, #tpu.memory_space<vmem>>
        %dma_start3A_107 = arith.constant 0 : i32
        %dma_start3A_108 = tpu.memref_slice %arg8[%add3A_101, %dma_start3A_107] : memref<80x128xi32, #tpu.memory_space<vmem>> -> memref<1x128xi32, #tpu.memory_space<vmem>>
        %dma_start3A_109 = tpu.memref_squeeze %dma_start3A_108 : memref<1x128xi32, #tpu.memory_space<vmem>> -> memref<128xi32, #tpu.memory_space<vmem>>
        %dma_start3A_110 = arith.constant 0 : i32
        %dma_start3A_111 = arith.constant 0 : i32
        %dma_start3A_112 = tpu.memref_slice %arg2[%dma_start3A_110, %dma_start3A_111] : memref<10000x32xf32, #tpu.memory_space<hbm>> -> memref<10000x32xf32, #tpu.memory_space<hbm>>
        tpu.enqueue_indirect_dma source(%dma_start3A_112 : memref<10000x32xf32, #tpu.memory_space<hbm>>) target(%dma_start3A_106 : memref<128x32xf32, #tpu.memory_space<vmem>>) offsets(%dma_start3A_109 : memref<128xi32, #tpu.memory_space<vmem>>) semaphore(%arg13 : memref<!tpu.dma_semaphore, #tpu.memory_space<semaphore_mem>>)
      } else {
      }
      %scan3A_91 = arith.constant 0 : i32
      %scan3A_92 = arith.constant 0 : i32
      %scan3A_93 = arith.constant 64 : i32
      %scan3A_94 = arith.addi %scan3A_92, %scan3A_93 : i32
      %scan3A_95 = arith.constant 1 : i32
      %scan3A_96 = scf.for %scan3A_100 = %scan3A_92 to %scan3A_94 step %scan3A_95 iter_args(%scan3A_101 = %scan3A_91) -> (i32)  : i32 {
        %mul3A_102 = arith.constant 2 : i32
        %mul3A_103 = arith.muli %mul3A_102, %scan3A_100 : i32
        %broadcast_in_dim3A = vector.broadcast %add3A_71 : i32 to vector<16xi32>
        %broadcast_in_dim3A_104 = vector.broadcast %mul3A_103 : i32 to vector<16xi32>
        %gather3A = tpu.vector_load_idx %arg10[%broadcast_in_dim3A, %broadcast_in_dim3A_104] : memref<80x128xf32, #tpu.memory_space<vmem>>[vector<16xi32>, vector<16xi32>], vector<16xf32>,
        %broadcast_in_dim3A_105 = vector.broadcast %add3A_71 : i32 to vector<16xi32>
        %add3A_106 = arith.constant 1 : i32
        %add3A_107 = arith.addi %mul3A_103, %add3A_106 : i32
        %broadcast_in_dim3A_108 = vector.broadcast %add3A_107 : i32 to vector<16xi32>
        %gather3A_109 = tpu.vector_load_idx %arg10[%broadcast_in_dim3A_105, %broadcast_in_dim3A_108] : memref<80x128xf32, #tpu.memory_space<vmem>>[vector<16xi32>, vector<16xi32>], vector<16xf32>,
        %get3A = arith.constant 1 : i32
        %get3A_110 = arith.index_cast %get3A : i32 to index
        %get3A_111 = arith.index_cast %mul3A_103 : i32 to index
        %get3A_112 = arith.constant 0 : index
        %get3A_113 = tpu.vector_load %arg11[%get3A_110, %get3A_111, %get3A_112] {strides = array<i32>} : memref<2x128x32xf32, #tpu.memory_space<vmem>>, vector<16xf32>,
        %mul3A_114 = arith.mulf %get3A_113, %gather3A : vector<16xf32>
        %swap3A = arith.constant 1 : i32
        %swap3A_115 = arith.index_cast %swap3A : i32 to index
        %swap3A_116 = arith.index_cast %mul3A_103 : i32 to index
        %swap3A_117 = arith.constant 0 : index
        %swap3A_118 = tpu.vector_load %arg11[%swap3A_115, %swap3A_116, %swap3A_117] {strides = array<i32>} : memref<2x128x32xf32, #tpu.memory_space<vmem>>, vector<16xf32>,
        tpu.vector_store %arg11[%swap3A_115, %swap3A_116, %swap3A_117], %mul3A_114 {strides = array<i32>} : memref<2x128x32xf32, #tpu.memory_space<vmem>>, vector<16xf32>,
        %add3A_119 = arith.constant 1 : i32
        %add3A_120 = arith.addi %mul3A_103, %add3A_119 : i32
        %get3A_121 = arith.constant 1 : i32
        %get3A_122 = arith.index_cast %get3A_121 : i32 to index
        %get3A_123 = arith.index_cast %add3A_120 : i32 to index
        %get3A_124 = arith.constant 0 : index
        %get3A_125 = tpu.vector_load %arg11[%get3A_122, %get3A_123, %get3A_124] {strides = array<i32>} : memref<2x128x32xf32, #tpu.memory_space<vmem>>, vector<16xf32>,
        %mul3A_126 = arith.mulf %get3A_125, %gather3A_109 : vector<16xf32>
        %add3A_127 = arith.constant 1 : i32
        %add3A_128 = arith.addi %mul3A_103, %add3A_127 : i32
        %swap3A_129 = arith.constant 1 : i32
        %swap3A_130 = arith.index_cast %swap3A_129 : i32 to index
        %swap3A_131 = arith.index_cast %add3A_128 : i32 to index
        %swap3A_132 = arith.constant 0 : index
        %swap3A_133 = tpu.vector_load %arg11[%swap3A_130, %swap3A_131, %swap3A_132] {strides = array<i32>} : memref<2x128x32xf32, #tpu.memory_space<vmem>>, vector<16xf32>,
        tpu.vector_store %arg11[%swap3A_130, %swap3A_131, %swap3A_132], %mul3A_126 {strides = array<i32>} : memref<2x128x32xf32, #tpu.memory_space<vmem>>, vector<16xf32>,
        %get3A_134 = arith.constant 1 : i32
        %get3A_135 = arith.index_cast %get3A_134 : i32 to index
        %get3A_136 = arith.index_cast %mul3A_103 : i32 to index
        %get3A_137 = arith.constant 16 : index
        %get3A_138 = tpu.vector_load %arg11[%get3A_135, %get3A_136, %get3A_137] {strides = array<i32>} : memref<2x128x32xf32, #tpu.memory_space<vmem>>, vector<16xf32>,
        %mul3A_139 = arith.mulf %get3A_138, %gather3A : vector<16xf32>
        %swap3A_140 = arith.constant 1 : i32
        %swap3A_141 = arith.index_cast %swap3A_140 : i32 to index
        %swap3A_142 = arith.index_cast %mul3A_103 : i32 to index
        %swap3A_143 = arith.constant 16 : index
        %swap3A_144 = tpu.vector_load %arg11[%swap3A_141, %swap3A_142, %swap3A_143] {strides = array<i32>} : memref<2x128x32xf32, #tpu.memory_space<vmem>>, vector<16xf32>,
        tpu.vector_store %arg11[%swap3A_141, %swap3A_142, %swap3A_143], %mul3A_139 {strides = array<i32>} : memref<2x128x32xf32, #tpu.memory_space<vmem>>, vector<16xf32>,
        %add3A_145 = arith.constant 1 : i32
        %add3A_146 = arith.addi %mul3A_103, %add3A_145 : i32
        %get3A_147 = arith.constant 1 : i32
        %get3A_148 = arith.index_cast %get3A_147 : i32 to index
        %get3A_149 = arith.index_cast %add3A_146 : i32 to index
        %get3A_150 = arith.constant 16 : index
        %get3A_151 = tpu.vector_load %arg11[%get3A_148, %get3A_149, %get3A_150] {strides = array<i32>} : memref<2x128x32xf32, #tpu.memory_space<vmem>>, vector<16xf32>,
        %mul3A_152 = arith.mulf %get3A_151, %gather3A_109 : vector<16xf32>
        %add3A_153 = arith.constant 1 : i32
        %add3A_154 = arith.addi %mul3A_103, %add3A_153 : i32
        %swap3A_155 = arith.constant 1 : i32
        %swap3A_156 = arith.index_cast %swap3A_155 : i32 to index
        %swap3A_157 = arith.index_cast %add3A_154 : i32 to index
        %swap3A_158 = arith.constant 16 : index
        %swap3A_159 = tpu.vector_load %arg11[%swap3A_156, %swap3A_157, %swap3A_158] {strides = array<i32>} : memref<2x128x32xf32, #tpu.memory_space<vmem>>, vector<16xf32>,
        tpu.vector_store %arg11[%swap3A_156, %swap3A_157, %swap3A_158], %mul3A_152 {strides = array<i32>} : memref<2x128x32xf32, #tpu.memory_space<vmem>>, vector<16xf32>,
        %scan3A_160 = arith.constant 0 : i32
        scf.yield %scan3A_160 : i32
      }
      %scan3A_97 = arith.constant 64 : i32
      %run_scoped3A_98 = arith.constant 1 : i32
      "tpu.region"() ({
        %run_scoped3A_100 = tpu.sem_alloc : memref<!tpu.dma_semaphore, #tpu.memory_space<semaphore_mem>>
        %dma_start3A_101 = arith.constant 0 : i32
        %dma_start3A_102 = arith.constant 0 : i32
        %dma_start3A_103 = tpu.memref_slice %arg11[%run_scoped3A_98, %dma_start3A_101, %dma_start3A_102] : memref<2x128x32xf32, #tpu.memory_space<vmem>> -> memref<1x128x32xf32, #tpu.memory_space<vmem>>
        %dma_start3A_104 = tpu.memref_squeeze %dma_start3A_103 : memref<1x128x32xf32, #tpu.memory_space<vmem>> -> memref<128x32xf32, #tpu.memory_space<vmem>>
        %dma_start3A_105 = arith.constant 0 : i32
        %dma_start3A_106 = tpu.memref_slice %arg9[%add3A_71, %dma_start3A_105] : memref<80x128xi32, #tpu.memory_space<vmem>> -> memref<1x128xi32, #tpu.memory_space<vmem>>
        %dma_start3A_107 = tpu.memref_squeeze %dma_start3A_106 : memref<1x128xi32, #tpu.memory_space<vmem>> -> memref<128xi32, #tpu.memory_space<vmem>>
        %dma_start3A_108 = arith.constant 0 : i32
        %dma_start3A_109 = arith.constant 0 : i32
        %dma_start3A_110 = tpu.memref_slice %arg12[%dma_start3A_108, %dma_start3A_109] : memref<10000x32xf32, #tpu.memory_space<vmem_shared>> -> memref<10000x32xf32, #tpu.memory_space<vmem_shared>>
        tpu.enqueue_indirect_dma source(%dma_start3A_104 : memref<128x32xf32, #tpu.memory_space<vmem>>) target(%dma_start3A_110 : memref<10000x32xf32, #tpu.memory_space<vmem_shared>>) offsets(%dma_start3A_107 : memref<128xi32, #tpu.memory_space<vmem>>) semaphore(%run_scoped3A_100 : memref<!tpu.dma_semaphore, #tpu.memory_space<semaphore_mem>>) {add = true}
        %dma_wait3A_111 = arith.constant 0 : i32
        %dma_wait3A_112 = arith.constant 0 : i32
        %dma_wait3A_113 = tpu.memref_slice %arg11[%run_scoped3A_98, %dma_wait3A_111, %dma_wait3A_112] : memref<2x128x32xf32, #tpu.memory_space<vmem>> -> memref<1x128x32xf32, #tpu.memory_space<vmem>>
        %dma_wait3A_114 = tpu.memref_squeeze %dma_wait3A_113 : memref<1x128x32xf32, #tpu.memory_space<vmem>> -> memref<128x32xf32, #tpu.memory_space<vmem>>
        %dma_wait3A_115 = arith.constant 0 : i32
        %dma_wait3A_116 = tpu.memref_slice %arg9[%add3A_71, %dma_wait3A_115] : memref<80x128xi32, #tpu.memory_space<vmem>> -> memref<1x128xi32, #tpu.memory_space<vmem>>
        %dma_wait3A_117 = tpu.memref_squeeze %dma_wait3A_116 : memref<1x128xi32, #tpu.memory_space<vmem>> -> memref<128xi32, #tpu.memory_space<vmem>>
        %dma_wait3A_118 = arith.constant 0 : i32
        %dma_wait3A_119 = arith.constant 0 : i32
        %dma_wait3A_120 = tpu.memref_slice %arg12[%dma_wait3A_118, %dma_wait3A_119] : memref<10000x32xf32, #tpu.memory_space<vmem_shared>> -> memref<10000x32xf32, #tpu.memory_space<vmem_shared>>
        tpu.wait_indirect_dma semaphore(%run_scoped3A_100 : memref<!tpu.dma_semaphore, #tpu.memory_space<semaphore_mem>>) src(%dma_wait3A_114 : memref<128x32xf32, #tpu.memory_space<vmem>>) dst(%dma_wait3A_120 : memref<10000x32xf32, #tpu.memory_space<vmem_shared>>)
        tpu.yield
      }) : () -> ()
      %scan3A_99 = arith.constant 0 : i32
      scf.yield %scan3A_99 : i32
    }
    %scan3A_25 = arith.constant 40 : i32
    %barrier3A_26 = arith.constant 0 : index
    tpu.barrier barrier_id(%barrier3A_26)
    %lt3A_27 = arith.constant 15 : i32
    %lt3A_28 = arith.cmpi slt, %arg1, %lt3A_27 : i32
    %convert_element_type3A_29 = arith.extui %lt3A_28 : i1 to i32
    %cond3A_30 = arith.constant 0 : i32
    %cond3A_31 = arith.cmpi ne, %convert_element_type3A_29, %cond3A_30 : i32
    scf.if %cond3A_31 {
      "tpu.region"() ({
        %run_scoped3A = tpu.sem_alloc : memref<!tpu.dma_semaphore, #tpu.memory_space<semaphore_mem>>
        %dma_start3A_37 = arith.constant 0 : i32
        %dma_start3A_38 = tpu.memref_slice %arg7[%arg0, %mul3A_2, %dma_start3A_37] : memref<2x10000x32xf32, #tpu.memory_space<hbm>> -> memref<1x624x32xf32, #tpu.memory_space<hbm>>
        %dma_start3A_39 = tpu.memref_squeeze %dma_start3A_38 : memref<1x624x32xf32, #tpu.memory_space<hbm>> -> memref<624x32xf32, #tpu.memory_space<hbm>>
        %dma_start3A_40 = arith.constant 0 : i32
        %dma_start3A_41 = tpu.memref_slice %arg12[%mul3A_2, %dma_start3A_40] : memref<10000x32xf32, #tpu.memory_space<vmem_shared>> -> memref<624x32xf32, #tpu.memory_space<vmem_shared>>
        tpu.enqueue_dma source(%dma_start3A_41 : memref<624x32xf32, #tpu.memory_space<vmem_shared>>) target(%dma_start3A_39 : memref<624x32xf32, #tpu.memory_space<hbm>>) target_semaphore(%run_scoped3A : memref<!tpu.dma_semaphore, #tpu.memory_space<semaphore_mem>>)
        %dma_wait3A = arith.constant 0 : i32
        %dma_wait3A_42 = tpu.memref_slice %arg7[%arg0, %mul3A_2, %dma_wait3A] : memref<2x10000x32xf32, #tpu.memory_space<hbm>> -> memref<1x624x32xf32, #tpu.memory_space<hbm>>
        %dma_wait3A_43 = tpu.memref_squeeze %dma_wait3A_42 : memref<1x624x32xf32, #tpu.memory_space<hbm>> -> memref<624x32xf32, #tpu.memory_space<hbm>>
        %dma_wait3A_44 = arith.constant 0 : i32
        %dma_wait3A_45 = tpu.memref_slice %arg12[%mul3A_2, %dma_wait3A_44] : memref<10000x32xf32, #tpu.memory_space<vmem_shared>> -> memref<624x32xf32, #tpu.memory_space<vmem_shared>>
        tpu.wait_dma2 semaphore(%run_scoped3A : memref<!tpu.dma_semaphore, #tpu.memory_space<semaphore_mem>>) src(%dma_wait3A_45 : memref<624x32xf32, #tpu.memory_space<vmem_shared>>) dst(%dma_wait3A_43 : memref<624x32xf32, #tpu.memory_space<hbm>>)
        tpu.yield
      }) : () -> ()
    } else {
    }
    %eq3A_32 = arith.constant 15 : i32
    %eq3A_33 = arith.cmpi eq, %arg1, %eq3A_32 : i32
    %convert_element_type3A_34 = arith.extui %eq3A_33 : i1 to i32
    %cond3A_35 = arith.constant 0 : i32
    %cond3A_36 = arith.cmpi ne, %convert_element_type3A_34, %cond3A_35 : i32
    scf.if %cond3A_36 {
      "tpu.region"() ({
        %run_scoped3A = tpu.sem_alloc : memref<!tpu.dma_semaphore, #tpu.memory_space<semaphore_mem>>
        %dma_start3A_37 = arith.constant 0 : i32
        %dma_start3A_38 = tpu.memref_slice %arg7[%arg0, %mul3A_2, %dma_start3A_37] : memref<2x10000x32xf32, #tpu.memory_space<hbm>> -> memref<1x640x32xf32, #tpu.memory_space<hbm>>
        %dma_start3A_39 = tpu.memref_squeeze %dma_start3A_38 : memref<1x640x32xf32, #tpu.memory_space<hbm>> -> memref<640x32xf32, #tpu.memory_space<hbm>>
        %dma_start3A_40 = arith.constant 0 : i32
        %dma_start3A_41 = tpu.memref_slice %arg12[%mul3A_2, %dma_start3A_40] : memref<10000x32xf32, #tpu.memory_space<vmem_shared>> -> memref<640x32xf32, #tpu.memory_space<vmem_shared>>
        tpu.enqueue_dma source(%dma_start3A_41 : memref<640x32xf32, #tpu.memory_space<vmem_shared>>) target(%dma_start3A_39 : memref<640x32xf32, #tpu.memory_space<hbm>>) target_semaphore(%run_scoped3A : memref<!tpu.dma_semaphore, #tpu.memory_space<semaphore_mem>>)
        %dma_wait3A = arith.constant 0 : i32
        %dma_wait3A_42 = tpu.memref_slice %arg7[%arg0, %mul3A_2, %dma_wait3A] : memref<2x10000x32xf32, #tpu.memory_space<hbm>> -> memref<1x640x32xf32, #tpu.memory_space<hbm>>
        %dma_wait3A_43 = tpu.memref_squeeze %dma_wait3A_42 : memref<1x640x32xf32, #tpu.memory_space<hbm>> -> memref<640x32xf32, #tpu.memory_space<hbm>>
        %dma_wait3A_44 = arith.constant 0 : i32
        %dma_wait3A_45 = tpu.memref_slice %arg12[%mul3A_2, %dma_wait3A_44] : memref<10000x32xf32, #tpu.memory_space<vmem_shared>> -> memref<640x32xf32, #tpu.memory_space<vmem_shared>>
        tpu.wait_dma2 semaphore(%run_scoped3A : memref<!tpu.dma_semaphore, #tpu.memory_space<semaphore_mem>>) src(%dma_wait3A_45 : memref<640x32xf32, #tpu.memory_space<vmem_shared>>) dst(%dma_wait3A_43 : memref<640x32xf32, #tpu.memory_space<hbm>>)
        tpu.yield
      }) : () -> ()
    } else {
    }
    return
  }
}

#map = affine_map<(d0, d1) -> (0, 0)>
#map1 = affine_map<(d0, d1) -> (0, 0, 0)>
module attributes {stable_mosaic.version = 14 : i64} {
  func.func @agg(%arg0: i32, %arg1: i32, %arg2: memref<10000x128xf32, #tpu.memory_space<hbm>>, %arg3: memref<32x126x80xi32, #tpu.memory_space<hbm>>, %arg4: memref<32x126x80xi32, #tpu.memory_space<hbm>>, %arg5: memref<32x126x80xf32, #tpu.memory_space<hbm>>, %arg6: memref<640x128xf32, #tpu.memory_space<hbm>>, %arg7: memref<2x10000x128xf32, #tpu.memory_space<hbm>>, %arg8: memref<126x80xi32, #tpu.memory_space<vmem>>, %arg9: memref<126x80xi32, #tpu.memory_space<vmem>>, %arg10: memref<126x80xf32, #tpu.memory_space<vmem>>, %arg11: memref<2x80x128xf32, #tpu.memory_space<vmem>>, %arg12: memref<10000x128xf32, #tpu.memory_space<vmem_shared>>, %arg13: memref<!tpu.dma_semaphore, #tpu.memory_space<semaphore_mem>>, %arg14: memref<!tpu.dma_semaphore, #tpu.memory_space<semaphore_mem>>) attributes {dimension_semantics = [#tpu.dimension_semantics<core_parallel>, #tpu.dimension_semantics<subcore_parallel>], iteration_bounds = array<i64: 2, 16>, scalar_prefetch = 0 : i64, scratch_operands = 7 : i64, tpu.core_type = #tpu.core_type<sc_vector_subcore>, window_params = [{transform_indices = #map}, {transform_indices = #map1}, {transform_indices = #map1}, {transform_indices = #map1}, {transform_indices = #map}, {transform_indices = #map1}]} {
    %mul3A = arith.constant 16 : i32
    %mul3A_0 = arith.muli %arg0, %mul3A : i32
    %add3A = arith.addi %mul3A_0, %arg1 : i32
    %mul3A_1 = arith.constant 624 : i32
    %mul3A_2 = arith.muli %arg1, %mul3A_1 : i32
    "tpu.region"() ({
      %run_scoped3A = tpu.sem_alloc : memref<!tpu.dma_semaphore, #tpu.memory_space<semaphore_mem>>
      %dma_start3A_37 = arith.constant 0 : i32
      %dma_start3A_38 = arith.constant 0 : i32
      %dma_start3A_39 = tpu.memref_slice %arg3[%add3A, %dma_start3A_37, %dma_start3A_38] : memref<32x126x80xi32, #tpu.memory_space<hbm>> -> memref<1x126x80xi32, #tpu.memory_space<hbm>>
      %dma_start3A_40 = tpu.memref_squeeze %dma_start3A_39 : memref<1x126x80xi32, #tpu.memory_space<hbm>> -> memref<126x80xi32, #tpu.memory_space<hbm>>
      %dma_start3A_41 = arith.constant 0 : i32
      %dma_start3A_42 = arith.constant 0 : i32
      %dma_start3A_43 = tpu.memref_slice %arg3[%add3A, %dma_start3A_41, %dma_start3A_42] : memref<32x126x80xi32, #tpu.memory_space<hbm>> -> memref<1x126x80xi32, #tpu.memory_space<hbm>>
      %dma_start3A_44 = tpu.memref_squeeze %dma_start3A_43 : memref<1x126x80xi32, #tpu.memory_space<hbm>> -> memref<126x80xi32, #tpu.memory_space<hbm>>
      tpu.enqueue_dma source(%dma_start3A_44 : memref<126x80xi32, #tpu.memory_space<hbm>>) target(%arg8 : memref<126x80xi32, #tpu.memory_space<vmem>>) target_semaphore(%run_scoped3A : memref<!tpu.dma_semaphore, #tpu.memory_space<semaphore_mem>>)
      %dma_wait3A = arith.constant 0 : i32
      %dma_wait3A_45 = arith.constant 0 : i32
      %dma_wait3A_46 = tpu.memref_slice %arg3[%add3A, %dma_wait3A, %dma_wait3A_45] : memref<32x126x80xi32, #tpu.memory_space<hbm>> -> memref<1x126x80xi32, #tpu.memory_space<hbm>>
      %dma_wait3A_47 = tpu.memref_squeeze %dma_wait3A_46 : memref<1x126x80xi32, #tpu.memory_space<hbm>> -> memref<126x80xi32, #tpu.memory_space<hbm>>
      %dma_wait3A_48 = arith.constant 0 : i32
      %dma_wait3A_49 = arith.constant 0 : i32
      %dma_wait3A_50 = tpu.memref_slice %arg3[%add3A, %dma_wait3A_48, %dma_wait3A_49] : memref<32x126x80xi32, #tpu.memory_space<hbm>> -> memref<1x126x80xi32, #tpu.memory_space<hbm>>
      %dma_wait3A_51 = tpu.memref_squeeze %dma_wait3A_50 : memref<1x126x80xi32, #tpu.memory_space<hbm>> -> memref<126x80xi32, #tpu.memory_space<hbm>>
      tpu.wait_dma2 semaphore(%run_scoped3A : memref<!tpu.dma_semaphore, #tpu.memory_space<semaphore_mem>>) src(%dma_wait3A_51 : memref<126x80xi32, #tpu.memory_space<hbm>>) dst(%arg8 : memref<126x80xi32, #tpu.memory_space<vmem>>)
      tpu.yield
    }) : () -> ()
    "tpu.region"() ({
      %run_scoped3A = tpu.sem_alloc : memref<!tpu.dma_semaphore, #tpu.memory_space<semaphore_mem>>
      %dma_start3A_37 = arith.constant 0 : i32
      %dma_start3A_38 = arith.constant 0 : i32
      %dma_start3A_39 = tpu.memref_slice %arg4[%add3A, %dma_start3A_37, %dma_start3A_38] : memref<32x126x80xi32, #tpu.memory_space<hbm>> -> memref<1x126x80xi32, #tpu.memory_space<hbm>>
      %dma_start3A_40 = tpu.memref_squeeze %dma_start3A_39 : memref<1x126x80xi32, #tpu.memory_space<hbm>> -> memref<126x80xi32, #tpu.memory_space<hbm>>
      %dma_start3A_41 = arith.constant 0 : i32
      %dma_start3A_42 = arith.constant 0 : i32
      %dma_start3A_43 = tpu.memref_slice %arg4[%add3A, %dma_start3A_41, %dma_start3A_42] : memref<32x126x80xi32, #tpu.memory_space<hbm>> -> memref<1x126x80xi32, #tpu.memory_space<hbm>>
      %dma_start3A_44 = tpu.memref_squeeze %dma_start3A_43 : memref<1x126x80xi32, #tpu.memory_space<hbm>> -> memref<126x80xi32, #tpu.memory_space<hbm>>
      tpu.enqueue_dma source(%dma_start3A_44 : memref<126x80xi32, #tpu.memory_space<hbm>>) target(%arg9 : memref<126x80xi32, #tpu.memory_space<vmem>>) target_semaphore(%run_scoped3A : memref<!tpu.dma_semaphore, #tpu.memory_space<semaphore_mem>>)
      %dma_wait3A = arith.constant 0 : i32
      %dma_wait3A_45 = arith.constant 0 : i32
      %dma_wait3A_46 = tpu.memref_slice %arg4[%add3A, %dma_wait3A, %dma_wait3A_45] : memref<32x126x80xi32, #tpu.memory_space<hbm>> -> memref<1x126x80xi32, #tpu.memory_space<hbm>>
      %dma_wait3A_47 = tpu.memref_squeeze %dma_wait3A_46 : memref<1x126x80xi32, #tpu.memory_space<hbm>> -> memref<126x80xi32, #tpu.memory_space<hbm>>
      %dma_wait3A_48 = arith.constant 0 : i32
      %dma_wait3A_49 = arith.constant 0 : i32
      %dma_wait3A_50 = tpu.memref_slice %arg4[%add3A, %dma_wait3A_48, %dma_wait3A_49] : memref<32x126x80xi32, #tpu.memory_space<hbm>> -> memref<1x126x80xi32, #tpu.memory_space<hbm>>
      %dma_wait3A_51 = tpu.memref_squeeze %dma_wait3A_50 : memref<1x126x80xi32, #tpu.memory_space<hbm>> -> memref<126x80xi32, #tpu.memory_space<hbm>>
      tpu.wait_dma2 semaphore(%run_scoped3A : memref<!tpu.dma_semaphore, #tpu.memory_space<semaphore_mem>>) src(%dma_wait3A_51 : memref<126x80xi32, #tpu.memory_space<hbm>>) dst(%arg9 : memref<126x80xi32, #tpu.memory_space<vmem>>)
      tpu.yield
    }) : () -> ()
    "tpu.region"() ({
      %run_scoped3A = tpu.sem_alloc : memref<!tpu.dma_semaphore, #tpu.memory_space<semaphore_mem>>
      %dma_start3A_37 = arith.constant 0 : i32
      %dma_start3A_38 = arith.constant 0 : i32
      %dma_start3A_39 = tpu.memref_slice %arg5[%add3A, %dma_start3A_37, %dma_start3A_38] : memref<32x126x80xf32, #tpu.memory_space<hbm>> -> memref<1x126x80xf32, #tpu.memory_space<hbm>>
      %dma_start3A_40 = tpu.memref_squeeze %dma_start3A_39 : memref<1x126x80xf32, #tpu.memory_space<hbm>> -> memref<126x80xf32, #tpu.memory_space<hbm>>
      %dma_start3A_41 = arith.constant 0 : i32
      %dma_start3A_42 = arith.constant 0 : i32
      %dma_start3A_43 = tpu.memref_slice %arg5[%add3A, %dma_start3A_41, %dma_start3A_42] : memref<32x126x80xf32, #tpu.memory_space<hbm>> -> memref<1x126x80xf32, #tpu.memory_space<hbm>>
      %dma_start3A_44 = tpu.memref_squeeze %dma_start3A_43 : memref<1x126x80xf32, #tpu.memory_space<hbm>> -> memref<126x80xf32, #tpu.memory_space<hbm>>
      tpu.enqueue_dma source(%dma_start3A_44 : memref<126x80xf32, #tpu.memory_space<hbm>>) target(%arg10 : memref<126x80xf32, #tpu.memory_space<vmem>>) target_semaphore(%run_scoped3A : memref<!tpu.dma_semaphore, #tpu.memory_space<semaphore_mem>>)
      %dma_wait3A = arith.constant 0 : i32
      %dma_wait3A_45 = arith.constant 0 : i32
      %dma_wait3A_46 = tpu.memref_slice %arg5[%add3A, %dma_wait3A, %dma_wait3A_45] : memref<32x126x80xf32, #tpu.memory_space<hbm>> -> memref<1x126x80xf32, #tpu.memory_space<hbm>>
      %dma_wait3A_47 = tpu.memref_squeeze %dma_wait3A_46 : memref<1x126x80xf32, #tpu.memory_space<hbm>> -> memref<126x80xf32, #tpu.memory_space<hbm>>
      %dma_wait3A_48 = arith.constant 0 : i32
      %dma_wait3A_49 = arith.constant 0 : i32
      %dma_wait3A_50 = tpu.memref_slice %arg5[%add3A, %dma_wait3A_48, %dma_wait3A_49] : memref<32x126x80xf32, #tpu.memory_space<hbm>> -> memref<1x126x80xf32, #tpu.memory_space<hbm>>
      %dma_wait3A_51 = tpu.memref_squeeze %dma_wait3A_50 : memref<1x126x80xf32, #tpu.memory_space<hbm>> -> memref<126x80xf32, #tpu.memory_space<hbm>>
      tpu.wait_dma2 semaphore(%run_scoped3A : memref<!tpu.dma_semaphore, #tpu.memory_space<semaphore_mem>>) src(%dma_wait3A_51 : memref<126x80xf32, #tpu.memory_space<hbm>>) dst(%arg10 : memref<126x80xf32, #tpu.memory_space<vmem>>)
      tpu.yield
    }) : () -> ()
    %lt3A = arith.constant 15 : i32
    %lt3A_3 = arith.cmpi slt, %arg1, %lt3A : i32
    %convert_element_type3A = arith.extui %lt3A_3 : i1 to i32
    %cond3A = arith.constant 0 : i32
    %cond3A_4 = arith.cmpi ne, %convert_element_type3A, %cond3A : i32
    scf.if %cond3A_4 {
      "tpu.region"() ({
        %run_scoped3A = tpu.sem_alloc : memref<!tpu.dma_semaphore, #tpu.memory_space<semaphore_mem>>
        %dma_start3A_37 = arith.constant 0 : i32
        %dma_start3A_38 = tpu.memref_slice %arg12[%mul3A_2, %dma_start3A_37] : memref<10000x128xf32, #tpu.memory_space<vmem_shared>> -> memref<624x128xf32, #tpu.memory_space<vmem_shared>>
        %dma_start3A_39 = arith.constant 0 : i32
        %dma_start3A_40 = arith.constant 0 : i32
        %dma_start3A_41 = tpu.memref_slice %arg6[%dma_start3A_39, %dma_start3A_40] : memref<640x128xf32, #tpu.memory_space<hbm>> -> memref<624x128xf32, #tpu.memory_space<hbm>>
        tpu.enqueue_dma source(%dma_start3A_41 : memref<624x128xf32, #tpu.memory_space<hbm>>) target(%dma_start3A_38 : memref<624x128xf32, #tpu.memory_space<vmem_shared>>) target_semaphore(%run_scoped3A : memref<!tpu.dma_semaphore, #tpu.memory_space<semaphore_mem>>)
        %dma_wait3A = arith.constant 0 : i32
        %dma_wait3A_42 = tpu.memref_slice %arg12[%mul3A_2, %dma_wait3A] : memref<10000x128xf32, #tpu.memory_space<vmem_shared>> -> memref<624x128xf32, #tpu.memory_space<vmem_shared>>
        %dma_wait3A_43 = arith.constant 0 : i32
        %dma_wait3A_44 = arith.constant 0 : i32
        %dma_wait3A_45 = tpu.memref_slice %arg6[%dma_wait3A_43, %dma_wait3A_44] : memref<640x128xf32, #tpu.memory_space<hbm>> -> memref<624x128xf32, #tpu.memory_space<hbm>>
        tpu.wait_dma2 semaphore(%run_scoped3A : memref<!tpu.dma_semaphore, #tpu.memory_space<semaphore_mem>>) src(%dma_wait3A_45 : memref<624x128xf32, #tpu.memory_space<hbm>>) dst(%dma_wait3A_42 : memref<624x128xf32, #tpu.memory_space<vmem_shared>>)
        tpu.yield
      }) : () -> ()
    } else {
    }
    %eq3A = arith.constant 15 : i32
    %eq3A_5 = arith.cmpi eq, %arg1, %eq3A : i32
    %convert_element_type3A_6 = arith.extui %eq3A_5 : i1 to i32
    %cond3A_7 = arith.constant 0 : i32
    %cond3A_8 = arith.cmpi ne, %convert_element_type3A_6, %cond3A_7 : i32
    scf.if %cond3A_8 {
      "tpu.region"() ({
        %run_scoped3A = tpu.sem_alloc : memref<!tpu.dma_semaphore, #tpu.memory_space<semaphore_mem>>
        %dma_start3A_37 = arith.constant 0 : i32
        %dma_start3A_38 = tpu.memref_slice %arg12[%mul3A_2, %dma_start3A_37] : memref<10000x128xf32, #tpu.memory_space<vmem_shared>> -> memref<640x128xf32, #tpu.memory_space<vmem_shared>>
        tpu.enqueue_dma source(%arg6 : memref<640x128xf32, #tpu.memory_space<hbm>>) target(%dma_start3A_38 : memref<640x128xf32, #tpu.memory_space<vmem_shared>>) target_semaphore(%run_scoped3A : memref<!tpu.dma_semaphore, #tpu.memory_space<semaphore_mem>>)
        %dma_wait3A = arith.constant 0 : i32
        %dma_wait3A_39 = tpu.memref_slice %arg12[%mul3A_2, %dma_wait3A] : memref<10000x128xf32, #tpu.memory_space<vmem_shared>> -> memref<640x128xf32, #tpu.memory_space<vmem_shared>>
        tpu.wait_dma2 semaphore(%run_scoped3A : memref<!tpu.dma_semaphore, #tpu.memory_space<semaphore_mem>>) src(%arg6 : memref<640x128xf32, #tpu.memory_space<hbm>>) dst(%dma_wait3A_39 : memref<640x128xf32, #tpu.memory_space<vmem_shared>>)
        tpu.yield
      }) : () -> ()
    } else {
    }
    %barrier3A = arith.constant 0 : index
    tpu.barrier barrier_id(%barrier3A)
    %dma_start3A = arith.constant 0 : i32
    %dma_start3A_9 = arith.constant 0 : i32
    %dma_start3A_10 = arith.constant 0 : i32
    %dma_start3A_11 = arith.constant 0 : i32
    %dma_start3A_12 = tpu.memref_slice %arg11[%dma_start3A_9, %dma_start3A_10, %dma_start3A_11] : memref<2x80x128xf32, #tpu.memory_space<vmem>> -> memref<1x80x128xf32, #tpu.memory_space<vmem>>
    %dma_start3A_13 = tpu.memref_squeeze %dma_start3A_12 : memref<1x80x128xf32, #tpu.memory_space<vmem>> -> memref<80x128xf32, #tpu.memory_space<vmem>>
    %dma_start3A_14 = arith.constant 0 : i32
    %dma_start3A_15 = tpu.memref_slice %arg8[%dma_start3A, %dma_start3A_14] : memref<126x80xi32, #tpu.memory_space<vmem>> -> memref<1x80xi32, #tpu.memory_space<vmem>>
    %dma_start3A_16 = tpu.memref_squeeze %dma_start3A_15 : memref<1x80xi32, #tpu.memory_space<vmem>> -> memref<80xi32, #tpu.memory_space<vmem>>
    %dma_start3A_17 = arith.constant 0 : i32
    %dma_start3A_18 = arith.constant 0 : i32
    %dma_start3A_19 = tpu.memref_slice %arg2[%dma_start3A_17, %dma_start3A_18] : memref<10000x128xf32, #tpu.memory_space<hbm>> -> memref<10000x128xf32, #tpu.memory_space<hbm>>
    tpu.enqueue_indirect_dma source(%dma_start3A_19 : memref<10000x128xf32, #tpu.memory_space<hbm>>) target(%dma_start3A_13 : memref<80x128xf32, #tpu.memory_space<vmem>>) offsets(%dma_start3A_16 : memref<80xi32, #tpu.memory_space<vmem>>) semaphore(%arg13 : memref<!tpu.dma_semaphore, #tpu.memory_space<semaphore_mem>>)
    %scan3A = arith.constant 0 : i32
    %scan3A_20 = arith.constant 0 : i32
    %scan3A_21 = arith.constant 63 : i32
    %scan3A_22 = arith.addi %scan3A_20, %scan3A_21 : i32
    %scan3A_23 = arith.constant 1 : i32
    %scan3A_24 = scf.for %scan3A_37 = %scan3A_20 to %scan3A_22 step %scan3A_23 iter_args(%scan3A_38 = %scan3A) -> (i32)  : i32 {
      %mul3A_39 = arith.constant 2 : i32
      %mul3A_40 = arith.muli %mul3A_39, %scan3A_37 : i32
      %add3A_41 = arith.constant 0 : i32
      %add3A_42 = arith.addi %mul3A_40, %add3A_41 : i32
      %dma_wait3A = arith.constant 0 : i32
      %dma_wait3A_43 = arith.constant 0 : i32
      %dma_wait3A_44 = arith.constant 0 : i32
      %dma_wait3A_45 = arith.constant 0 : i32
      %dma_wait3A_46 = tpu.memref_slice %arg11[%dma_wait3A_43, %dma_wait3A_44, %dma_wait3A_45] : memref<2x80x128xf32, #tpu.memory_space<vmem>> -> memref<1x80x128xf32, #tpu.memory_space<vmem>>
      %dma_wait3A_47 = tpu.memref_squeeze %dma_wait3A_46 : memref<1x80x128xf32, #tpu.memory_space<vmem>> -> memref<80x128xf32, #tpu.memory_space<vmem>>
      %dma_wait3A_48 = arith.constant 0 : i32
      %dma_wait3A_49 = tpu.memref_slice %arg8[%dma_wait3A, %dma_wait3A_48] : memref<126x80xi32, #tpu.memory_space<vmem>> -> memref<1x80xi32, #tpu.memory_space<vmem>>
      %dma_wait3A_50 = tpu.memref_squeeze %dma_wait3A_49 : memref<1x80xi32, #tpu.memory_space<vmem>> -> memref<80xi32, #tpu.memory_space<vmem>>
      %dma_wait3A_51 = arith.constant 0 : i32
      %dma_wait3A_52 = arith.constant 0 : i32
      %dma_wait3A_53 = tpu.memref_slice %arg2[%dma_wait3A_51, %dma_wait3A_52] : memref<10000x128xf32, #tpu.memory_space<hbm>> -> memref<10000x128xf32, #tpu.memory_space<hbm>>
      tpu.wait_indirect_dma semaphore(%arg13 : memref<!tpu.dma_semaphore, #tpu.memory_space<semaphore_mem>>) src(%dma_wait3A_53 : memref<10000x128xf32, #tpu.memory_space<hbm>>) dst(%dma_wait3A_47 : memref<80x128xf32, #tpu.memory_space<vmem>>)
      %add3A_54 = arith.constant 1 : i32
      %add3A_55 = arith.addi %add3A_42, %add3A_54 : i32
      %lt3A_56 = arith.constant 126 : i32
      %lt3A_57 = arith.cmpi slt, %add3A_55, %lt3A_56 : i32
      %convert_element_type3A_58 = arith.extui %lt3A_57 : i1 to i32
      %cond3A_59 = arith.constant 0 : i32
      %cond3A_60 = arith.cmpi ne, %convert_element_type3A_58, %cond3A_59 : i32
      scf.if %cond3A_60 {
        %add3A_100 = arith.constant 1 : i32
        %add3A_101 = arith.addi %add3A_42, %add3A_100 : i32
        %dma_start3A_102 = arith.constant 1 : i32
        %dma_start3A_103 = arith.constant 0 : i32
        %dma_start3A_104 = arith.constant 0 : i32
        %dma_start3A_105 = tpu.memref_slice %arg11[%dma_start3A_102, %dma_start3A_103, %dma_start3A_104] : memref<2x80x128xf32, #tpu.memory_space<vmem>> -> memref<1x80x128xf32, #tpu.memory_space<vmem>>
        %dma_start3A_106 = tpu.memref_squeeze %dma_start3A_105 : memref<1x80x128xf32, #tpu.memory_space<vmem>> -> memref<80x128xf32, #tpu.memory_space<vmem>>
        %dma_start3A_107 = arith.constant 0 : i32
        %dma_start3A_108 = tpu.memref_slice %arg8[%add3A_101, %dma_start3A_107] : memref<126x80xi32, #tpu.memory_space<vmem>> -> memref<1x80xi32, #tpu.memory_space<vmem>>
        %dma_start3A_109 = tpu.memref_squeeze %dma_start3A_108 : memref<1x80xi32, #tpu.memory_space<vmem>> -> memref<80xi32, #tpu.memory_space<vmem>>
        %dma_start3A_110 = arith.constant 0 : i32
        %dma_start3A_111 = arith.constant 0 : i32
        %dma_start3A_112 = tpu.memref_slice %arg2[%dma_start3A_110, %dma_start3A_111] : memref<10000x128xf32, #tpu.memory_space<hbm>> -> memref<10000x128xf32, #tpu.memory_space<hbm>>
        tpu.enqueue_indirect_dma source(%dma_start3A_112 : memref<10000x128xf32, #tpu.memory_space<hbm>>) target(%dma_start3A_106 : memref<80x128xf32, #tpu.memory_space<vmem>>) offsets(%dma_start3A_109 : memref<80xi32, #tpu.memory_space<vmem>>) semaphore(%arg14 : memref<!tpu.dma_semaphore, #tpu.memory_space<semaphore_mem>>)
      } else {
      }
      %scan3A_61 = arith.constant 0 : i32
      %scan3A_62 = arith.constant 0 : i32
      %scan3A_63 = arith.constant 40 : i32
      %scan3A_64 = arith.addi %scan3A_62, %scan3A_63 : i32
      %scan3A_65 = arith.constant 1 : i32
      %scan3A_66 = scf.for %scan3A_100 = %scan3A_62 to %scan3A_64 step %scan3A_65 iter_args(%scan3A_101 = %scan3A_61) -> (i32)  : i32 {
        %mul3A_102 = arith.constant 2 : i32
        %mul3A_103 = arith.muli %mul3A_102, %scan3A_100 : i32
        %broadcast_in_dim3A = vector.broadcast %add3A_42 : i32 to vector<16xi32>
        %broadcast_in_dim3A_104 = vector.broadcast %mul3A_103 : i32 to vector<16xi32>
        %gather3A = tpu.vector_load_idx %arg10[%broadcast_in_dim3A, %broadcast_in_dim3A_104] : memref<126x80xf32, #tpu.memory_space<vmem>>[vector<16xi32>, vector<16xi32>], vector<16xf32>,
        %broadcast_in_dim3A_105 = vector.broadcast %add3A_42 : i32 to vector<16xi32>
        %add3A_106 = arith.constant 1 : i32
        %add3A_107 = arith.addi %mul3A_103, %add3A_106 : i32
        %broadcast_in_dim3A_108 = vector.broadcast %add3A_107 : i32 to vector<16xi32>
        %gather3A_109 = tpu.vector_load_idx %arg10[%broadcast_in_dim3A_105, %broadcast_in_dim3A_108] : memref<126x80xf32, #tpu.memory_space<vmem>>[vector<16xi32>, vector<16xi32>], vector<16xf32>,
        %get3A = arith.constant 0 : i32
        %get3A_110 = arith.index_cast %get3A : i32 to index
        %get3A_111 = arith.index_cast %mul3A_103 : i32 to index
        %get3A_112 = arith.constant 0 : index
        %get3A_113 = tpu.vector_load %arg11[%get3A_110, %get3A_111, %get3A_112] {strides = array<i32>} : memref<2x80x128xf32, #tpu.memory_space<vmem>>, vector<16xf32>,
        %mul3A_114 = arith.mulf %get3A_113, %gather3A : vector<16xf32>
        %swap3A = arith.constant 0 : i32
        %swap3A_115 = arith.index_cast %swap3A : i32 to index
        %swap3A_116 = arith.index_cast %mul3A_103 : i32 to index
        %swap3A_117 = arith.constant 0 : index
        %swap3A_118 = tpu.vector_load %arg11[%swap3A_115, %swap3A_116, %swap3A_117] {strides = array<i32>} : memref<2x80x128xf32, #tpu.memory_space<vmem>>, vector<16xf32>,
        tpu.vector_store %arg11[%swap3A_115, %swap3A_116, %swap3A_117], %mul3A_114 {strides = array<i32>} : memref<2x80x128xf32, #tpu.memory_space<vmem>>, vector<16xf32>,
        %add3A_119 = arith.constant 1 : i32
        %add3A_120 = arith.addi %mul3A_103, %add3A_119 : i32
        %get3A_121 = arith.constant 0 : i32
        %get3A_122 = arith.index_cast %get3A_121 : i32 to index
        %get3A_123 = arith.index_cast %add3A_120 : i32 to index
        %get3A_124 = arith.constant 0 : index
        %get3A_125 = tpu.vector_load %arg11[%get3A_122, %get3A_123, %get3A_124] {strides = array<i32>} : memref<2x80x128xf32, #tpu.memory_space<vmem>>, vector<16xf32>,
        %mul3A_126 = arith.mulf %get3A_125, %gather3A_109 : vector<16xf32>
        %add3A_127 = arith.constant 1 : i32
        %add3A_128 = arith.addi %mul3A_103, %add3A_127 : i32
        %swap3A_129 = arith.constant 0 : i32
        %swap3A_130 = arith.index_cast %swap3A_129 : i32 to index
        %swap3A_131 = arith.index_cast %add3A_128 : i32 to index
        %swap3A_132 = arith.constant 0 : index
        %swap3A_133 = tpu.vector_load %arg11[%swap3A_130, %swap3A_131, %swap3A_132] {strides = array<i32>} : memref<2x80x128xf32, #tpu.memory_space<vmem>>, vector<16xf32>,
        tpu.vector_store %arg11[%swap3A_130, %swap3A_131, %swap3A_132], %mul3A_126 {strides = array<i32>} : memref<2x80x128xf32, #tpu.memory_space<vmem>>, vector<16xf32>,
        %get3A_134 = arith.constant 0 : i32
        %get3A_135 = arith.index_cast %get3A_134 : i32 to index
        %get3A_136 = arith.index_cast %mul3A_103 : i32 to index
        %get3A_137 = arith.constant 16 : index
        %get3A_138 = tpu.vector_load %arg11[%get3A_135, %get3A_136, %get3A_137] {strides = array<i32>} : memref<2x80x128xf32, #tpu.memory_space<vmem>>, vector<16xf32>,
        %mul3A_139 = arith.mulf %get3A_138, %gather3A : vector<16xf32>
        %swap3A_140 = arith.constant 0 : i32
        %swap3A_141 = arith.index_cast %swap3A_140 : i32 to index
        %swap3A_142 = arith.index_cast %mul3A_103 : i32 to index
        %swap3A_143 = arith.constant 16 : index
        %swap3A_144 = tpu.vector_load %arg11[%swap3A_141, %swap3A_142, %swap3A_143] {strides = array<i32>} : memref<2x80x128xf32, #tpu.memory_space<vmem>>, vector<16xf32>,
        tpu.vector_store %arg11[%swap3A_141, %swap3A_142, %swap3A_143], %mul3A_139 {strides = array<i32>} : memref<2x80x128xf32, #tpu.memory_space<vmem>>, vector<16xf32>,
        %add3A_145 = arith.constant 1 : i32
        %add3A_146 = arith.addi %mul3A_103, %add3A_145 : i32
        %get3A_147 = arith.constant 0 : i32
        %get3A_148 = arith.index_cast %get3A_147 : i32 to index
        %get3A_149 = arith.index_cast %add3A_146 : i32 to index
        %get3A_150 = arith.constant 16 : index
        %get3A_151 = tpu.vector_load %arg11[%get3A_148, %get3A_149, %get3A_150] {strides = array<i32>} : memref<2x80x128xf32, #tpu.memory_space<vmem>>, vector<16xf32>,
        %mul3A_152 = arith.mulf %get3A_151, %gather3A_109 : vector<16xf32>
        %add3A_153 = arith.constant 1 : i32
        %add3A_154 = arith.addi %mul3A_103, %add3A_153 : i32
        %swap3A_155 = arith.constant 0 : i32
        %swap3A_156 = arith.index_cast %swap3A_155 : i32 to index
        %swap3A_157 = arith.index_cast %add3A_154 : i32 to index
        %swap3A_158 = arith.constant 16 : index
        %swap3A_159 = tpu.vector_load %arg11[%swap3A_156, %swap3A_157, %swap3A_158] {strides = array<i32>} : memref<2x80x128xf32, #tpu.memory_space<vmem>>, vector<16xf32>,
        tpu.vector_store %arg11[%swap3A_156, %swap3A_157, %swap3A_158], %mul3A_152 {strides = array<i32>} : memref<2x80x128xf32, #tpu.memory_space<vmem>>, vector<16xf32>,
        %get3A_160 = arith.constant 0 : i32
        %get3A_161 = arith.index_cast %get3A_160 : i32 to index
        %get3A_162 = arith.index_cast %mul3A_103 : i32 to index
        %get3A_163 = arith.constant 32 : index
        %get3A_164 = tpu.vector_load %arg11[%get3A_161, %get3A_162, %get3A_163] {strides = array<i32>} : memref<2x80x128xf32, #tpu.memory_space<vmem>>, vector<16xf32>,
        %mul3A_165 = arith.mulf %get3A_164, %gather3A : vector<16xf32>
        %swap3A_166 = arith.constant 0 : i32
        %swap3A_167 = arith.index_cast %swap3A_166 : i32 to index
        %swap3A_168 = arith.index_cast %mul3A_103 : i32 to index
        %swap3A_169 = arith.constant 32 : index
        %swap3A_170 = tpu.vector_load %arg11[%swap3A_167, %swap3A_168, %swap3A_169] {strides = array<i32>} : memref<2x80x128xf32, #tpu.memory_space<vmem>>, vector<16xf32>,
        tpu.vector_store %arg11[%swap3A_167, %swap3A_168, %swap3A_169], %mul3A_165 {strides = array<i32>} : memref<2x80x128xf32, #tpu.memory_space<vmem>>, vector<16xf32>,
        %add3A_171 = arith.constant 1 : i32
        %add3A_172 = arith.addi %mul3A_103, %add3A_171 : i32
        %get3A_173 = arith.constant 0 : i32
        %get3A_174 = arith.index_cast %get3A_173 : i32 to index
        %get3A_175 = arith.index_cast %add3A_172 : i32 to index
        %get3A_176 = arith.constant 32 : index
        %get3A_177 = tpu.vector_load %arg11[%get3A_174, %get3A_175, %get3A_176] {strides = array<i32>} : memref<2x80x128xf32, #tpu.memory_space<vmem>>, vector<16xf32>,
        %mul3A_178 = arith.mulf %get3A_177, %gather3A_109 : vector<16xf32>
        %add3A_179 = arith.constant 1 : i32
        %add3A_180 = arith.addi %mul3A_103, %add3A_179 : i32
        %swap3A_181 = arith.constant 0 : i32
        %swap3A_182 = arith.index_cast %swap3A_181 : i32 to index
        %swap3A_183 = arith.index_cast %add3A_180 : i32 to index
        %swap3A_184 = arith.constant 32 : index
        %swap3A_185 = tpu.vector_load %arg11[%swap3A_182, %swap3A_183, %swap3A_184] {strides = array<i32>} : memref<2x80x128xf32, #tpu.memory_space<vmem>>, vector<16xf32>,
        tpu.vector_store %arg11[%swap3A_182, %swap3A_183, %swap3A_184], %mul3A_178 {strides = array<i32>} : memref<2x80x128xf32, #tpu.memory_space<vmem>>, vector<16xf32>,
        %get3A_186 = arith.constant 0 : i32
        %get3A_187 = arith.index_cast %get3A_186 : i32 to index
        %get3A_188 = arith.index_cast %mul3A_103 : i32 to index
        %get3A_189 = arith.constant 48 : index
        %get3A_190 = tpu.vector_load %arg11[%get3A_187, %get3A_188, %get3A_189] {strides = array<i32>} : memref<2x80x128xf32, #tpu.memory_space<vmem>>, vector<16xf32>,
        %mul3A_191 = arith.mulf %get3A_190, %gather3A : vector<16xf32>
        %swap3A_192 = arith.constant 0 : i32
        %swap3A_193 = arith.index_cast %swap3A_192 : i32 to index
        %swap3A_194 = arith.index_cast %mul3A_103 : i32 to index
        %swap3A_195 = arith.constant 48 : index
        %swap3A_196 = tpu.vector_load %arg11[%swap3A_193, %swap3A_194, %swap3A_195] {strides = array<i32>} : memref<2x80x128xf32, #tpu.memory_space<vmem>>, vector<16xf32>,
        tpu.vector_store %arg11[%swap3A_193, %swap3A_194, %swap3A_195], %mul3A_191 {strides = array<i32>} : memref<2x80x128xf32, #tpu.memory_space<vmem>>, vector<16xf32>,
        %add3A_197 = arith.constant 1 : i32
        %add3A_198 = arith.addi %mul3A_103, %add3A_197 : i32
        %get3A_199 = arith.constant 0 : i32
        %get3A_200 = arith.index_cast %get3A_199 : i32 to index
        %get3A_201 = arith.index_cast %add3A_198 : i32 to index
        %get3A_202 = arith.constant 48 : index
        %get3A_203 = tpu.vector_load %arg11[%get3A_200, %get3A_201, %get3A_202] {strides = array<i32>} : memref<2x80x128xf32, #tpu.memory_space<vmem>>, vector<16xf32>,
        %mul3A_204 = arith.mulf %get3A_203, %gather3A_109 : vector<16xf32>
        %add3A_205 = arith.constant 1 : i32
        %add3A_206 = arith.addi %mul3A_103, %add3A_205 : i32
        %swap3A_207 = arith.constant 0 : i32
        %swap3A_208 = arith.index_cast %swap3A_207 : i32 to index
        %swap3A_209 = arith.index_cast %add3A_206 : i32 to index
        %swap3A_210 = arith.constant 48 : index
        %swap3A_211 = tpu.vector_load %arg11[%swap3A_208, %swap3A_209, %swap3A_210] {strides = array<i32>} : memref<2x80x128xf32, #tpu.memory_space<vmem>>, vector<16xf32>,
        tpu.vector_store %arg11[%swap3A_208, %swap3A_209, %swap3A_210], %mul3A_204 {strides = array<i32>} : memref<2x80x128xf32, #tpu.memory_space<vmem>>, vector<16xf32>,
        %get3A_212 = arith.constant 0 : i32
        %get3A_213 = arith.index_cast %get3A_212 : i32 to index
        %get3A_214 = arith.index_cast %mul3A_103 : i32 to index
        %get3A_215 = arith.constant 64 : index
        %get3A_216 = tpu.vector_load %arg11[%get3A_213, %get3A_214, %get3A_215] {strides = array<i32>} : memref<2x80x128xf32, #tpu.memory_space<vmem>>, vector<16xf32>,
        %mul3A_217 = arith.mulf %get3A_216, %gather3A : vector<16xf32>
        %swap3A_218 = arith.constant 0 : i32
        %swap3A_219 = arith.index_cast %swap3A_218 : i32 to index
        %swap3A_220 = arith.index_cast %mul3A_103 : i32 to index
        %swap3A_221 = arith.constant 64 : index
        %swap3A_222 = tpu.vector_load %arg11[%swap3A_219, %swap3A_220, %swap3A_221] {strides = array<i32>} : memref<2x80x128xf32, #tpu.memory_space<vmem>>, vector<16xf32>,
        tpu.vector_store %arg11[%swap3A_219, %swap3A_220, %swap3A_221], %mul3A_217 {strides = array<i32>} : memref<2x80x128xf32, #tpu.memory_space<vmem>>, vector<16xf32>,
        %add3A_223 = arith.constant 1 : i32
        %add3A_224 = arith.addi %mul3A_103, %add3A_223 : i32
        %get3A_225 = arith.constant 0 : i32
        %get3A_226 = arith.index_cast %get3A_225 : i32 to index
        %get3A_227 = arith.index_cast %add3A_224 : i32 to index
        %get3A_228 = arith.constant 64 : index
        %get3A_229 = tpu.vector_load %arg11[%get3A_226, %get3A_227, %get3A_228] {strides = array<i32>} : memref<2x80x128xf32, #tpu.memory_space<vmem>>, vector<16xf32>,
        %mul3A_230 = arith.mulf %get3A_229, %gather3A_109 : vector<16xf32>
        %add3A_231 = arith.constant 1 : i32
        %add3A_232 = arith.addi %mul3A_103, %add3A_231 : i32
        %swap3A_233 = arith.constant 0 : i32
        %swap3A_234 = arith.index_cast %swap3A_233 : i32 to index
        %swap3A_235 = arith.index_cast %add3A_232 : i32 to index
        %swap3A_236 = arith.constant 64 : index
        %swap3A_237 = tpu.vector_load %arg11[%swap3A_234, %swap3A_235, %swap3A_236] {strides = array<i32>} : memref<2x80x128xf32, #tpu.memory_space<vmem>>, vector<16xf32>,
        tpu.vector_store %arg11[%swap3A_234, %swap3A_235, %swap3A_236], %mul3A_230 {strides = array<i32>} : memref<2x80x128xf32, #tpu.memory_space<vmem>>, vector<16xf32>,
        %get3A_238 = arith.constant 0 : i32
        %get3A_239 = arith.index_cast %get3A_238 : i32 to index
        %get3A_240 = arith.index_cast %mul3A_103 : i32 to index
        %get3A_241 = arith.constant 80 : index
        %get3A_242 = tpu.vector_load %arg11[%get3A_239, %get3A_240, %get3A_241] {strides = array<i32>} : memref<2x80x128xf32, #tpu.memory_space<vmem>>, vector<16xf32>,
        %mul3A_243 = arith.mulf %get3A_242, %gather3A : vector<16xf32>
        %swap3A_244 = arith.constant 0 : i32
        %swap3A_245 = arith.index_cast %swap3A_244 : i32 to index
        %swap3A_246 = arith.index_cast %mul3A_103 : i32 to index
        %swap3A_247 = arith.constant 80 : index
        %swap3A_248 = tpu.vector_load %arg11[%swap3A_245, %swap3A_246, %swap3A_247] {strides = array<i32>} : memref<2x80x128xf32, #tpu.memory_space<vmem>>, vector<16xf32>,
        tpu.vector_store %arg11[%swap3A_245, %swap3A_246, %swap3A_247], %mul3A_243 {strides = array<i32>} : memref<2x80x128xf32, #tpu.memory_space<vmem>>, vector<16xf32>,
        %add3A_249 = arith.constant 1 : i32
        %add3A_250 = arith.addi %mul3A_103, %add3A_249 : i32
        %get3A_251 = arith.constant 0 : i32
        %get3A_252 = arith.index_cast %get3A_251 : i32 to index
        %get3A_253 = arith.index_cast %add3A_250 : i32 to index
        %get3A_254 = arith.constant 80 : index
        %get3A_255 = tpu.vector_load %arg11[%get3A_252, %get3A_253, %get3A_254] {strides = array<i32>} : memref<2x80x128xf32, #tpu.memory_space<vmem>>, vector<16xf32>,
        %mul3A_256 = arith.mulf %get3A_255, %gather3A_109 : vector<16xf32>
        %add3A_257 = arith.constant 1 : i32
        %add3A_258 = arith.addi %mul3A_103, %add3A_257 : i32
        %swap3A_259 = arith.constant 0 : i32
        %swap3A_260 = arith.index_cast %swap3A_259 : i32 to index
        %swap3A_261 = arith.index_cast %add3A_258 : i32 to index
        %swap3A_262 = arith.constant 80 : index
        %swap3A_263 = tpu.vector_load %arg11[%swap3A_260, %swap3A_261, %swap3A_262] {strides = array<i32>} : memref<2x80x128xf32, #tpu.memory_space<vmem>>, vector<16xf32>,
        tpu.vector_store %arg11[%swap3A_260, %swap3A_261, %swap3A_262], %mul3A_256 {strides = array<i32>} : memref<2x80x128xf32, #tpu.memory_space<vmem>>, vector<16xf32>,
        %get3A_264 = arith.constant 0 : i32
        %get3A_265 = arith.index_cast %get3A_264 : i32 to index
        %get3A_266 = arith.index_cast %mul3A_103 : i32 to index
        %get3A_267 = arith.constant 96 : index
        %get3A_268 = tpu.vector_load %arg11[%get3A_265, %get3A_266, %get3A_267] {strides = array<i32>} : memref<2x80x128xf32, #tpu.memory_space<vmem>>, vector<16xf32>,
        %mul3A_269 = arith.mulf %get3A_268, %gather3A : vector<16xf32>
        %swap3A_270 = arith.constant 0 : i32
        %swap3A_271 = arith.index_cast %swap3A_270 : i32 to index
        %swap3A_272 = arith.index_cast %mul3A_103 : i32 to index
        %swap3A_273 = arith.constant 96 : index
        %swap3A_274 = tpu.vector_load %arg11[%swap3A_271, %swap3A_272, %swap3A_273] {strides = array<i32>} : memref<2x80x128xf32, #tpu.memory_space<vmem>>, vector<16xf32>,
        tpu.vector_store %arg11[%swap3A_271, %swap3A_272, %swap3A_273], %mul3A_269 {strides = array<i32>} : memref<2x80x128xf32, #tpu.memory_space<vmem>>, vector<16xf32>,
        %add3A_275 = arith.constant 1 : i32
        %add3A_276 = arith.addi %mul3A_103, %add3A_275 : i32
        %get3A_277 = arith.constant 0 : i32
        %get3A_278 = arith.index_cast %get3A_277 : i32 to index
        %get3A_279 = arith.index_cast %add3A_276 : i32 to index
        %get3A_280 = arith.constant 96 : index
        %get3A_281 = tpu.vector_load %arg11[%get3A_278, %get3A_279, %get3A_280] {strides = array<i32>} : memref<2x80x128xf32, #tpu.memory_space<vmem>>, vector<16xf32>,
        %mul3A_282 = arith.mulf %get3A_281, %gather3A_109 : vector<16xf32>
        %add3A_283 = arith.constant 1 : i32
        %add3A_284 = arith.addi %mul3A_103, %add3A_283 : i32
        %swap3A_285 = arith.constant 0 : i32
        %swap3A_286 = arith.index_cast %swap3A_285 : i32 to index
        %swap3A_287 = arith.index_cast %add3A_284 : i32 to index
        %swap3A_288 = arith.constant 96 : index
        %swap3A_289 = tpu.vector_load %arg11[%swap3A_286, %swap3A_287, %swap3A_288] {strides = array<i32>} : memref<2x80x128xf32, #tpu.memory_space<vmem>>, vector<16xf32>,
        tpu.vector_store %arg11[%swap3A_286, %swap3A_287, %swap3A_288], %mul3A_282 {strides = array<i32>} : memref<2x80x128xf32, #tpu.memory_space<vmem>>, vector<16xf32>,
        %get3A_290 = arith.constant 0 : i32
        %get3A_291 = arith.index_cast %get3A_290 : i32 to index
        %get3A_292 = arith.index_cast %mul3A_103 : i32 to index
        %get3A_293 = arith.constant 112 : index
        %get3A_294 = tpu.vector_load %arg11[%get3A_291, %get3A_292, %get3A_293] {strides = array<i32>} : memref<2x80x128xf32, #tpu.memory_space<vmem>>, vector<16xf32>,
        %mul3A_295 = arith.mulf %get3A_294, %gather3A : vector<16xf32>
        %swap3A_296 = arith.constant 0 : i32
        %swap3A_297 = arith.index_cast %swap3A_296 : i32 to index
        %swap3A_298 = arith.index_cast %mul3A_103 : i32 to index
        %swap3A_299 = arith.constant 112 : index
        %swap3A_300 = tpu.vector_load %arg11[%swap3A_297, %swap3A_298, %swap3A_299] {strides = array<i32>} : memref<2x80x128xf32, #tpu.memory_space<vmem>>, vector<16xf32>,
        tpu.vector_store %arg11[%swap3A_297, %swap3A_298, %swap3A_299], %mul3A_295 {strides = array<i32>} : memref<2x80x128xf32, #tpu.memory_space<vmem>>, vector<16xf32>,
        %add3A_301 = arith.constant 1 : i32
        %add3A_302 = arith.addi %mul3A_103, %add3A_301 : i32
        %get3A_303 = arith.constant 0 : i32
        %get3A_304 = arith.index_cast %get3A_303 : i32 to index
        %get3A_305 = arith.index_cast %add3A_302 : i32 to index
        %get3A_306 = arith.constant 112 : index
        %get3A_307 = tpu.vector_load %arg11[%get3A_304, %get3A_305, %get3A_306] {strides = array<i32>} : memref<2x80x128xf32, #tpu.memory_space<vmem>>, vector<16xf32>,
        %mul3A_308 = arith.mulf %get3A_307, %gather3A_109 : vector<16xf32>
        %add3A_309 = arith.constant 1 : i32
        %add3A_310 = arith.addi %mul3A_103, %add3A_309 : i32
        %swap3A_311 = arith.constant 0 : i32
        %swap3A_312 = arith.index_cast %swap3A_311 : i32 to index
        %swap3A_313 = arith.index_cast %add3A_310 : i32 to index
        %swap3A_314 = arith.constant 112 : index
        %swap3A_315 = tpu.vector_load %arg11[%swap3A_312, %swap3A_313, %swap3A_314] {strides = array<i32>} : memref<2x80x128xf32, #tpu.memory_space<vmem>>, vector<16xf32>,
        tpu.vector_store %arg11[%swap3A_312, %swap3A_313, %swap3A_314], %mul3A_308 {strides = array<i32>} : memref<2x80x128xf32, #tpu.memory_space<vmem>>, vector<16xf32>,
        %scan3A_316 = arith.constant 0 : i32
        scf.yield %scan3A_316 : i32
      }
      %scan3A_67 = arith.constant 40 : i32
      %run_scoped3A = arith.constant 0 : i32
      "tpu.region"() ({
        %run_scoped3A_100 = tpu.sem_alloc : memref<!tpu.dma_semaphore, #tpu.memory_space<semaphore_mem>>
        %dma_start3A_101 = arith.constant 0 : i32
        %dma_start3A_102 = arith.constant 0 : i32
        %dma_start3A_103 = tpu.memref_slice %arg11[%run_scoped3A, %dma_start3A_101, %dma_start3A_102] : memref<2x80x128xf32, #tpu.memory_space<vmem>> -> memref<1x80x128xf32, #tpu.memory_space<vmem>>
        %dma_start3A_104 = tpu.memref_squeeze %dma_start3A_103 : memref<1x80x128xf32, #tpu.memory_space<vmem>> -> memref<80x128xf32, #tpu.memory_space<vmem>>
        %dma_start3A_105 = arith.constant 0 : i32
        %dma_start3A_106 = tpu.memref_slice %arg9[%add3A_42, %dma_start3A_105] : memref<126x80xi32, #tpu.memory_space<vmem>> -> memref<1x80xi32, #tpu.memory_space<vmem>>
        %dma_start3A_107 = tpu.memref_squeeze %dma_start3A_106 : memref<1x80xi32, #tpu.memory_space<vmem>> -> memref<80xi32, #tpu.memory_space<vmem>>
        %dma_start3A_108 = arith.constant 0 : i32
        %dma_start3A_109 = arith.constant 0 : i32
        %dma_start3A_110 = tpu.memref_slice %arg12[%dma_start3A_108, %dma_start3A_109] : memref<10000x128xf32, #tpu.memory_space<vmem_shared>> -> memref<10000x128xf32, #tpu.memory_space<vmem_shared>>
        tpu.enqueue_indirect_dma source(%dma_start3A_104 : memref<80x128xf32, #tpu.memory_space<vmem>>) target(%dma_start3A_110 : memref<10000x128xf32, #tpu.memory_space<vmem_shared>>) offsets(%dma_start3A_107 : memref<80xi32, #tpu.memory_space<vmem>>) semaphore(%run_scoped3A_100 : memref<!tpu.dma_semaphore, #tpu.memory_space<semaphore_mem>>) {add = true}
        %dma_wait3A_111 = arith.constant 0 : i32
        %dma_wait3A_112 = arith.constant 0 : i32
        %dma_wait3A_113 = tpu.memref_slice %arg11[%run_scoped3A, %dma_wait3A_111, %dma_wait3A_112] : memref<2x80x128xf32, #tpu.memory_space<vmem>> -> memref<1x80x128xf32, #tpu.memory_space<vmem>>
        %dma_wait3A_114 = tpu.memref_squeeze %dma_wait3A_113 : memref<1x80x128xf32, #tpu.memory_space<vmem>> -> memref<80x128xf32, #tpu.memory_space<vmem>>
        %dma_wait3A_115 = arith.constant 0 : i32
        %dma_wait3A_116 = tpu.memref_slice %arg9[%add3A_42, %dma_wait3A_115] : memref<126x80xi32, #tpu.memory_space<vmem>> -> memref<1x80xi32, #tpu.memory_space<vmem>>
        %dma_wait3A_117 = tpu.memref_squeeze %dma_wait3A_116 : memref<1x80xi32, #tpu.memory_space<vmem>> -> memref<80xi32, #tpu.memory_space<vmem>>
        %dma_wait3A_118 = arith.constant 0 : i32
        %dma_wait3A_119 = arith.constant 0 : i32
        %dma_wait3A_120 = tpu.memref_slice %arg12[%dma_wait3A_118, %dma_wait3A_119] : memref<10000x128xf32, #tpu.memory_space<vmem_shared>> -> memref<10000x128xf32, #tpu.memory_space<vmem_shared>>
        tpu.wait_indirect_dma semaphore(%run_scoped3A_100 : memref<!tpu.dma_semaphore, #tpu.memory_space<semaphore_mem>>) src(%dma_wait3A_114 : memref<80x128xf32, #tpu.memory_space<vmem>>) dst(%dma_wait3A_120 : memref<10000x128xf32, #tpu.memory_space<vmem_shared>>)
        tpu.yield
      }) : () -> ()
      %mul3A_68 = arith.constant 2 : i32
      %mul3A_69 = arith.muli %mul3A_68, %scan3A_37 : i32
      %add3A_70 = arith.constant 1 : i32
      %add3A_71 = arith.addi %mul3A_69, %add3A_70 : i32
      %dma_wait3A_72 = arith.constant 0 : i32
      %dma_wait3A_73 = arith.constant 1 : i32
      %dma_wait3A_74 = arith.constant 0 : i32
      %dma_wait3A_75 = arith.constant 0 : i32
      %dma_wait3A_76 = tpu.memref_slice %arg11[%dma_wait3A_73, %dma_wait3A_74, %dma_wait3A_75] : memref<2x80x128xf32, #tpu.memory_space<vmem>> -> memref<1x80x128xf32, #tpu.memory_space<vmem>>
      %dma_wait3A_77 = tpu.memref_squeeze %dma_wait3A_76 : memref<1x80x128xf32, #tpu.memory_space<vmem>> -> memref<80x128xf32, #tpu.memory_space<vmem>>
      %dma_wait3A_78 = arith.constant 0 : i32
      %dma_wait3A_79 = tpu.memref_slice %arg8[%dma_wait3A_72, %dma_wait3A_78] : memref<126x80xi32, #tpu.memory_space<vmem>> -> memref<1x80xi32, #tpu.memory_space<vmem>>
      %dma_wait3A_80 = tpu.memref_squeeze %dma_wait3A_79 : memref<1x80xi32, #tpu.memory_space<vmem>> -> memref<80xi32, #tpu.memory_space<vmem>>
      %dma_wait3A_81 = arith.constant 0 : i32
      %dma_wait3A_82 = arith.constant 0 : i32
      %dma_wait3A_83 = tpu.memref_slice %arg2[%dma_wait3A_81, %dma_wait3A_82] : memref<10000x128xf32, #tpu.memory_space<hbm>> -> memref<10000x128xf32, #tpu.memory_space<hbm>>
      tpu.wait_indirect_dma semaphore(%arg14 : memref<!tpu.dma_semaphore, #tpu.memory_space<semaphore_mem>>) src(%dma_wait3A_83 : memref<10000x128xf32, #tpu.memory_space<hbm>>) dst(%dma_wait3A_77 : memref<80x128xf32, #tpu.memory_space<vmem>>)
      %add3A_84 = arith.constant 1 : i32
      %add3A_85 = arith.addi %add3A_71, %add3A_84 : i32
      %lt3A_86 = arith.constant 126 : i32
      %lt3A_87 = arith.cmpi slt, %add3A_85, %lt3A_86 : i32
      %convert_element_type3A_88 = arith.extui %lt3A_87 : i1 to i32
      %cond3A_89 = arith.constant 0 : i32
      %cond3A_90 = arith.cmpi ne, %convert_element_type3A_88, %cond3A_89 : i32
      scf.if %cond3A_90 {
        %add3A_100 = arith.constant 1 : i32
        %add3A_101 = arith.addi %add3A_71, %add3A_100 : i32
        %dma_start3A_102 = arith.constant 0 : i32
        %dma_start3A_103 = arith.constant 0 : i32
        %dma_start3A_104 = arith.constant 0 : i32
        %dma_start3A_105 = tpu.memref_slice %arg11[%dma_start3A_102, %dma_start3A_103, %dma_start3A_104] : memref<2x80x128xf32, #tpu.memory_space<vmem>> -> memref<1x80x128xf32, #tpu.memory_space<vmem>>
        %dma_start3A_106 = tpu.memref_squeeze %dma_start3A_105 : memref<1x80x128xf32, #tpu.memory_space<vmem>> -> memref<80x128xf32, #tpu.memory_space<vmem>>
        %dma_start3A_107 = arith.constant 0 : i32
        %dma_start3A_108 = tpu.memref_slice %arg8[%add3A_101, %dma_start3A_107] : memref<126x80xi32, #tpu.memory_space<vmem>> -> memref<1x80xi32, #tpu.memory_space<vmem>>
        %dma_start3A_109 = tpu.memref_squeeze %dma_start3A_108 : memref<1x80xi32, #tpu.memory_space<vmem>> -> memref<80xi32, #tpu.memory_space<vmem>>
        %dma_start3A_110 = arith.constant 0 : i32
        %dma_start3A_111 = arith.constant 0 : i32
        %dma_start3A_112 = tpu.memref_slice %arg2[%dma_start3A_110, %dma_start3A_111] : memref<10000x128xf32, #tpu.memory_space<hbm>> -> memref<10000x128xf32, #tpu.memory_space<hbm>>
        tpu.enqueue_indirect_dma source(%dma_start3A_112 : memref<10000x128xf32, #tpu.memory_space<hbm>>) target(%dma_start3A_106 : memref<80x128xf32, #tpu.memory_space<vmem>>) offsets(%dma_start3A_109 : memref<80xi32, #tpu.memory_space<vmem>>) semaphore(%arg13 : memref<!tpu.dma_semaphore, #tpu.memory_space<semaphore_mem>>)
      } else {
      }
      %scan3A_91 = arith.constant 0 : i32
      %scan3A_92 = arith.constant 0 : i32
      %scan3A_93 = arith.constant 40 : i32
      %scan3A_94 = arith.addi %scan3A_92, %scan3A_93 : i32
      %scan3A_95 = arith.constant 1 : i32
      %scan3A_96 = scf.for %scan3A_100 = %scan3A_92 to %scan3A_94 step %scan3A_95 iter_args(%scan3A_101 = %scan3A_91) -> (i32)  : i32 {
        %mul3A_102 = arith.constant 2 : i32
        %mul3A_103 = arith.muli %mul3A_102, %scan3A_100 : i32
        %broadcast_in_dim3A = vector.broadcast %add3A_71 : i32 to vector<16xi32>
        %broadcast_in_dim3A_104 = vector.broadcast %mul3A_103 : i32 to vector<16xi32>
        %gather3A = tpu.vector_load_idx %arg10[%broadcast_in_dim3A, %broadcast_in_dim3A_104] : memref<126x80xf32, #tpu.memory_space<vmem>>[vector<16xi32>, vector<16xi32>], vector<16xf32>,
        %broadcast_in_dim3A_105 = vector.broadcast %add3A_71 : i32 to vector<16xi32>
        %add3A_106 = arith.constant 1 : i32
        %add3A_107 = arith.addi %mul3A_103, %add3A_106 : i32
        %broadcast_in_dim3A_108 = vector.broadcast %add3A_107 : i32 to vector<16xi32>
        %gather3A_109 = tpu.vector_load_idx %arg10[%broadcast_in_dim3A_105, %broadcast_in_dim3A_108] : memref<126x80xf32, #tpu.memory_space<vmem>>[vector<16xi32>, vector<16xi32>], vector<16xf32>,
        %get3A = arith.constant 1 : i32
        %get3A_110 = arith.index_cast %get3A : i32 to index
        %get3A_111 = arith.index_cast %mul3A_103 : i32 to index
        %get3A_112 = arith.constant 0 : index
        %get3A_113 = tpu.vector_load %arg11[%get3A_110, %get3A_111, %get3A_112] {strides = array<i32>} : memref<2x80x128xf32, #tpu.memory_space<vmem>>, vector<16xf32>,
        %mul3A_114 = arith.mulf %get3A_113, %gather3A : vector<16xf32>
        %swap3A = arith.constant 1 : i32
        %swap3A_115 = arith.index_cast %swap3A : i32 to index
        %swap3A_116 = arith.index_cast %mul3A_103 : i32 to index
        %swap3A_117 = arith.constant 0 : index
        %swap3A_118 = tpu.vector_load %arg11[%swap3A_115, %swap3A_116, %swap3A_117] {strides = array<i32>} : memref<2x80x128xf32, #tpu.memory_space<vmem>>, vector<16xf32>,
        tpu.vector_store %arg11[%swap3A_115, %swap3A_116, %swap3A_117], %mul3A_114 {strides = array<i32>} : memref<2x80x128xf32, #tpu.memory_space<vmem>>, vector<16xf32>,
        %add3A_119 = arith.constant 1 : i32
        %add3A_120 = arith.addi %mul3A_103, %add3A_119 : i32
        %get3A_121 = arith.constant 1 : i32
        %get3A_122 = arith.index_cast %get3A_121 : i32 to index
        %get3A_123 = arith.index_cast %add3A_120 : i32 to index
        %get3A_124 = arith.constant 0 : index
        %get3A_125 = tpu.vector_load %arg11[%get3A_122, %get3A_123, %get3A_124] {strides = array<i32>} : memref<2x80x128xf32, #tpu.memory_space<vmem>>, vector<16xf32>,
        %mul3A_126 = arith.mulf %get3A_125, %gather3A_109 : vector<16xf32>
        %add3A_127 = arith.constant 1 : i32
        %add3A_128 = arith.addi %mul3A_103, %add3A_127 : i32
        %swap3A_129 = arith.constant 1 : i32
        %swap3A_130 = arith.index_cast %swap3A_129 : i32 to index
        %swap3A_131 = arith.index_cast %add3A_128 : i32 to index
        %swap3A_132 = arith.constant 0 : index
        %swap3A_133 = tpu.vector_load %arg11[%swap3A_130, %swap3A_131, %swap3A_132] {strides = array<i32>} : memref<2x80x128xf32, #tpu.memory_space<vmem>>, vector<16xf32>,
        tpu.vector_store %arg11[%swap3A_130, %swap3A_131, %swap3A_132], %mul3A_126 {strides = array<i32>} : memref<2x80x128xf32, #tpu.memory_space<vmem>>, vector<16xf32>,
        %get3A_134 = arith.constant 1 : i32
        %get3A_135 = arith.index_cast %get3A_134 : i32 to index
        %get3A_136 = arith.index_cast %mul3A_103 : i32 to index
        %get3A_137 = arith.constant 16 : index
        %get3A_138 = tpu.vector_load %arg11[%get3A_135, %get3A_136, %get3A_137] {strides = array<i32>} : memref<2x80x128xf32, #tpu.memory_space<vmem>>, vector<16xf32>,
        %mul3A_139 = arith.mulf %get3A_138, %gather3A : vector<16xf32>
        %swap3A_140 = arith.constant 1 : i32
        %swap3A_141 = arith.index_cast %swap3A_140 : i32 to index
        %swap3A_142 = arith.index_cast %mul3A_103 : i32 to index
        %swap3A_143 = arith.constant 16 : index
        %swap3A_144 = tpu.vector_load %arg11[%swap3A_141, %swap3A_142, %swap3A_143] {strides = array<i32>} : memref<2x80x128xf32, #tpu.memory_space<vmem>>, vector<16xf32>,
        tpu.vector_store %arg11[%swap3A_141, %swap3A_142, %swap3A_143], %mul3A_139 {strides = array<i32>} : memref<2x80x128xf32, #tpu.memory_space<vmem>>, vector<16xf32>,
        %add3A_145 = arith.constant 1 : i32
        %add3A_146 = arith.addi %mul3A_103, %add3A_145 : i32
        %get3A_147 = arith.constant 1 : i32
        %get3A_148 = arith.index_cast %get3A_147 : i32 to index
        %get3A_149 = arith.index_cast %add3A_146 : i32 to index
        %get3A_150 = arith.constant 16 : index
        %get3A_151 = tpu.vector_load %arg11[%get3A_148, %get3A_149, %get3A_150] {strides = array<i32>} : memref<2x80x128xf32, #tpu.memory_space<vmem>>, vector<16xf32>,
        %mul3A_152 = arith.mulf %get3A_151, %gather3A_109 : vector<16xf32>
        %add3A_153 = arith.constant 1 : i32
        %add3A_154 = arith.addi %mul3A_103, %add3A_153 : i32
        %swap3A_155 = arith.constant 1 : i32
        %swap3A_156 = arith.index_cast %swap3A_155 : i32 to index
        %swap3A_157 = arith.index_cast %add3A_154 : i32 to index
        %swap3A_158 = arith.constant 16 : index
        %swap3A_159 = tpu.vector_load %arg11[%swap3A_156, %swap3A_157, %swap3A_158] {strides = array<i32>} : memref<2x80x128xf32, #tpu.memory_space<vmem>>, vector<16xf32>,
        tpu.vector_store %arg11[%swap3A_156, %swap3A_157, %swap3A_158], %mul3A_152 {strides = array<i32>} : memref<2x80x128xf32, #tpu.memory_space<vmem>>, vector<16xf32>,
        %get3A_160 = arith.constant 1 : i32
        %get3A_161 = arith.index_cast %get3A_160 : i32 to index
        %get3A_162 = arith.index_cast %mul3A_103 : i32 to index
        %get3A_163 = arith.constant 32 : index
        %get3A_164 = tpu.vector_load %arg11[%get3A_161, %get3A_162, %get3A_163] {strides = array<i32>} : memref<2x80x128xf32, #tpu.memory_space<vmem>>, vector<16xf32>,
        %mul3A_165 = arith.mulf %get3A_164, %gather3A : vector<16xf32>
        %swap3A_166 = arith.constant 1 : i32
        %swap3A_167 = arith.index_cast %swap3A_166 : i32 to index
        %swap3A_168 = arith.index_cast %mul3A_103 : i32 to index
        %swap3A_169 = arith.constant 32 : index
        %swap3A_170 = tpu.vector_load %arg11[%swap3A_167, %swap3A_168, %swap3A_169] {strides = array<i32>} : memref<2x80x128xf32, #tpu.memory_space<vmem>>, vector<16xf32>,
        tpu.vector_store %arg11[%swap3A_167, %swap3A_168, %swap3A_169], %mul3A_165 {strides = array<i32>} : memref<2x80x128xf32, #tpu.memory_space<vmem>>, vector<16xf32>,
        %add3A_171 = arith.constant 1 : i32
        %add3A_172 = arith.addi %mul3A_103, %add3A_171 : i32
        %get3A_173 = arith.constant 1 : i32
        %get3A_174 = arith.index_cast %get3A_173 : i32 to index
        %get3A_175 = arith.index_cast %add3A_172 : i32 to index
        %get3A_176 = arith.constant 32 : index
        %get3A_177 = tpu.vector_load %arg11[%get3A_174, %get3A_175, %get3A_176] {strides = array<i32>} : memref<2x80x128xf32, #tpu.memory_space<vmem>>, vector<16xf32>,
        %mul3A_178 = arith.mulf %get3A_177, %gather3A_109 : vector<16xf32>
        %add3A_179 = arith.constant 1 : i32
        %add3A_180 = arith.addi %mul3A_103, %add3A_179 : i32
        %swap3A_181 = arith.constant 1 : i32
        %swap3A_182 = arith.index_cast %swap3A_181 : i32 to index
        %swap3A_183 = arith.index_cast %add3A_180 : i32 to index
        %swap3A_184 = arith.constant 32 : index
        %swap3A_185 = tpu.vector_load %arg11[%swap3A_182, %swap3A_183, %swap3A_184] {strides = array<i32>} : memref<2x80x128xf32, #tpu.memory_space<vmem>>, vector<16xf32>,
        tpu.vector_store %arg11[%swap3A_182, %swap3A_183, %swap3A_184], %mul3A_178 {strides = array<i32>} : memref<2x80x128xf32, #tpu.memory_space<vmem>>, vector<16xf32>,
        %get3A_186 = arith.constant 1 : i32
        %get3A_187 = arith.index_cast %get3A_186 : i32 to index
        %get3A_188 = arith.index_cast %mul3A_103 : i32 to index
        %get3A_189 = arith.constant 48 : index
        %get3A_190 = tpu.vector_load %arg11[%get3A_187, %get3A_188, %get3A_189] {strides = array<i32>} : memref<2x80x128xf32, #tpu.memory_space<vmem>>, vector<16xf32>,
        %mul3A_191 = arith.mulf %get3A_190, %gather3A : vector<16xf32>
        %swap3A_192 = arith.constant 1 : i32
        %swap3A_193 = arith.index_cast %swap3A_192 : i32 to index
        %swap3A_194 = arith.index_cast %mul3A_103 : i32 to index
        %swap3A_195 = arith.constant 48 : index
        %swap3A_196 = tpu.vector_load %arg11[%swap3A_193, %swap3A_194, %swap3A_195] {strides = array<i32>} : memref<2x80x128xf32, #tpu.memory_space<vmem>>, vector<16xf32>,
        tpu.vector_store %arg11[%swap3A_193, %swap3A_194, %swap3A_195], %mul3A_191 {strides = array<i32>} : memref<2x80x128xf32, #tpu.memory_space<vmem>>, vector<16xf32>,
        %add3A_197 = arith.constant 1 : i32
        %add3A_198 = arith.addi %mul3A_103, %add3A_197 : i32
        %get3A_199 = arith.constant 1 : i32
        %get3A_200 = arith.index_cast %get3A_199 : i32 to index
        %get3A_201 = arith.index_cast %add3A_198 : i32 to index
        %get3A_202 = arith.constant 48 : index
        %get3A_203 = tpu.vector_load %arg11[%get3A_200, %get3A_201, %get3A_202] {strides = array<i32>} : memref<2x80x128xf32, #tpu.memory_space<vmem>>, vector<16xf32>,
        %mul3A_204 = arith.mulf %get3A_203, %gather3A_109 : vector<16xf32>
        %add3A_205 = arith.constant 1 : i32
        %add3A_206 = arith.addi %mul3A_103, %add3A_205 : i32
        %swap3A_207 = arith.constant 1 : i32
        %swap3A_208 = arith.index_cast %swap3A_207 : i32 to index
        %swap3A_209 = arith.index_cast %add3A_206 : i32 to index
        %swap3A_210 = arith.constant 48 : index
        %swap3A_211 = tpu.vector_load %arg11[%swap3A_208, %swap3A_209, %swap3A_210] {strides = array<i32>} : memref<2x80x128xf32, #tpu.memory_space<vmem>>, vector<16xf32>,
        tpu.vector_store %arg11[%swap3A_208, %swap3A_209, %swap3A_210], %mul3A_204 {strides = array<i32>} : memref<2x80x128xf32, #tpu.memory_space<vmem>>, vector<16xf32>,
        %get3A_212 = arith.constant 1 : i32
        %get3A_213 = arith.index_cast %get3A_212 : i32 to index
        %get3A_214 = arith.index_cast %mul3A_103 : i32 to index
        %get3A_215 = arith.constant 64 : index
        %get3A_216 = tpu.vector_load %arg11[%get3A_213, %get3A_214, %get3A_215] {strides = array<i32>} : memref<2x80x128xf32, #tpu.memory_space<vmem>>, vector<16xf32>,
        %mul3A_217 = arith.mulf %get3A_216, %gather3A : vector<16xf32>
        %swap3A_218 = arith.constant 1 : i32
        %swap3A_219 = arith.index_cast %swap3A_218 : i32 to index
        %swap3A_220 = arith.index_cast %mul3A_103 : i32 to index
        %swap3A_221 = arith.constant 64 : index
        %swap3A_222 = tpu.vector_load %arg11[%swap3A_219, %swap3A_220, %swap3A_221] {strides = array<i32>} : memref<2x80x128xf32, #tpu.memory_space<vmem>>, vector<16xf32>,
        tpu.vector_store %arg11[%swap3A_219, %swap3A_220, %swap3A_221], %mul3A_217 {strides = array<i32>} : memref<2x80x128xf32, #tpu.memory_space<vmem>>, vector<16xf32>,
        %add3A_223 = arith.constant 1 : i32
        %add3A_224 = arith.addi %mul3A_103, %add3A_223 : i32
        %get3A_225 = arith.constant 1 : i32
        %get3A_226 = arith.index_cast %get3A_225 : i32 to index
        %get3A_227 = arith.index_cast %add3A_224 : i32 to index
        %get3A_228 = arith.constant 64 : index
        %get3A_229 = tpu.vector_load %arg11[%get3A_226, %get3A_227, %get3A_228] {strides = array<i32>} : memref<2x80x128xf32, #tpu.memory_space<vmem>>, vector<16xf32>,
        %mul3A_230 = arith.mulf %get3A_229, %gather3A_109 : vector<16xf32>
        %add3A_231 = arith.constant 1 : i32
        %add3A_232 = arith.addi %mul3A_103, %add3A_231 : i32
        %swap3A_233 = arith.constant 1 : i32
        %swap3A_234 = arith.index_cast %swap3A_233 : i32 to index
        %swap3A_235 = arith.index_cast %add3A_232 : i32 to index
        %swap3A_236 = arith.constant 64 : index
        %swap3A_237 = tpu.vector_load %arg11[%swap3A_234, %swap3A_235, %swap3A_236] {strides = array<i32>} : memref<2x80x128xf32, #tpu.memory_space<vmem>>, vector<16xf32>,
        tpu.vector_store %arg11[%swap3A_234, %swap3A_235, %swap3A_236], %mul3A_230 {strides = array<i32>} : memref<2x80x128xf32, #tpu.memory_space<vmem>>, vector<16xf32>,
        %get3A_238 = arith.constant 1 : i32
        %get3A_239 = arith.index_cast %get3A_238 : i32 to index
        %get3A_240 = arith.index_cast %mul3A_103 : i32 to index
        %get3A_241 = arith.constant 80 : index
        %get3A_242 = tpu.vector_load %arg11[%get3A_239, %get3A_240, %get3A_241] {strides = array<i32>} : memref<2x80x128xf32, #tpu.memory_space<vmem>>, vector<16xf32>,
        %mul3A_243 = arith.mulf %get3A_242, %gather3A : vector<16xf32>
        %swap3A_244 = arith.constant 1 : i32
        %swap3A_245 = arith.index_cast %swap3A_244 : i32 to index
        %swap3A_246 = arith.index_cast %mul3A_103 : i32 to index
        %swap3A_247 = arith.constant 80 : index
        %swap3A_248 = tpu.vector_load %arg11[%swap3A_245, %swap3A_246, %swap3A_247] {strides = array<i32>} : memref<2x80x128xf32, #tpu.memory_space<vmem>>, vector<16xf32>,
        tpu.vector_store %arg11[%swap3A_245, %swap3A_246, %swap3A_247], %mul3A_243 {strides = array<i32>} : memref<2x80x128xf32, #tpu.memory_space<vmem>>, vector<16xf32>,
        %add3A_249 = arith.constant 1 : i32
        %add3A_250 = arith.addi %mul3A_103, %add3A_249 : i32
        %get3A_251 = arith.constant 1 : i32
        %get3A_252 = arith.index_cast %get3A_251 : i32 to index
        %get3A_253 = arith.index_cast %add3A_250 : i32 to index
        %get3A_254 = arith.constant 80 : index
        %get3A_255 = tpu.vector_load %arg11[%get3A_252, %get3A_253, %get3A_254] {strides = array<i32>} : memref<2x80x128xf32, #tpu.memory_space<vmem>>, vector<16xf32>,
        %mul3A_256 = arith.mulf %get3A_255, %gather3A_109 : vector<16xf32>
        %add3A_257 = arith.constant 1 : i32
        %add3A_258 = arith.addi %mul3A_103, %add3A_257 : i32
        %swap3A_259 = arith.constant 1 : i32
        %swap3A_260 = arith.index_cast %swap3A_259 : i32 to index
        %swap3A_261 = arith.index_cast %add3A_258 : i32 to index
        %swap3A_262 = arith.constant 80 : index
        %swap3A_263 = tpu.vector_load %arg11[%swap3A_260, %swap3A_261, %swap3A_262] {strides = array<i32>} : memref<2x80x128xf32, #tpu.memory_space<vmem>>, vector<16xf32>,
        tpu.vector_store %arg11[%swap3A_260, %swap3A_261, %swap3A_262], %mul3A_256 {strides = array<i32>} : memref<2x80x128xf32, #tpu.memory_space<vmem>>, vector<16xf32>,
        %get3A_264 = arith.constant 1 : i32
        %get3A_265 = arith.index_cast %get3A_264 : i32 to index
        %get3A_266 = arith.index_cast %mul3A_103 : i32 to index
        %get3A_267 = arith.constant 96 : index
        %get3A_268 = tpu.vector_load %arg11[%get3A_265, %get3A_266, %get3A_267] {strides = array<i32>} : memref<2x80x128xf32, #tpu.memory_space<vmem>>, vector<16xf32>,
        %mul3A_269 = arith.mulf %get3A_268, %gather3A : vector<16xf32>
        %swap3A_270 = arith.constant 1 : i32
        %swap3A_271 = arith.index_cast %swap3A_270 : i32 to index
        %swap3A_272 = arith.index_cast %mul3A_103 : i32 to index
        %swap3A_273 = arith.constant 96 : index
        %swap3A_274 = tpu.vector_load %arg11[%swap3A_271, %swap3A_272, %swap3A_273] {strides = array<i32>} : memref<2x80x128xf32, #tpu.memory_space<vmem>>, vector<16xf32>,
        tpu.vector_store %arg11[%swap3A_271, %swap3A_272, %swap3A_273], %mul3A_269 {strides = array<i32>} : memref<2x80x128xf32, #tpu.memory_space<vmem>>, vector<16xf32>,
        %add3A_275 = arith.constant 1 : i32
        %add3A_276 = arith.addi %mul3A_103, %add3A_275 : i32
        %get3A_277 = arith.constant 1 : i32
        %get3A_278 = arith.index_cast %get3A_277 : i32 to index
        %get3A_279 = arith.index_cast %add3A_276 : i32 to index
        %get3A_280 = arith.constant 96 : index
        %get3A_281 = tpu.vector_load %arg11[%get3A_278, %get3A_279, %get3A_280] {strides = array<i32>} : memref<2x80x128xf32, #tpu.memory_space<vmem>>, vector<16xf32>,
        %mul3A_282 = arith.mulf %get3A_281, %gather3A_109 : vector<16xf32>
        %add3A_283 = arith.constant 1 : i32
        %add3A_284 = arith.addi %mul3A_103, %add3A_283 : i32
        %swap3A_285 = arith.constant 1 : i32
        %swap3A_286 = arith.index_cast %swap3A_285 : i32 to index
        %swap3A_287 = arith.index_cast %add3A_284 : i32 to index
        %swap3A_288 = arith.constant 96 : index
        %swap3A_289 = tpu.vector_load %arg11[%swap3A_286, %swap3A_287, %swap3A_288] {strides = array<i32>} : memref<2x80x128xf32, #tpu.memory_space<vmem>>, vector<16xf32>,
        tpu.vector_store %arg11[%swap3A_286, %swap3A_287, %swap3A_288], %mul3A_282 {strides = array<i32>} : memref<2x80x128xf32, #tpu.memory_space<vmem>>, vector<16xf32>,
        %get3A_290 = arith.constant 1 : i32
        %get3A_291 = arith.index_cast %get3A_290 : i32 to index
        %get3A_292 = arith.index_cast %mul3A_103 : i32 to index
        %get3A_293 = arith.constant 112 : index
        %get3A_294 = tpu.vector_load %arg11[%get3A_291, %get3A_292, %get3A_293] {strides = array<i32>} : memref<2x80x128xf32, #tpu.memory_space<vmem>>, vector<16xf32>,
        %mul3A_295 = arith.mulf %get3A_294, %gather3A : vector<16xf32>
        %swap3A_296 = arith.constant 1 : i32
        %swap3A_297 = arith.index_cast %swap3A_296 : i32 to index
        %swap3A_298 = arith.index_cast %mul3A_103 : i32 to index
        %swap3A_299 = arith.constant 112 : index
        %swap3A_300 = tpu.vector_load %arg11[%swap3A_297, %swap3A_298, %swap3A_299] {strides = array<i32>} : memref<2x80x128xf32, #tpu.memory_space<vmem>>, vector<16xf32>,
        tpu.vector_store %arg11[%swap3A_297, %swap3A_298, %swap3A_299], %mul3A_295 {strides = array<i32>} : memref<2x80x128xf32, #tpu.memory_space<vmem>>, vector<16xf32>,
        %add3A_301 = arith.constant 1 : i32
        %add3A_302 = arith.addi %mul3A_103, %add3A_301 : i32
        %get3A_303 = arith.constant 1 : i32
        %get3A_304 = arith.index_cast %get3A_303 : i32 to index
        %get3A_305 = arith.index_cast %add3A_302 : i32 to index
        %get3A_306 = arith.constant 112 : index
        %get3A_307 = tpu.vector_load %arg11[%get3A_304, %get3A_305, %get3A_306] {strides = array<i32>} : memref<2x80x128xf32, #tpu.memory_space<vmem>>, vector<16xf32>,
        %mul3A_308 = arith.mulf %get3A_307, %gather3A_109 : vector<16xf32>
        %add3A_309 = arith.constant 1 : i32
        %add3A_310 = arith.addi %mul3A_103, %add3A_309 : i32
        %swap3A_311 = arith.constant 1 : i32
        %swap3A_312 = arith.index_cast %swap3A_311 : i32 to index
        %swap3A_313 = arith.index_cast %add3A_310 : i32 to index
        %swap3A_314 = arith.constant 112 : index
        %swap3A_315 = tpu.vector_load %arg11[%swap3A_312, %swap3A_313, %swap3A_314] {strides = array<i32>} : memref<2x80x128xf32, #tpu.memory_space<vmem>>, vector<16xf32>,
        tpu.vector_store %arg11[%swap3A_312, %swap3A_313, %swap3A_314], %mul3A_308 {strides = array<i32>} : memref<2x80x128xf32, #tpu.memory_space<vmem>>, vector<16xf32>,
        %scan3A_316 = arith.constant 0 : i32
        scf.yield %scan3A_316 : i32
      }
      %scan3A_97 = arith.constant 40 : i32
      %run_scoped3A_98 = arith.constant 1 : i32
      "tpu.region"() ({
        %run_scoped3A_100 = tpu.sem_alloc : memref<!tpu.dma_semaphore, #tpu.memory_space<semaphore_mem>>
        %dma_start3A_101 = arith.constant 0 : i32
        %dma_start3A_102 = arith.constant 0 : i32
        %dma_start3A_103 = tpu.memref_slice %arg11[%run_scoped3A_98, %dma_start3A_101, %dma_start3A_102] : memref<2x80x128xf32, #tpu.memory_space<vmem>> -> memref<1x80x128xf32, #tpu.memory_space<vmem>>
        %dma_start3A_104 = tpu.memref_squeeze %dma_start3A_103 : memref<1x80x128xf32, #tpu.memory_space<vmem>> -> memref<80x128xf32, #tpu.memory_space<vmem>>
        %dma_start3A_105 = arith.constant 0 : i32
        %dma_start3A_106 = tpu.memref_slice %arg9[%add3A_71, %dma_start3A_105] : memref<126x80xi32, #tpu.memory_space<vmem>> -> memref<1x80xi32, #tpu.memory_space<vmem>>
        %dma_start3A_107 = tpu.memref_squeeze %dma_start3A_106 : memref<1x80xi32, #tpu.memory_space<vmem>> -> memref<80xi32, #tpu.memory_space<vmem>>
        %dma_start3A_108 = arith.constant 0 : i32
        %dma_start3A_109 = arith.constant 0 : i32
        %dma_start3A_110 = tpu.memref_slice %arg12[%dma_start3A_108, %dma_start3A_109] : memref<10000x128xf32, #tpu.memory_space<vmem_shared>> -> memref<10000x128xf32, #tpu.memory_space<vmem_shared>>
        tpu.enqueue_indirect_dma source(%dma_start3A_104 : memref<80x128xf32, #tpu.memory_space<vmem>>) target(%dma_start3A_110 : memref<10000x128xf32, #tpu.memory_space<vmem_shared>>) offsets(%dma_start3A_107 : memref<80xi32, #tpu.memory_space<vmem>>) semaphore(%run_scoped3A_100 : memref<!tpu.dma_semaphore, #tpu.memory_space<semaphore_mem>>) {add = true}
        %dma_wait3A_111 = arith.constant 0 : i32
        %dma_wait3A_112 = arith.constant 0 : i32
        %dma_wait3A_113 = tpu.memref_slice %arg11[%run_scoped3A_98, %dma_wait3A_111, %dma_wait3A_112] : memref<2x80x128xf32, #tpu.memory_space<vmem>> -> memref<1x80x128xf32, #tpu.memory_space<vmem>>
        %dma_wait3A_114 = tpu.memref_squeeze %dma_wait3A_113 : memref<1x80x128xf32, #tpu.memory_space<vmem>> -> memref<80x128xf32, #tpu.memory_space<vmem>>
        %dma_wait3A_115 = arith.constant 0 : i32
        %dma_wait3A_116 = tpu.memref_slice %arg9[%add3A_71, %dma_wait3A_115] : memref<126x80xi32, #tpu.memory_space<vmem>> -> memref<1x80xi32, #tpu.memory_space<vmem>>
        %dma_wait3A_117 = tpu.memref_squeeze %dma_wait3A_116 : memref<1x80xi32, #tpu.memory_space<vmem>> -> memref<80xi32, #tpu.memory_space<vmem>>
        %dma_wait3A_118 = arith.constant 0 : i32
        %dma_wait3A_119 = arith.constant 0 : i32
        %dma_wait3A_120 = tpu.memref_slice %arg12[%dma_wait3A_118, %dma_wait3A_119] : memref<10000x128xf32, #tpu.memory_space<vmem_shared>> -> memref<10000x128xf32, #tpu.memory_space<vmem_shared>>
        tpu.wait_indirect_dma semaphore(%run_scoped3A_100 : memref<!tpu.dma_semaphore, #tpu.memory_space<semaphore_mem>>) src(%dma_wait3A_114 : memref<80x128xf32, #tpu.memory_space<vmem>>) dst(%dma_wait3A_120 : memref<10000x128xf32, #tpu.memory_space<vmem_shared>>)
        tpu.yield
      }) : () -> ()
      %scan3A_99 = arith.constant 0 : i32
      scf.yield %scan3A_99 : i32
    }
    %scan3A_25 = arith.constant 63 : i32
    %barrier3A_26 = arith.constant 0 : index
    tpu.barrier barrier_id(%barrier3A_26)
    %lt3A_27 = arith.constant 15 : i32
    %lt3A_28 = arith.cmpi slt, %arg1, %lt3A_27 : i32
    %convert_element_type3A_29 = arith.extui %lt3A_28 : i1 to i32
    %cond3A_30 = arith.constant 0 : i32
    %cond3A_31 = arith.cmpi ne, %convert_element_type3A_29, %cond3A_30 : i32
    scf.if %cond3A_31 {
      "tpu.region"() ({
        %run_scoped3A = tpu.sem_alloc : memref<!tpu.dma_semaphore, #tpu.memory_space<semaphore_mem>>
        %dma_start3A_37 = arith.constant 0 : i32
        %dma_start3A_38 = tpu.memref_slice %arg7[%arg0, %mul3A_2, %dma_start3A_37] : memref<2x10000x128xf32, #tpu.memory_space<hbm>> -> memref<1x624x128xf32, #tpu.memory_space<hbm>>
        %dma_start3A_39 = tpu.memref_squeeze %dma_start3A_38 : memref<1x624x128xf32, #tpu.memory_space<hbm>> -> memref<624x128xf32, #tpu.memory_space<hbm>>
        %dma_start3A_40 = arith.constant 0 : i32
        %dma_start3A_41 = tpu.memref_slice %arg12[%mul3A_2, %dma_start3A_40] : memref<10000x128xf32, #tpu.memory_space<vmem_shared>> -> memref<624x128xf32, #tpu.memory_space<vmem_shared>>
        tpu.enqueue_dma source(%dma_start3A_41 : memref<624x128xf32, #tpu.memory_space<vmem_shared>>) target(%dma_start3A_39 : memref<624x128xf32, #tpu.memory_space<hbm>>) target_semaphore(%run_scoped3A : memref<!tpu.dma_semaphore, #tpu.memory_space<semaphore_mem>>)
        %dma_wait3A = arith.constant 0 : i32
        %dma_wait3A_42 = tpu.memref_slice %arg7[%arg0, %mul3A_2, %dma_wait3A] : memref<2x10000x128xf32, #tpu.memory_space<hbm>> -> memref<1x624x128xf32, #tpu.memory_space<hbm>>
        %dma_wait3A_43 = tpu.memref_squeeze %dma_wait3A_42 : memref<1x624x128xf32, #tpu.memory_space<hbm>> -> memref<624x128xf32, #tpu.memory_space<hbm>>
        %dma_wait3A_44 = arith.constant 0 : i32
        %dma_wait3A_45 = tpu.memref_slice %arg12[%mul3A_2, %dma_wait3A_44] : memref<10000x128xf32, #tpu.memory_space<vmem_shared>> -> memref<624x128xf32, #tpu.memory_space<vmem_shared>>
        tpu.wait_dma2 semaphore(%run_scoped3A : memref<!tpu.dma_semaphore, #tpu.memory_space<semaphore_mem>>) src(%dma_wait3A_45 : memref<624x128xf32, #tpu.memory_space<vmem_shared>>) dst(%dma_wait3A_43 : memref<624x128xf32, #tpu.memory_space<hbm>>)
        tpu.yield
      }) : () -> ()
    } else {
    }
    %eq3A_32 = arith.constant 15 : i32
    %eq3A_33 = arith.cmpi eq, %arg1, %eq3A_32 : i32
    %convert_element_type3A_34 = arith.extui %eq3A_33 : i1 to i32
    %cond3A_35 = arith.constant 0 : i32
    %cond3A_36 = arith.cmpi ne, %convert_element_type3A_34, %cond3A_35 : i32
    scf.if %cond3A_36 {
      "tpu.region"() ({
        %run_scoped3A = tpu.sem_alloc : memref<!tpu.dma_semaphore, #tpu.memory_space<semaphore_mem>>
        %dma_start3A_37 = arith.constant 0 : i32
        %dma_start3A_38 = tpu.memref_slice %arg7[%arg0, %mul3A_2, %dma_start3A_37] : memref<2x10000x128xf32, #tpu.memory_space<hbm>> -> memref<1x640x128xf32, #tpu.memory_space<hbm>>
        %dma_start3A_39 = tpu.memref_squeeze %dma_start3A_38 : memref<1x640x128xf32, #tpu.memory_space<hbm>> -> memref<640x128xf32, #tpu.memory_space<hbm>>
        %dma_start3A_40 = arith.constant 0 : i32
        %dma_start3A_41 = tpu.memref_slice %arg12[%mul3A_2, %dma_start3A_40] : memref<10000x128xf32, #tpu.memory_space<vmem_shared>> -> memref<640x128xf32, #tpu.memory_space<vmem_shared>>
        tpu.enqueue_dma source(%dma_start3A_41 : memref<640x128xf32, #tpu.memory_space<vmem_shared>>) target(%dma_start3A_39 : memref<640x128xf32, #tpu.memory_space<hbm>>) target_semaphore(%run_scoped3A : memref<!tpu.dma_semaphore, #tpu.memory_space<semaphore_mem>>)
        %dma_wait3A = arith.constant 0 : i32
        %dma_wait3A_42 = tpu.memref_slice %arg7[%arg0, %mul3A_2, %dma_wait3A] : memref<2x10000x128xf32, #tpu.memory_space<hbm>> -> memref<1x640x128xf32, #tpu.memory_space<hbm>>
        %dma_wait3A_43 = tpu.memref_squeeze %dma_wait3A_42 : memref<1x640x128xf32, #tpu.memory_space<hbm>> -> memref<640x128xf32, #tpu.memory_space<hbm>>
        %dma_wait3A_44 = arith.constant 0 : i32
        %dma_wait3A_45 = tpu.memref_slice %arg12[%mul3A_2, %dma_wait3A_44] : memref<10000x128xf32, #tpu.memory_space<vmem_shared>> -> memref<640x128xf32, #tpu.memory_space<vmem_shared>>
        tpu.wait_dma2 semaphore(%run_scoped3A : memref<!tpu.dma_semaphore, #tpu.memory_space<semaphore_mem>>) src(%dma_wait3A_45 : memref<640x128xf32, #tpu.memory_space<vmem_shared>>) dst(%dma_wait3A_43 : memref<640x128xf32, #tpu.memory_space<hbm>>)
        tpu.yield
      }) : () -> ()
    } else {
    }
    return
  }
}

#map = affine_map<(d0, d1) -> (0, 0)>
#map1 = affine_map<(d0, d1) -> (0, 0, 0)>
module attributes {stable_mosaic.version = 14 : i64} {
  func.func @agg(%arg0: i32, %arg1: i32, %arg2: memref<10000x128xf32, #tpu.memory_space<hbm>>, %arg3: memref<32x126x80xi32, #tpu.memory_space<hbm>>, %arg4: memref<32x126x80xi32, #tpu.memory_space<hbm>>, %arg5: memref<32x126x80xf32, #tpu.memory_space<hbm>>, %arg6: memref<640x128xf32, #tpu.memory_space<hbm>>, %arg7: memref<2x10000x128xf32, #tpu.memory_space<hbm>>, %arg8: memref<126x80xi32, #tpu.memory_space<vmem>>, %arg9: memref<126x80xi32, #tpu.memory_space<vmem>>, %arg10: memref<126x80xf32, #tpu.memory_space<vmem>>, %arg11: memref<2x80x128xf32, #tpu.memory_space<vmem>>, %arg12: memref<10000x128xf32, #tpu.memory_space<vmem_shared>>, %arg13: memref<!tpu.dma_semaphore, #tpu.memory_space<semaphore_mem>>, %arg14: memref<!tpu.dma_semaphore, #tpu.memory_space<semaphore_mem>>) attributes {dimension_semantics = [#tpu.dimension_semantics<core_parallel>, #tpu.dimension_semantics<subcore_parallel>], iteration_bounds = array<i64: 2, 16>, scalar_prefetch = 0 : i64, scratch_operands = 7 : i64, tpu.core_type = #tpu.core_type<sc_vector_subcore>, window_params = [{transform_indices = #map}, {transform_indices = #map1}, {transform_indices = #map1}, {transform_indices = #map1}, {transform_indices = #map}, {transform_indices = #map1}]} {
    %mul3A = arith.constant 16 : i32
    %mul3A_0 = arith.muli %arg0, %mul3A : i32
    %add3A = arith.addi %mul3A_0, %arg1 : i32
    %mul3A_1 = arith.constant 624 : i32
    %mul3A_2 = arith.muli %arg1, %mul3A_1 : i32
    "tpu.region"() ({
      %run_scoped3A = tpu.sem_alloc : memref<!tpu.dma_semaphore, #tpu.memory_space<semaphore_mem>>
      %dma_start3A_37 = arith.constant 0 : i32
      %dma_start3A_38 = arith.constant 0 : i32
      %dma_start3A_39 = tpu.memref_slice %arg3[%add3A, %dma_start3A_37, %dma_start3A_38] : memref<32x126x80xi32, #tpu.memory_space<hbm>> -> memref<1x126x80xi32, #tpu.memory_space<hbm>>
      %dma_start3A_40 = tpu.memref_squeeze %dma_start3A_39 : memref<1x126x80xi32, #tpu.memory_space<hbm>> -> memref<126x80xi32, #tpu.memory_space<hbm>>
      %dma_start3A_41 = arith.constant 0 : i32
      %dma_start3A_42 = arith.constant 0 : i32
      %dma_start3A_43 = tpu.memref_slice %arg3[%add3A, %dma_start3A_41, %dma_start3A_42] : memref<32x126x80xi32, #tpu.memory_space<hbm>> -> memref<1x126x80xi32, #tpu.memory_space<hbm>>
      %dma_start3A_44 = tpu.memref_squeeze %dma_start3A_43 : memref<1x126x80xi32, #tpu.memory_space<hbm>> -> memref<126x80xi32, #tpu.memory_space<hbm>>
      tpu.enqueue_dma source(%dma_start3A_44 : memref<126x80xi32, #tpu.memory_space<hbm>>) target(%arg8 : memref<126x80xi32, #tpu.memory_space<vmem>>) target_semaphore(%run_scoped3A : memref<!tpu.dma_semaphore, #tpu.memory_space<semaphore_mem>>)
      %dma_wait3A = arith.constant 0 : i32
      %dma_wait3A_45 = arith.constant 0 : i32
      %dma_wait3A_46 = tpu.memref_slice %arg3[%add3A, %dma_wait3A, %dma_wait3A_45] : memref<32x126x80xi32, #tpu.memory_space<hbm>> -> memref<1x126x80xi32, #tpu.memory_space<hbm>>
      %dma_wait3A_47 = tpu.memref_squeeze %dma_wait3A_46 : memref<1x126x80xi32, #tpu.memory_space<hbm>> -> memref<126x80xi32, #tpu.memory_space<hbm>>
      %dma_wait3A_48 = arith.constant 0 : i32
      %dma_wait3A_49 = arith.constant 0 : i32
      %dma_wait3A_50 = tpu.memref_slice %arg3[%add3A, %dma_wait3A_48, %dma_wait3A_49] : memref<32x126x80xi32, #tpu.memory_space<hbm>> -> memref<1x126x80xi32, #tpu.memory_space<hbm>>
      %dma_wait3A_51 = tpu.memref_squeeze %dma_wait3A_50 : memref<1x126x80xi32, #tpu.memory_space<hbm>> -> memref<126x80xi32, #tpu.memory_space<hbm>>
      tpu.wait_dma2 semaphore(%run_scoped3A : memref<!tpu.dma_semaphore, #tpu.memory_space<semaphore_mem>>) src(%dma_wait3A_51 : memref<126x80xi32, #tpu.memory_space<hbm>>) dst(%arg8 : memref<126x80xi32, #tpu.memory_space<vmem>>)
      tpu.yield
    }) : () -> ()
    "tpu.region"() ({
      %run_scoped3A = tpu.sem_alloc : memref<!tpu.dma_semaphore, #tpu.memory_space<semaphore_mem>>
      %dma_start3A_37 = arith.constant 0 : i32
      %dma_start3A_38 = arith.constant 0 : i32
      %dma_start3A_39 = tpu.memref_slice %arg4[%add3A, %dma_start3A_37, %dma_start3A_38] : memref<32x126x80xi32, #tpu.memory_space<hbm>> -> memref<1x126x80xi32, #tpu.memory_space<hbm>>
      %dma_start3A_40 = tpu.memref_squeeze %dma_start3A_39 : memref<1x126x80xi32, #tpu.memory_space<hbm>> -> memref<126x80xi32, #tpu.memory_space<hbm>>
      %dma_start3A_41 = arith.constant 0 : i32
      %dma_start3A_42 = arith.constant 0 : i32
      %dma_start3A_43 = tpu.memref_slice %arg4[%add3A, %dma_start3A_41, %dma_start3A_42] : memref<32x126x80xi32, #tpu.memory_space<hbm>> -> memref<1x126x80xi32, #tpu.memory_space<hbm>>
      %dma_start3A_44 = tpu.memref_squeeze %dma_start3A_43 : memref<1x126x80xi32, #tpu.memory_space<hbm>> -> memref<126x80xi32, #tpu.memory_space<hbm>>
      tpu.enqueue_dma source(%dma_start3A_44 : memref<126x80xi32, #tpu.memory_space<hbm>>) target(%arg9 : memref<126x80xi32, #tpu.memory_space<vmem>>) target_semaphore(%run_scoped3A : memref<!tpu.dma_semaphore, #tpu.memory_space<semaphore_mem>>)
      %dma_wait3A = arith.constant 0 : i32
      %dma_wait3A_45 = arith.constant 0 : i32
      %dma_wait3A_46 = tpu.memref_slice %arg4[%add3A, %dma_wait3A, %dma_wait3A_45] : memref<32x126x80xi32, #tpu.memory_space<hbm>> -> memref<1x126x80xi32, #tpu.memory_space<hbm>>
      %dma_wait3A_47 = tpu.memref_squeeze %dma_wait3A_46 : memref<1x126x80xi32, #tpu.memory_space<hbm>> -> memref<126x80xi32, #tpu.memory_space<hbm>>
      %dma_wait3A_48 = arith.constant 0 : i32
      %dma_wait3A_49 = arith.constant 0 : i32
      %dma_wait3A_50 = tpu.memref_slice %arg4[%add3A, %dma_wait3A_48, %dma_wait3A_49] : memref<32x126x80xi32, #tpu.memory_space<hbm>> -> memref<1x126x80xi32, #tpu.memory_space<hbm>>
      %dma_wait3A_51 = tpu.memref_squeeze %dma_wait3A_50 : memref<1x126x80xi32, #tpu.memory_space<hbm>> -> memref<126x80xi32, #tpu.memory_space<hbm>>
      tpu.wait_dma2 semaphore(%run_scoped3A : memref<!tpu.dma_semaphore, #tpu.memory_space<semaphore_mem>>) src(%dma_wait3A_51 : memref<126x80xi32, #tpu.memory_space<hbm>>) dst(%arg9 : memref<126x80xi32, #tpu.memory_space<vmem>>)
      tpu.yield
    }) : () -> ()
    "tpu.region"() ({
      %run_scoped3A = tpu.sem_alloc : memref<!tpu.dma_semaphore, #tpu.memory_space<semaphore_mem>>
      %dma_start3A_37 = arith.constant 0 : i32
      %dma_start3A_38 = arith.constant 0 : i32
      %dma_start3A_39 = tpu.memref_slice %arg5[%add3A, %dma_start3A_37, %dma_start3A_38] : memref<32x126x80xf32, #tpu.memory_space<hbm>> -> memref<1x126x80xf32, #tpu.memory_space<hbm>>
      %dma_start3A_40 = tpu.memref_squeeze %dma_start3A_39 : memref<1x126x80xf32, #tpu.memory_space<hbm>> -> memref<126x80xf32, #tpu.memory_space<hbm>>
      %dma_start3A_41 = arith.constant 0 : i32
      %dma_start3A_42 = arith.constant 0 : i32
      %dma_start3A_43 = tpu.memref_slice %arg5[%add3A, %dma_start3A_41, %dma_start3A_42] : memref<32x126x80xf32, #tpu.memory_space<hbm>> -> memref<1x126x80xf32, #tpu.memory_space<hbm>>
      %dma_start3A_44 = tpu.memref_squeeze %dma_start3A_43 : memref<1x126x80xf32, #tpu.memory_space<hbm>> -> memref<126x80xf32, #tpu.memory_space<hbm>>
      tpu.enqueue_dma source(%dma_start3A_44 : memref<126x80xf32, #tpu.memory_space<hbm>>) target(%arg10 : memref<126x80xf32, #tpu.memory_space<vmem>>) target_semaphore(%run_scoped3A : memref<!tpu.dma_semaphore, #tpu.memory_space<semaphore_mem>>)
      %dma_wait3A = arith.constant 0 : i32
      %dma_wait3A_45 = arith.constant 0 : i32
      %dma_wait3A_46 = tpu.memref_slice %arg5[%add3A, %dma_wait3A, %dma_wait3A_45] : memref<32x126x80xf32, #tpu.memory_space<hbm>> -> memref<1x126x80xf32, #tpu.memory_space<hbm>>
      %dma_wait3A_47 = tpu.memref_squeeze %dma_wait3A_46 : memref<1x126x80xf32, #tpu.memory_space<hbm>> -> memref<126x80xf32, #tpu.memory_space<hbm>>
      %dma_wait3A_48 = arith.constant 0 : i32
      %dma_wait3A_49 = arith.constant 0 : i32
      %dma_wait3A_50 = tpu.memref_slice %arg5[%add3A, %dma_wait3A_48, %dma_wait3A_49] : memref<32x126x80xf32, #tpu.memory_space<hbm>> -> memref<1x126x80xf32, #tpu.memory_space<hbm>>
      %dma_wait3A_51 = tpu.memref_squeeze %dma_wait3A_50 : memref<1x126x80xf32, #tpu.memory_space<hbm>> -> memref<126x80xf32, #tpu.memory_space<hbm>>
      tpu.wait_dma2 semaphore(%run_scoped3A : memref<!tpu.dma_semaphore, #tpu.memory_space<semaphore_mem>>) src(%dma_wait3A_51 : memref<126x80xf32, #tpu.memory_space<hbm>>) dst(%arg10 : memref<126x80xf32, #tpu.memory_space<vmem>>)
      tpu.yield
    }) : () -> ()
    %lt3A = arith.constant 15 : i32
    %lt3A_3 = arith.cmpi slt, %arg1, %lt3A : i32
    %convert_element_type3A = arith.extui %lt3A_3 : i1 to i32
    %cond3A = arith.constant 0 : i32
    %cond3A_4 = arith.cmpi ne, %convert_element_type3A, %cond3A : i32
    scf.if %cond3A_4 {
      "tpu.region"() ({
        %run_scoped3A = tpu.sem_alloc : memref<!tpu.dma_semaphore, #tpu.memory_space<semaphore_mem>>
        %dma_start3A_37 = arith.constant 0 : i32
        %dma_start3A_38 = tpu.memref_slice %arg12[%mul3A_2, %dma_start3A_37] : memref<10000x128xf32, #tpu.memory_space<vmem_shared>> -> memref<624x128xf32, #tpu.memory_space<vmem_shared>>
        %dma_start3A_39 = arith.constant 0 : i32
        %dma_start3A_40 = arith.constant 0 : i32
        %dma_start3A_41 = tpu.memref_slice %arg6[%dma_start3A_39, %dma_start3A_40] : memref<640x128xf32, #tpu.memory_space<hbm>> -> memref<624x128xf32, #tpu.memory_space<hbm>>
        tpu.enqueue_dma source(%dma_start3A_41 : memref<624x128xf32, #tpu.memory_space<hbm>>) target(%dma_start3A_38 : memref<624x128xf32, #tpu.memory_space<vmem_shared>>) target_semaphore(%run_scoped3A : memref<!tpu.dma_semaphore, #tpu.memory_space<semaphore_mem>>)
        %dma_wait3A = arith.constant 0 : i32
        %dma_wait3A_42 = tpu.memref_slice %arg12[%mul3A_2, %dma_wait3A] : memref<10000x128xf32, #tpu.memory_space<vmem_shared>> -> memref<624x128xf32, #tpu.memory_space<vmem_shared>>
        %dma_wait3A_43 = arith.constant 0 : i32
        %dma_wait3A_44 = arith.constant 0 : i32
        %dma_wait3A_45 = tpu.memref_slice %arg6[%dma_wait3A_43, %dma_wait3A_44] : memref<640x128xf32, #tpu.memory_space<hbm>> -> memref<624x128xf32, #tpu.memory_space<hbm>>
        tpu.wait_dma2 semaphore(%run_scoped3A : memref<!tpu.dma_semaphore, #tpu.memory_space<semaphore_mem>>) src(%dma_wait3A_45 : memref<624x128xf32, #tpu.memory_space<hbm>>) dst(%dma_wait3A_42 : memref<624x128xf32, #tpu.memory_space<vmem_shared>>)
        tpu.yield
      }) : () -> ()
    } else {
    }
    %eq3A = arith.constant 15 : i32
    %eq3A_5 = arith.cmpi eq, %arg1, %eq3A : i32
    %convert_element_type3A_6 = arith.extui %eq3A_5 : i1 to i32
    %cond3A_7 = arith.constant 0 : i32
    %cond3A_8 = arith.cmpi ne, %convert_element_type3A_6, %cond3A_7 : i32
    scf.if %cond3A_8 {
      "tpu.region"() ({
        %run_scoped3A = tpu.sem_alloc : memref<!tpu.dma_semaphore, #tpu.memory_space<semaphore_mem>>
        %dma_start3A_37 = arith.constant 0 : i32
        %dma_start3A_38 = tpu.memref_slice %arg12[%mul3A_2, %dma_start3A_37] : memref<10000x128xf32, #tpu.memory_space<vmem_shared>> -> memref<640x128xf32, #tpu.memory_space<vmem_shared>>
        tpu.enqueue_dma source(%arg6 : memref<640x128xf32, #tpu.memory_space<hbm>>) target(%dma_start3A_38 : memref<640x128xf32, #tpu.memory_space<vmem_shared>>) target_semaphore(%run_scoped3A : memref<!tpu.dma_semaphore, #tpu.memory_space<semaphore_mem>>)
        %dma_wait3A = arith.constant 0 : i32
        %dma_wait3A_39 = tpu.memref_slice %arg12[%mul3A_2, %dma_wait3A] : memref<10000x128xf32, #tpu.memory_space<vmem_shared>> -> memref<640x128xf32, #tpu.memory_space<vmem_shared>>
        tpu.wait_dma2 semaphore(%run_scoped3A : memref<!tpu.dma_semaphore, #tpu.memory_space<semaphore_mem>>) src(%arg6 : memref<640x128xf32, #tpu.memory_space<hbm>>) dst(%dma_wait3A_39 : memref<640x128xf32, #tpu.memory_space<vmem_shared>>)
        tpu.yield
      }) : () -> ()
    } else {
    }
    %barrier3A = arith.constant 0 : index
    tpu.barrier barrier_id(%barrier3A)
    %dma_start3A = arith.constant 0 : i32
    %dma_start3A_9 = arith.constant 0 : i32
    %dma_start3A_10 = arith.constant 0 : i32
    %dma_start3A_11 = arith.constant 0 : i32
    %dma_start3A_12 = tpu.memref_slice %arg11[%dma_start3A_9, %dma_start3A_10, %dma_start3A_11] : memref<2x80x128xf32, #tpu.memory_space<vmem>> -> memref<1x80x128xf32, #tpu.memory_space<vmem>>
    %dma_start3A_13 = tpu.memref_squeeze %dma_start3A_12 : memref<1x80x128xf32, #tpu.memory_space<vmem>> -> memref<80x128xf32, #tpu.memory_space<vmem>>
    %dma_start3A_14 = arith.constant 0 : i32
    %dma_start3A_15 = tpu.memref_slice %arg8[%dma_start3A, %dma_start3A_14] : memref<126x80xi32, #tpu.memory_space<vmem>> -> memref<1x80xi32, #tpu.memory_space<vmem>>
    %dma_start3A_16 = tpu.memref_squeeze %dma_start3A_15 : memref<1x80xi32, #tpu.memory_space<vmem>> -> memref<80xi32, #tpu.memory_space<vmem>>
    %dma_start3A_17 = arith.constant 0 : i32
    %dma_start3A_18 = arith.constant 0 : i32
    %dma_start3A_19 = tpu.memref_slice %arg2[%dma_start3A_17, %dma_start3A_18] : memref<10000x128xf32, #tpu.memory_space<hbm>> -> memref<10000x128xf32, #tpu.memory_space<hbm>>
    tpu.enqueue_indirect_dma source(%dma_start3A_19 : memref<10000x128xf32, #tpu.memory_space<hbm>>) target(%dma_start3A_13 : memref<80x128xf32, #tpu.memory_space<vmem>>) offsets(%dma_start3A_16 : memref<80xi32, #tpu.memory_space<vmem>>) semaphore(%arg13 : memref<!tpu.dma_semaphore, #tpu.memory_space<semaphore_mem>>)
    %scan3A = arith.constant 0 : i32
    %scan3A_20 = arith.constant 0 : i32
    %scan3A_21 = arith.constant 63 : i32
    %scan3A_22 = arith.addi %scan3A_20, %scan3A_21 : i32
    %scan3A_23 = arith.constant 1 : i32
    %scan3A_24 = scf.for %scan3A_37 = %scan3A_20 to %scan3A_22 step %scan3A_23 iter_args(%scan3A_38 = %scan3A) -> (i32)  : i32 {
      %mul3A_39 = arith.constant 2 : i32
      %mul3A_40 = arith.muli %mul3A_39, %scan3A_37 : i32
      %add3A_41 = arith.constant 0 : i32
      %add3A_42 = arith.addi %mul3A_40, %add3A_41 : i32
      %dma_wait3A = arith.constant 0 : i32
      %dma_wait3A_43 = arith.constant 0 : i32
      %dma_wait3A_44 = arith.constant 0 : i32
      %dma_wait3A_45 = arith.constant 0 : i32
      %dma_wait3A_46 = tpu.memref_slice %arg11[%dma_wait3A_43, %dma_wait3A_44, %dma_wait3A_45] : memref<2x80x128xf32, #tpu.memory_space<vmem>> -> memref<1x80x128xf32, #tpu.memory_space<vmem>>
      %dma_wait3A_47 = tpu.memref_squeeze %dma_wait3A_46 : memref<1x80x128xf32, #tpu.memory_space<vmem>> -> memref<80x128xf32, #tpu.memory_space<vmem>>
      %dma_wait3A_48 = arith.constant 0 : i32
      %dma_wait3A_49 = tpu.memref_slice %arg8[%dma_wait3A, %dma_wait3A_48] : memref<126x80xi32, #tpu.memory_space<vmem>> -> memref<1x80xi32, #tpu.memory_space<vmem>>
      %dma_wait3A_50 = tpu.memref_squeeze %dma_wait3A_49 : memref<1x80xi32, #tpu.memory_space<vmem>> -> memref<80xi32, #tpu.memory_space<vmem>>
      %dma_wait3A_51 = arith.constant 0 : i32
      %dma_wait3A_52 = arith.constant 0 : i32
      %dma_wait3A_53 = tpu.memref_slice %arg2[%dma_wait3A_51, %dma_wait3A_52] : memref<10000x128xf32, #tpu.memory_space<hbm>> -> memref<10000x128xf32, #tpu.memory_space<hbm>>
      tpu.wait_indirect_dma semaphore(%arg13 : memref<!tpu.dma_semaphore, #tpu.memory_space<semaphore_mem>>) src(%dma_wait3A_53 : memref<10000x128xf32, #tpu.memory_space<hbm>>) dst(%dma_wait3A_47 : memref<80x128xf32, #tpu.memory_space<vmem>>)
      %add3A_54 = arith.constant 1 : i32
      %add3A_55 = arith.addi %add3A_42, %add3A_54 : i32
      %lt3A_56 = arith.constant 126 : i32
      %lt3A_57 = arith.cmpi slt, %add3A_55, %lt3A_56 : i32
      %convert_element_type3A_58 = arith.extui %lt3A_57 : i1 to i32
      %cond3A_59 = arith.constant 0 : i32
      %cond3A_60 = arith.cmpi ne, %convert_element_type3A_58, %cond3A_59 : i32
      scf.if %cond3A_60 {
        %add3A_100 = arith.constant 1 : i32
        %add3A_101 = arith.addi %add3A_42, %add3A_100 : i32
        %dma_start3A_102 = arith.constant 1 : i32
        %dma_start3A_103 = arith.constant 0 : i32
        %dma_start3A_104 = arith.constant 0 : i32
        %dma_start3A_105 = tpu.memref_slice %arg11[%dma_start3A_102, %dma_start3A_103, %dma_start3A_104] : memref<2x80x128xf32, #tpu.memory_space<vmem>> -> memref<1x80x128xf32, #tpu.memory_space<vmem>>
        %dma_start3A_106 = tpu.memref_squeeze %dma_start3A_105 : memref<1x80x128xf32, #tpu.memory_space<vmem>> -> memref<80x128xf32, #tpu.memory_space<vmem>>
        %dma_start3A_107 = arith.constant 0 : i32
        %dma_start3A_108 = tpu.memref_slice %arg8[%add3A_101, %dma_start3A_107] : memref<126x80xi32, #tpu.memory_space<vmem>> -> memref<1x80xi32, #tpu.memory_space<vmem>>
        %dma_start3A_109 = tpu.memref_squeeze %dma_start3A_108 : memref<1x80xi32, #tpu.memory_space<vmem>> -> memref<80xi32, #tpu.memory_space<vmem>>
        %dma_start3A_110 = arith.constant 0 : i32
        %dma_start3A_111 = arith.constant 0 : i32
        %dma_start3A_112 = tpu.memref_slice %arg2[%dma_start3A_110, %dma_start3A_111] : memref<10000x128xf32, #tpu.memory_space<hbm>> -> memref<10000x128xf32, #tpu.memory_space<hbm>>
        tpu.enqueue_indirect_dma source(%dma_start3A_112 : memref<10000x128xf32, #tpu.memory_space<hbm>>) target(%dma_start3A_106 : memref<80x128xf32, #tpu.memory_space<vmem>>) offsets(%dma_start3A_109 : memref<80xi32, #tpu.memory_space<vmem>>) semaphore(%arg14 : memref<!tpu.dma_semaphore, #tpu.memory_space<semaphore_mem>>)
      } else {
      }
      %scan3A_61 = arith.constant 0 : i32
      %scan3A_62 = arith.constant 0 : i32
      %scan3A_63 = arith.constant 40 : i32
      %scan3A_64 = arith.addi %scan3A_62, %scan3A_63 : i32
      %scan3A_65 = arith.constant 1 : i32
      %scan3A_66 = scf.for %scan3A_100 = %scan3A_62 to %scan3A_64 step %scan3A_65 iter_args(%scan3A_101 = %scan3A_61) -> (i32)  : i32 {
        %mul3A_102 = arith.constant 2 : i32
        %mul3A_103 = arith.muli %mul3A_102, %scan3A_100 : i32
        %broadcast_in_dim3A = vector.broadcast %add3A_42 : i32 to vector<16xi32>
        %broadcast_in_dim3A_104 = vector.broadcast %mul3A_103 : i32 to vector<16xi32>
        %gather3A = tpu.vector_load_idx %arg10[%broadcast_in_dim3A, %broadcast_in_dim3A_104] : memref<126x80xf32, #tpu.memory_space<vmem>>[vector<16xi32>, vector<16xi32>], vector<16xf32>,
        %broadcast_in_dim3A_105 = vector.broadcast %add3A_42 : i32 to vector<16xi32>
        %add3A_106 = arith.constant 1 : i32
        %add3A_107 = arith.addi %mul3A_103, %add3A_106 : i32
        %broadcast_in_dim3A_108 = vector.broadcast %add3A_107 : i32 to vector<16xi32>
        %gather3A_109 = tpu.vector_load_idx %arg10[%broadcast_in_dim3A_105, %broadcast_in_dim3A_108] : memref<126x80xf32, #tpu.memory_space<vmem>>[vector<16xi32>, vector<16xi32>], vector<16xf32>,
        %get3A = arith.constant 0 : i32
        %get3A_110 = arith.index_cast %get3A : i32 to index
        %get3A_111 = arith.index_cast %mul3A_103 : i32 to index
        %get3A_112 = arith.constant 0 : index
        %get3A_113 = tpu.vector_load %arg11[%get3A_110, %get3A_111, %get3A_112] {strides = array<i32>} : memref<2x80x128xf32, #tpu.memory_space<vmem>>, vector<16xf32>,
        %mul3A_114 = arith.mulf %get3A_113, %gather3A : vector<16xf32>
        %swap3A = arith.constant 0 : i32
        %swap3A_115 = arith.index_cast %swap3A : i32 to index
        %swap3A_116 = arith.index_cast %mul3A_103 : i32 to index
        %swap3A_117 = arith.constant 0 : index
        %swap3A_118 = tpu.vector_load %arg11[%swap3A_115, %swap3A_116, %swap3A_117] {strides = array<i32>} : memref<2x80x128xf32, #tpu.memory_space<vmem>>, vector<16xf32>,
        tpu.vector_store %arg11[%swap3A_115, %swap3A_116, %swap3A_117], %mul3A_114 {strides = array<i32>} : memref<2x80x128xf32, #tpu.memory_space<vmem>>, vector<16xf32>,
        %add3A_119 = arith.constant 1 : i32
        %add3A_120 = arith.addi %mul3A_103, %add3A_119 : i32
        %get3A_121 = arith.constant 0 : i32
        %get3A_122 = arith.index_cast %get3A_121 : i32 to index
        %get3A_123 = arith.index_cast %add3A_120 : i32 to index
        %get3A_124 = arith.constant 0 : index
        %get3A_125 = tpu.vector_load %arg11[%get3A_122, %get3A_123, %get3A_124] {strides = array<i32>} : memref<2x80x128xf32, #tpu.memory_space<vmem>>, vector<16xf32>,
        %mul3A_126 = arith.mulf %get3A_125, %gather3A_109 : vector<16xf32>
        %add3A_127 = arith.constant 1 : i32
        %add3A_128 = arith.addi %mul3A_103, %add3A_127 : i32
        %swap3A_129 = arith.constant 0 : i32
        %swap3A_130 = arith.index_cast %swap3A_129 : i32 to index
        %swap3A_131 = arith.index_cast %add3A_128 : i32 to index
        %swap3A_132 = arith.constant 0 : index
        %swap3A_133 = tpu.vector_load %arg11[%swap3A_130, %swap3A_131, %swap3A_132] {strides = array<i32>} : memref<2x80x128xf32, #tpu.memory_space<vmem>>, vector<16xf32>,
        tpu.vector_store %arg11[%swap3A_130, %swap3A_131, %swap3A_132], %mul3A_126 {strides = array<i32>} : memref<2x80x128xf32, #tpu.memory_space<vmem>>, vector<16xf32>,
        %get3A_134 = arith.constant 0 : i32
        %get3A_135 = arith.index_cast %get3A_134 : i32 to index
        %get3A_136 = arith.index_cast %mul3A_103 : i32 to index
        %get3A_137 = arith.constant 16 : index
        %get3A_138 = tpu.vector_load %arg11[%get3A_135, %get3A_136, %get3A_137] {strides = array<i32>} : memref<2x80x128xf32, #tpu.memory_space<vmem>>, vector<16xf32>,
        %mul3A_139 = arith.mulf %get3A_138, %gather3A : vector<16xf32>
        %swap3A_140 = arith.constant 0 : i32
        %swap3A_141 = arith.index_cast %swap3A_140 : i32 to index
        %swap3A_142 = arith.index_cast %mul3A_103 : i32 to index
        %swap3A_143 = arith.constant 16 : index
        %swap3A_144 = tpu.vector_load %arg11[%swap3A_141, %swap3A_142, %swap3A_143] {strides = array<i32>} : memref<2x80x128xf32, #tpu.memory_space<vmem>>, vector<16xf32>,
        tpu.vector_store %arg11[%swap3A_141, %swap3A_142, %swap3A_143], %mul3A_139 {strides = array<i32>} : memref<2x80x128xf32, #tpu.memory_space<vmem>>, vector<16xf32>,
        %add3A_145 = arith.constant 1 : i32
        %add3A_146 = arith.addi %mul3A_103, %add3A_145 : i32
        %get3A_147 = arith.constant 0 : i32
        %get3A_148 = arith.index_cast %get3A_147 : i32 to index
        %get3A_149 = arith.index_cast %add3A_146 : i32 to index
        %get3A_150 = arith.constant 16 : index
        %get3A_151 = tpu.vector_load %arg11[%get3A_148, %get3A_149, %get3A_150] {strides = array<i32>} : memref<2x80x128xf32, #tpu.memory_space<vmem>>, vector<16xf32>,
        %mul3A_152 = arith.mulf %get3A_151, %gather3A_109 : vector<16xf32>
        %add3A_153 = arith.constant 1 : i32
        %add3A_154 = arith.addi %mul3A_103, %add3A_153 : i32
        %swap3A_155 = arith.constant 0 : i32
        %swap3A_156 = arith.index_cast %swap3A_155 : i32 to index
        %swap3A_157 = arith.index_cast %add3A_154 : i32 to index
        %swap3A_158 = arith.constant 16 : index
        %swap3A_159 = tpu.vector_load %arg11[%swap3A_156, %swap3A_157, %swap3A_158] {strides = array<i32>} : memref<2x80x128xf32, #tpu.memory_space<vmem>>, vector<16xf32>,
        tpu.vector_store %arg11[%swap3A_156, %swap3A_157, %swap3A_158], %mul3A_152 {strides = array<i32>} : memref<2x80x128xf32, #tpu.memory_space<vmem>>, vector<16xf32>,
        %get3A_160 = arith.constant 0 : i32
        %get3A_161 = arith.index_cast %get3A_160 : i32 to index
        %get3A_162 = arith.index_cast %mul3A_103 : i32 to index
        %get3A_163 = arith.constant 32 : index
        %get3A_164 = tpu.vector_load %arg11[%get3A_161, %get3A_162, %get3A_163] {strides = array<i32>} : memref<2x80x128xf32, #tpu.memory_space<vmem>>, vector<16xf32>,
        %mul3A_165 = arith.mulf %get3A_164, %gather3A : vector<16xf32>
        %swap3A_166 = arith.constant 0 : i32
        %swap3A_167 = arith.index_cast %swap3A_166 : i32 to index
        %swap3A_168 = arith.index_cast %mul3A_103 : i32 to index
        %swap3A_169 = arith.constant 32 : index
        %swap3A_170 = tpu.vector_load %arg11[%swap3A_167, %swap3A_168, %swap3A_169] {strides = array<i32>} : memref<2x80x128xf32, #tpu.memory_space<vmem>>, vector<16xf32>,
        tpu.vector_store %arg11[%swap3A_167, %swap3A_168, %swap3A_169], %mul3A_165 {strides = array<i32>} : memref<2x80x128xf32, #tpu.memory_space<vmem>>, vector<16xf32>,
        %add3A_171 = arith.constant 1 : i32
        %add3A_172 = arith.addi %mul3A_103, %add3A_171 : i32
        %get3A_173 = arith.constant 0 : i32
        %get3A_174 = arith.index_cast %get3A_173 : i32 to index
        %get3A_175 = arith.index_cast %add3A_172 : i32 to index
        %get3A_176 = arith.constant 32 : index
        %get3A_177 = tpu.vector_load %arg11[%get3A_174, %get3A_175, %get3A_176] {strides = array<i32>} : memref<2x80x128xf32, #tpu.memory_space<vmem>>, vector<16xf32>,
        %mul3A_178 = arith.mulf %get3A_177, %gather3A_109 : vector<16xf32>
        %add3A_179 = arith.constant 1 : i32
        %add3A_180 = arith.addi %mul3A_103, %add3A_179 : i32
        %swap3A_181 = arith.constant 0 : i32
        %swap3A_182 = arith.index_cast %swap3A_181 : i32 to index
        %swap3A_183 = arith.index_cast %add3A_180 : i32 to index
        %swap3A_184 = arith.constant 32 : index
        %swap3A_185 = tpu.vector_load %arg11[%swap3A_182, %swap3A_183, %swap3A_184] {strides = array<i32>} : memref<2x80x128xf32, #tpu.memory_space<vmem>>, vector<16xf32>,
        tpu.vector_store %arg11[%swap3A_182, %swap3A_183, %swap3A_184], %mul3A_178 {strides = array<i32>} : memref<2x80x128xf32, #tpu.memory_space<vmem>>, vector<16xf32>,
        %get3A_186 = arith.constant 0 : i32
        %get3A_187 = arith.index_cast %get3A_186 : i32 to index
        %get3A_188 = arith.index_cast %mul3A_103 : i32 to index
        %get3A_189 = arith.constant 48 : index
        %get3A_190 = tpu.vector_load %arg11[%get3A_187, %get3A_188, %get3A_189] {strides = array<i32>} : memref<2x80x128xf32, #tpu.memory_space<vmem>>, vector<16xf32>,
        %mul3A_191 = arith.mulf %get3A_190, %gather3A : vector<16xf32>
        %swap3A_192 = arith.constant 0 : i32
        %swap3A_193 = arith.index_cast %swap3A_192 : i32 to index
        %swap3A_194 = arith.index_cast %mul3A_103 : i32 to index
        %swap3A_195 = arith.constant 48 : index
        %swap3A_196 = tpu.vector_load %arg11[%swap3A_193, %swap3A_194, %swap3A_195] {strides = array<i32>} : memref<2x80x128xf32, #tpu.memory_space<vmem>>, vector<16xf32>,
        tpu.vector_store %arg11[%swap3A_193, %swap3A_194, %swap3A_195], %mul3A_191 {strides = array<i32>} : memref<2x80x128xf32, #tpu.memory_space<vmem>>, vector<16xf32>,
        %add3A_197 = arith.constant 1 : i32
        %add3A_198 = arith.addi %mul3A_103, %add3A_197 : i32
        %get3A_199 = arith.constant 0 : i32
        %get3A_200 = arith.index_cast %get3A_199 : i32 to index
        %get3A_201 = arith.index_cast %add3A_198 : i32 to index
        %get3A_202 = arith.constant 48 : index
        %get3A_203 = tpu.vector_load %arg11[%get3A_200, %get3A_201, %get3A_202] {strides = array<i32>} : memref<2x80x128xf32, #tpu.memory_space<vmem>>, vector<16xf32>,
        %mul3A_204 = arith.mulf %get3A_203, %gather3A_109 : vector<16xf32>
        %add3A_205 = arith.constant 1 : i32
        %add3A_206 = arith.addi %mul3A_103, %add3A_205 : i32
        %swap3A_207 = arith.constant 0 : i32
        %swap3A_208 = arith.index_cast %swap3A_207 : i32 to index
        %swap3A_209 = arith.index_cast %add3A_206 : i32 to index
        %swap3A_210 = arith.constant 48 : index
        %swap3A_211 = tpu.vector_load %arg11[%swap3A_208, %swap3A_209, %swap3A_210] {strides = array<i32>} : memref<2x80x128xf32, #tpu.memory_space<vmem>>, vector<16xf32>,
        tpu.vector_store %arg11[%swap3A_208, %swap3A_209, %swap3A_210], %mul3A_204 {strides = array<i32>} : memref<2x80x128xf32, #tpu.memory_space<vmem>>, vector<16xf32>,
        %get3A_212 = arith.constant 0 : i32
        %get3A_213 = arith.index_cast %get3A_212 : i32 to index
        %get3A_214 = arith.index_cast %mul3A_103 : i32 to index
        %get3A_215 = arith.constant 64 : index
        %get3A_216 = tpu.vector_load %arg11[%get3A_213, %get3A_214, %get3A_215] {strides = array<i32>} : memref<2x80x128xf32, #tpu.memory_space<vmem>>, vector<16xf32>,
        %mul3A_217 = arith.mulf %get3A_216, %gather3A : vector<16xf32>
        %swap3A_218 = arith.constant 0 : i32
        %swap3A_219 = arith.index_cast %swap3A_218 : i32 to index
        %swap3A_220 = arith.index_cast %mul3A_103 : i32 to index
        %swap3A_221 = arith.constant 64 : index
        %swap3A_222 = tpu.vector_load %arg11[%swap3A_219, %swap3A_220, %swap3A_221] {strides = array<i32>} : memref<2x80x128xf32, #tpu.memory_space<vmem>>, vector<16xf32>,
        tpu.vector_store %arg11[%swap3A_219, %swap3A_220, %swap3A_221], %mul3A_217 {strides = array<i32>} : memref<2x80x128xf32, #tpu.memory_space<vmem>>, vector<16xf32>,
        %add3A_223 = arith.constant 1 : i32
        %add3A_224 = arith.addi %mul3A_103, %add3A_223 : i32
        %get3A_225 = arith.constant 0 : i32
        %get3A_226 = arith.index_cast %get3A_225 : i32 to index
        %get3A_227 = arith.index_cast %add3A_224 : i32 to index
        %get3A_228 = arith.constant 64 : index
        %get3A_229 = tpu.vector_load %arg11[%get3A_226, %get3A_227, %get3A_228] {strides = array<i32>} : memref<2x80x128xf32, #tpu.memory_space<vmem>>, vector<16xf32>,
        %mul3A_230 = arith.mulf %get3A_229, %gather3A_109 : vector<16xf32>
        %add3A_231 = arith.constant 1 : i32
        %add3A_232 = arith.addi %mul3A_103, %add3A_231 : i32
        %swap3A_233 = arith.constant 0 : i32
        %swap3A_234 = arith.index_cast %swap3A_233 : i32 to index
        %swap3A_235 = arith.index_cast %add3A_232 : i32 to index
        %swap3A_236 = arith.constant 64 : index
        %swap3A_237 = tpu.vector_load %arg11[%swap3A_234, %swap3A_235, %swap3A_236] {strides = array<i32>} : memref<2x80x128xf32, #tpu.memory_space<vmem>>, vector<16xf32>,
        tpu.vector_store %arg11[%swap3A_234, %swap3A_235, %swap3A_236], %mul3A_230 {strides = array<i32>} : memref<2x80x128xf32, #tpu.memory_space<vmem>>, vector<16xf32>,
        %get3A_238 = arith.constant 0 : i32
        %get3A_239 = arith.index_cast %get3A_238 : i32 to index
        %get3A_240 = arith.index_cast %mul3A_103 : i32 to index
        %get3A_241 = arith.constant 80 : index
        %get3A_242 = tpu.vector_load %arg11[%get3A_239, %get3A_240, %get3A_241] {strides = array<i32>} : memref<2x80x128xf32, #tpu.memory_space<vmem>>, vector<16xf32>,
        %mul3A_243 = arith.mulf %get3A_242, %gather3A : vector<16xf32>
        %swap3A_244 = arith.constant 0 : i32
        %swap3A_245 = arith.index_cast %swap3A_244 : i32 to index
        %swap3A_246 = arith.index_cast %mul3A_103 : i32 to index
        %swap3A_247 = arith.constant 80 : index
        %swap3A_248 = tpu.vector_load %arg11[%swap3A_245, %swap3A_246, %swap3A_247] {strides = array<i32>} : memref<2x80x128xf32, #tpu.memory_space<vmem>>, vector<16xf32>,
        tpu.vector_store %arg11[%swap3A_245, %swap3A_246, %swap3A_247], %mul3A_243 {strides = array<i32>} : memref<2x80x128xf32, #tpu.memory_space<vmem>>, vector<16xf32>,
        %add3A_249 = arith.constant 1 : i32
        %add3A_250 = arith.addi %mul3A_103, %add3A_249 : i32
        %get3A_251 = arith.constant 0 : i32
        %get3A_252 = arith.index_cast %get3A_251 : i32 to index
        %get3A_253 = arith.index_cast %add3A_250 : i32 to index
        %get3A_254 = arith.constant 80 : index
        %get3A_255 = tpu.vector_load %arg11[%get3A_252, %get3A_253, %get3A_254] {strides = array<i32>} : memref<2x80x128xf32, #tpu.memory_space<vmem>>, vector<16xf32>,
        %mul3A_256 = arith.mulf %get3A_255, %gather3A_109 : vector<16xf32>
        %add3A_257 = arith.constant 1 : i32
        %add3A_258 = arith.addi %mul3A_103, %add3A_257 : i32
        %swap3A_259 = arith.constant 0 : i32
        %swap3A_260 = arith.index_cast %swap3A_259 : i32 to index
        %swap3A_261 = arith.index_cast %add3A_258 : i32 to index
        %swap3A_262 = arith.constant 80 : index
        %swap3A_263 = tpu.vector_load %arg11[%swap3A_260, %swap3A_261, %swap3A_262] {strides = array<i32>} : memref<2x80x128xf32, #tpu.memory_space<vmem>>, vector<16xf32>,
        tpu.vector_store %arg11[%swap3A_260, %swap3A_261, %swap3A_262], %mul3A_256 {strides = array<i32>} : memref<2x80x128xf32, #tpu.memory_space<vmem>>, vector<16xf32>,
        %get3A_264 = arith.constant 0 : i32
        %get3A_265 = arith.index_cast %get3A_264 : i32 to index
        %get3A_266 = arith.index_cast %mul3A_103 : i32 to index
        %get3A_267 = arith.constant 96 : index
        %get3A_268 = tpu.vector_load %arg11[%get3A_265, %get3A_266, %get3A_267] {strides = array<i32>} : memref<2x80x128xf32, #tpu.memory_space<vmem>>, vector<16xf32>,
        %mul3A_269 = arith.mulf %get3A_268, %gather3A : vector<16xf32>
        %swap3A_270 = arith.constant 0 : i32
        %swap3A_271 = arith.index_cast %swap3A_270 : i32 to index
        %swap3A_272 = arith.index_cast %mul3A_103 : i32 to index
        %swap3A_273 = arith.constant 96 : index
        %swap3A_274 = tpu.vector_load %arg11[%swap3A_271, %swap3A_272, %swap3A_273] {strides = array<i32>} : memref<2x80x128xf32, #tpu.memory_space<vmem>>, vector<16xf32>,
        tpu.vector_store %arg11[%swap3A_271, %swap3A_272, %swap3A_273], %mul3A_269 {strides = array<i32>} : memref<2x80x128xf32, #tpu.memory_space<vmem>>, vector<16xf32>,
        %add3A_275 = arith.constant 1 : i32
        %add3A_276 = arith.addi %mul3A_103, %add3A_275 : i32
        %get3A_277 = arith.constant 0 : i32
        %get3A_278 = arith.index_cast %get3A_277 : i32 to index
        %get3A_279 = arith.index_cast %add3A_276 : i32 to index
        %get3A_280 = arith.constant 96 : index
        %get3A_281 = tpu.vector_load %arg11[%get3A_278, %get3A_279, %get3A_280] {strides = array<i32>} : memref<2x80x128xf32, #tpu.memory_space<vmem>>, vector<16xf32>,
        %mul3A_282 = arith.mulf %get3A_281, %gather3A_109 : vector<16xf32>
        %add3A_283 = arith.constant 1 : i32
        %add3A_284 = arith.addi %mul3A_103, %add3A_283 : i32
        %swap3A_285 = arith.constant 0 : i32
        %swap3A_286 = arith.index_cast %swap3A_285 : i32 to index
        %swap3A_287 = arith.index_cast %add3A_284 : i32 to index
        %swap3A_288 = arith.constant 96 : index
        %swap3A_289 = tpu.vector_load %arg11[%swap3A_286, %swap3A_287, %swap3A_288] {strides = array<i32>} : memref<2x80x128xf32, #tpu.memory_space<vmem>>, vector<16xf32>,
        tpu.vector_store %arg11[%swap3A_286, %swap3A_287, %swap3A_288], %mul3A_282 {strides = array<i32>} : memref<2x80x128xf32, #tpu.memory_space<vmem>>, vector<16xf32>,
        %get3A_290 = arith.constant 0 : i32
        %get3A_291 = arith.index_cast %get3A_290 : i32 to index
        %get3A_292 = arith.index_cast %mul3A_103 : i32 to index
        %get3A_293 = arith.constant 112 : index
        %get3A_294 = tpu.vector_load %arg11[%get3A_291, %get3A_292, %get3A_293] {strides = array<i32>} : memref<2x80x128xf32, #tpu.memory_space<vmem>>, vector<16xf32>,
        %mul3A_295 = arith.mulf %get3A_294, %gather3A : vector<16xf32>
        %swap3A_296 = arith.constant 0 : i32
        %swap3A_297 = arith.index_cast %swap3A_296 : i32 to index
        %swap3A_298 = arith.index_cast %mul3A_103 : i32 to index
        %swap3A_299 = arith.constant 112 : index
        %swap3A_300 = tpu.vector_load %arg11[%swap3A_297, %swap3A_298, %swap3A_299] {strides = array<i32>} : memref<2x80x128xf32, #tpu.memory_space<vmem>>, vector<16xf32>,
        tpu.vector_store %arg11[%swap3A_297, %swap3A_298, %swap3A_299], %mul3A_295 {strides = array<i32>} : memref<2x80x128xf32, #tpu.memory_space<vmem>>, vector<16xf32>,
        %add3A_301 = arith.constant 1 : i32
        %add3A_302 = arith.addi %mul3A_103, %add3A_301 : i32
        %get3A_303 = arith.constant 0 : i32
        %get3A_304 = arith.index_cast %get3A_303 : i32 to index
        %get3A_305 = arith.index_cast %add3A_302 : i32 to index
        %get3A_306 = arith.constant 112 : index
        %get3A_307 = tpu.vector_load %arg11[%get3A_304, %get3A_305, %get3A_306] {strides = array<i32>} : memref<2x80x128xf32, #tpu.memory_space<vmem>>, vector<16xf32>,
        %mul3A_308 = arith.mulf %get3A_307, %gather3A_109 : vector<16xf32>
        %add3A_309 = arith.constant 1 : i32
        %add3A_310 = arith.addi %mul3A_103, %add3A_309 : i32
        %swap3A_311 = arith.constant 0 : i32
        %swap3A_312 = arith.index_cast %swap3A_311 : i32 to index
        %swap3A_313 = arith.index_cast %add3A_310 : i32 to index
        %swap3A_314 = arith.constant 112 : index
        %swap3A_315 = tpu.vector_load %arg11[%swap3A_312, %swap3A_313, %swap3A_314] {strides = array<i32>} : memref<2x80x128xf32, #tpu.memory_space<vmem>>, vector<16xf32>,
        tpu.vector_store %arg11[%swap3A_312, %swap3A_313, %swap3A_314], %mul3A_308 {strides = array<i32>} : memref<2x80x128xf32, #tpu.memory_space<vmem>>, vector<16xf32>,
        %scan3A_316 = arith.constant 0 : i32
        scf.yield %scan3A_316 : i32
      }
      %scan3A_67 = arith.constant 40 : i32
      %run_scoped3A = arith.constant 0 : i32
      "tpu.region"() ({
        %run_scoped3A_100 = tpu.sem_alloc : memref<!tpu.dma_semaphore, #tpu.memory_space<semaphore_mem>>
        %dma_start3A_101 = arith.constant 0 : i32
        %dma_start3A_102 = arith.constant 0 : i32
        %dma_start3A_103 = tpu.memref_slice %arg11[%run_scoped3A, %dma_start3A_101, %dma_start3A_102] : memref<2x80x128xf32, #tpu.memory_space<vmem>> -> memref<1x80x128xf32, #tpu.memory_space<vmem>>
        %dma_start3A_104 = tpu.memref_squeeze %dma_start3A_103 : memref<1x80x128xf32, #tpu.memory_space<vmem>> -> memref<80x128xf32, #tpu.memory_space<vmem>>
        %dma_start3A_105 = arith.constant 0 : i32
        %dma_start3A_106 = tpu.memref_slice %arg9[%add3A_42, %dma_start3A_105] : memref<126x80xi32, #tpu.memory_space<vmem>> -> memref<1x80xi32, #tpu.memory_space<vmem>>
        %dma_start3A_107 = tpu.memref_squeeze %dma_start3A_106 : memref<1x80xi32, #tpu.memory_space<vmem>> -> memref<80xi32, #tpu.memory_space<vmem>>
        %dma_start3A_108 = arith.constant 0 : i32
        %dma_start3A_109 = arith.constant 0 : i32
        %dma_start3A_110 = tpu.memref_slice %arg12[%dma_start3A_108, %dma_start3A_109] : memref<10000x128xf32, #tpu.memory_space<vmem_shared>> -> memref<10000x128xf32, #tpu.memory_space<vmem_shared>>
        tpu.enqueue_indirect_dma source(%dma_start3A_104 : memref<80x128xf32, #tpu.memory_space<vmem>>) target(%dma_start3A_110 : memref<10000x128xf32, #tpu.memory_space<vmem_shared>>) offsets(%dma_start3A_107 : memref<80xi32, #tpu.memory_space<vmem>>) semaphore(%run_scoped3A_100 : memref<!tpu.dma_semaphore, #tpu.memory_space<semaphore_mem>>) {add = true}
        %dma_wait3A_111 = arith.constant 0 : i32
        %dma_wait3A_112 = arith.constant 0 : i32
        %dma_wait3A_113 = tpu.memref_slice %arg11[%run_scoped3A, %dma_wait3A_111, %dma_wait3A_112] : memref<2x80x128xf32, #tpu.memory_space<vmem>> -> memref<1x80x128xf32, #tpu.memory_space<vmem>>
        %dma_wait3A_114 = tpu.memref_squeeze %dma_wait3A_113 : memref<1x80x128xf32, #tpu.memory_space<vmem>> -> memref<80x128xf32, #tpu.memory_space<vmem>>
        %dma_wait3A_115 = arith.constant 0 : i32
        %dma_wait3A_116 = tpu.memref_slice %arg9[%add3A_42, %dma_wait3A_115] : memref<126x80xi32, #tpu.memory_space<vmem>> -> memref<1x80xi32, #tpu.memory_space<vmem>>
        %dma_wait3A_117 = tpu.memref_squeeze %dma_wait3A_116 : memref<1x80xi32, #tpu.memory_space<vmem>> -> memref<80xi32, #tpu.memory_space<vmem>>
        %dma_wait3A_118 = arith.constant 0 : i32
        %dma_wait3A_119 = arith.constant 0 : i32
        %dma_wait3A_120 = tpu.memref_slice %arg12[%dma_wait3A_118, %dma_wait3A_119] : memref<10000x128xf32, #tpu.memory_space<vmem_shared>> -> memref<10000x128xf32, #tpu.memory_space<vmem_shared>>
        tpu.wait_indirect_dma semaphore(%run_scoped3A_100 : memref<!tpu.dma_semaphore, #tpu.memory_space<semaphore_mem>>) src(%dma_wait3A_114 : memref<80x128xf32, #tpu.memory_space<vmem>>) dst(%dma_wait3A_120 : memref<10000x128xf32, #tpu.memory_space<vmem_shared>>)
        tpu.yield
      }) : () -> ()
      %mul3A_68 = arith.constant 2 : i32
      %mul3A_69 = arith.muli %mul3A_68, %scan3A_37 : i32
      %add3A_70 = arith.constant 1 : i32
      %add3A_71 = arith.addi %mul3A_69, %add3A_70 : i32
      %dma_wait3A_72 = arith.constant 0 : i32
      %dma_wait3A_73 = arith.constant 1 : i32
      %dma_wait3A_74 = arith.constant 0 : i32
      %dma_wait3A_75 = arith.constant 0 : i32
      %dma_wait3A_76 = tpu.memref_slice %arg11[%dma_wait3A_73, %dma_wait3A_74, %dma_wait3A_75] : memref<2x80x128xf32, #tpu.memory_space<vmem>> -> memref<1x80x128xf32, #tpu.memory_space<vmem>>
      %dma_wait3A_77 = tpu.memref_squeeze %dma_wait3A_76 : memref<1x80x128xf32, #tpu.memory_space<vmem>> -> memref<80x128xf32, #tpu.memory_space<vmem>>
      %dma_wait3A_78 = arith.constant 0 : i32
      %dma_wait3A_79 = tpu.memref_slice %arg8[%dma_wait3A_72, %dma_wait3A_78] : memref<126x80xi32, #tpu.memory_space<vmem>> -> memref<1x80xi32, #tpu.memory_space<vmem>>
      %dma_wait3A_80 = tpu.memref_squeeze %dma_wait3A_79 : memref<1x80xi32, #tpu.memory_space<vmem>> -> memref<80xi32, #tpu.memory_space<vmem>>
      %dma_wait3A_81 = arith.constant 0 : i32
      %dma_wait3A_82 = arith.constant 0 : i32
      %dma_wait3A_83 = tpu.memref_slice %arg2[%dma_wait3A_81, %dma_wait3A_82] : memref<10000x128xf32, #tpu.memory_space<hbm>> -> memref<10000x128xf32, #tpu.memory_space<hbm>>
      tpu.wait_indirect_dma semaphore(%arg14 : memref<!tpu.dma_semaphore, #tpu.memory_space<semaphore_mem>>) src(%dma_wait3A_83 : memref<10000x128xf32, #tpu.memory_space<hbm>>) dst(%dma_wait3A_77 : memref<80x128xf32, #tpu.memory_space<vmem>>)
      %add3A_84 = arith.constant 1 : i32
      %add3A_85 = arith.addi %add3A_71, %add3A_84 : i32
      %lt3A_86 = arith.constant 126 : i32
      %lt3A_87 = arith.cmpi slt, %add3A_85, %lt3A_86 : i32
      %convert_element_type3A_88 = arith.extui %lt3A_87 : i1 to i32
      %cond3A_89 = arith.constant 0 : i32
      %cond3A_90 = arith.cmpi ne, %convert_element_type3A_88, %cond3A_89 : i32
      scf.if %cond3A_90 {
        %add3A_100 = arith.constant 1 : i32
        %add3A_101 = arith.addi %add3A_71, %add3A_100 : i32
        %dma_start3A_102 = arith.constant 0 : i32
        %dma_start3A_103 = arith.constant 0 : i32
        %dma_start3A_104 = arith.constant 0 : i32
        %dma_start3A_105 = tpu.memref_slice %arg11[%dma_start3A_102, %dma_start3A_103, %dma_start3A_104] : memref<2x80x128xf32, #tpu.memory_space<vmem>> -> memref<1x80x128xf32, #tpu.memory_space<vmem>>
        %dma_start3A_106 = tpu.memref_squeeze %dma_start3A_105 : memref<1x80x128xf32, #tpu.memory_space<vmem>> -> memref<80x128xf32, #tpu.memory_space<vmem>>
        %dma_start3A_107 = arith.constant 0 : i32
        %dma_start3A_108 = tpu.memref_slice %arg8[%add3A_101, %dma_start3A_107] : memref<126x80xi32, #tpu.memory_space<vmem>> -> memref<1x80xi32, #tpu.memory_space<vmem>>
        %dma_start3A_109 = tpu.memref_squeeze %dma_start3A_108 : memref<1x80xi32, #tpu.memory_space<vmem>> -> memref<80xi32, #tpu.memory_space<vmem>>
        %dma_start3A_110 = arith.constant 0 : i32
        %dma_start3A_111 = arith.constant 0 : i32
        %dma_start3A_112 = tpu.memref_slice %arg2[%dma_start3A_110, %dma_start3A_111] : memref<10000x128xf32, #tpu.memory_space<hbm>> -> memref<10000x128xf32, #tpu.memory_space<hbm>>
        tpu.enqueue_indirect_dma source(%dma_start3A_112 : memref<10000x128xf32, #tpu.memory_space<hbm>>) target(%dma_start3A_106 : memref<80x128xf32, #tpu.memory_space<vmem>>) offsets(%dma_start3A_109 : memref<80xi32, #tpu.memory_space<vmem>>) semaphore(%arg13 : memref<!tpu.dma_semaphore, #tpu.memory_space<semaphore_mem>>)
      } else {
      }
      %scan3A_91 = arith.constant 0 : i32
      %scan3A_92 = arith.constant 0 : i32
      %scan3A_93 = arith.constant 40 : i32
      %scan3A_94 = arith.addi %scan3A_92, %scan3A_93 : i32
      %scan3A_95 = arith.constant 1 : i32
      %scan3A_96 = scf.for %scan3A_100 = %scan3A_92 to %scan3A_94 step %scan3A_95 iter_args(%scan3A_101 = %scan3A_91) -> (i32)  : i32 {
        %mul3A_102 = arith.constant 2 : i32
        %mul3A_103 = arith.muli %mul3A_102, %scan3A_100 : i32
        %broadcast_in_dim3A = vector.broadcast %add3A_71 : i32 to vector<16xi32>
        %broadcast_in_dim3A_104 = vector.broadcast %mul3A_103 : i32 to vector<16xi32>
        %gather3A = tpu.vector_load_idx %arg10[%broadcast_in_dim3A, %broadcast_in_dim3A_104] : memref<126x80xf32, #tpu.memory_space<vmem>>[vector<16xi32>, vector<16xi32>], vector<16xf32>,
        %broadcast_in_dim3A_105 = vector.broadcast %add3A_71 : i32 to vector<16xi32>
        %add3A_106 = arith.constant 1 : i32
        %add3A_107 = arith.addi %mul3A_103, %add3A_106 : i32
        %broadcast_in_dim3A_108 = vector.broadcast %add3A_107 : i32 to vector<16xi32>
        %gather3A_109 = tpu.vector_load_idx %arg10[%broadcast_in_dim3A_105, %broadcast_in_dim3A_108] : memref<126x80xf32, #tpu.memory_space<vmem>>[vector<16xi32>, vector<16xi32>], vector<16xf32>,
        %get3A = arith.constant 1 : i32
        %get3A_110 = arith.index_cast %get3A : i32 to index
        %get3A_111 = arith.index_cast %mul3A_103 : i32 to index
        %get3A_112 = arith.constant 0 : index
        %get3A_113 = tpu.vector_load %arg11[%get3A_110, %get3A_111, %get3A_112] {strides = array<i32>} : memref<2x80x128xf32, #tpu.memory_space<vmem>>, vector<16xf32>,
        %mul3A_114 = arith.mulf %get3A_113, %gather3A : vector<16xf32>
        %swap3A = arith.constant 1 : i32
        %swap3A_115 = arith.index_cast %swap3A : i32 to index
        %swap3A_116 = arith.index_cast %mul3A_103 : i32 to index
        %swap3A_117 = arith.constant 0 : index
        %swap3A_118 = tpu.vector_load %arg11[%swap3A_115, %swap3A_116, %swap3A_117] {strides = array<i32>} : memref<2x80x128xf32, #tpu.memory_space<vmem>>, vector<16xf32>,
        tpu.vector_store %arg11[%swap3A_115, %swap3A_116, %swap3A_117], %mul3A_114 {strides = array<i32>} : memref<2x80x128xf32, #tpu.memory_space<vmem>>, vector<16xf32>,
        %add3A_119 = arith.constant 1 : i32
        %add3A_120 = arith.addi %mul3A_103, %add3A_119 : i32
        %get3A_121 = arith.constant 1 : i32
        %get3A_122 = arith.index_cast %get3A_121 : i32 to index
        %get3A_123 = arith.index_cast %add3A_120 : i32 to index
        %get3A_124 = arith.constant 0 : index
        %get3A_125 = tpu.vector_load %arg11[%get3A_122, %get3A_123, %get3A_124] {strides = array<i32>} : memref<2x80x128xf32, #tpu.memory_space<vmem>>, vector<16xf32>,
        %mul3A_126 = arith.mulf %get3A_125, %gather3A_109 : vector<16xf32>
        %add3A_127 = arith.constant 1 : i32
        %add3A_128 = arith.addi %mul3A_103, %add3A_127 : i32
        %swap3A_129 = arith.constant 1 : i32
        %swap3A_130 = arith.index_cast %swap3A_129 : i32 to index
        %swap3A_131 = arith.index_cast %add3A_128 : i32 to index
        %swap3A_132 = arith.constant 0 : index
        %swap3A_133 = tpu.vector_load %arg11[%swap3A_130, %swap3A_131, %swap3A_132] {strides = array<i32>} : memref<2x80x128xf32, #tpu.memory_space<vmem>>, vector<16xf32>,
        tpu.vector_store %arg11[%swap3A_130, %swap3A_131, %swap3A_132], %mul3A_126 {strides = array<i32>} : memref<2x80x128xf32, #tpu.memory_space<vmem>>, vector<16xf32>,
        %get3A_134 = arith.constant 1 : i32
        %get3A_135 = arith.index_cast %get3A_134 : i32 to index
        %get3A_136 = arith.index_cast %mul3A_103 : i32 to index
        %get3A_137 = arith.constant 16 : index
        %get3A_138 = tpu.vector_load %arg11[%get3A_135, %get3A_136, %get3A_137] {strides = array<i32>} : memref<2x80x128xf32, #tpu.memory_space<vmem>>, vector<16xf32>,
        %mul3A_139 = arith.mulf %get3A_138, %gather3A : vector<16xf32>
        %swap3A_140 = arith.constant 1 : i32
        %swap3A_141 = arith.index_cast %swap3A_140 : i32 to index
        %swap3A_142 = arith.index_cast %mul3A_103 : i32 to index
        %swap3A_143 = arith.constant 16 : index
        %swap3A_144 = tpu.vector_load %arg11[%swap3A_141, %swap3A_142, %swap3A_143] {strides = array<i32>} : memref<2x80x128xf32, #tpu.memory_space<vmem>>, vector<16xf32>,
        tpu.vector_store %arg11[%swap3A_141, %swap3A_142, %swap3A_143], %mul3A_139 {strides = array<i32>} : memref<2x80x128xf32, #tpu.memory_space<vmem>>, vector<16xf32>,
        %add3A_145 = arith.constant 1 : i32
        %add3A_146 = arith.addi %mul3A_103, %add3A_145 : i32
        %get3A_147 = arith.constant 1 : i32
        %get3A_148 = arith.index_cast %get3A_147 : i32 to index
        %get3A_149 = arith.index_cast %add3A_146 : i32 to index
        %get3A_150 = arith.constant 16 : index
        %get3A_151 = tpu.vector_load %arg11[%get3A_148, %get3A_149, %get3A_150] {strides = array<i32>} : memref<2x80x128xf32, #tpu.memory_space<vmem>>, vector<16xf32>,
        %mul3A_152 = arith.mulf %get3A_151, %gather3A_109 : vector<16xf32>
        %add3A_153 = arith.constant 1 : i32
        %add3A_154 = arith.addi %mul3A_103, %add3A_153 : i32
        %swap3A_155 = arith.constant 1 : i32
        %swap3A_156 = arith.index_cast %swap3A_155 : i32 to index
        %swap3A_157 = arith.index_cast %add3A_154 : i32 to index
        %swap3A_158 = arith.constant 16 : index
        %swap3A_159 = tpu.vector_load %arg11[%swap3A_156, %swap3A_157, %swap3A_158] {strides = array<i32>} : memref<2x80x128xf32, #tpu.memory_space<vmem>>, vector<16xf32>,
        tpu.vector_store %arg11[%swap3A_156, %swap3A_157, %swap3A_158], %mul3A_152 {strides = array<i32>} : memref<2x80x128xf32, #tpu.memory_space<vmem>>, vector<16xf32>,
        %get3A_160 = arith.constant 1 : i32
        %get3A_161 = arith.index_cast %get3A_160 : i32 to index
        %get3A_162 = arith.index_cast %mul3A_103 : i32 to index
        %get3A_163 = arith.constant 32 : index
        %get3A_164 = tpu.vector_load %arg11[%get3A_161, %get3A_162, %get3A_163] {strides = array<i32>} : memref<2x80x128xf32, #tpu.memory_space<vmem>>, vector<16xf32>,
        %mul3A_165 = arith.mulf %get3A_164, %gather3A : vector<16xf32>
        %swap3A_166 = arith.constant 1 : i32
        %swap3A_167 = arith.index_cast %swap3A_166 : i32 to index
        %swap3A_168 = arith.index_cast %mul3A_103 : i32 to index
        %swap3A_169 = arith.constant 32 : index
        %swap3A_170 = tpu.vector_load %arg11[%swap3A_167, %swap3A_168, %swap3A_169] {strides = array<i32>} : memref<2x80x128xf32, #tpu.memory_space<vmem>>, vector<16xf32>,
        tpu.vector_store %arg11[%swap3A_167, %swap3A_168, %swap3A_169], %mul3A_165 {strides = array<i32>} : memref<2x80x128xf32, #tpu.memory_space<vmem>>, vector<16xf32>,
        %add3A_171 = arith.constant 1 : i32
        %add3A_172 = arith.addi %mul3A_103, %add3A_171 : i32
        %get3A_173 = arith.constant 1 : i32
        %get3A_174 = arith.index_cast %get3A_173 : i32 to index
        %get3A_175 = arith.index_cast %add3A_172 : i32 to index
        %get3A_176 = arith.constant 32 : index
        %get3A_177 = tpu.vector_load %arg11[%get3A_174, %get3A_175, %get3A_176] {strides = array<i32>} : memref<2x80x128xf32, #tpu.memory_space<vmem>>, vector<16xf32>,
        %mul3A_178 = arith.mulf %get3A_177, %gather3A_109 : vector<16xf32>
        %add3A_179 = arith.constant 1 : i32
        %add3A_180 = arith.addi %mul3A_103, %add3A_179 : i32
        %swap3A_181 = arith.constant 1 : i32
        %swap3A_182 = arith.index_cast %swap3A_181 : i32 to index
        %swap3A_183 = arith.index_cast %add3A_180 : i32 to index
        %swap3A_184 = arith.constant 32 : index
        %swap3A_185 = tpu.vector_load %arg11[%swap3A_182, %swap3A_183, %swap3A_184] {strides = array<i32>} : memref<2x80x128xf32, #tpu.memory_space<vmem>>, vector<16xf32>,
        tpu.vector_store %arg11[%swap3A_182, %swap3A_183, %swap3A_184], %mul3A_178 {strides = array<i32>} : memref<2x80x128xf32, #tpu.memory_space<vmem>>, vector<16xf32>,
        %get3A_186 = arith.constant 1 : i32
        %get3A_187 = arith.index_cast %get3A_186 : i32 to index
        %get3A_188 = arith.index_cast %mul3A_103 : i32 to index
        %get3A_189 = arith.constant 48 : index
        %get3A_190 = tpu.vector_load %arg11[%get3A_187, %get3A_188, %get3A_189] {strides = array<i32>} : memref<2x80x128xf32, #tpu.memory_space<vmem>>, vector<16xf32>,
        %mul3A_191 = arith.mulf %get3A_190, %gather3A : vector<16xf32>
        %swap3A_192 = arith.constant 1 : i32
        %swap3A_193 = arith.index_cast %swap3A_192 : i32 to index
        %swap3A_194 = arith.index_cast %mul3A_103 : i32 to index
        %swap3A_195 = arith.constant 48 : index
        %swap3A_196 = tpu.vector_load %arg11[%swap3A_193, %swap3A_194, %swap3A_195] {strides = array<i32>} : memref<2x80x128xf32, #tpu.memory_space<vmem>>, vector<16xf32>,
        tpu.vector_store %arg11[%swap3A_193, %swap3A_194, %swap3A_195], %mul3A_191 {strides = array<i32>} : memref<2x80x128xf32, #tpu.memory_space<vmem>>, vector<16xf32>,
        %add3A_197 = arith.constant 1 : i32
        %add3A_198 = arith.addi %mul3A_103, %add3A_197 : i32
        %get3A_199 = arith.constant 1 : i32
        %get3A_200 = arith.index_cast %get3A_199 : i32 to index
        %get3A_201 = arith.index_cast %add3A_198 : i32 to index
        %get3A_202 = arith.constant 48 : index
        %get3A_203 = tpu.vector_load %arg11[%get3A_200, %get3A_201, %get3A_202] {strides = array<i32>} : memref<2x80x128xf32, #tpu.memory_space<vmem>>, vector<16xf32>,
        %mul3A_204 = arith.mulf %get3A_203, %gather3A_109 : vector<16xf32>
        %add3A_205 = arith.constant 1 : i32
        %add3A_206 = arith.addi %mul3A_103, %add3A_205 : i32
        %swap3A_207 = arith.constant 1 : i32
        %swap3A_208 = arith.index_cast %swap3A_207 : i32 to index
        %swap3A_209 = arith.index_cast %add3A_206 : i32 to index
        %swap3A_210 = arith.constant 48 : index
        %swap3A_211 = tpu.vector_load %arg11[%swap3A_208, %swap3A_209, %swap3A_210] {strides = array<i32>} : memref<2x80x128xf32, #tpu.memory_space<vmem>>, vector<16xf32>,
        tpu.vector_store %arg11[%swap3A_208, %swap3A_209, %swap3A_210], %mul3A_204 {strides = array<i32>} : memref<2x80x128xf32, #tpu.memory_space<vmem>>, vector<16xf32>,
        %get3A_212 = arith.constant 1 : i32
        %get3A_213 = arith.index_cast %get3A_212 : i32 to index
        %get3A_214 = arith.index_cast %mul3A_103 : i32 to index
        %get3A_215 = arith.constant 64 : index
        %get3A_216 = tpu.vector_load %arg11[%get3A_213, %get3A_214, %get3A_215] {strides = array<i32>} : memref<2x80x128xf32, #tpu.memory_space<vmem>>, vector<16xf32>,
        %mul3A_217 = arith.mulf %get3A_216, %gather3A : vector<16xf32>
        %swap3A_218 = arith.constant 1 : i32
        %swap3A_219 = arith.index_cast %swap3A_218 : i32 to index
        %swap3A_220 = arith.index_cast %mul3A_103 : i32 to index
        %swap3A_221 = arith.constant 64 : index
        %swap3A_222 = tpu.vector_load %arg11[%swap3A_219, %swap3A_220, %swap3A_221] {strides = array<i32>} : memref<2x80x128xf32, #tpu.memory_space<vmem>>, vector<16xf32>,
        tpu.vector_store %arg11[%swap3A_219, %swap3A_220, %swap3A_221], %mul3A_217 {strides = array<i32>} : memref<2x80x128xf32, #tpu.memory_space<vmem>>, vector<16xf32>,
        %add3A_223 = arith.constant 1 : i32
        %add3A_224 = arith.addi %mul3A_103, %add3A_223 : i32
        %get3A_225 = arith.constant 1 : i32
        %get3A_226 = arith.index_cast %get3A_225 : i32 to index
        %get3A_227 = arith.index_cast %add3A_224 : i32 to index
        %get3A_228 = arith.constant 64 : index
        %get3A_229 = tpu.vector_load %arg11[%get3A_226, %get3A_227, %get3A_228] {strides = array<i32>} : memref<2x80x128xf32, #tpu.memory_space<vmem>>, vector<16xf32>,
        %mul3A_230 = arith.mulf %get3A_229, %gather3A_109 : vector<16xf32>
        %add3A_231 = arith.constant 1 : i32
        %add3A_232 = arith.addi %mul3A_103, %add3A_231 : i32
        %swap3A_233 = arith.constant 1 : i32
        %swap3A_234 = arith.index_cast %swap3A_233 : i32 to index
        %swap3A_235 = arith.index_cast %add3A_232 : i32 to index
        %swap3A_236 = arith.constant 64 : index
        %swap3A_237 = tpu.vector_load %arg11[%swap3A_234, %swap3A_235, %swap3A_236] {strides = array<i32>} : memref<2x80x128xf32, #tpu.memory_space<vmem>>, vector<16xf32>,
        tpu.vector_store %arg11[%swap3A_234, %swap3A_235, %swap3A_236], %mul3A_230 {strides = array<i32>} : memref<2x80x128xf32, #tpu.memory_space<vmem>>, vector<16xf32>,
        %get3A_238 = arith.constant 1 : i32
        %get3A_239 = arith.index_cast %get3A_238 : i32 to index
        %get3A_240 = arith.index_cast %mul3A_103 : i32 to index
        %get3A_241 = arith.constant 80 : index
        %get3A_242 = tpu.vector_load %arg11[%get3A_239, %get3A_240, %get3A_241] {strides = array<i32>} : memref<2x80x128xf32, #tpu.memory_space<vmem>>, vector<16xf32>,
        %mul3A_243 = arith.mulf %get3A_242, %gather3A : vector<16xf32>
        %swap3A_244 = arith.constant 1 : i32
        %swap3A_245 = arith.index_cast %swap3A_244 : i32 to index
        %swap3A_246 = arith.index_cast %mul3A_103 : i32 to index
        %swap3A_247 = arith.constant 80 : index
        %swap3A_248 = tpu.vector_load %arg11[%swap3A_245, %swap3A_246, %swap3A_247] {strides = array<i32>} : memref<2x80x128xf32, #tpu.memory_space<vmem>>, vector<16xf32>,
        tpu.vector_store %arg11[%swap3A_245, %swap3A_246, %swap3A_247], %mul3A_243 {strides = array<i32>} : memref<2x80x128xf32, #tpu.memory_space<vmem>>, vector<16xf32>,
        %add3A_249 = arith.constant 1 : i32
        %add3A_250 = arith.addi %mul3A_103, %add3A_249 : i32
        %get3A_251 = arith.constant 1 : i32
        %get3A_252 = arith.index_cast %get3A_251 : i32 to index
        %get3A_253 = arith.index_cast %add3A_250 : i32 to index
        %get3A_254 = arith.constant 80 : index
        %get3A_255 = tpu.vector_load %arg11[%get3A_252, %get3A_253, %get3A_254] {strides = array<i32>} : memref<2x80x128xf32, #tpu.memory_space<vmem>>, vector<16xf32>,
        %mul3A_256 = arith.mulf %get3A_255, %gather3A_109 : vector<16xf32>
        %add3A_257 = arith.constant 1 : i32
        %add3A_258 = arith.addi %mul3A_103, %add3A_257 : i32
        %swap3A_259 = arith.constant 1 : i32
        %swap3A_260 = arith.index_cast %swap3A_259 : i32 to index
        %swap3A_261 = arith.index_cast %add3A_258 : i32 to index
        %swap3A_262 = arith.constant 80 : index
        %swap3A_263 = tpu.vector_load %arg11[%swap3A_260, %swap3A_261, %swap3A_262] {strides = array<i32>} : memref<2x80x128xf32, #tpu.memory_space<vmem>>, vector<16xf32>,
        tpu.vector_store %arg11[%swap3A_260, %swap3A_261, %swap3A_262], %mul3A_256 {strides = array<i32>} : memref<2x80x128xf32, #tpu.memory_space<vmem>>, vector<16xf32>,
        %get3A_264 = arith.constant 1 : i32
        %get3A_265 = arith.index_cast %get3A_264 : i32 to index
        %get3A_266 = arith.index_cast %mul3A_103 : i32 to index
        %get3A_267 = arith.constant 96 : index
        %get3A_268 = tpu.vector_load %arg11[%get3A_265, %get3A_266, %get3A_267] {strides = array<i32>} : memref<2x80x128xf32, #tpu.memory_space<vmem>>, vector<16xf32>,
        %mul3A_269 = arith.mulf %get3A_268, %gather3A : vector<16xf32>
        %swap3A_270 = arith.constant 1 : i32
        %swap3A_271 = arith.index_cast %swap3A_270 : i32 to index
        %swap3A_272 = arith.index_cast %mul3A_103 : i32 to index
        %swap3A_273 = arith.constant 96 : index
        %swap3A_274 = tpu.vector_load %arg11[%swap3A_271, %swap3A_272, %swap3A_273] {strides = array<i32>} : memref<2x80x128xf32, #tpu.memory_space<vmem>>, vector<16xf32>,
        tpu.vector_store %arg11[%swap3A_271, %swap3A_272, %swap3A_273], %mul3A_269 {strides = array<i32>} : memref<2x80x128xf32, #tpu.memory_space<vmem>>, vector<16xf32>,
        %add3A_275 = arith.constant 1 : i32
        %add3A_276 = arith.addi %mul3A_103, %add3A_275 : i32
        %get3A_277 = arith.constant 1 : i32
        %get3A_278 = arith.index_cast %get3A_277 : i32 to index
        %get3A_279 = arith.index_cast %add3A_276 : i32 to index
        %get3A_280 = arith.constant 96 : index
        %get3A_281 = tpu.vector_load %arg11[%get3A_278, %get3A_279, %get3A_280] {strides = array<i32>} : memref<2x80x128xf32, #tpu.memory_space<vmem>>, vector<16xf32>,
        %mul3A_282 = arith.mulf %get3A_281, %gather3A_109 : vector<16xf32>
        %add3A_283 = arith.constant 1 : i32
        %add3A_284 = arith.addi %mul3A_103, %add3A_283 : i32
        %swap3A_285 = arith.constant 1 : i32
        %swap3A_286 = arith.index_cast %swap3A_285 : i32 to index
        %swap3A_287 = arith.index_cast %add3A_284 : i32 to index
        %swap3A_288 = arith.constant 96 : index
        %swap3A_289 = tpu.vector_load %arg11[%swap3A_286, %swap3A_287, %swap3A_288] {strides = array<i32>} : memref<2x80x128xf32, #tpu.memory_space<vmem>>, vector<16xf32>,
        tpu.vector_store %arg11[%swap3A_286, %swap3A_287, %swap3A_288], %mul3A_282 {strides = array<i32>} : memref<2x80x128xf32, #tpu.memory_space<vmem>>, vector<16xf32>,
        %get3A_290 = arith.constant 1 : i32
        %get3A_291 = arith.index_cast %get3A_290 : i32 to index
        %get3A_292 = arith.index_cast %mul3A_103 : i32 to index
        %get3A_293 = arith.constant 112 : index
        %get3A_294 = tpu.vector_load %arg11[%get3A_291, %get3A_292, %get3A_293] {strides = array<i32>} : memref<2x80x128xf32, #tpu.memory_space<vmem>>, vector<16xf32>,
        %mul3A_295 = arith.mulf %get3A_294, %gather3A : vector<16xf32>
        %swap3A_296 = arith.constant 1 : i32
        %swap3A_297 = arith.index_cast %swap3A_296 : i32 to index
        %swap3A_298 = arith.index_cast %mul3A_103 : i32 to index
        %swap3A_299 = arith.constant 112 : index
        %swap3A_300 = tpu.vector_load %arg11[%swap3A_297, %swap3A_298, %swap3A_299] {strides = array<i32>} : memref<2x80x128xf32, #tpu.memory_space<vmem>>, vector<16xf32>,
        tpu.vector_store %arg11[%swap3A_297, %swap3A_298, %swap3A_299], %mul3A_295 {strides = array<i32>} : memref<2x80x128xf32, #tpu.memory_space<vmem>>, vector<16xf32>,
        %add3A_301 = arith.constant 1 : i32
        %add3A_302 = arith.addi %mul3A_103, %add3A_301 : i32
        %get3A_303 = arith.constant 1 : i32
        %get3A_304 = arith.index_cast %get3A_303 : i32 to index
        %get3A_305 = arith.index_cast %add3A_302 : i32 to index
        %get3A_306 = arith.constant 112 : index
        %get3A_307 = tpu.vector_load %arg11[%get3A_304, %get3A_305, %get3A_306] {strides = array<i32>} : memref<2x80x128xf32, #tpu.memory_space<vmem>>, vector<16xf32>,
        %mul3A_308 = arith.mulf %get3A_307, %gather3A_109 : vector<16xf32>
        %add3A_309 = arith.constant 1 : i32
        %add3A_310 = arith.addi %mul3A_103, %add3A_309 : i32
        %swap3A_311 = arith.constant 1 : i32
        %swap3A_312 = arith.index_cast %swap3A_311 : i32 to index
        %swap3A_313 = arith.index_cast %add3A_310 : i32 to index
        %swap3A_314 = arith.constant 112 : index
        %swap3A_315 = tpu.vector_load %arg11[%swap3A_312, %swap3A_313, %swap3A_314] {strides = array<i32>} : memref<2x80x128xf32, #tpu.memory_space<vmem>>, vector<16xf32>,
        tpu.vector_store %arg11[%swap3A_312, %swap3A_313, %swap3A_314], %mul3A_308 {strides = array<i32>} : memref<2x80x128xf32, #tpu.memory_space<vmem>>, vector<16xf32>,
        %scan3A_316 = arith.constant 0 : i32
        scf.yield %scan3A_316 : i32
      }
      %scan3A_97 = arith.constant 40 : i32
      %run_scoped3A_98 = arith.constant 1 : i32
      "tpu.region"() ({
        %run_scoped3A_100 = tpu.sem_alloc : memref<!tpu.dma_semaphore, #tpu.memory_space<semaphore_mem>>
        %dma_start3A_101 = arith.constant 0 : i32
        %dma_start3A_102 = arith.constant 0 : i32
        %dma_start3A_103 = tpu.memref_slice %arg11[%run_scoped3A_98, %dma_start3A_101, %dma_start3A_102] : memref<2x80x128xf32, #tpu.memory_space<vmem>> -> memref<1x80x128xf32, #tpu.memory_space<vmem>>
        %dma_start3A_104 = tpu.memref_squeeze %dma_start3A_103 : memref<1x80x128xf32, #tpu.memory_space<vmem>> -> memref<80x128xf32, #tpu.memory_space<vmem>>
        %dma_start3A_105 = arith.constant 0 : i32
        %dma_start3A_106 = tpu.memref_slice %arg9[%add3A_71, %dma_start3A_105] : memref<126x80xi32, #tpu.memory_space<vmem>> -> memref<1x80xi32, #tpu.memory_space<vmem>>
        %dma_start3A_107 = tpu.memref_squeeze %dma_start3A_106 : memref<1x80xi32, #tpu.memory_space<vmem>> -> memref<80xi32, #tpu.memory_space<vmem>>
        %dma_start3A_108 = arith.constant 0 : i32
        %dma_start3A_109 = arith.constant 0 : i32
        %dma_start3A_110 = tpu.memref_slice %arg12[%dma_start3A_108, %dma_start3A_109] : memref<10000x128xf32, #tpu.memory_space<vmem_shared>> -> memref<10000x128xf32, #tpu.memory_space<vmem_shared>>
        tpu.enqueue_indirect_dma source(%dma_start3A_104 : memref<80x128xf32, #tpu.memory_space<vmem>>) target(%dma_start3A_110 : memref<10000x128xf32, #tpu.memory_space<vmem_shared>>) offsets(%dma_start3A_107 : memref<80xi32, #tpu.memory_space<vmem>>) semaphore(%run_scoped3A_100 : memref<!tpu.dma_semaphore, #tpu.memory_space<semaphore_mem>>) {add = true}
        %dma_wait3A_111 = arith.constant 0 : i32
        %dma_wait3A_112 = arith.constant 0 : i32
        %dma_wait3A_113 = tpu.memref_slice %arg11[%run_scoped3A_98, %dma_wait3A_111, %dma_wait3A_112] : memref<2x80x128xf32, #tpu.memory_space<vmem>> -> memref<1x80x128xf32, #tpu.memory_space<vmem>>
        %dma_wait3A_114 = tpu.memref_squeeze %dma_wait3A_113 : memref<1x80x128xf32, #tpu.memory_space<vmem>> -> memref<80x128xf32, #tpu.memory_space<vmem>>
        %dma_wait3A_115 = arith.constant 0 : i32
        %dma_wait3A_116 = tpu.memref_slice %arg9[%add3A_71, %dma_wait3A_115] : memref<126x80xi32, #tpu.memory_space<vmem>> -> memref<1x80xi32, #tpu.memory_space<vmem>>
        %dma_wait3A_117 = tpu.memref_squeeze %dma_wait3A_116 : memref<1x80xi32, #tpu.memory_space<vmem>> -> memref<80xi32, #tpu.memory_space<vmem>>
        %dma_wait3A_118 = arith.constant 0 : i32
        %dma_wait3A_119 = arith.constant 0 : i32
        %dma_wait3A_120 = tpu.memref_slice %arg12[%dma_wait3A_118, %dma_wait3A_119] : memref<10000x128xf32, #tpu.memory_space<vmem_shared>> -> memref<10000x128xf32, #tpu.memory_space<vmem_shared>>
        tpu.wait_indirect_dma semaphore(%run_scoped3A_100 : memref<!tpu.dma_semaphore, #tpu.memory_space<semaphore_mem>>) src(%dma_wait3A_114 : memref<80x128xf32, #tpu.memory_space<vmem>>) dst(%dma_wait3A_120 : memref<10000x128xf32, #tpu.memory_space<vmem_shared>>)
        tpu.yield
      }) : () -> ()
      %scan3A_99 = arith.constant 0 : i32
      scf.yield %scan3A_99 : i32
    }
    %scan3A_25 = arith.constant 63 : i32
    %barrier3A_26 = arith.constant 0 : index
    tpu.barrier barrier_id(%barrier3A_26)
    %lt3A_27 = arith.constant 15 : i32
    %lt3A_28 = arith.cmpi slt, %arg1, %lt3A_27 : i32
    %convert_element_type3A_29 = arith.extui %lt3A_28 : i1 to i32
    %cond3A_30 = arith.constant 0 : i32
    %cond3A_31 = arith.cmpi ne, %convert_element_type3A_29, %cond3A_30 : i32
    scf.if %cond3A_31 {
      "tpu.region"() ({
        %run_scoped3A = tpu.sem_alloc : memref<!tpu.dma_semaphore, #tpu.memory_space<semaphore_mem>>
        %dma_start3A_37 = arith.constant 0 : i32
        %dma_start3A_38 = tpu.memref_slice %arg7[%arg0, %mul3A_2, %dma_start3A_37] : memref<2x10000x128xf32, #tpu.memory_space<hbm>> -> memref<1x624x128xf32, #tpu.memory_space<hbm>>
        %dma_start3A_39 = tpu.memref_squeeze %dma_start3A_38 : memref<1x624x128xf32, #tpu.memory_space<hbm>> -> memref<624x128xf32, #tpu.memory_space<hbm>>
        %dma_start3A_40 = arith.constant 0 : i32
        %dma_start3A_41 = tpu.memref_slice %arg12[%mul3A_2, %dma_start3A_40] : memref<10000x128xf32, #tpu.memory_space<vmem_shared>> -> memref<624x128xf32, #tpu.memory_space<vmem_shared>>
        tpu.enqueue_dma source(%dma_start3A_41 : memref<624x128xf32, #tpu.memory_space<vmem_shared>>) target(%dma_start3A_39 : memref<624x128xf32, #tpu.memory_space<hbm>>) target_semaphore(%run_scoped3A : memref<!tpu.dma_semaphore, #tpu.memory_space<semaphore_mem>>)
        %dma_wait3A = arith.constant 0 : i32
        %dma_wait3A_42 = tpu.memref_slice %arg7[%arg0, %mul3A_2, %dma_wait3A] : memref<2x10000x128xf32, #tpu.memory_space<hbm>> -> memref<1x624x128xf32, #tpu.memory_space<hbm>>
        %dma_wait3A_43 = tpu.memref_squeeze %dma_wait3A_42 : memref<1x624x128xf32, #tpu.memory_space<hbm>> -> memref<624x128xf32, #tpu.memory_space<hbm>>
        %dma_wait3A_44 = arith.constant 0 : i32
        %dma_wait3A_45 = tpu.memref_slice %arg12[%mul3A_2, %dma_wait3A_44] : memref<10000x128xf32, #tpu.memory_space<vmem_shared>> -> memref<624x128xf32, #tpu.memory_space<vmem_shared>>
        tpu.wait_dma2 semaphore(%run_scoped3A : memref<!tpu.dma_semaphore, #tpu.memory_space<semaphore_mem>>) src(%dma_wait3A_45 : memref<624x128xf32, #tpu.memory_space<vmem_shared>>) dst(%dma_wait3A_43 : memref<624x128xf32, #tpu.memory_space<hbm>>)
        tpu.yield
      }) : () -> ()
    } else {
    }
    %eq3A_32 = arith.constant 15 : i32
    %eq3A_33 = arith.cmpi eq, %arg1, %eq3A_32 : i32
    %convert_element_type3A_34 = arith.extui %eq3A_33 : i1 to i32
    %cond3A_35 = arith.constant 0 : i32
    %cond3A_36 = arith.cmpi ne, %convert_element_type3A_34, %cond3A_35 : i32
    scf.if %cond3A_36 {
      "tpu.region"() ({
        %run_scoped3A = tpu.sem_alloc : memref<!tpu.dma_semaphore, #tpu.memory_space<semaphore_mem>>
        %dma_start3A_37 = arith.constant 0 : i32
        %dma_start3A_38 = tpu.memref_slice %arg7[%arg0, %mul3A_2, %dma_start3A_37] : memref<2x10000x128xf32, #tpu.memory_space<hbm>> -> memref<1x640x128xf32, #tpu.memory_space<hbm>>
        %dma_start3A_39 = tpu.memref_squeeze %dma_start3A_38 : memref<1x640x128xf32, #tpu.memory_space<hbm>> -> memref<640x128xf32, #tpu.memory_space<hbm>>
        %dma_start3A_40 = arith.constant 0 : i32
        %dma_start3A_41 = tpu.memref_slice %arg12[%mul3A_2, %dma_start3A_40] : memref<10000x128xf32, #tpu.memory_space<vmem_shared>> -> memref<640x128xf32, #tpu.memory_space<vmem_shared>>
        tpu.enqueue_dma source(%dma_start3A_41 : memref<640x128xf32, #tpu.memory_space<vmem_shared>>) target(%dma_start3A_39 : memref<640x128xf32, #tpu.memory_space<hbm>>) target_semaphore(%run_scoped3A : memref<!tpu.dma_semaphore, #tpu.memory_space<semaphore_mem>>)
        %dma_wait3A = arith.constant 0 : i32
        %dma_wait3A_42 = tpu.memref_slice %arg7[%arg0, %mul3A_2, %dma_wait3A] : memref<2x10000x128xf32, #tpu.memory_space<hbm>> -> memref<1x640x128xf32, #tpu.memory_space<hbm>>
        %dma_wait3A_43 = tpu.memref_squeeze %dma_wait3A_42 : memref<1x640x128xf32, #tpu.memory_space<hbm>> -> memref<640x128xf32, #tpu.memory_space<hbm>>
        %dma_wait3A_44 = arith.constant 0 : i32
        %dma_wait3A_45 = tpu.memref_slice %arg12[%mul3A_2, %dma_wait3A_44] : memref<10000x128xf32, #tpu.memory_space<vmem_shared>> -> memref<640x128xf32, #tpu.memory_space<vmem_shared>>
        tpu.wait_dma2 semaphore(%run_scoped3A : memref<!tpu.dma_semaphore, #tpu.memory_space<semaphore_mem>>) src(%dma_wait3A_45 : memref<640x128xf32, #tpu.memory_space<vmem_shared>>) dst(%dma_wait3A_43 : memref<640x128xf32, #tpu.memory_space<hbm>>)
        tpu.yield
      }) : () -> ()
    } else {
    }
    return
  }
}

module attributes {stable_mosaic.version = 14 : i64} {
  func.func @body(%arg0: i32, %arg1: memref<1000x128xf32, #tpu.memory_space<vmem>>, %arg2: memref<128x128xf32, #tpu.memory_space<vmem>>, %arg3: memref<128x128xf32, #tpu.memory_space<vmem>>, %arg4: memref<1x128xf32, #tpu.memory_space<vmem>>, %arg5: memref<1000x128xf32, #tpu.memory_space<vmem>>, %arg6: memref<1000x128xf32, #tpu.memory_space<vmem>>) attributes {dimension_semantics = [#tpu.dimension_semantics<arbitrary>], iteration_bounds = array<i64: 10>, scalar_prefetch = 0 : i64, scratch_operands = 0 : i64, tpu.core_type = #tpu.core_type<tc>, window_params = [{transform_indices = @transform_0, window_bounds = array<i64: 1000, 128>}, {pipeline_mode = #tpu.pipeline_mode<synchronous>, transform_indices = @transform_1, window_bounds = array<i64: 128, 128>}, {pipeline_mode = #tpu.pipeline_mode<synchronous>, transform_indices = @transform_2, window_bounds = array<i64: 128, 128>}, {pipeline_mode = #tpu.pipeline_mode<synchronous>, transform_indices = @transform_3, window_bounds = array<i64: 1, 128>}, {transform_indices = @transform_4, window_bounds = array<i64: 1000, 128>}, {transform_indices = @transform_5, window_bounds = array<i64: 1000, 128>}]} {
    %get3A = arith.constant 0 : index
    %get3A_0 = arith.constant 0 : index
    %get3A_1 = vector.load %arg1[%get3A, %get3A_0] : memref<1000x128xf32, #tpu.memory_space<vmem>>, vector<1000x128xf32>
    %eq3A = arith.constant -1.000000e+00 : f32
    %eq3A_2 = vector.broadcast %eq3A : f32 to vector<1000x128xf32>
    %eq3A_3 = arith.cmpf oeq, %get3A_1, %eq3A_2 : vector<1000x128xf32>
    %jit3A = arith.constant 0.000000e+00 : f32
    %broadcast_in_dim3A = vector.broadcast %jit3A : f32 to vector<1000x128xf32>
    %select_n3A = arith.select %eq3A_3, %broadcast_in_dim3A, %get3A_1 : vector<1000x128xi1>, vector<1000x128xf32>
    %get3A_4 = arith.constant 0 : index
    %get3A_5 = arith.constant 0 : index
    %get3A_6 = vector.load %arg2[%get3A_4, %get3A_5] : memref<128x128xf32, #tpu.memory_space<vmem>>, vector<128x128xf32>
    %dot_general3A = arith.constant dense<0.000000e+00> : vector<1000x128xf32>
    %dot_general3A_7 = tpu.matmul %select_n3A, %get3A_6, %dot_general3A {dimension_numbers = #tpu.dot_dimension_numbers<[1], [0], [0], [1], [0, 0, 1, 1], [], []>, transpose_lhs_hint = false} : vector<1000x128xf32>, vector<128x128xf32>, vector<1000x128xf32> -> vector<1000x128xf32>
    %swap3A = arith.constant 0 : index
    %swap3A_8 = arith.constant 0 : index
    %swap3A_9 = vector.load %arg5[%swap3A, %swap3A_8] : memref<1000x128xf32, #tpu.memory_space<vmem>>, vector<1000x128xf32>
    tpu.vector_store %arg5[%swap3A, %swap3A_8], %dot_general3A_7 {strides = array<i32>} : memref<1000x128xf32, #tpu.memory_space<vmem>>, vector<1000x128xf32>,
    %get3A_10 = arith.constant 0 : index
    %get3A_11 = arith.constant 0 : index
    %get3A_12 = vector.load %arg3[%get3A_10, %get3A_11] : memref<128x128xf32, #tpu.memory_space<vmem>>, vector<128x128xf32>
    %dot_general3A_13 = arith.constant dense<0.000000e+00> : vector<1000x128xf32>
    %dot_general3A_14 = tpu.matmul %select_n3A, %get3A_12, %dot_general3A_13 {dimension_numbers = #tpu.dot_dimension_numbers<[1], [0], [0], [1], [0, 0, 1, 1], [], []>, transpose_lhs_hint = false} : vector<1000x128xf32>, vector<128x128xf32>, vector<1000x128xf32> -> vector<1000x128xf32>
    %get3A_15 = arith.constant 0 : index
    %get3A_16 = arith.constant 0 : index
    %get3A_17 = vector.load %arg4[%get3A_15, %get3A_16] : memref<1x128xf32, #tpu.memory_space<vmem>>, vector<1x128xf32>
    %add3A = vector.broadcast %get3A_17 : vector<1x128xf32> to vector<1000x128xf32>
    %add3A_18 = arith.addf %dot_general3A_14, %add3A : vector<1000x128xf32>
    %swap3A_19 = arith.constant 0 : index
    %swap3A_20 = arith.constant 0 : index
    %swap3A_21 = vector.load %arg6[%swap3A_19, %swap3A_20] : memref<1000x128xf32, #tpu.memory_space<vmem>>, vector<1000x128xf32>
    tpu.vector_store %arg6[%swap3A_19, %swap3A_20], %add3A_18 {strides = array<i32>} : memref<1000x128xf32, #tpu.memory_space<vmem>>, vector<1000x128xf32>,
    return
  }
  func.func @transform_0(%arg0: i32) -> (i32, i32) {
    %c0_i32 = arith.constant 0 : i32
    %c0_i32_0 = arith.constant 0 : i32
    return %arg0, %c0_i32 : i32, i32
  }
  func.func @transform_1(%arg0: i32) -> (i32, i32) {
    %c0_i32 = arith.constant 0 : i32
    %c0_i32_0 = arith.constant 0 : i32
    %c0_i32_1 = arith.constant 0 : i32
    return %c0_i32, %c0_i32_0 : i32, i32
  }
  func.func @transform_2(%arg0: i32) -> (i32, i32) {
    %c0_i32 = arith.constant 0 : i32
    %c0_i32_0 = arith.constant 0 : i32
    %c0_i32_1 = arith.constant 0 : i32
    return %c0_i32, %c0_i32_0 : i32, i32
  }
  func.func @transform_3(%arg0: i32) -> (i32, i32) {
    %c0_i32 = arith.constant 0 : i32
    %c0_i32_0 = arith.constant 0 : i32
    %c0_i32_1 = arith.constant 0 : i32
    return %c0_i32, %c0_i32_0 : i32, i32
  }
  func.func @transform_4(%arg0: i32) -> (i32, i32) {
    %c0_i32 = arith.constant 0 : i32
    %c0_i32_0 = arith.constant 0 : i32
    return %arg0, %c0_i32 : i32, i32
  }
  func.func @transform_5(%arg0: i32) -> (i32, i32) {
    %c0_i32 = arith.constant 0 : i32
    %c0_i32_0 = arith.constant 0 : i32
    return %arg0, %c0_i32 : i32, i32
  }
}

module attributes {stable_mosaic.version = 14 : i64} {
  func.func @body(%arg0: i32, %arg1: memref<1000x128xf32, #tpu.memory_space<vmem>>, %arg2: memref<1000x128xf32, #tpu.memory_space<vmem>>, %arg3: memref<1000x128xf32, #tpu.memory_space<vmem>>, %arg4: memref<128x128xf32, #tpu.memory_space<vmem>>, %arg5: memref<128x128xf32, #tpu.memory_space<vmem>>, %arg6: memref<1x128xf32, #tpu.memory_space<vmem>>, %arg7: memref<1000x128xf32, #tpu.memory_space<vmem>>, %arg8: memref<1000x128xf32, #tpu.memory_space<vmem>>) attributes {dimension_semantics = [#tpu.dimension_semantics<arbitrary>], iteration_bounds = array<i64: 10>, scalar_prefetch = 0 : i64, scratch_operands = 0 : i64, tpu.core_type = #tpu.core_type<tc>, window_params = [{transform_indices = @transform_0, window_bounds = array<i64: 1000, 128>}, {transform_indices = @transform_1, window_bounds = array<i64: 1000, 128>}, {transform_indices = @transform_2, window_bounds = array<i64: 1000, 128>}, {pipeline_mode = #tpu.pipeline_mode<synchronous>, transform_indices = @transform_3, window_bounds = array<i64: 128, 128>}, {pipeline_mode = #tpu.pipeline_mode<synchronous>, transform_indices = @transform_4, window_bounds = array<i64: 128, 128>}, {pipeline_mode = #tpu.pipeline_mode<synchronous>, transform_indices = @transform_5, window_bounds = array<i64: 1, 128>}, {transform_indices = @transform_6, window_bounds = array<i64: 1000, 128>}, {transform_indices = @transform_7, window_bounds = array<i64: 1000, 128>}]} {
    %get3A = arith.constant 0 : index
    %get3A_0 = arith.constant 0 : index
    %get3A_1 = vector.load %arg1[%get3A, %get3A_0] : memref<1000x128xf32, #tpu.memory_space<vmem>>, vector<1000x128xf32>
    %get3A_2 = arith.constant 0 : index
    %get3A_3 = arith.constant 0 : index
    %get3A_4 = vector.load %arg2[%get3A_2, %get3A_3] : memref<1000x128xf32, #tpu.memory_space<vmem>>, vector<1000x128xf32>
    %add3A = arith.addf %get3A_1, %get3A_4 : vector<1000x128xf32>
    %get3A_5 = arith.constant 0 : index
    %get3A_6 = arith.constant 0 : index
    %get3A_7 = vector.load %arg3[%get3A_5, %get3A_6] : memref<1000x128xf32, #tpu.memory_space<vmem>>, vector<1000x128xf32>
    %add3A_8 = arith.addf %add3A, %get3A_7 : vector<1000x128xf32>
    %max3A = arith.constant 0.000000e+00 : f32
    %max3A_9 = vector.broadcast %max3A : f32 to vector<1000x128xf32>
    %max3A_10 = arith.maximumf %add3A_8, %max3A_9 : vector<1000x128xf32>
    %get3A_11 = arith.constant 0 : index
    %get3A_12 = arith.constant 0 : index
    %get3A_13 = vector.load %arg4[%get3A_11, %get3A_12] : memref<128x128xf32, #tpu.memory_space<vmem>>, vector<128x128xf32>
    %dot_general3A = arith.constant dense<0.000000e+00> : vector<1000x128xf32>
    %dot_general3A_14 = tpu.matmul %max3A_10, %get3A_13, %dot_general3A {dimension_numbers = #tpu.dot_dimension_numbers<[1], [0], [0], [1], [0, 0, 1, 1], [], []>, transpose_lhs_hint = false} : vector<1000x128xf32>, vector<128x128xf32>, vector<1000x128xf32> -> vector<1000x128xf32>
    %swap3A = arith.constant 0 : index
    %swap3A_15 = arith.constant 0 : index
    %swap3A_16 = vector.load %arg7[%swap3A, %swap3A_15] : memref<1000x128xf32, #tpu.memory_space<vmem>>, vector<1000x128xf32>
    tpu.vector_store %arg7[%swap3A, %swap3A_15], %dot_general3A_14 {strides = array<i32>} : memref<1000x128xf32, #tpu.memory_space<vmem>>, vector<1000x128xf32>,
    %get3A_17 = arith.constant 0 : index
    %get3A_18 = arith.constant 0 : index
    %get3A_19 = vector.load %arg5[%get3A_17, %get3A_18] : memref<128x128xf32, #tpu.memory_space<vmem>>, vector<128x128xf32>
    %dot_general3A_20 = arith.constant dense<0.000000e+00> : vector<1000x128xf32>
    %dot_general3A_21 = tpu.matmul %max3A_10, %get3A_19, %dot_general3A_20 {dimension_numbers = #tpu.dot_dimension_numbers<[1], [0], [0], [1], [0, 0, 1, 1], [], []>, transpose_lhs_hint = false} : vector<1000x128xf32>, vector<128x128xf32>, vector<1000x128xf32> -> vector<1000x128xf32>
    %get3A_22 = arith.constant 0 : index
    %get3A_23 = arith.constant 0 : index
    %get3A_24 = vector.load %arg6[%get3A_22, %get3A_23] : memref<1x128xf32, #tpu.memory_space<vmem>>, vector<1x128xf32>
    %add3A_25 = vector.broadcast %get3A_24 : vector<1x128xf32> to vector<1000x128xf32>
    %add3A_26 = arith.addf %dot_general3A_21, %add3A_25 : vector<1000x128xf32>
    %swap3A_27 = arith.constant 0 : index
    %swap3A_28 = arith.constant 0 : index
    %swap3A_29 = vector.load %arg8[%swap3A_27, %swap3A_28] : memref<1000x128xf32, #tpu.memory_space<vmem>>, vector<1000x128xf32>
    tpu.vector_store %arg8[%swap3A_27, %swap3A_28], %add3A_26 {strides = array<i32>} : memref<1000x128xf32, #tpu.memory_space<vmem>>, vector<1000x128xf32>,
    return
  }
  func.func @transform_0(%arg0: i32) -> (i32, i32) {
    %c0_i32 = arith.constant 0 : i32
    %c0_i32_0 = arith.constant 0 : i32
    return %arg0, %c0_i32 : i32, i32
  }
  func.func @transform_1(%arg0: i32) -> (i32, i32) {
    %c0_i32 = arith.constant 0 : i32
    %c0_i32_0 = arith.constant 0 : i32
    return %arg0, %c0_i32 : i32, i32
  }
  func.func @transform_2(%arg0: i32) -> (i32, i32) {
    %c0_i32 = arith.constant 0 : i32
    %c0_i32_0 = arith.constant 0 : i32
    return %arg0, %c0_i32 : i32, i32
  }
  func.func @transform_3(%arg0: i32) -> (i32, i32) {
    %c0_i32 = arith.constant 0 : i32
    %c0_i32_0 = arith.constant 0 : i32
    %c0_i32_1 = arith.constant 0 : i32
    return %c0_i32, %c0_i32_0 : i32, i32
  }
  func.func @transform_4(%arg0: i32) -> (i32, i32) {
    %c0_i32 = arith.constant 0 : i32
    %c0_i32_0 = arith.constant 0 : i32
    %c0_i32_1 = arith.constant 0 : i32
    return %c0_i32, %c0_i32_0 : i32, i32
  }
  func.func @transform_5(%arg0: i32) -> (i32, i32) {
    %c0_i32 = arith.constant 0 : i32
    %c0_i32_0 = arith.constant 0 : i32
    %c0_i32_1 = arith.constant 0 : i32
    return %c0_i32, %c0_i32_0 : i32, i32
  }
  func.func @transform_6(%arg0: i32) -> (i32, i32) {
    %c0_i32 = arith.constant 0 : i32
    %c0_i32_0 = arith.constant 0 : i32
    return %arg0, %c0_i32 : i32, i32
  }
  func.func @transform_7(%arg0: i32) -> (i32, i32) {
    %c0_i32 = arith.constant 0 : i32
    %c0_i32_0 = arith.constant 0 : i32
    return %arg0, %c0_i32 : i32, i32
  }
}

module attributes {stable_mosaic.version = 14 : i64} {
  func.func @body(%arg0: i32, %arg1: memref<1000x128xf32, #tpu.memory_space<vmem>>, %arg2: memref<1000x128xf32, #tpu.memory_space<vmem>>, %arg3: memref<1000x128xf32, #tpu.memory_space<vmem>>, %arg4: memref<1000x32xf32, #tpu.memory_space<vmem>>, %arg5: memref<1000x32xf32, #tpu.memory_space<vmem>>, %arg6: memref<1000x32xf32, #tpu.memory_space<vmem>>, %arg7: memref<32x64xf32, #tpu.memory_space<vmem>>, %arg8: memref<32x64xf32, #tpu.memory_space<vmem>>, %arg9: memref<1x64xf32, #tpu.memory_space<vmem>>, %arg10: memref<192x128xf32, #tpu.memory_space<vmem>>, %arg11: memref<192x128xf32, #tpu.memory_space<vmem>>, %arg12: memref<1x128xf32, #tpu.memory_space<vmem>>, %arg13: memref<1000x128xf32, #tpu.memory_space<vmem>>, %arg14: memref<1000x128xf32, #tpu.memory_space<vmem>>) attributes {dimension_semantics = [#tpu.dimension_semantics<arbitrary>], iteration_bounds = array<i64: 10>, scalar_prefetch = 0 : i64, scratch_operands = 0 : i64, tpu.core_type = #tpu.core_type<tc>, window_params = [{transform_indices = @transform_0, window_bounds = array<i64: 1000, 128>}, {transform_indices = @transform_1, window_bounds = array<i64: 1000, 128>}, {transform_indices = @transform_2, window_bounds = array<i64: 1000, 128>}, {transform_indices = @transform_3, window_bounds = array<i64: 1000, 32>}, {transform_indices = @transform_4, window_bounds = array<i64: 1000, 32>}, {transform_indices = @transform_5, window_bounds = array<i64: 1000, 32>}, {pipeline_mode = #tpu.pipeline_mode<synchronous>, transform_indices = @transform_6, window_bounds = array<i64: 32, 64>}, {pipeline_mode = #tpu.pipeline_mode<synchronous>, transform_indices = @transform_7, window_bounds = array<i64: 32, 64>}, {pipeline_mode = #tpu.pipeline_mode<synchronous>, transform_indices = @transform_8, window_bounds = array<i64: 1, 64>}, {pipeline_mode = #tpu.pipeline_mode<synchronous>, transform_indices = @transform_9, window_bounds = array<i64: 192, 128>}, {pipeline_mode = #tpu.pipeline_mode<synchronous>, transform_indices = @transform_10, window_bounds = array<i64: 192, 128>}, {pipeline_mode = #tpu.pipeline_mode<synchronous>, transform_indices = @transform_11, window_bounds = array<i64: 1, 128>}, {transform_indices = @transform_12, window_bounds = array<i64: 1000, 128>}, {transform_indices = @transform_13, window_bounds = array<i64: 1000, 128>}]} {
    %get3A = arith.constant 0 : index
    %get3A_0 = arith.constant 0 : index
    %get3A_1 = vector.load %arg1[%get3A, %get3A_0] : memref<1000x128xf32, #tpu.memory_space<vmem>>, vector<1000x128xf32>
    %get3A_2 = arith.constant 0 : index
    %get3A_3 = arith.constant 0 : index
    %get3A_4 = vector.load %arg2[%get3A_2, %get3A_3] : memref<1000x128xf32, #tpu.memory_space<vmem>>, vector<1000x128xf32>
    %add3A = arith.addf %get3A_1, %get3A_4 : vector<1000x128xf32>
    %get3A_5 = arith.constant 0 : index
    %get3A_6 = arith.constant 0 : index
    %get3A_7 = vector.load %arg3[%get3A_5, %get3A_6] : memref<1000x128xf32, #tpu.memory_space<vmem>>, vector<1000x128xf32>
    %add3A_8 = arith.addf %add3A, %get3A_7 : vector<1000x128xf32>
    %max3A = arith.constant 0.000000e+00 : f32
    %max3A_9 = vector.broadcast %max3A : f32 to vector<1000x128xf32>
    %max3A_10 = arith.maximumf %add3A_8, %max3A_9 : vector<1000x128xf32>
    %get3A_11 = arith.constant 0 : index
    %get3A_12 = arith.constant 0 : index
    %get3A_13 = vector.load %arg4[%get3A_11, %get3A_12] : memref<1000x32xf32, #tpu.memory_space<vmem>>, vector<1000x32xf32>
    %get3A_14 = arith.constant 0 : index
    %get3A_15 = arith.constant 0 : index
    %get3A_16 = vector.load %arg5[%get3A_14, %get3A_15] : memref<1000x32xf32, #tpu.memory_space<vmem>>, vector<1000x32xf32>
    %add3A_17 = arith.addf %get3A_13, %get3A_16 : vector<1000x32xf32>
    %get3A_18 = arith.constant 0 : index
    %get3A_19 = arith.constant 0 : index
    %get3A_20 = vector.load %arg7[%get3A_18, %get3A_19] : memref<32x64xf32, #tpu.memory_space<vmem>>, vector<32x64xf32>
    %dot_general3A = arith.constant dense<0.000000e+00> : vector<1000x64xf32>
    %dot_general3A_21 = tpu.matmul %add3A_17, %get3A_20, %dot_general3A {dimension_numbers = #tpu.dot_dimension_numbers<[1], [0], [0], [1], [0, 0, 1, 1], [], []>, transpose_lhs_hint = false} : vector<1000x32xf32>, vector<32x64xf32>, vector<1000x64xf32> -> vector<1000x64xf32>
    %get3A_22 = arith.constant 0 : index
    %get3A_23 = arith.constant 0 : index
    %get3A_24 = vector.load %arg6[%get3A_22, %get3A_23] : memref<1000x32xf32, #tpu.memory_space<vmem>>, vector<1000x32xf32>
    %get3A_25 = arith.constant 0 : index
    %get3A_26 = arith.constant 0 : index
    %get3A_27 = vector.load %arg8[%get3A_25, %get3A_26] : memref<32x64xf32, #tpu.memory_space<vmem>>, vector<32x64xf32>
    %dot_general3A_28 = arith.constant dense<0.000000e+00> : vector<1000x64xf32>
    %dot_general3A_29 = tpu.matmul %get3A_24, %get3A_27, %dot_general3A_28 {dimension_numbers = #tpu.dot_dimension_numbers<[1], [0], [0], [1], [0, 0, 1, 1], [], []>, transpose_lhs_hint = false} : vector<1000x32xf32>, vector<32x64xf32>, vector<1000x64xf32> -> vector<1000x64xf32>
    %add3A_30 = arith.addf %dot_general3A_21, %dot_general3A_29 : vector<1000x64xf32>
    %get3A_31 = arith.constant 0 : index
    %get3A_32 = arith.constant 0 : index
    %get3A_33 = vector.load %arg9[%get3A_31, %get3A_32] : memref<1x64xf32, #tpu.memory_space<vmem>>, vector<1x64xf32>
    %add3A_34 = vector.broadcast %get3A_33 : vector<1x64xf32> to vector<1000x64xf32>
    %add3A_35 = arith.addf %add3A_30, %add3A_34 : vector<1000x64xf32>
    %max3A_36 = arith.constant 0.000000e+00 : f32
    %max3A_37 = vector.broadcast %max3A_36 : f32 to vector<1000x64xf32>
    %max3A_38 = arith.maximumf %add3A_35, %max3A_37 : vector<1000x64xf32>
    %concatenate3A = tpu.concatenate %max3A_10, %max3A_38 in 1 : vector<1000x128xf32>, vector<1000x64xf32> -> vector<1000x192xf32>
    %get3A_39 = arith.constant 0 : index
    %get3A_40 = arith.constant 0 : index
    %get3A_41 = vector.load %arg10[%get3A_39, %get3A_40] : memref<192x128xf32, #tpu.memory_space<vmem>>, vector<192x128xf32>
    %dot_general3A_42 = arith.constant dense<0.000000e+00> : vector<1000x128xf32>
    %dot_general3A_43 = tpu.matmul %concatenate3A, %get3A_41, %dot_general3A_42 {dimension_numbers = #tpu.dot_dimension_numbers<[1], [0], [0], [1], [0, 0, 1, 1], [], []>, transpose_lhs_hint = false} : vector<1000x192xf32>, vector<192x128xf32>, vector<1000x128xf32> -> vector<1000x128xf32>
    %swap3A = arith.constant 0 : index
    %swap3A_44 = arith.constant 0 : index
    %swap3A_45 = vector.load %arg13[%swap3A, %swap3A_44] : memref<1000x128xf32, #tpu.memory_space<vmem>>, vector<1000x128xf32>
    tpu.vector_store %arg13[%swap3A, %swap3A_44], %dot_general3A_43 {strides = array<i32>} : memref<1000x128xf32, #tpu.memory_space<vmem>>, vector<1000x128xf32>,
    %get3A_46 = arith.constant 0 : index
    %get3A_47 = arith.constant 0 : index
    %get3A_48 = vector.load %arg11[%get3A_46, %get3A_47] : memref<192x128xf32, #tpu.memory_space<vmem>>, vector<192x128xf32>
    %dot_general3A_49 = arith.constant dense<0.000000e+00> : vector<1000x128xf32>
    %dot_general3A_50 = tpu.matmul %concatenate3A, %get3A_48, %dot_general3A_49 {dimension_numbers = #tpu.dot_dimension_numbers<[1], [0], [0], [1], [0, 0, 1, 1], [], []>, transpose_lhs_hint = false} : vector<1000x192xf32>, vector<192x128xf32>, vector<1000x128xf32> -> vector<1000x128xf32>
    %get3A_51 = arith.constant 0 : index
    %get3A_52 = arith.constant 0 : index
    %get3A_53 = vector.load %arg12[%get3A_51, %get3A_52] : memref<1x128xf32, #tpu.memory_space<vmem>>, vector<1x128xf32>
    %add3A_54 = vector.broadcast %get3A_53 : vector<1x128xf32> to vector<1000x128xf32>
    %add3A_55 = arith.addf %dot_general3A_50, %add3A_54 : vector<1000x128xf32>
    %swap3A_56 = arith.constant 0 : index
    %swap3A_57 = arith.constant 0 : index
    %swap3A_58 = vector.load %arg14[%swap3A_56, %swap3A_57] : memref<1000x128xf32, #tpu.memory_space<vmem>>, vector<1000x128xf32>
    tpu.vector_store %arg14[%swap3A_56, %swap3A_57], %add3A_55 {strides = array<i32>} : memref<1000x128xf32, #tpu.memory_space<vmem>>, vector<1000x128xf32>,
    return
  }
  func.func @transform_0(%arg0: i32) -> (i32, i32) {
    %c0_i32 = arith.constant 0 : i32
    %c0_i32_0 = arith.constant 0 : i32
    return %arg0, %c0_i32 : i32, i32
  }
  func.func @transform_1(%arg0: i32) -> (i32, i32) {
    %c0_i32 = arith.constant 0 : i32
    %c0_i32_0 = arith.constant 0 : i32
    return %arg0, %c0_i32 : i32, i32
  }
  func.func @transform_2(%arg0: i32) -> (i32, i32) {
    %c0_i32 = arith.constant 0 : i32
    %c0_i32_0 = arith.constant 0 : i32
    return %arg0, %c0_i32 : i32, i32
  }
  func.func @transform_3(%arg0: i32) -> (i32, i32) {
    %c0_i32 = arith.constant 0 : i32
    %c0_i32_0 = arith.constant 0 : i32
    return %arg0, %c0_i32 : i32, i32
  }
  func.func @transform_4(%arg0: i32) -> (i32, i32) {
    %c0_i32 = arith.constant 0 : i32
    %c0_i32_0 = arith.constant 0 : i32
    return %arg0, %c0_i32 : i32, i32
  }
  func.func @transform_5(%arg0: i32) -> (i32, i32) {
    %c0_i32 = arith.constant 0 : i32
    %c0_i32_0 = arith.constant 0 : i32
    return %arg0, %c0_i32 : i32, i32
  }
  func.func @transform_6(%arg0: i32) -> (i32, i32) {
    %c0_i32 = arith.constant 0 : i32
    %c0_i32_0 = arith.constant 0 : i32
    %c0_i32_1 = arith.constant 0 : i32
    return %c0_i32, %c0_i32_0 : i32, i32
  }
  func.func @transform_7(%arg0: i32) -> (i32, i32) {
    %c0_i32 = arith.constant 0 : i32
    %c0_i32_0 = arith.constant 0 : i32
    %c0_i32_1 = arith.constant 0 : i32
    return %c0_i32, %c0_i32_0 : i32, i32
  }
  func.func @transform_8(%arg0: i32) -> (i32, i32) {
    %c0_i32 = arith.constant 0 : i32
    %c0_i32_0 = arith.constant 0 : i32
    %c0_i32_1 = arith.constant 0 : i32
    return %c0_i32, %c0_i32_0 : i32, i32
  }
  func.func @transform_9(%arg0: i32) -> (i32, i32) {
    %c0_i32 = arith.constant 0 : i32
    %c0_i32_0 = arith.constant 0 : i32
    %c0_i32_1 = arith.constant 0 : i32
    return %c0_i32, %c0_i32_0 : i32, i32
  }
  func.func @transform_10(%arg0: i32) -> (i32, i32) {
    %c0_i32 = arith.constant 0 : i32
    %c0_i32_0 = arith.constant 0 : i32
    %c0_i32_1 = arith.constant 0 : i32
    return %c0_i32, %c0_i32_0 : i32, i32
  }
  func.func @transform_11(%arg0: i32) -> (i32, i32) {
    %c0_i32 = arith.constant 0 : i32
    %c0_i32_0 = arith.constant 0 : i32
    %c0_i32_1 = arith.constant 0 : i32
    return %c0_i32, %c0_i32_0 : i32, i32
  }
  func.func @transform_12(%arg0: i32) -> (i32, i32) {
    %c0_i32 = arith.constant 0 : i32
    %c0_i32_0 = arith.constant 0 : i32
    return %arg0, %c0_i32 : i32, i32
  }
  func.func @transform_13(%arg0: i32) -> (i32, i32) {
    %c0_i32 = arith.constant 0 : i32
    %c0_i32_0 = arith.constant 0 : i32
    return %arg0, %c0_i32 : i32, i32
  }
}

module attributes {stable_mosaic.version = 14 : i64} {
  func.func @body(%arg0: i32, %arg1: memref<1000x128xf32, #tpu.memory_space<vmem>>, %arg2: memref<1000x128xf32, #tpu.memory_space<vmem>>, %arg3: memref<1000x128xf32, #tpu.memory_space<vmem>>, %arg4: memref<1x128xf32, #tpu.memory_space<vmem>>) attributes {dimension_semantics = [#tpu.dimension_semantics<arbitrary>], iteration_bounds = array<i64: 10>, scalar_prefetch = 0 : i64, scratch_operands = 0 : i64, tpu.core_type = #tpu.core_type<tc>, window_params = [{transform_indices = @transform_0, window_bounds = array<i64: 1000, 128>}, {transform_indices = @transform_1, window_bounds = array<i64: 1000, 128>}, {transform_indices = @transform_2, window_bounds = array<i64: 1000, 128>}, {pipeline_mode = #tpu.pipeline_mode<synchronous>, transform_indices = @transform_3, window_bounds = array<i64: 1, 128>}]} {
    %get3A = arith.constant 0 : index
    %get3A_0 = arith.constant 0 : index
    %get3A_1 = vector.load %arg1[%get3A, %get3A_0] : memref<1000x128xf32, #tpu.memory_space<vmem>>, vector<1000x128xf32>
    %get3A_2 = arith.constant 0 : index
    %get3A_3 = arith.constant 0 : index
    %get3A_4 = vector.load %arg2[%get3A_2, %get3A_3] : memref<1000x128xf32, #tpu.memory_space<vmem>>, vector<1000x128xf32>
    %add3A = arith.addf %get3A_1, %get3A_4 : vector<1000x128xf32>
    %get3A_5 = arith.constant 0 : index
    %get3A_6 = arith.constant 0 : index
    %get3A_7 = vector.load %arg3[%get3A_5, %get3A_6] : memref<1000x128xf32, #tpu.memory_space<vmem>>, vector<1000x128xf32>
    %add3A_8 = arith.addf %add3A, %get3A_7 : vector<1000x128xf32>
    %max3A = arith.constant 0.000000e+00 : f32
    %max3A_9 = vector.broadcast %max3A : f32 to vector<1000x128xf32>
    %max3A_10 = arith.maximumf %add3A_8, %max3A_9 : vector<1000x128xf32>
    %reduce_sum3A = arith.constant dense<0.000000e+00> : vector<128xf32>
    %reduce_sum3A_11 = vector.multi_reduction <add>, %max3A_10, %reduce_sum3A [0] : vector<1000x128xf32> to vector<128xf32>
    %broadcast_in_dim3A = vector.shape_cast %reduce_sum3A_11 : vector<128xf32> to vector<1x128xf32>
    %eq3A = arith.constant 0 : i32
    %eq3A_12 = arith.cmpi eq, %arg0, %eq3A : i32
    %convert_element_type3A = arith.extui %eq3A_12 : i1 to i32
    %cond3A = arith.constant 0 : i32
    %cond3A_13 = arith.cmpi ne, %convert_element_type3A, %cond3A : i32
    scf.if %cond3A_13 {
      %swap3A = arith.constant 0 : index
      %swap3A_18 = arith.constant 0 : index
      %swap3A_19 = vector.load %arg4[%swap3A, %swap3A_18] : memref<1x128xf32, #tpu.memory_space<vmem>>, vector<1x128xf32>
      tpu.vector_store %arg4[%swap3A, %swap3A_18], %broadcast_in_dim3A {strides = array<i32>} : memref<1x128xf32, #tpu.memory_space<vmem>>, vector<1x128xf32>,
    } else {
    }
    %ne3A = arith.constant 0 : i32
    %ne3A_14 = arith.cmpi ne, %arg0, %ne3A : i32
    %convert_element_type3A_15 = arith.extui %ne3A_14 : i1 to i32
    %cond3A_16 = arith.constant 0 : i32
    %cond3A_17 = arith.cmpi ne, %convert_element_type3A_15, %cond3A_16 : i32
    scf.if %cond3A_17 {
      %get3A_18 = arith.constant 0 : index
      %get3A_19 = arith.constant 0 : index
      %get3A_20 = vector.load %arg4[%get3A_18, %get3A_19] : memref<1x128xf32, #tpu.memory_space<vmem>>, vector<1x128xf32>
      %add3A_21 = arith.addf %get3A_20, %broadcast_in_dim3A : vector<1x128xf32>
      %swap3A = arith.constant 0 : index
      %swap3A_22 = arith.constant 0 : index
      %swap3A_23 = vector.load %arg4[%swap3A, %swap3A_22] : memref<1x128xf32, #tpu.memory_space<vmem>>, vector<1x128xf32>
      tpu.vector_store %arg4[%swap3A, %swap3A_22], %add3A_21 {strides = array<i32>} : memref<1x128xf32, #tpu.memory_space<vmem>>, vector<1x128xf32>,
    } else {
    }
    return
  }
  func.func @transform_0(%arg0: i32) -> (i32, i32) {
    %c0_i32 = arith.constant 0 : i32
    %c0_i32_0 = arith.constant 0 : i32
    return %arg0, %c0_i32 : i32, i32
  }
  func.func @transform_1(%arg0: i32) -> (i32, i32) {
    %c0_i32 = arith.constant 0 : i32
    %c0_i32_0 = arith.constant 0 : i32
    return %arg0, %c0_i32 : i32, i32
  }
  func.func @transform_2(%arg0: i32) -> (i32, i32) {
    %c0_i32 = arith.constant 0 : i32
    %c0_i32_0 = arith.constant 0 : i32
    return %arg0, %c0_i32 : i32, i32
  }
  func.func @transform_3(%arg0: i32) -> (i32, i32) {
    %c0_i32 = arith.constant 0 : i32
    %c0_i32_0 = arith.constant 0 : i32
    %c0_i32_1 = arith.constant 0 : i32
    return %c0_i32, %c0_i32_0 : i32, i32
  }
}

module attributes {stable_mosaic.version = 14 : i64} {
  func.func @body(%arg0: memref<1x128xf32, #tpu.memory_space<vmem>>, %arg1: memref<1x64xf32, #tpu.memory_space<vmem>>, %arg2: memref<64x64xf32, #tpu.memory_space<vmem>>, %arg3: memref<1x64xf32, #tpu.memory_space<vmem>>, %arg4: memref<192x128xf32, #tpu.memory_space<vmem>>, %arg5: memref<1x128xf32, #tpu.memory_space<vmem>>, %arg6: memref<128x8xf32, #tpu.memory_space<vmem>>, %arg7: memref<1x8xf32, #tpu.memory_space<vmem>>, %arg8: memref<1x8xf32, #tpu.memory_space<vmem>>) attributes {dimension_semantics = [], scalar_prefetch = 0 : i64, scratch_operands = 0 : i64, tpu.core_type = #tpu.core_type<tc>} {
    %get3A = arith.constant 0 : index
    %get3A_0 = arith.constant 0 : index
    %get3A_1 = vector.load %arg0[%get3A, %get3A_0] : memref<1x128xf32, #tpu.memory_space<vmem>>, vector<1x128xf32>
    %mul3A = arith.constant 9.99999974E-5 : f32
    %mul3A_2 = vector.broadcast %mul3A : f32 to vector<1x128xf32>
    %mul3A_3 = arith.mulf %get3A_1, %mul3A_2 : vector<1x128xf32>
    %get3A_4 = arith.constant 0 : index
    %get3A_5 = arith.constant 0 : index
    %get3A_6 = vector.load %arg1[%get3A_4, %get3A_5] : memref<1x64xf32, #tpu.memory_space<vmem>>, vector<1x64xf32>
    %get3A_7 = arith.constant 0 : index
    %get3A_8 = arith.constant 0 : index
    %get3A_9 = vector.load %arg2[%get3A_7, %get3A_8] : memref<64x64xf32, #tpu.memory_space<vmem>>, vector<64x64xf32>
    %dot_general3A = arith.constant dense<0.000000e+00> : vector<1x64xf32>
    %dot_general3A_10 = tpu.matmul %get3A_6, %get3A_9, %dot_general3A {dimension_numbers = #tpu.dot_dimension_numbers<[1], [0], [0], [1], [0, 0, 1, 1], [], []>, transpose_lhs_hint = false} : vector<1x64xf32>, vector<64x64xf32>, vector<1x64xf32> -> vector<1x64xf32>
    %get3A_11 = arith.constant 0 : index
    %get3A_12 = arith.constant 0 : index
    %get3A_13 = vector.load %arg3[%get3A_11, %get3A_12] : memref<1x64xf32, #tpu.memory_space<vmem>>, vector<1x64xf32>
    %add3A = arith.addf %dot_general3A_10, %get3A_13 : vector<1x64xf32>
    %max3A = arith.constant 0.000000e+00 : f32
    %max3A_14 = vector.broadcast %max3A : f32 to vector<1x64xf32>
    %max3A_15 = arith.maximumf %add3A, %max3A_14 : vector<1x64xf32>
    %concatenate3A = tpu.concatenate %mul3A_3, %max3A_15 in 1 : vector<1x128xf32>, vector<1x64xf32> -> vector<1x192xf32>
    %get3A_16 = arith.constant 0 : index
    %get3A_17 = arith.constant 0 : index
    %get3A_18 = vector.load %arg4[%get3A_16, %get3A_17] : memref<192x128xf32, #tpu.memory_space<vmem>>, vector<192x128xf32>
    %dot_general3A_19 = arith.constant dense<0.000000e+00> : vector<1x128xf32>
    %dot_general3A_20 = tpu.matmul %concatenate3A, %get3A_18, %dot_general3A_19 {dimension_numbers = #tpu.dot_dimension_numbers<[1], [0], [0], [1], [0, 0, 1, 1], [], []>, transpose_lhs_hint = false} : vector<1x192xf32>, vector<192x128xf32>, vector<1x128xf32> -> vector<1x128xf32>
    %get3A_21 = arith.constant 0 : index
    %get3A_22 = arith.constant 0 : index
    %get3A_23 = vector.load %arg5[%get3A_21, %get3A_22] : memref<1x128xf32, #tpu.memory_space<vmem>>, vector<1x128xf32>
    %add3A_24 = arith.addf %dot_general3A_20, %get3A_23 : vector<1x128xf32>
    %max3A_25 = arith.constant 0.000000e+00 : f32
    %max3A_26 = vector.broadcast %max3A_25 : f32 to vector<1x128xf32>
    %max3A_27 = arith.maximumf %add3A_24, %max3A_26 : vector<1x128xf32>
    %get3A_28 = arith.constant 0 : index
    %get3A_29 = arith.constant 0 : index
    %get3A_30 = vector.load %arg6[%get3A_28, %get3A_29] : memref<128x8xf32, #tpu.memory_space<vmem>>, vector<128x8xf32>
    %dot_general3A_31 = arith.constant dense<0.000000e+00> : vector<1x8xf32>
    %dot_general3A_32 = tpu.matmul %max3A_27, %get3A_30, %dot_general3A_31 {dimension_numbers = #tpu.dot_dimension_numbers<[1], [0], [0], [1], [0, 0, 1, 1], [], []>, transpose_lhs_hint = false} : vector<1x128xf32>, vector<128x8xf32>, vector<1x8xf32> -> vector<1x8xf32>
    %get3A_33 = arith.constant 0 : index
    %get3A_34 = arith.constant 0 : index
    %get3A_35 = vector.load %arg7[%get3A_33, %get3A_34] : memref<1x8xf32, #tpu.memory_space<vmem>>, vector<1x8xf32>
    %add3A_36 = arith.addf %dot_general3A_32, %get3A_35 : vector<1x8xf32>
    %swap3A = arith.constant 0 : index
    %swap3A_37 = arith.constant 0 : index
    %swap3A_38 = vector.load %arg8[%swap3A, %swap3A_37] : memref<1x8xf32, #tpu.memory_space<vmem>>, vector<1x8xf32>
    tpu.vector_store %arg8[%swap3A, %swap3A_37], %add3A_36 {strides = array<i32>} : memref<1x8xf32, #tpu.memory_space<vmem>>, vector<1x8xf32>,
    return
  }
}

</mosaic_0001>

<sc_bundles>
// kernel: kernel.11.cloned.1.call-start
scs
__scs_entry_jumppad:
0x0: {  	(pc) =	sbr.rel $0x88, $3  }
0x1: {  	(tag) =	ssettag $0x0;
	lr =	simm.s32 $0x1  }
0x2: {  	[smem:$0x3F86] =	sst lr;
	_ =	strace $0xD0000000  }
0x3: {  	_ = 	snop  }
0x4: {  	_ = 	snop  }
0x5: {  	_ = 	snop  }
0x6: {  	_ = 	snop  }
0x7: {  	_ = 	snop  }
__scs_overlays_trampoline_lowered:
0x8: {  	[smem:$0x3F95] =	sst s0  }
0x9: {  	[smem:$0x3F96] =	sst s1  }
0xa: {  	[smem:$0x3F97] =	sst s2  }
0xb: {  	[smem:$0x3F98] =	sst s3  }
0xc: {  	[smem:$0x3F99] =	sst s4  }
0xd: {  	[smem:$0x3F9A] =	sst s5  }
0xe: {  	[smem:$0x3F9B] =	sst s6  }
0xf: {  	[smem:$0x3F9C] =	sst s7  }
0x10: {  	[smem:$0x3F9D] =	sst s8  }
0x11: {  	[smem:$0x3F9E] =	sst s9;
	s0 =	simm.s32 @!p0 $0x0  }
0x12: {  	s1 =	sld [smem:$0x3F84];
	s0 =	simm.s32 @p0 $0x1  }
0x13: {  	[smem:$0x3F9F] =	sst s0;
	s0 =	simm.s32 @!p1 $0x0  }
0x14: {  	s2 =	sld [smem:$0x3F83];
	s0 =	simm.s32 @p1 $0x1  }
0x15: {  	[smem:$0x3FA0] =	sst s0;
	s0 =	simm.s32 @!p2 $0x0  }
0x16: {  	s3 =	sld [smem:$0x3FDB];
	s0 =	simm.s32 @p2 $0x1  }
0x17: {  	s4 =	simm.s32 $0x1BF5;
	[smem:$0x3FA2] =	sst s0  }
0x18: {  	s0 =	sld [smem:$0x3F85];
	_ =	swait.ge [sflag:s4], $0x0  }
0x19: {  	s7 =	sld [smem:$0x3F86]  }
0x1a: {  	s8 =	sadd.s32 $0xFFFFE003, lr  }
0x1b: {  	s9 =	sadd.s32 $0xFFFFFEF7, lr;
	s5 =	simm.s32 $0xFFFFFFFF;
	p2 =	slt.u32 s8, $0xFFFFF086  }
0x1c: {  	p1 =	slt.u32 s9, $0xF7A;
	s5 =	simm.s32 @!p2 $0x0  }
0x1d: {  	s5 =	simm.s32 @p1 $0x1;
	p0 =	seq.s32 s7, s2  }
0x1e: {  	s7 =	smul.u32 @!p0 $0xF7A, s2;
	p2 =	seq.s32 @!p0 s5, $0x0  }
0x1f: {  	s9 =	smul.u32 $0xF7A, s1;
	s8 =	simm.s32 @!p0 $0x1BF5;
	p2 =	por !p2, p0  }
0x20: {  	[sflag:s8] =	ssyncset.s32 @!p0 $0xFFFFF086;
	s6 =	sadd.s32 @!p0 s3, s7;
	s7 =	simm.s32 @!p0 $0x108  }
0x21: {  	s3 =	sadd.s32 s3, s9;
	s6 =	sadd.s32 @!p0 $0x88, s6;
	s7 =	simm.s32 @p2 $0x1082  }
0x22: {  	[simem:s7], [sflag:s8] =	dma.local @!p0 [hbm:s6], $0xF7A  }
0x23: {  	s9 =	sor.u32 $0xD0000000, s2;
	s6 =	simm.s32 $0x108;
	_ =	swait.ge @!p0 [sflag:s8], $0x0  }
0x24: {  	s3 =	sadd.s32 $0x88, s3;
	s6 =	simm.s32 @!p1 $0x1082;
	[sflag:s4] =	ssyncset.s32 $0xFFFFF086  }
0x25: {  	[simem:s6], [sflag:s4] =	dma.local [hbm:s3], $0xF7A  }
0x26: {  	[smem:$0x3F86] =	sst s1;
	(tag) =	ssettag s2;
	_ =	strace s9  }
0x27: {  	s1 =	sld [smem:$0x3F96]  }
0x28: {  	s2 =	sld [smem:$0x3F97]  }
0x29: {  	s4 =	sld [smem:$0x3F99]  }
0x2a: {  	p0 =	seq.s32 s5, $0x0;
	s5 =	sld [smem:$0x3F9A]  }
0x2b: {  	s6 =	sld [smem:$0x3F9B]  }
0x2c: {  	s7 =	sld [smem:$0x3F9C]  }
0x2d: {  	s3 =	simm.s32 $0x108;
	s8 =	sld [smem:$0x3F9D]  }
0x2e: {  	s3 =	simm.s32 @!p0 $0x1082;
	s9 =	sld [smem:$0x3F9E]  }
0x2f: {  	lr =	sadd.s32 s0, s3;
	s0 =	sld [smem:$0x3F95]  }
0x30: {  	s3 =	sld [smem:$0x3F98]  }
0x31: {  	[smem:$0x3FA1] =	sst s10  }
0x32: {  	s10 =	sld [smem:$0x3F9F];
	_ =	sdelay $0x3  }
0x33: {  	p0 =	seq.s32 s10, $0x1;
	s10 =	sld [smem:$0x3FA1];
	_ =	sdelay $0x3  }
0x34: {  	[smem:$0x3FA1] =	sst s10  }
0x35: {  	s10 =	sld [smem:$0x3FA0];
	_ =	sdelay $0x3  }
0x36: {  	p1 =	seq.s32 s10, $0x1;
	s10 =	sld [smem:$0x3FA1];
	_ =	sdelay $0x3  }
0x37: {  	[smem:$0x3FA1] =	sst s10  }
0x38: {  	s10 =	sld [smem:$0x3FA2]  }
0x39: {  	_ = 	snop;
	(pc) =	sbr.ind lr, $3  }
0x3a: {  	_ = 	snop  }
0x3b: {  	_ = 	snop  }
0x3c: {  	p2 =	seq.s32 s10, $0x1;
	s10 =	sld [smem:$0x3FA1]  }
0x3d: {  	_ =	shalt  }
0x3e: {  	_ =	shalt  }
0x3f: {  	_ =	shalt  }
0x40: {  	_ =	shalt  }
0x41: {  	_ =	shalt  }
0x42: {  	_ =	shalt  }
0x43: {  	_ =	shalt  }
0x44: {  	_ =	shalt  }
0x45: {  	_ =	shalt  }
0x46: {  	_ =	shalt  }
0x47: {  	_ =	shalt  }
0x48: {  	_ =	shalt  }
0x49: {  	_ =	shalt  }
0x4a: {  	_ =	shalt  }
0x4b: {  	_ =	shalt  }
0x4c: {  	_ =	shalt  }
0x4d: {  	_ =	shalt  }
0x4e: {  	_ =	shalt  }
0x4f: {  	_ =	shalt  }
0x50: {  	_ =	shalt  }
0x51: {  	_ =	shalt  }
0x52: {  	_ =	shalt  }
0x53: {  	_ =	shalt  }
0x54: {  	_ =	shalt  }
0x55: {  	_ =	shalt  }
0x56: {  	_ =	shalt  }
0x57: {  	_ =	shalt  }
0x58: {  	_ =	shalt  }
0x59: {  	_ =	shalt  }
0x5a: {  	_ =	shalt  }
0x5b: {  	_ =	shalt  }
0x5c: {  	_ =	shalt  }
0x5d: {  	_ =	shalt  }
0x5e: {  	_ =	shalt  }
0x5f: {  	_ =	shalt  }
0x60: {  	_ =	shalt  }
0x61: {  	_ =	shalt  }
0x62: {  	_ =	shalt  }
0x63: {  	_ =	shalt  }
0x64: {  	_ =	shalt  }
0x65: {  	_ =	shalt  }
0x66: {  	_ =	shalt  }
0x67: {  	_ =	shalt  }
0x68: {  	_ =	shalt  }
0x69: {  	_ =	shalt  }
0x6a: {  	_ =	shalt  }
0x6b: {  	_ =	shalt  }
0x6c: {  	_ =	shalt  }
0x6d: {  	_ =	shalt  }
0x6e: {  	_ =	shalt  }
0x6f: {  	_ =	shalt  }
0x70: {  	_ =	shalt  }
0x71: {  	_ =	shalt  }
0x72: {  	_ =	shalt  }
0x73: {  	_ =	shalt  }
0x74: {  	_ =	shalt  }
0x75: {  	_ =	shalt  }
0x76: {  	_ =	shalt  }
0x77: {  	_ =	shalt  }
0x78: {  	_ =	shalt  }
0x79: {  	_ =	shalt  }
0x7a: {  	_ =	shalt  }
0x7b: {  	_ =	shalt  }
0x7c: {  	_ =	shalt  }
0x7d: {  	_ =	shalt  }
0x7e: {  	_ =	shalt  }
0x7f: {  	_ =	shalt  }
0x80: {  	_ =	shalt  }
0x81: {  	_ =	shalt  }
0x82: {  	_ =	shalt  }
0x83: {  	_ =	shalt  }
0x84: {  	_ =	shalt  }
0x85: {  	_ =	shalt  }
0x86: {  	_ =	shalt  }
0x87: {  	_ =	shalt  }
.Lfunc_end0:
.L_simem_size_0:
called_computation_lowered:
.L_overlay_start_0:
0x88: {  	s2 =	sld [smem:$0x3FD9]  }
0x89: {  	s3 =	sld [smem:$0x3FFE];
	_ =	sdelay $0x1  }
0x8a: {  	s1 =	srdreg.scid  }
0x8b: {  	s0 =	sand.u32 $0x1, s1  }
0x8c: {  	s17 =	sshll.u32 s0, $0xA;
	s2 =	sadd.s32 s3, s2  }
0x8d: {  	s2 =	sadd.s32 s2, s17  }
0x8e: {  	[smem:$0x3FAD] =	sst s2  }
0x8f: {  	_ = 	snop  }
0x90: {  	(tm) =	ssettm $0x1  }
0x91: {  	s18 =	sld [smem:$0x3FFB];
	_ =	sdelay $0x3  }
0x92: {  	_ =	strace s18  }
0x93: {  	s2 =	sld [smem:$0x3FFC];
	_ =	sdelay $0x3  }
0x94: {  	_ =	strace s2  }
0x95: {  	s2 =	sld [smem:$0x3FFD];
	_ =	sdelay $0x3  }
0x96: {  	_ =	strace s2  }
0x97: {  	_ =	strace $0x8FFFFFFF  }
0x98: {  	s19 =	sld [smem:$0x3FDB];
	_ =	sdelay $0x1  }
0x99: {  	s20 =	simm.s32 $_scs_section_size  }
0x9a: {  	s4 =	simm.s32 $_size__tile_overlayer_lowered;
	s5 =	simm.s32 $_tile_overlayer_lowered  }
0x9b: {  	s6 =	simm.s32 $0x1BFF;
	s21 =	sshll.u32 s5, $0x1;
	s3 =	sadd.s32 s20, s19  }
0x9c: {  	s22 =	simm.s32 $0x0;
	s4 =	sshll.u32 s4, $0x1;
	s5 =	sadd.s32 s21, s3  }
0x9d: {  	[timem:s22], [sflag:s6] =	dma.local [hbm:s5], s4  }
0x9e: {  	_ =	swait.ge [sflag:s6], s4  }
0x9f: {  	s4 =	ssub.s32 $0x0, s4;
	[sflag:s6] =	ssyncset.done $0x0  }
0xa0: {  	[sflag:s6] =	ssyncadd.s32 s4;
	_ =	sdelay $0x1  }
0xa1: {  	s23 =	simm.s32 $0x1B8B  }
0xa2: {  	_ =	swait.ge [sflag:s23], $0x1  }
0xa3: {  	[sflag:s23] =	ssyncset.done $0x0  }
0xa4: {  	[sflag:s23] =	ssyncadd.s32 $0xFFFFFFFF  }
0xa5: {  	s4 =	sld [smem:$0x0]  }
0xa6: {  	s5 =	sand.u32 $0xFFFFFFFE, s1  }
0xa7: {  	p0 =	sne.s32 s1, s5  }
0xa8: {  	s5 =	sshll.u32 @p0 s5, $0xE  }
0xa9: {  	s5 =	sadd.s32 @p0 $0x11B8D, s5;
	s6 =	sshll.u32 @p0 s4, $0x11  }
0xaa: {  	s5 =	sor.u32 @p0 s6, s5  }
0xab: {  	[sflag:s5] =	ssyncadd.remote.s32 @p0 $0x1;
	_ =	sdelay $0x1  }
0xac: {  	s5 =	simm.s32 @p0 $0x1B8D  }
0xad: {  	_ =	swait.eq @p0 [sflag:s5], $0x1  }
0xae: {  	[sflag:s5] =	ssyncadd.s32 @p0 $0xFFFFFFFF  }
0xaf: {  	s6 =	sshll.u32 @!p0 s1, $0xE  }
0xb0: {  	s6 =	sor.u32 @!p0 $0x4000, s6;
	s5 =	simm.s32 @!p0 $0x1B8D  }
0xb1: {  	s4 =	sshll.u32 @!p0 s4, $0x11;
	s6 =	sadd.s32 @!p0 $0x11B8D, s6;
	_ =	swait.eq @!p0 [sflag:s5], $0x1  }
0xb2: {  	s4 =	sor.u32 @!p0 s4, s6;
	[sflag:s5] =	ssyncadd.s32 @!p0 $0xFFFFFFFF  }
0xb3: {  	s25 =	simm.s32 $0x1B8E;
	s24 =	sld [smem:$0x3FFE];
	[sflag:s4] =	ssyncadd.remote.s32 @!p0 $0x1  }
0xb4: {  	s26 =	simm.s32 $execute0_lowered;
	[smem:$0x3FD2] =	sst s25  }
0xb5: {  	s5 =	sshll.u32 s26, $0x1;
	_ =	strace $0x80000049;
	[dreg:$0x1] =	wrdreg $0xFFFFFFFF  }
0xb6: {  	s28 =	simm.s32 $_size_execute0_lowered;
	s3 =	sadd.s32 s3, s5;
	[dreg:$0x0] =	wrdreg $0x0  }
0xb7: {  	s5 =	sshll.u32 s28, $0x1;
	[dreg:$0x2] =	wrdreg s3  }
0xb8: {  	[dreg:$0x3] =	wrdreg s5  }
0xb9: {  	[dreg:$0x4] =	wrdreg $0xC0  }
0xba: {  	_ =	task [dreg:s22], $0x5FFFF  }
0xbb: {  	[dreg:$0x1] =	wrdreg $0xFFFFFFFF  }
0xbc: {  	[dreg:$0x0] =	wrdreg $0x60  }
0xbd: {  	[dreg:$0x2] =	wrdreg s24  }
0xbe: {  	[dreg:$0x3] =	wrdreg $0x98000  }
0xbf: {  	[dreg:$0x4] =	wrdreg $0x9  }
0xc0: {  	_ =	task.clear_ibuf [dreg:s22], $0x5FFFF;
	_ =	strace $0x90000049  }
0xc1: {  	s29 =	simm.s32 $0x9;
	_ =	strace $0x8000004B  }
0xc2: {  	_ =	swait.ge [sflag:s29], $0x1  }
0xc3: {  	[sflag:s29] =	ssyncadd.s32 $0xFFFFFFFF  }
0xc4: {  	_ =	strace $0x9000004B  }
0xc5: {  	_ =	sfence  }
0xc6: {  	s30 =	sld [smem:$0x0];
	_ =	sdelay $0x2  }
0xc7: {  	s31 =	sshll.u32 s1, $0xD;
	s1 =	sshrl.u32 s1, $0x2  }
0xc8: {  	s4 =	sand.u32 $0x4000, s31;
	s1 =	sadd.s32 s1, s30  }
0xc9: {  	s0 =	sor.u32 s4, s0;
	s1 =	sshll.u32 s1, $0x11  }
0xca: {  	s0 =	sor.u32 s1, s0  }
0xcb: {  	s0 =	sadd.s32 $0x8F2B, s0  }
0xcc: {  	[sflag:s0] =	ssyncadd.remote.s32 $0x1  }
0xcd: {  	_ =	sfence.sel $0xFFFF  }
0xce: {  	[dreg:$0x0] =	wrdreg $0xFFFFFFFF;
	(pc) =	sbr.abs _section_cstart, $3  }
0xcf: {  	[dreg:$0x1] =	wrdreg $0xFFFFFFFF  }
0xd0: {  	_ =	task.clear_ibuf [dreg:s22], $0x2FFFF;
	_ =	strace $0x9FFFFFFF  }
0xd1: {  	(tm) =	ssettm $0x7FFFFFFF  }
tec
execute0_lowered:
.L_overlay_start_1:
0x0: {  	(tag) =	ssettag $0x1  }
0x1: {  	s0 =	srdreg.scid;
	s6 =	rddreg [dreg:$0x0]  }
0x2: {  	s2 =	rddreg [dreg:$0x1];
	s1 =	stileid.u32;
	s3 =	simm.s32 $0x0  }
0x3: {  	s18 =	simm.s32 $0x80;
	s19 =	simm.s32 $0x7800;
	s20 =	simm.s32 $0x1  }
0x4: {  	s21 =	simm.s32 $0x8800;
	s22 =	simm.s32 $0x2;
	s24 =	simm.s32 $0x0  }
0x5: {  	s7 =	sand.u32 $0x1, s0;
	[smem:$0x7FF] =	sst s3;
	s9 =	smul.u32 $0x13800, s1  }
0x6: {  	s12 =	sadd.s32 $0x111400, s6;
	s13 =	smul.u32 $0x4E00, s1;
	s15 =	sadd.s32 $0x49200, s2  }
0x7: {  	p0 =	seq.s32 s1, $0xF;
	s4 =	sshll.u32 s7, $0x4;
	_ =	strace $0x8000004A  }
0x8: {  	s10 =	ssub.s32 $0x2, s7;
	s11 =	smul.u32 $0x4E200, s7;
	s15 =	sshrl.u32 @p0 s15, $0x3  }
0x9: {  	s16 =	sshll.u32 @!p0 s1, $0x6;
	s4 =	sor.u32 s1, s4;
	s28 =	sshrl.u32 s10, $0x1  }
0xa: {  	s9 =	sshrl.u32 s9, $0x2;
	s23 =	sadd.s32 s13, s2;
	s16 =	sor.u32 @!p0 $0x1C03, s16  }
0xb: {  	s5 =	smul.u32 $0x500, s4;
	s4 =	sadd.s32 $0xFCC00, s6;
	s14 =	ssub.s32 s10, s28  }
0xc: {  	s29 =	sadd.s32 s13, s11;
	s17 =	sadd.s32 s9, s2;
	s31 =	sshrl.u32 s11, $0x3  }
0xd: {  	s13 =	simm.s32 $0x2800;
	s23 =	sshrl.u32 @!p0 s23, $0x3;
	s30 =	sshrl.u32 s29, $0x3  }
0xe: {  	s10 =	sadd.s32 s12, s31;
	s11 =	smax.u32 s14, $0x1;
	s14 =	simm.s32 $0x5000  }
0xf: {  	s17 =	sshrl.u32 @!p0 s17, $0x3;
	s8 =	sadd.s32 s5, s6;
	s5 =	sadd.s32 $0x110A00, s6  }
0x10: {  	s9 =	sadd.s32 s12, s30;
	s10 =	sadd.s32 $0x9240, s10;
	s12 =	simm.s32 $0x3  }
0x11: {  	s6 =	sadd.s32 $0xCBA00, s8;
	s7 =	sadd.s32 $0xC1A00, s8;
	s8 =	sadd.s32 $0x106A00, s8  }
.LBB2_1:
0x12: {  	[tilespmem:s3], [sflag:$0x3] =	stream.linear.gather [hbm4b:s6+s3], $0x2800, $0x38;
	[tilespmem:$0xE620] =	vst v63  }
0x13: {  	_ =	swait.ge [sflag:s12], $0x2800  }
0x14: {  	[sflag:s12] =	ssyncset.done $0x0  }
0x15: {  	[sflag:s12] =	ssyncadd.s32 $0xFFFFD800  }
0x16: {  	[tilespmem:s13], [sflag:$0x3] =	stream.linear.gather [hbm4b:s7+s3], $0x2800, $0x38;
	[tilespmem:$0xE620] =	vst v63  }
0x17: {  	_ =	swait.ge [sflag:s12], $0x2800  }
0x18: {  	[sflag:s12] =	ssyncset.done $0x0  }
0x19: {  	[sflag:s12] =	ssyncadd.s32 $0xFFFFD800  }
0x1a: {  	[tilespmem:s14], [sflag:$0x3] =	stream.linear.gather [hbm4b:s8+s3], $0x2800, $0x38;
	[tilespmem:$0xE620] =	vst v63  }
0x1b: {  	_ =	swait.ge [sflag:s12], $0x2800  }
0x1c: {  	[sflag:s12] =	ssyncset.done $0x0  }
0x1d: {  	s25 =	simm.s32 @p0 $0x1FC3;
	[sflag:s12] =	ssyncadd.s32 $0xFFFFD800  }
0x1e: {  	[spmem:s15], [sflag:s25] =	dma.local @p0 [hbm:s5], $0xA00  }
0x1f: {  	s25 =	simm.s32 @p0 $0x3  }
0x20: {  	_ =	swait.ge @p0 [sflag:s25], $0xA00  }
0x21: {  	[sflag:s25] =	ssyncset.done @p0 $0x0  }
0x22: {  	[sflag:s25] =	ssyncadd.s32 @p0 $0xFFFFF600;
	s25 =	simm.s32 @!p0 $0x3  }
0x23: {  	[spmem:s17], [sflag:s16] =	dma.local @!p0 [hbm:s5], $0x9C0  }
0x24: {  	_ =	swait.ge @!p0 [sflag:s25], $0x9C0  }
0x25: {  	[sflag:s25] =	ssyncset.done @!p0 $0x0  }
0x26: {  	[sflag:s25] =	ssyncadd.s32 @!p0 $0xFFFFF640  }
0x27: {  	s25 =	simm.s32 $0x0;
	[bflag:$0x0] =	sbarrier.arrive $0xFFFF  }
0x28: {  	[tilespmem:s19], [sflag:$0x1] =	stream.indirect.gather [hbm4b:s4+s18], $0x20, s3, s18, $0xb8;
	[tilespmem:$0xE620] =	vst v63  }
.LBB2_2:
0x29: {  	s26 =	simm.s32 $0x0  }
0x2a: {  	s28 =	sshll.u32 s25, $0x8;
	s0 =	simm.s32 $0x1;
	v1 =	vmov s26  }
0x2b: {  	v0 =	vmov s28;
	v2 =	vmov s0;
	v1 =	vand.u32 $0x7E, v1  }
0x2c: {  	_ =	swait.ge [sflag:s20], $0x1000;
	s28 =	sshllo.u32 s25, $0x1;
	v2 =	vand.u32 $0x7F, v2;
	v1 =	vor.u32 v0, v1  }
0x2d: {  	[sflag:s20] =	ssyncset.done $0x0;
	s0 =	sshll.u32 s28, $0x9;
	v2 =	vor.u32 v0, v2;
	v1 =	vbroadcast v1, $0x0  }
0x2e: {  	s29 =	simm.s32 $0x7820;
	[sflag:s20] =	ssyncadd.s32 $0xFFFFF000;
	s26 =	sshrl.u32 s0, $0x2;
	v2 =	vbroadcast v2, $0x0  }
0x2f: {  	[tilespmem:s21], [sflag:$0x2] =	stream.indirect.gather [hbm4b:s4+s18], $0x20, s26, s18, $0xb8;
	[tilespmem:$0xE620] =	vst v63  }
0x30: {  	v3 =	vld [tilespmem:s29+$0xFFFFFFF0]  }
0x31: {  	v4 =	vld [tilespmem:s29+$0xFFFFFFE0]  }
0x32: {  	v5 =	vld [tilespmem:s29+$0x0]  }
0x33: {  	v6 =	vld.idx.msk [tilespmem:v1+s14+$0x0], $0xffff  }
0x34: {  	s30 =	simm.s32 $0x2;
	v7 =	vld.idx.msk [tilespmem:v2+s14+$0x0], $0xffff  }
0x35: {  	v8 =	vld [tilespmem:s29+$0x10];
	v1 =	vmov s30;
	s30 =	simm.s32 $0x3  }
0x36: {  	v1 =	vand.u32 $0x7E, v1;
	v2 =	vmov s30  }
0x37: {  	v1 =	vor.u32 v0, v1;
	v2 =	vand.u32 $0x7F, v2  }
0x38: {  	v1 =	vbroadcast v1, $0x0;
	v2 =	vor.u32 v0, v2;
	v4 =	vmul.f32 v4, v6  }
0x39: {  	v2 =	vbroadcast v2, $0x0;
	v5 =	vmul.f32 v5, v7  }
0x3a: {  	s31 =	simm.s32 $0x7820;
	s30 =	simm.s32 $0x4;
	v3 =	vmul.f32 v3, v6;
	[tilespmem:s29+$0xFFFFFFE0] =	vst v4;
	v4 =	vmul.f32 v8, v7  }
.LBB2_3:
0x3b: {  	p1 =	sne.s32 s30, $0x7E  }
0x3c: {  	[tilespmem:s29+$0x0] =	vst v5;
	s31 =	sadd.s32 $0x40, s31;
	s0 =	smov.u32 s30;
	s30 =	sadd.s32 $0x2, s30  }
0x3d: {  	v6 =	vld [tilespmem:s31+$0xFFFFFFF0];
	[tilespmem:s29+$0x10] =	vst v4  }
0x3e: {  	v4 =	vld [tilespmem:s31+$0xFFFFFFE0];
	[tilespmem:s29+$0xFFFFFFF0] =	vst v3;
	s29 =	smov.u32 s31  }
0x3f: {  	v3 =	vld.idx.msk [tilespmem:v1+s14+$0x0], $0xffff  }
0x40: {  	v7 =	vld.idx.msk [tilespmem:v2+s14+$0x0], $0xffff  }
0x41: {  	v5 =	vld [tilespmem:s31+$0x0]  }
0x42: {  	v1 =	vmov s0;
	s0 =	sadd.s32 $0x1, s0;
	v8 =	vld [tilespmem:s31+$0x10]  }
.Ltmp0:
0x43: {  	v1 =	vand.u32 $0x7E, v1;
	v2 =	vmov s0;
	(pc) =	sbr.rel @p1 .LBB2_3-.Ltmp0, $4  }
0x44: {  	v1 =	vor.u32 v0, v1;
	v2 =	vand.u32 $0x7F, v2  }
0x45: {  	v1 =	vbroadcast v1, $0x0;
	v2 =	vor.u32 v0, v2;
	v4 =	vmul.f32 v4, v3  }
0x46: {  	v2 =	vbroadcast v2, $0x0;
	v5 =	vmul.f32 v5, v7  }
0x47: {  	v3 =	vmul.f32 v6, v3;
	[tilespmem:s31+$0xFFFFFFE0] =	vst v4;
	v4 =	vmul.f32 v8, v7  }
0x48: {  	_ = 	snop  }
0x49: {  	[tilespmem:s29+$0x0] =	vst v5;
	s0 =	sadd.s32 $0x40, s31  }
0x4a: {  	v0 =	vld [tilespmem:s0+$0xFFFFFFF0];
	[tilespmem:s29+$0x10] =	vst v4  }
0x4b: {  	v4 =	vld [tilespmem:s0+$0xFFFFFFE0];
	[tilespmem:s29+$0xFFFFFFF0] =	vst v3  }
0x4c: {  	v1 =	vld.idx.msk [tilespmem:v1+s14+$0x0], $0xffff  }
0x4d: {  	v2 =	vld.idx.msk [tilespmem:v2+s14+$0x0], $0xffff  }
0x4e: {  	v3 =	vld [tilespmem:s0+$0x0]  }
0x4f: {  	v5 =	vld [tilespmem:s0+$0x10];
	_ =	sdelay $0x2  }
0x50: {  	v4 =	vmul.f32 v4, v1  }
0x51: {  	v3 =	vmul.f32 v3, v2  }
0x52: {  	v2 =	vmul.f32 v5, v2;
	[tilespmem:s0+$0xFFFFFFE0] =	vst v4  }
0x53: {  	s29 =	sshll.u32 s25, $0xA;
	v0 =	vmul.f32 v0, v1;
	[tilespmem:s0+$0x0] =	vst v3  }
0x54: {  	s30 =	sshrl.u32 s29, $0x2;
	[tilespmem:s0+$0x10] =	vst v2  }
0x55: {  	s31 =	sadd.s32 $0x2800, s30;
	[tilespmem:s0+$0xFFFFFFF0] =	vst v0  }
0x56: {  	[spmem:s2] =	stream.indirect.scatter.add.f32 [tilespmem:s19], [sflag:$0x3], $0x20, s31, s18, $0xb8;
	[tilespmem:$0xE620] =	vst v63  }
0x57: {  	_ =	swait.ge [sflag:s12], $0x1000  }
0x58: {  	s31 =	simm.s32 $0x0;
	[sflag:s12] =	ssyncset.done $0x0  }
0x59: {  	s28 =	sshll.u32 s28, $0x7;
	v1 =	vmov s31;
	s31 =	simm.s32 $0x1;
	[sflag:s12] =	ssyncadd.s32 $0xFFFFF000  }
0x5a: {  	p1 =	seq.s32 s25, $0x27;
	v0 =	vmov s28;
	v1 =	vand.u32 $0x7E, v1;
	v2 =	vmov s31;
	_ =	swait.ge [sflag:s22], $0x1000  }
0x5b: {  	s0 =	sshrl.u32 @!p1 s29, $0x2;
	s28 =	simm.s32 @!p1 $0x80;
	v1 =	vor.u32 v0, v1;
	v2 =	vand.u32 $0x7F, v2;
	[sflag:s22] =	ssyncset.done $0x0  }
0x5c: {  	s29 =	simm.s32 @!p1 $0x7800;
	s0 =	sadd.s32 @!p1 $0x100, s0;
	v1 =	vbroadcast v1, $0x0;
	v2 =	vor.u32 v0, v2;
	[sflag:s22] =	ssyncadd.s32 $0xFFFFF000  }
0x5d: {  	v2 =	vbroadcast v2, $0x0;
	[tilespmem:s29], [sflag:$0x1] =	stream.indirect.gather @!p1 [hbm4b:s4+s28], $0x20, s0, s28, $0xb8;
	[tilespmem:$0xE620] =	vst v63  }
0x5e: {  	s28 =	simm.s32 $0x8830  }
0x5f: {  	v3 =	vld [tilespmem:s28+$0xFFFFFFF0]  }
0x60: {  	v4 =	vld [tilespmem:s28+$0xFFFFFFD0]  }
0x61: {  	v8 =	vld [tilespmem:s28+$0xFFFFFFE0]  }
0x62: {  	v6 =	vld.idx.msk [tilespmem:v1+s14+$0x0], $0xffff  }
0x63: {  	s31 =	simm.s32 $0x2;
	v7 =	vld.idx.msk [tilespmem:v2+s14+$0x0], $0xffff  }
0x64: {  	v9 =	vld [tilespmem:s28+$0x0];
	v1 =	vmov s31;
	s31 =	simm.s32 $0x3  }
0x65: {  	v1 =	vand.u32 $0x7E, v1;
	v2 =	vmov s31  }
0x66: {  	v1 =	vor.u32 v0, v1;
	v2 =	vand.u32 $0x7F, v2  }
0x67: {  	v1 =	vbroadcast v1, $0x0;
	v2 =	vor.u32 v0, v2;
	v4 =	vmul.f32 v4, v6  }
0x68: {  	v2 =	vbroadcast v2, $0x0;
	v5 =	vmul.f32 v3, v7  }
0x69: {  	s30 =	simm.s32 $0x8830;
	s29 =	simm.s32 $0x4;
	v3 =	vmul.f32 v9, v7;
	[tilespmem:s28+$0xFFFFFFD0] =	vst v4;
	v4 =	vmul.f32 v8, v6  }
.LBB2_5:
0x6a: {  	p1 =	sne.s32 s29, $0x7E  }
0x6b: {  	[tilespmem:s28+$0xFFFFFFF0] =	vst v5;
	s30 =	sadd.s32 $0x40, s30;
	s0 =	smov.u32 s29;
	s29 =	sadd.s32 $0x2, s29  }
0x6c: {  	v5 =	vld [tilespmem:s30+$0xFFFFFFF0];
	[tilespmem:s28+$0xFFFFFFE0] =	vst v4  }
0x6d: {  	v4 =	vld [tilespmem:s30+$0xFFFFFFD0];
	[tilespmem:s28+$0x0] =	vst v3;
	s28 =	smov.u32 s30  }
0x6e: {  	v3 =	vld.idx.msk [tilespmem:v1+s14+$0x0], $0xffff  }
0x6f: {  	v6 =	vld.idx.msk [tilespmem:v2+s14+$0x0], $0xffff  }
0x70: {  	v7 =	vld [tilespmem:s30+$0xFFFFFFE0]  }
0x71: {  	v1 =	vmov s0;
	s0 =	sadd.s32 $0x1, s0;
	v8 =	vld [tilespmem:s30+$0x0]  }
.Ltmp1:
0x72: {  	v1 =	vand.u32 $0x7E, v1;
	v2 =	vmov s0;
	(pc) =	sbr.rel @p1 .LBB2_5-.Ltmp1, $4  }
0x73: {  	v1 =	vor.u32 v0, v1;
	v2 =	vand.u32 $0x7F, v2  }
0x74: {  	v1 =	vbroadcast v1, $0x0;
	v2 =	vor.u32 v0, v2;
	v4 =	vmul.f32 v4, v3  }
0x75: {  	v2 =	vbroadcast v2, $0x0;
	v5 =	vmul.f32 v5, v6  }
0x76: {  	[tilespmem:s30+$0xFFFFFFD0] =	vst v4;
	v4 =	vmul.f32 v7, v3;
	v3 =	vmul.f32 v8, v6  }
0x77: {  	_ = 	snop  }
0x78: {  	[tilespmem:s28+$0xFFFFFFF0] =	vst v5;
	s0 =	sadd.s32 $0x40, s30  }
0x79: {  	v0 =	vld [tilespmem:s0+$0xFFFFFFF0];
	[tilespmem:s28+$0xFFFFFFE0] =	vst v4  }
0x7a: {  	v4 =	vld [tilespmem:s0+$0xFFFFFFD0];
	[tilespmem:s28+$0x0] =	vst v3  }
0x7b: {  	v1 =	vld.idx.msk [tilespmem:v1+s14+$0x0], $0xffff  }
0x7c: {  	v2 =	vld.idx.msk [tilespmem:v2+s14+$0x0], $0xffff  }
0x7d: {  	v3 =	vld [tilespmem:s0+$0xFFFFFFE0]  }
0x7e: {  	v5 =	vld [tilespmem:s0+$0x0];
	_ =	sdelay $0x1  }
0x7f: {  	v4 =	vmul.f32 v4, v1  }
0x80: {  	v0 =	vmul.f32 v0, v2  }
0x81: {  	v1 =	vmul.f32 v3, v1;
	[tilespmem:s0+$0xFFFFFFD0] =	vst v4  }
0x82: {  	s25 =	sadd.s32 $0x1, s25;
	v2 =	vmul.f32 v5, v2;
	[tilespmem:s0+$0xFFFFFFF0] =	vst v0  }
0x83: {  	p1 =	sne.s32 s25, $0x28;
	[tilespmem:s0+$0xFFFFFFE0] =	vst v1  }
.Ltmp2:
0x84: {  	s31 =	sadd.s32 $0x2800, s26;
	[tilespmem:s0+$0x0] =	vst v2;
	(pc) =	sbr.rel @p1 .LBB2_2-.Ltmp2, $4  }
0x85: {  	[spmem:s2] =	stream.indirect.scatter.add.f32 [tilespmem:s21], [sflag:$0x3], $0x20, s31, s18, $0xb8;
	[tilespmem:$0xE620] =	vst v63  }
0x86: {  	_ =	swait.ge [sflag:s12], $0x1000  }
0x87: {  	[sflag:s12] =	ssyncset.done $0x0  }
0x88: {  	[sflag:s12] =	ssyncadd.s32 $0xFFFFF000  }
0x89: {  	[bflag:$0x0] =	sbarrier.arrive $0xFFFF;
	s0 =	simm.s32 @p0 $0x1FC3  }
0x8a: {  	[hbm:s10], [sflag:s0] =	dma.local @p0 [spmem:s15], $0xA00  }
0x8b: {  	s0 =	simm.s32 @p0 $0x3  }
0x8c: {  	s24 =	sadd.s32 $0x1, s24;
	_ =	swait.ge @p0 [sflag:s0], $0xA00  }
0x8d: {  	p1 =	sne.s32 s24, s11;
	[sflag:s0] =	ssyncset.done @p0 $0x0  }
.Ltmp3:
0x8e: {  	[sflag:s0] =	ssyncadd.s32 @p0 $0xFFFFF600;
	s0 =	simm.s32 @!p0 $0x3;
	(pc) =	sbr.rel @p1 .LBB2_1-.Ltmp3, $4  }
0x8f: {  	[hbm:s9], [sflag:s16] =	dma.local @!p0 [spmem:s23], $0x9C0  }
0x90: {  	_ =	swait.ge @!p0 [sflag:s0], $0x9C0  }
0x91: {  	[sflag:s0] =	ssyncset.done @!p0 $0x0  }
0x92: {  	[sflag:s0] =	ssyncadd.s32 @!p0 $0xFFFFF640  }
0x93: {  	_ =	sfence.sel $0x180000  }
0x94: {  	[bflag:$0x0] =	sbarrier.arrive $0xFFFF  }
0x95: {  	_ =	strace $0x9000004A  }
0x96: {  	[bflag:$0x2] =	sbarrier.arrive $0xFFFF  }
0x97: {  	p0 =	sne.s32 s1, $0x0;
	s0 =	rddreg [dreg:$0x2]  }
0x98: {  	s0 =	sadd.s32 @!p0 $0x100000, s0  }
0x99: {  	[sflag:s0] =	ssyncadd.tile.s32 @!p0 $0x1;
	_ =	shalt  }
.Lfunc_end2:
_tile_overlayer_lowered:
.L_overlay_start_2:
0x9a: {  	(tag) =	ssettag $0x2  }
0x9b: {  	s0 =	rddreg [dreg:$0x0];
	s2 =	stileid.u32  }
0x9c: {  	s1 =	rddreg [dreg:$0x1];
	p0 =	sne.s32 s2, $0x0  }
0x9d: {  	s3 =	rddreg [dreg:$0x2];
	[bflag:$0x3] =	sbarrier.arrive $0xFFFF;
	s2 =	simm.s32 @!p0 $0x1C03  }
0x9e: {  	[timem:s3], [sflag:s2] =	dma.local @!p0 [hbm:s0], s1  }
0x9f: {  	s0 =	simm.s32 @!p0 $0x3  }
0xa0: {  	_ =	swait.ge @!p0 [sflag:s0], s1  }
0xa1: {  	s1 =	ssub.s32 @!p0 $0x0, s1;
	[sflag:s0] =	ssyncset.done @!p0 $0x0  }
0xa2: {  	[sflag:s0] =	ssyncadd.s32 @!p0 s1  }
0xa3: {  	[bflag:$0x3] =	sbarrier.arrive $0xFFFF  }
0xa4: {  	_ =	shalt  }

// kernel: kernel.14.cloned.1.call-start
scs
__scs_entry_jumppad:
0x0: {  	(pc) =	sbr.rel $0x88, $3  }
0x1: {  	(tag) =	ssettag $0x0;
	lr =	simm.s32 $0x1  }
0x2: {  	[smem:$0x3F86] =	sst lr;
	_ =	strace $0xD0000000  }
0x3: {  	_ = 	snop  }
0x4: {  	_ = 	snop  }
0x5: {  	_ = 	snop  }
0x6: {  	_ = 	snop  }
0x7: {  	_ = 	snop  }
__scs_overlays_trampoline_lowered:
0x8: {  	[smem:$0x3F95] =	sst s0  }
0x9: {  	[smem:$0x3F96] =	sst s1  }
0xa: {  	[smem:$0x3F97] =	sst s2  }
0xb: {  	[smem:$0x3F98] =	sst s3  }
0xc: {  	[smem:$0x3F99] =	sst s4  }
0xd: {  	[smem:$0x3F9A] =	sst s5  }
0xe: {  	[smem:$0x3F9B] =	sst s6  }
0xf: {  	[smem:$0x3F9C] =	sst s7  }
0x10: {  	[smem:$0x3F9D] =	sst s8  }
0x11: {  	[smem:$0x3F9E] =	sst s9;
	s0 =	simm.s32 @!p0 $0x0  }
0x12: {  	s1 =	sld [smem:$0x3F84];
	s0 =	simm.s32 @p0 $0x1  }
0x13: {  	[smem:$0x3F9F] =	sst s0;
	s0 =	simm.s32 @!p1 $0x0  }
0x14: {  	s2 =	sld [smem:$0x3F83];
	s0 =	simm.s32 @p1 $0x1  }
0x15: {  	[smem:$0x3FA0] =	sst s0;
	s0 =	simm.s32 @!p2 $0x0  }
0x16: {  	s3 =	sld [smem:$0x3FDB];
	s0 =	simm.s32 @p2 $0x1  }
0x17: {  	s4 =	simm.s32 $0x1BF5;
	[smem:$0x3FA2] =	sst s0  }
0x18: {  	s0 =	sld [smem:$0x3F85];
	_ =	swait.ge [sflag:s4], $0x0  }
0x19: {  	s7 =	sld [smem:$0x3F86]  }
0x1a: {  	s8 =	sadd.s32 $0xFFFFE003, lr  }
0x1b: {  	s9 =	sadd.s32 $0xFFFFFEF7, lr;
	s5 =	simm.s32 $0xFFFFFFFF;
	p2 =	slt.u32 s8, $0xFFFFF086  }
0x1c: {  	p1 =	slt.u32 s9, $0xF7A;
	s5 =	simm.s32 @!p2 $0x0  }
0x1d: {  	s5 =	simm.s32 @p1 $0x1;
	p0 =	seq.s32 s7, s2  }
0x1e: {  	s7 =	smul.u32 @!p0 $0xF7A, s2;
	p2 =	seq.s32 @!p0 s5, $0x0  }
0x1f: {  	s9 =	smul.u32 $0xF7A, s1;
	s8 =	simm.s32 @!p0 $0x1BF5;
	p2 =	por !p2, p0  }
0x20: {  	[sflag:s8] =	ssyncset.s32 @!p0 $0xFFFFF086;
	s6 =	sadd.s32 @!p0 s3, s7;
	s7 =	simm.s32 @!p0 $0x108  }
0x21: {  	s3 =	sadd.s32 s3, s9;
	s6 =	sadd.s32 @!p0 $0x88, s6;
	s7 =	simm.s32 @p2 $0x1082  }
0x22: {  	[simem:s7], [sflag:s8] =	dma.local @!p0 [hbm:s6], $0xF7A  }
0x23: {  	s9 =	sor.u32 $0xD0000000, s2;
	s6 =	simm.s32 $0x108;
	_ =	swait.ge @!p0 [sflag:s8], $0x0  }
0x24: {  	s3 =	sadd.s32 $0x88, s3;
	s6 =	simm.s32 @!p1 $0x1082;
	[sflag:s4] =	ssyncset.s32 $0xFFFFF086  }
0x25: {  	[simem:s6], [sflag:s4] =	dma.local [hbm:s3], $0xF7A  }
0x26: {  	[smem:$0x3F86] =	sst s1;
	(tag) =	ssettag s2;
	_ =	strace s9  }
0x27: {  	s1 =	sld [smem:$0x3F96]  }
0x28: {  	s2 =	sld [smem:$0x3F97]  }
0x29: {  	s4 =	sld [smem:$0x3F99]  }
0x2a: {  	p0 =	seq.s32 s5, $0x0;
	s5 =	sld [smem:$0x3F9A]  }
0x2b: {  	s6 =	sld [smem:$0x3F9B]  }
0x2c: {  	s7 =	sld [smem:$0x3F9C]  }
0x2d: {  	s3 =	simm.s32 $0x108;
	s8 =	sld [smem:$0x3F9D]  }
0x2e: {  	s3 =	simm.s32 @!p0 $0x1082;
	s9 =	sld [smem:$0x3F9E]  }
0x2f: {  	lr =	sadd.s32 s0, s3;
	s0 =	sld [smem:$0x3F95]  }
0x30: {  	s3 =	sld [smem:$0x3F98]  }
0x31: {  	[smem:$0x3FA1] =	sst s10  }
0x32: {  	s10 =	sld [smem:$0x3F9F];
	_ =	sdelay $0x3  }
0x33: {  	p0 =	seq.s32 s10, $0x1;
	s10 =	sld [smem:$0x3FA1];
	_ =	sdelay $0x3  }
0x34: {  	[smem:$0x3FA1] =	sst s10  }
0x35: {  	s10 =	sld [smem:$0x3FA0];
	_ =	sdelay $0x3  }
0x36: {  	p1 =	seq.s32 s10, $0x1;
	s10 =	sld [smem:$0x3FA1];
	_ =	sdelay $0x3  }
0x37: {  	[smem:$0x3FA1] =	sst s10  }
0x38: {  	s10 =	sld [smem:$0x3FA2]  }
0x39: {  	_ = 	snop;
	(pc) =	sbr.ind lr, $3  }
0x3a: {  	_ = 	snop  }
0x3b: {  	_ = 	snop  }
0x3c: {  	p2 =	seq.s32 s10, $0x1;
	s10 =	sld [smem:$0x3FA1]  }
0x3d: {  	_ =	shalt  }
0x3e: {  	_ =	shalt  }
0x3f: {  	_ =	shalt  }
0x40: {  	_ =	shalt  }
0x41: {  	_ =	shalt  }
0x42: {  	_ =	shalt  }
0x43: {  	_ =	shalt  }
0x44: {  	_ =	shalt  }
0x45: {  	_ =	shalt  }
0x46: {  	_ =	shalt  }
0x47: {  	_ =	shalt  }
0x48: {  	_ =	shalt  }
0x49: {  	_ =	shalt  }
0x4a: {  	_ =	shalt  }
0x4b: {  	_ =	shalt  }
0x4c: {  	_ =	shalt  }
0x4d: {  	_ =	shalt  }
0x4e: {  	_ =	shalt  }
0x4f: {  	_ =	shalt  }
0x50: {  	_ =	shalt  }
0x51: {  	_ =	shalt  }
0x52: {  	_ =	shalt  }
0x53: {  	_ =	shalt  }
0x54: {  	_ =	shalt  }
0x55: {  	_ =	shalt  }
0x56: {  	_ =	shalt  }
0x57: {  	_ =	shalt  }
0x58: {  	_ =	shalt  }
0x59: {  	_ =	shalt  }
0x5a: {  	_ =	shalt  }
0x5b: {  	_ =	shalt  }
0x5c: {  	_ =	shalt  }
0x5d: {  	_ =	shalt  }
0x5e: {  	_ =	shalt  }
0x5f: {  	_ =	shalt  }
0x60: {  	_ =	shalt  }
0x61: {  	_ =	shalt  }
0x62: {  	_ =	shalt  }
0x63: {  	_ =	shalt  }
0x64: {  	_ =	shalt  }
0x65: {  	_ =	shalt  }
0x66: {  	_ =	shalt  }
0x67: {  	_ =	shalt  }
0x68: {  	_ =	shalt  }
0x69: {  	_ =	shalt  }
0x6a: {  	_ =	shalt  }
0x6b: {  	_ =	shalt  }
0x6c: {  	_ =	shalt  }
0x6d: {  	_ =	shalt  }
0x6e: {  	_ =	shalt  }
0x6f: {  	_ =	shalt  }
0x70: {  	_ =	shalt  }
0x71: {  	_ =	shalt  }
0x72: {  	_ =	shalt  }
0x73: {  	_ =	shalt  }
0x74: {  	_ =	shalt  }
0x75: {  	_ =	shalt  }
0x76: {  	_ =	shalt  }
0x77: {  	_ =	shalt  }
0x78: {  	_ =	shalt  }
0x79: {  	_ =	shalt  }
0x7a: {  	_ =	shalt  }
0x7b: {  	_ =	shalt  }
0x7c: {  	_ =	shalt  }
0x7d: {  	_ =	shalt  }
0x7e: {  	_ =	shalt  }
0x7f: {  	_ =	shalt  }
0x80: {  	_ =	shalt  }
0x81: {  	_ =	shalt  }
0x82: {  	_ =	shalt  }
0x83: {  	_ =	shalt  }
0x84: {  	_ =	shalt  }
0x85: {  	_ =	shalt  }
0x86: {  	_ =	shalt  }
0x87: {  	_ =	shalt  }
.Lfunc_end0:
.L_simem_size_0:
called_computation.1_lowered:
.L_overlay_start_0:
0x88: {  	s2 =	sld [smem:$0x3FD9]  }
0x89: {  	s3 =	sld [smem:$0x3FFE];
	_ =	sdelay $0x1  }
0x8a: {  	s1 =	srdreg.scid  }
0x8b: {  	s0 =	sand.u32 $0x1, s1  }
0x8c: {  	s16 =	sshll.u32 s0, $0xA;
	s2 =	sadd.s32 s3, s2  }
0x8d: {  	s2 =	sadd.s32 s2, s16  }
0x8e: {  	[smem:$0x3FAD] =	sst s2  }
0x8f: {  	_ = 	snop  }
0x90: {  	(tm) =	ssettm $0x1  }
0x91: {  	s17 =	sld [smem:$0x3FFB];
	_ =	sdelay $0x3  }
0x92: {  	_ =	strace s17  }
0x93: {  	s2 =	sld [smem:$0x3FFC];
	_ =	sdelay $0x3  }
0x94: {  	_ =	strace s2  }
0x95: {  	s2 =	sld [smem:$0x3FFD];
	_ =	sdelay $0x3  }
0x96: {  	_ =	strace s2  }
0x97: {  	_ =	strace $0x8FFFFFFF  }
0x98: {  	s18 =	sld [smem:$0x3FDB];
	_ =	sdelay $0x1  }
0x99: {  	s19 =	simm.s32 $_scs_section_size  }
0x9a: {  	s4 =	simm.s32 $_size__tile_overlayer_lowered;
	s5 =	simm.s32 $_tile_overlayer_lowered  }
0x9b: {  	s22 =	simm.s32 $0x1BFF;
	s21 =	sshll.u32 s5, $0x1;
	s2 =	sadd.s32 s19, s18  }
0x9c: {  	s6 =	simm.s32 $0x0;
	s20 =	sshll.u32 s4, $0x1;
	s4 =	sadd.s32 s21, s2  }
0x9d: {  	[timem:s6], [sflag:s22] =	dma.local [hbm:s4], s20  }
0x9e: {  	_ =	swait.ge [sflag:s22], s20  }
0x9f: {  	s3 =	ssub.s32 $0x0, s20;
	[sflag:s22] =	ssyncset.done $0x0  }
0xa0: {  	[sflag:s22] =	ssyncadd.s32 s3;
	_ =	sdelay $0x1  }
0xa1: {  	s23 =	simm.s32 $0x1B8B  }
0xa2: {  	_ =	swait.ge [sflag:s23], $0x1  }
0xa3: {  	[sflag:s23] =	ssyncset.done $0x0  }
0xa4: {  	s25 =	simm.s32 $0x1B8E;
	s24 =	sld [smem:$0x3FFE];
	[sflag:s23] =	ssyncadd.s32 $0xFFFFFFFF  }
0xa5: {  	s26 =	simm.s32 $execute0_lowered;
	[smem:$0x3FD2] =	sst s25  }
0xa6: {  	s4 =	sshll.u32 s26, $0x1;
	_ =	strace $0x80000046;
	[dreg:$0x1] =	wrdreg $0xFFFFFFFF  }
0xa7: {  	s28 =	simm.s32 $_size_execute0_lowered;
	s2 =	sadd.s32 s2, s4;
	[dreg:$0x0] =	wrdreg $0x0  }
0xa8: {  	s4 =	sshll.u32 s28, $0x1;
	[dreg:$0x2] =	wrdreg s2  }
0xa9: {  	[dreg:$0x3] =	wrdreg s4  }
0xaa: {  	[dreg:$0x4] =	wrdreg $0xC0  }
0xab: {  	_ =	task [dreg:s6], $0x5FFFF  }
0xac: {  	[dreg:$0x1] =	wrdreg $0xFFFFFFFF  }
0xad: {  	[dreg:$0x0] =	wrdreg $0x60  }
0xae: {  	[dreg:$0x2] =	wrdreg s24  }
0xaf: {  	[dreg:$0x3] =	wrdreg $0xC6200  }
0xb0: {  	[dreg:$0x4] =	wrdreg $0xA  }
0xb1: {  	_ =	task.clear_ibuf [dreg:s6], $0x5FFFF;
	_ =	strace $0x90000046  }
0xb2: {  	s29 =	simm.s32 $0xA;
	_ =	strace $0x80000048  }
0xb3: {  	_ =	swait.ge [sflag:s29], $0x1  }
0xb4: {  	[sflag:s29] =	ssyncadd.s32 $0xFFFFFFFF  }
0xb5: {  	_ =	strace $0x90000048  }
0xb6: {  	_ =	sfence  }
0xb7: {  	s30 =	sld [smem:$0x0];
	_ =	sdelay $0x2  }
0xb8: {  	s31 =	sshll.u32 s1, $0xD;
	s1 =	sshrl.u32 s1, $0x2  }
0xb9: {  	s3 =	sand.u32 $0x4000, s31;
	s1 =	sadd.s32 s1, s30  }
0xba: {  	s0 =	sor.u32 s3, s0;
	s1 =	sshll.u32 s1, $0x11  }
0xbb: {  	s0 =	sor.u32 s1, s0  }
0xbc: {  	s0 =	sadd.s32 $0x8F2B, s0  }
0xbd: {  	[sflag:s0] =	ssyncadd.remote.s32 $0x1  }
0xbe: {  	_ =	sfence.sel $0xFFFF  }
0xbf: {  	[dreg:$0x0] =	wrdreg $0xFFFFFFFF;
	(pc) =	sbr.abs _section_cstart, $3  }
0xc0: {  	[dreg:$0x1] =	wrdreg $0xFFFFFFFF  }
0xc1: {  	_ =	task.clear_ibuf [dreg:s6], $0x2FFFF;
	_ =	strace $0x9FFFFFFF  }
0xc2: {  	(tm) =	ssettm $0x7FFFFFFF  }
0xc3: {  	_ =	shalt  }
tec
execute0_lowered:
.L_overlay_start_1:
0x0: {  	(tag) =	ssettag $0x1  }
0x1: {  	s0 =	srdreg.scid;
	s7 =	rddreg [dreg:$0x0]  }
0x2: {  	s2 =	rddreg [dreg:$0x1];
	s3 =	simm.s32 $0x0;
	s18 =	simm.s32 $0x50  }
0x3: {  	s19 =	simm.s32 $0x7620;
	s20 =	simm.s32 $0x9E20;
	s21 =	simm.s32 $0x2  }
0x4: {  	s23 =	simm.s32 $0x0;
	s6 =	sand.u32 $0x1, s0;
	s0 =	stileid.u32  }
0x5: {  	[smem:$0x7FF] =	sst s3;
	s11 =	sadd.s32 $0x73800, s7;
	s10 =	smul.u32 $0x4E000, s0  }
0x6: {  	s15 =	sadd.s32 $0x124800, s2;
	s1 =	sshll.u32 s6, $0x4;
	s12 =	smul.u32 $0x138800, s6  }
0x7: {  	s9 =	ssub.s32 $0x2, s6;
	s14 =	smul.u32 $0x13800, s0;
	p0 =	seq.s32 s0, $0xF  }
0x8: {  	s4 =	sor.u32 s0, s1;
	s1 =	rddreg [dreg:$0x2];
	_ =	strace $0x80000047  }
0x9: {  	s28 =	sshrl.u32 s9, $0x1;
	s16 =	sshll.u32 @!p0 s0, $0x6;
	s15 =	sshrl.u32 @p0 s15, $0x3  }
0xa: {  	s5 =	smul.u32 $0x4EC, s4;
	s4 =	sadd.s32 $0x22C00, s7;
	s13 =	ssub.s32 s9, s28  }
0xb: {  	s29 =	sshrl.u32 s10, $0x2;
	s30 =	sadd.s32 s14, s12;
	s31 =	sshrl.u32 s12, $0x3  }
0xc: {  	s22 =	sadd.s32 s14, s2;
	s12 =	simm.s32 $0x3;
	s14 =	simm.s32 $0x4EC0  }
0xd: {  	s16 =	sor.u32 @!p0 $0x1C03, s16;
	s17 =	sadd.s32 s29, s2;
	s9 =	sshrl.u32 s30, $0x3  }
0xe: {  	s10 =	sadd.s32 s11, s31;
	s22 =	sshrl.u32 @!p0 s22, $0x3;
	s8 =	sadd.s32 s5, s7  }
0xf: {  	s5 =	sadd.s32 $0x71000, s7;
	s9 =	sadd.s32 s11, s9;
	s10 =	sadd.s32 $0x24900, s10  }
0x10: {  	s11 =	smax.u32 s13, $0x1;
	s13 =	simm.s32 $0x2760;
	s17 =	sshrl.u32 @!p0 s17, $0x3  }
0x11: {  	s6 =	sadd.s32 $0xF000, s8;
	s7 =	sadd.s32 $0x5200, s8;
	s8 =	sadd.s32 $0x18E00, s8  }
.LBB2_1:
0x12: {  	[tilespmem:s3], [sflag:$0x3] =	stream.linear.gather [hbm4b:s6+s3], $0x2760, $0x38;
	[tilespmem:$0x1FEA0] =	vst v63  }
0x13: {  	_ =	swait.ge [sflag:s12], $0x2760  }
0x14: {  	[sflag:s12] =	ssyncset.done $0x0  }
0x15: {  	[sflag:s12] =	ssyncadd.s32 $0xFFFFD8A0  }
0x16: {  	[tilespmem:s13], [sflag:$0x3] =	stream.linear.gather [hbm4b:s7+s3], $0x2760, $0x38;
	[tilespmem:$0x1FEA0] =	vst v63  }
0x17: {  	_ =	swait.ge [sflag:s12], $0x2760  }
0x18: {  	[sflag:s12] =	ssyncset.done $0x0  }
0x19: {  	[sflag:s12] =	ssyncadd.s32 $0xFFFFD8A0  }
0x1a: {  	[tilespmem:s14], [sflag:$0x3] =	stream.linear.gather [hbm4b:s8+s3], $0x2760, $0x38;
	[tilespmem:$0x1FEA0] =	vst v63  }
0x1b: {  	_ =	swait.ge [sflag:s12], $0x2760  }
0x1c: {  	[sflag:s12] =	ssyncset.done $0x0  }
0x1d: {  	s24 =	simm.s32 @p0 $0x1FC3;
	[sflag:s12] =	ssyncadd.s32 $0xFFFFD8A0  }
0x1e: {  	[spmem:s15], [sflag:s24] =	dma.local @p0 [hbm:s5], $0x2800  }
0x1f: {  	s24 =	simm.s32 @p0 $0x3  }
0x20: {  	_ =	swait.ge @p0 [sflag:s24], $0x2800  }
0x21: {  	[sflag:s24] =	ssyncset.done @p0 $0x0  }
0x22: {  	[sflag:s24] =	ssyncadd.s32 @p0 $0xFFFFD800;
	s24 =	simm.s32 @!p0 $0x3  }
0x23: {  	[spmem:s17], [sflag:s16] =	dma.local @!p0 [hbm:s5], $0x2700  }
0x24: {  	_ =	swait.ge @!p0 [sflag:s24], $0x2700  }
0x25: {  	[sflag:s24] =	ssyncset.done @!p0 $0x0  }
0x26: {  	[sflag:s24] =	ssyncadd.s32 @!p0 $0xFFFFD900  }
0x27: {  	s24 =	simm.s32 $0x0;
	[bflag:$0x0] =	sbarrier.arrive $0xFFFF  }
0x28: {  	[tilespmem:s19], [sflag:$0x1] =	stream.indirect.gather [hbm4b:s4+s18], $0x80, s3, s18, $0xb8;
	[tilespmem:$0x1FEA0] =	vst v63  }
.LBB2_2:
0x29: {  	s25 =	sshll.u32 s24, $0x1  }
0x2a: {  	v0 =	vmov s25  }
0x2b: {  	v0 =	vmul.u32 $0x50, v0  }
0x2c: {  	s31 =	simm.s32 $0x1;
	s26 =	sshllo.u32 s24, $0x1  }
0x2d: {  	_ =	swait.ge [sflag:s31], $0x2800;
	s28 =	smul.u32 $0x140, s26;
	v1 =	vmov s31;
	v0 =	vbroadcast v0, $0x0  }
0x2e: {  	[sflag:s31] =	ssyncset.done $0x0;
	v2 =	vand.u32 $0x78, v1  }
0x2f: {  	v1 =	vand.u32 $0x7, v1;
	[sflag:s31] =	ssyncadd.s32 $0xFFFFD800;
	s25 =	sshra.s32 s28, $0x2;
	s28 =	simm.s32 $0x76A0;
	v2 =	vadd.s32 v0, v2  }
0x30: {  	[tilespmem:s20], [sflag:$0x2] =	stream.indirect.gather [hbm4b:s4+s18], $0x80, s25, s18, $0xb8;
	v1 =	vor.u32 v1, v2;
	[tilespmem:$0x1FEA0] =	vst v63  }
0x31: {  	v6 =	vld [tilespmem:s28+$0xFFFFFFF0]  }
0x32: {  	v5 =	vld [tilespmem:s28+$0x60]  }
0x33: {  	s29 =	simm.s32 $0x0;
	v9 =	vld [tilespmem:s28+$0xFFFFFFD0]  }
0x34: {  	v3 =	vmov s29;
	v8 =	vld [tilespmem:s28+$0x20]  }
0x35: {  	v4 =	vand.u32 $0x78, v3;
	v7 =	vld.idx.msk [tilespmem:v1+s14+$0x0], $0xffff  }
0x36: {  	v1 =	vand.u32 $0x6, v3;
	v3 =	vadd.s32 v0, v4;
	v4 =	vld [tilespmem:s28+$0x0]  }
0x37: {  	v10 =	vld [tilespmem:s28+$0x30]  }
0x38: {  	v1 =	vor.u32 v1, v3;
	v3 =	vld [tilespmem:s28+$0x10]  }
0x39: {  	v11 =	vld [tilespmem:s28+$0x40]  }
0x3a: {  	v12 =	vld [tilespmem:s28+$0x70]  }
0x3b: {  	v13 =	vld [tilespmem:s28+$0xFFFFFF80];
	v4 =	vmul.f32 v4, v7  }
0x3c: {  	v2 =	vld [tilespmem:s28+$0x50];
	v63 =	vmul.f32 v5, v7  }
0x3d: {  	v1 =	vld.idx.msk [tilespmem:v1+s14+$0x0], $0xffff;
	v3 =	vmul.f32 v3, v7;
	[tilespmem:s28+$0x0] =	vst v4  }
0x3e: {  	v14 =	vld [tilespmem:s28+$0xFFFFFFA0];
	v4 =	vmul.f32 v8, v7;
	[tilespmem:s28+$0x60] =	vst v63  }
0x3f: {  	v8 =	vmul.f32 v10, v7;
	[tilespmem:s28+$0x10] =	vst v3;
	v3 =	vld [tilespmem:s28+$0xFFFFFFE0]  }
0x40: {  	v10 =	vmul.f32 v11, v7;
	[tilespmem:s28+$0x20] =	vst v4;
	v4 =	vld [tilespmem:s28+$0xFFFFFF90]  }
0x41: {  	v5 =	vld [tilespmem:s28+$0xFFFFFFB0];
	v11 =	vmul.f32 v2, v7;
	v2 =	vmul.f32 v12, v7;
	[tilespmem:s28+$0x30] =	vst v8  }
0x42: {  	[tilespmem:s28+$0x40] =	vst v10;
	v8 =	vmul.f32 v13, v1;
	v10 =	vmul.f32 v6, v1  }
0x43: {  	s30 =	simm.s32 $0x76A0;
	s29 =	simm.s32 $0x3;
	[tilespmem:s28+$0x50] =	vst v11;
	v6 =	vld [tilespmem:s28+$0xFFFFFFC0];
	v7 =	vmul.f32 v14, v1;
	v9 =	vmul.f32 v9, v1  }
.LBB2_3:
0x44: {  	p1 =	sne.s32 s29, $0x4F  }
0x45: {  	v11 =	vmov s29;
	v4 =	vmul.f32 v4, v1;
	v3 =	vmul.f32 v3, v1;
	[tilespmem:s28+$0x70] =	vst v2;
	s30 =	sadd.s32 $0x100, s30;
	s31 =	smov.u32 s29;
	s29 =	sadd.s32 $0x2, s29  }
0x46: {  	v2 =	vand.u32 $0x78, v11;
	v11 =	vand.u32 $0x7, v11;
	v5 =	vmul.f32 v5, v1;
	[tilespmem:s28+$0xFFFFFFF0] =	vst v10  }
0x47: {  	v2 =	vadd.s32 v0, v2;
	[tilespmem:s28+$0xFFFFFF80] =	vst v8  }
0x48: {  	v2 =	vor.u32 v11, v2;
	v1 =	vmul.f32 v6, v1;
	[tilespmem:s28+$0xFFFFFFD0] =	vst v9  }
0x49: {  	v9 =	vld [tilespmem:s30+$0xFFFFFFF0];
	[tilespmem:s28+$0xFFFFFFA0] =	vst v7  }
0x4a: {  	v6 =	vld [tilespmem:s30+$0x60];
	[tilespmem:s28+$0xFFFFFFB0] =	vst v5  }
0x4b: {  	v7 =	vld [tilespmem:s30+$0x50];
	[tilespmem:s28+$0xFFFFFFC0] =	vst v1  }
0x4c: {  	s31 =	sadd.s32 $0xFFFFFFFF, s31;
	v11 =	vld [tilespmem:s30+$0xFFFFFFD0];
	[tilespmem:s28+$0xFFFFFFE0] =	vst v3  }
0x4d: {  	v1 =	vmov s31;
	v3 =	vld [tilespmem:s30+$0x70];
	[tilespmem:s28+$0xFFFFFF90] =	vst v4;
	s28 =	smov.u32 s30  }
0x4e: {  	v4 =	vand.u32 $0x78, v1;
	v8 =	vld.idx.msk [tilespmem:v2+s14+$0x0], $0xffff  }
0x4f: {  	v1 =	vand.u32 $0x6, v1;
	v2 =	vadd.s32 v0, v4;
	v4 =	vld [tilespmem:s30+$0x0]  }
0x50: {  	v1 =	vor.u32 v1, v2;
	v5 =	vld [tilespmem:s30+$0x10]  }
0x51: {  	v10 =	vld [tilespmem:s30+$0x20]  }
0x52: {  	v12 =	vld [tilespmem:s30+$0x30]  }
0x53: {  	v13 =	vld [tilespmem:s30+$0x40]  }
0x54: {  	v2 =	vmul.f32 v3, v8;
	v14 =	vld [tilespmem:s30+$0xFFFFFF80];
	v4 =	vmul.f32 v4, v8  }
0x55: {  	v1 =	vld.idx.msk [tilespmem:v1+s14+$0x0], $0xffff;
	v3 =	vmul.f32 v5, v8  }
0x56: {  	[tilespmem:s30+$0x0] =	vst v4;
	v15 =	vld [tilespmem:s30+$0xFFFFFFA0];
	v5 =	vmul.f32 v10, v8  }
0x57: {  	[tilespmem:s30+$0x10] =	vst v3;
	v10 =	vmul.f32 v12, v8;
	v3 =	vld [tilespmem:s30+$0xFFFFFFE0]  }
.Ltmp0:
0x58: {  	v4 =	vld [tilespmem:s30+$0xFFFFFF90];
	[tilespmem:s30+$0x20] =	vst v5;
	v12 =	vmul.f32 v13, v8;
	(pc) =	sbr.rel @p1 .LBB2_3-.Ltmp0, $4  }
0x59: {  	v7 =	vmul.f32 v7, v8;
	v5 =	vld [tilespmem:s30+$0xFFFFFFB0];
	[tilespmem:s30+$0x30] =	vst v10  }
0x5a: {  	[tilespmem:s30+$0x40] =	vst v12;
	v12 =	vmul.f32 v6, v8  }
0x5b: {  	v8 =	vmul.f32 v14, v1;
	v10 =	vmul.f32 v9, v1;
	v6 =	vld [tilespmem:s30+$0xFFFFFFC0];
	[tilespmem:s30+$0x50] =	vst v7  }
0x5c: {  	v9 =	vmul.f32 v11, v1;
	v7 =	vmul.f32 v15, v1;
	[tilespmem:s30+$0x60] =	vst v12  }
0x5d: {  	[tilespmem:s28+$0x70] =	vst v2  }
0x5e: {  	[tilespmem:s28+$0xFFFFFFF0] =	vst v10  }
0x5f: {  	[tilespmem:s28+$0xFFFFFF80] =	vst v8  }
0x60: {  	v3 =	vmul.f32 v3, v1;
	[tilespmem:s28+$0xFFFFFFD0] =	vst v9  }
0x61: {  	v0 =	vmul.f32 v5, v1;
	[tilespmem:s28+$0xFFFFFFA0] =	vst v7  }
0x62: {  	s29 =	smul.u32 $0x280, s24;
	[tilespmem:s28+$0xFFFFFFE0] =	vst v3;
	v2 =	vmul.f32 v6, v1  }
0x63: {  	[tilespmem:s28+$0xFFFFFFB0] =	vst v0;
	v0 =	vmul.f32 v4, v1  }
0x64: {  	s30 =	sshra.s32 s29, $0x2;
	[tilespmem:s28+$0xFFFFFFC0] =	vst v2  }
0x65: {  	[tilespmem:s28+$0xFFFFFF90] =	vst v0;
	s28 =	sadd.s32 $0x2760, s30  }
0x66: {  	[spmem:s2] =	stream.indirect.scatter.add.f32 [tilespmem:s19], [sflag:$0x3], $0x80, s28, s18, $0xb8;
	[tilespmem:$0x1FEA0] =	vst v63  }
0x67: {  	_ =	swait.ge [sflag:s12], $0x2800  }
0x68: {  	[sflag:s12] =	ssyncset.done $0x0  }
0x69: {  	v0 =	vmov s26;
	[sflag:s12] =	ssyncadd.s32 $0xFFFFD800  }
0x6a: {  	p1 =	seq.s32 s24, $0x3E;
	s26 =	simm.s32 $0x0;
	v0 =	vmul.u32 $0x50, v0;
	_ =	swait.ge [sflag:s21], $0x2800  }
0x6b: {  	v1 =	vmov s26;
	s26 =	sshra.s32 @!p1 s29, $0x2;
	s28 =	simm.s32 @!p1 $0x50;
	[sflag:s21] =	ssyncset.done $0x0  }
0x6c: {  	s29 =	simm.s32 @!p1 $0x7620;
	s26 =	sadd.s32 @!p1 $0xA0, s26;
	v0 =	vbroadcast v0, $0x0;
	[sflag:s21] =	ssyncadd.s32 $0xFFFFD800  }
0x6d: {  	v2 =	vand.u32 $0x78, v1;
	[tilespmem:s29], [sflag:$0x1] =	stream.indirect.gather @!p1 [hbm4b:s4+s28], $0x80, s26, s28, $0xb8;
	[tilespmem:$0x1FEA0] =	vst v63  }
0x6e: {  	v1 =	vand.u32 $0x6, v1;
	v2 =	vadd.s32 v0, v2;
	s26 =	simm.s32 $0x9F10  }
0x6f: {  	v1 =	vor.u32 v1, v2;
	v4 =	vld [tilespmem:s26+$0xFFFFFF80]  }
0x70: {  	v3 =	vld [tilespmem:s26+$0xFFFFFF60]  }
0x71: {  	v5 =	vld [tilespmem:s26+$0xFFFFFF40]  }
0x72: {  	s28 =	simm.s32 $0x1;
	v7 =	vld [tilespmem:s26+$0xFFFFFF10]  }
0x73: {  	v2 =	vmov s28;
	v8 =	vld [tilespmem:s26+$0xFFFFFF20]  }
0x74: {  	v6 =	vld.idx.msk [tilespmem:v1+s14+$0x0], $0xffff;
	v1 =	vand.u32 $0x78, v2  }
0x75: {  	v9 =	vld [tilespmem:s26+$0xFFFFFF30];
	v2 =	vand.u32 $0x7, v2;
	v1 =	vadd.s32 v0, v1  }
0x76: {  	v10 =	vld [tilespmem:s26+$0xFFFFFF50];
	v1 =	vor.u32 v2, v1  }
0x77: {  	v11 =	vld [tilespmem:s26+$0xFFFFFF70]  }
0x78: {  	v12 =	vld [tilespmem:s26+$0xFFFFFFC0]  }
0x79: {  	v13 =	vld [tilespmem:s26+$0xFFFFFFA0]  }
0x7a: {  	v7 =	vmul.f32 v7, v6;
	v14 =	vmul.f32 v4, v6;
	v4 =	vld [tilespmem:s26+$0x0]  }
0x7b: {  	v8 =	vmul.f32 v8, v6;
	v2 =	vld.idx.msk [tilespmem:v1+s14+$0x0], $0xffff  }
0x7c: {  	v5 =	vmul.f32 v5, v6;
	[tilespmem:s26+$0xFFFFFF10] =	vst v7;
	v7 =	vld [tilespmem:s26+$0xFFFFFF90]  }
0x7d: {  	v11 =	vmul.f32 v11, v6;
	[tilespmem:s26+$0xFFFFFF20] =	vst v8;
	v8 =	vmul.f32 v10, v6;
	v10 =	vld [tilespmem:s26+$0xFFFFFFB0]  }
0x7e: {  	v1 =	vmul.f32 v9, v6;
	v9 =	vmul.f32 v3, v6;
	[tilespmem:s26+$0xFFFFFF40] =	vst v5;
	v3 =	vld [tilespmem:s26+$0xFFFFFFE0]  }
0x7f: {  	v5 =	vld [tilespmem:s26+$0xFFFFFFD0];
	[tilespmem:s26+$0xFFFFFF70] =	vst v11  }
0x80: {  	[tilespmem:s26+$0xFFFFFF30] =	vst v1;
	v1 =	vld [tilespmem:s26+$0xFFFFFFF0]  }
0x81: {  	[tilespmem:s26+$0xFFFFFF50] =	vst v8  }
0x82: {  	s31 =	simm.s32 $0x2;
	[tilespmem:s26+$0xFFFFFF60] =	vst v9;
	v9 =	vmul.f32 v7, v2;
	v8 =	vmul.f32 v13, v2  }
0x83: {  	s30 =	simm.s32 $0x5;
	s29 =	simm.s32 $0x9F10;
	s28 =	simm.s32 $0x3;
	[tilespmem:s26+$0xFFFFFF80] =	vst v14;
	v7 =	vmul.f32 v10, v2;
	v6 =	vmul.f32 v12, v2  }
.LBB2_5:
0x84: {  	p1 =	sne.s32 s30, $0x4F;
	v10 =	vmov s31;
	[tilespmem:s26+$0xFFFFFF90] =	vst v9;
	v5 =	vmul.f32 v5, v2;
	v3 =	vmul.f32 v3, v2  }
0x85: {  	v9 =	vand.u32 $0x78, v10;
	[tilespmem:s26+$0xFFFFFFA0] =	vst v8;
	v8 =	vmul.f32 v1, v2;
	v2 =	vmul.f32 v4, v2  }
0x86: {  	v1 =	vand.u32 $0x6, v10;
	s26 =	sadd.s32 $0x100, s26;
	v4 =	vadd.s32 v0, v9;
	[tilespmem:s29+$0xFFFFFFB0] =	vst v7  }
0x87: {  	v4 =	vor.u32 v1, v4;
	v1 =	vld [tilespmem:s26+$0xFFFFFFF0];
	[tilespmem:s29+$0xFFFFFFC0] =	vst v6  }
0x88: {  	v6 =	vld [tilespmem:s26+$0xFFFFFF80];
	[tilespmem:s29+$0xFFFFFFD0] =	vst v5  }
0x89: {  	v5 =	vld [tilespmem:s26+$0xFFFFFF60];
	[tilespmem:s29+$0xFFFFFFE0] =	vst v3  }
0x8a: {  	v7 =	vld [tilespmem:s26+$0xFFFFFF40];
	[tilespmem:s29+$0xFFFFFFF0] =	vst v8  }
0x8b: {  	v8 =	vld [tilespmem:s26+$0xFFFFFF20];
	[tilespmem:s29+$0x0] =	vst v2;
	s29 =	smov.u32 s26  }
0x8c: {  	v2 =	vmov s28;
	s28 =	smov.u32 s30;
	v4 =	vld.idx.msk [tilespmem:v4+s14+$0x0], $0xffff  }
0x8d: {  	v3 =	vand.u32 $0x78, v2;
	v9 =	vld [tilespmem:s26+$0xFFFFFF10]  }
0x8e: {  	v2 =	vand.u32 $0x7, v2;
	v3 =	vadd.s32 v0, v3;
	v10 =	vld [tilespmem:s26+$0xFFFFFF30]  }
0x8f: {  	v2 =	vor.u32 v2, v3;
	v11 =	vld [tilespmem:s26+$0xFFFFFF50]  }
0x90: {  	v12 =	vld [tilespmem:s26+$0xFFFFFF70]  }
0x91: {  	v3 =	vld [tilespmem:s26+$0xFFFFFFE0]  }
0x92: {  	v8 =	vmul.f32 v8, v4;
	v9 =	vmul.f32 v9, v4;
	v13 =	vld [tilespmem:s26+$0xFFFFFFC0]  }
0x93: {  	v7 =	vmul.f32 v7, v4;
	v14 =	vld [tilespmem:s26+$0xFFFFFFA0];
	v10 =	vmul.f32 v10, v4  }
0x94: {  	v2 =	vld.idx.msk [tilespmem:v2+s14+$0x0], $0xffff;
	[tilespmem:s26+$0xFFFFFF10] =	vst v9;
	v9 =	vmul.f32 v11, v4;
	v11 =	vmul.f32 v5, v4  }
0x95: {  	v16 =	vmul.f32 v6, v4;
	v15 =	vld [tilespmem:s26+$0xFFFFFF90];
	[tilespmem:s26+$0xFFFFFF20] =	vst v8;
	v12 =	vmul.f32 v12, v4  }
0x96: {  	[tilespmem:s26+$0xFFFFFF30] =	vst v10;
	v6 =	vld [tilespmem:s26+$0xFFFFFFB0]  }
.Ltmp1:
0x97: {  	[tilespmem:s26+$0xFFFFFF40] =	vst v7;
	v5 =	vld [tilespmem:s26+$0xFFFFFFD0];
	(pc) =	sbr.rel @p1 .LBB2_5-.Ltmp1, $4  }
0x98: {  	[tilespmem:s26+$0xFFFFFF50] =	vst v9;
	v4 =	vld [tilespmem:s26+$0x0]  }
0x99: {  	[tilespmem:s26+$0xFFFFFF60] =	vst v11  }
0x9a: {  	v8 =	vmul.f32 v14, v2;
	v9 =	vmul.f32 v15, v2;
	[tilespmem:s26+$0xFFFFFF70] =	vst v12  }
0x9b: {  	s30 =	sadd.s32 $0x2, s30;
	s31 =	sadd.s32 $0xFFFFFFFF, s28;
	v7 =	vmul.f32 v6, v2;
	v6 =	vmul.f32 v13, v2;
	[tilespmem:s26+$0xFFFFFF80] =	vst v16  }
0x9c: {  	v10 =	vmov s31;
	[tilespmem:s26+$0xFFFFFF90] =	vst v9  }
0x9d: {  	[tilespmem:s26+$0xFFFFFFA0] =	vst v8;
	v39 =	vand.u32 $0x78, v10  }
0x9e: {  	s31 =	sadd.s32 $0x100, s26;
	v5 =	vmul.f32 v5, v2;
	v40 =	vand.u32 $0x6, v10;
	[tilespmem:s29+$0xFFFFFFB0] =	vst v7;
	v9 =	vadd.s32 v0, v39  }
0x9f: {  	v3 =	vmul.f32 v3, v2;
	v41 =	vld [tilespmem:s31+$0xFFFFFFF0];
	[tilespmem:s29+$0xFFFFFFC0] =	vst v6;
	v8 =	vor.u32 v40, v9  }
0xa0: {  	v1 =	vmul.f32 v1, v2;
	[tilespmem:s29+$0xFFFFFFD0] =	vst v5  }
0xa1: {  	v42 =	vmul.f32 v4, v2;
	[tilespmem:s29+$0xFFFFFFE0] =	vst v3  }
0xa2: {  	v43 =	vld [tilespmem:s31+$0xFFFFFF60];
	[tilespmem:s29+$0xFFFFFFF0] =	vst v1  }
0xa3: {  	v44 =	vmov s28;
	v46 =	vld [tilespmem:s31+$0xFFFFFF10];
	[tilespmem:s29+$0x0] =	vst v42  }
0xa4: {  	v45 =	vand.u32 $0x78, v44;
	v3 =	vld.idx.msk [tilespmem:v8+s14+$0x0], $0xffff  }
0xa5: {  	v2 =	vand.u32 $0x7, v44;
	v48 =	vld [tilespmem:s31+$0xFFFFFF20];
	v47 =	vadd.s32 v0, v45  }
0xa6: {  	v49 =	vld [tilespmem:s31+$0xFFFFFF30];
	v0 =	vor.u32 v2, v47  }
0xa7: {  	v50 =	vld [tilespmem:s31+$0xFFFFFF40]  }
0xa8: {  	v51 =	vld [tilespmem:s31+$0xFFFFFF50]  }
0xa9: {  	v52 =	vld [tilespmem:s31+$0xFFFFFF70];
	v5 =	vmul.f32 v46, v3  }
0xaa: {  	v53 =	vld [tilespmem:s31+$0xFFFFFF80];
	v4 =	vmul.f32 v48, v3  }
0xab: {  	v0 =	vld.idx.msk [tilespmem:v0+s14+$0x0], $0xffff;
	v2 =	vmul.f32 v49, v3;
	[tilespmem:s31+$0xFFFFFF10] =	vst v5  }
0xac: {  	v55 =	vld [tilespmem:s31+$0xFFFFFF90];
	v54 =	vmul.f32 v50, v3;
	[tilespmem:s31+$0xFFFFFF20] =	vst v4  }
0xad: {  	v59 =	vld [tilespmem:s31+$0xFFFFFFD0];
	v8 =	vmul.f32 v51, v3;
	[tilespmem:s31+$0xFFFFFF30] =	vst v2  }
0xae: {  	v1 =	vmul.f32 v43, v3;
	[tilespmem:s31+$0xFFFFFF40] =	vst v54  }
0xaf: {  	v56 =	vld [tilespmem:s31+$0xFFFFFFA0];
	v9 =	vmul.f32 v52, v3;
	[tilespmem:s31+$0xFFFFFF50] =	vst v8  }
0xb0: {  	v57 =	vld [tilespmem:s31+$0xFFFFFFB0];
	v3 =	vmul.f32 v53, v3;
	[tilespmem:s31+$0xFFFFFF60] =	vst v1  }
0xb1: {  	v58 =	vld [tilespmem:s31+$0xFFFFFFC0];
	v6 =	vmul.f32 v55, v0;
	[tilespmem:s31+$0xFFFFFF70] =	vst v9  }
0xb2: {  	v60 =	vld [tilespmem:s31+$0xFFFFFFE0];
	v62 =	vmul.f32 v59, v0;
	[tilespmem:s31+$0xFFFFFF80] =	vst v3  }
0xb3: {  	v61 =	vld [tilespmem:s31+$0x0];
	v63 =	vmul.f32 v41, v0;
	[tilespmem:s31+$0xFFFFFF90] =	vst v6  }
0xb4: {  	v4 =	vmul.f32 v56, v0;
	[tilespmem:s31+$0xFFFFFFD0] =	vst v62  }
0xb5: {  	v2 =	vmul.f32 v57, v0;
	[tilespmem:s31+$0xFFFFFFF0] =	vst v63  }
0xb6: {  	v5 =	vmul.f32 v58, v0;
	[tilespmem:s31+$0xFFFFFFA0] =	vst v4  }
0xb7: {  	v1 =	vmul.f32 v60, v0;
	[tilespmem:s31+$0xFFFFFFB0] =	vst v2  }
0xb8: {  	s24 =	sadd.s32 $0x1, s24;
	v0 =	vmul.f32 v61, v0;
	[tilespmem:s31+$0xFFFFFFC0] =	vst v5  }
0xb9: {  	p1 =	sne.s32 s24, $0x3F;
	[tilespmem:s31+$0xFFFFFFE0] =	vst v1  }
.Ltmp2:
0xba: {  	s25 =	sadd.s32 $0x2760, s25;
	[tilespmem:s31+$0x0] =	vst v0;
	(pc) =	sbr.rel @p1 .LBB2_2-.Ltmp2, $4  }
0xbb: {  	[spmem:s2] =	stream.indirect.scatter.add.f32 [tilespmem:s20], [sflag:$0x3], $0x80, s25, s18, $0xb8;
	[tilespmem:$0x1FEA0] =	vst v63  }
0xbc: {  	_ =	swait.ge [sflag:s12], $0x2800  }
0xbd: {  	[sflag:s12] =	ssyncset.done $0x0  }
0xbe: {  	[sflag:s12] =	ssyncadd.s32 $0xFFFFD800  }
0xbf: {  	[bflag:$0x0] =	sbarrier.arrive $0xFFFF;
	s24 =	simm.s32 @p0 $0x1FC3  }
0xc0: {  	[hbm:s10], [sflag:s24] =	dma.local @p0 [spmem:s15], $0x2800  }
0xc1: {  	s24 =	simm.s32 @p0 $0x3  }
0xc2: {  	s23 =	sadd.s32 $0x1, s23;
	_ =	swait.ge @p0 [sflag:s24], $0x2800  }
0xc3: {  	p1 =	sne.s32 s23, s11;
	[sflag:s24] =	ssyncset.done @p0 $0x0  }
.Ltmp3:
0xc4: {  	[sflag:s24] =	ssyncadd.s32 @p0 $0xFFFFD800;
	s24 =	simm.s32 @!p0 $0x3;
	(pc) =	sbr.rel @p1 .LBB2_1-.Ltmp3, $4  }
0xc5: {  	[hbm:s9], [sflag:s16] =	dma.local @!p0 [spmem:s22], $0x2700  }
0xc6: {  	_ =	swait.ge @!p0 [sflag:s24], $0x2700  }
0xc7: {  	[sflag:s24] =	ssyncset.done @!p0 $0x0  }
0xc8: {  	[sflag:s24] =	ssyncadd.s32 @!p0 $0xFFFFD900  }
0xc9: {  	_ =	sfence.sel $0x180000  }
0xca: {  	[bflag:$0x0] =	sbarrier.arrive $0xFFFF  }
0xcb: {  	p0 =	sne.s32 s0, $0x0;
	_ =	strace $0x90000047  }
0xcc: {  	s0 =	sadd.s32 @!p0 $0x100000, s1;
	[bflag:$0x2] =	sbarrier.arrive $0xFFFF  }
0xcd: {  	[sflag:s0] =	ssyncadd.tile.s32 @!p0 $0x1;
	_ =	shalt  }
.Lfunc_end2:
_tile_overlayer_lowered:
.L_overlay_start_2:
0xce: {  	(tag) =	ssettag $0x2  }
0xcf: {  	s0 =	rddreg [dreg:$0x0];
	s2 =	stileid.u32  }
0xd0: {  	s1 =	rddreg [dreg:$0x1];
	p0 =	sne.s32 s2, $0x0  }
0xd1: {  	s3 =	rddreg [dreg:$0x2];
	[bflag:$0x3] =	sbarrier.arrive $0xFFFF;
	s2 =	simm.s32 @!p0 $0x1C03  }
0xd2: {  	[timem:s3], [sflag:s2] =	dma.local @!p0 [hbm:s0], s1  }
0xd3: {  	s0 =	simm.s32 @!p0 $0x3  }
0xd4: {  	_ =	swait.ge @!p0 [sflag:s0], s1  }
0xd5: {  	s1 =	ssub.s32 @!p0 $0x0, s1;
	[sflag:s0] =	ssyncset.done @!p0 $0x0  }
0xd6: {  	[sflag:s0] =	ssyncadd.s32 @!p0 s1  }
0xd7: {  	[bflag:$0x3] =	sbarrier.arrive $0xFFFF  }
0xd8: {  	_ =	shalt  }

// kernel: kernel.17.cloned.1.call-start
scs
__scs_entry_jumppad:
0x0: {  	(pc) =	sbr.rel $0x88, $3  }
0x1: {  	(tag) =	ssettag $0x0;
	lr =	simm.s32 $0x1  }
0x2: {  	[smem:$0x3F86] =	sst lr;
	_ =	strace $0xD0000000  }
0x3: {  	_ = 	snop  }
0x4: {  	_ = 	snop  }
0x5: {  	_ = 	snop  }
0x6: {  	_ = 	snop  }
0x7: {  	_ = 	snop  }
__scs_overlays_trampoline_lowered:
0x8: {  	[smem:$0x3F95] =	sst s0  }
0x9: {  	[smem:$0x3F96] =	sst s1  }
0xa: {  	[smem:$0x3F97] =	sst s2  }
0xb: {  	[smem:$0x3F98] =	sst s3  }
0xc: {  	[smem:$0x3F99] =	sst s4  }
0xd: {  	[smem:$0x3F9A] =	sst s5  }
0xe: {  	[smem:$0x3F9B] =	sst s6  }
0xf: {  	[smem:$0x3F9C] =	sst s7  }
0x10: {  	[smem:$0x3F9D] =	sst s8  }
0x11: {  	[smem:$0x3F9E] =	sst s9;
	s0 =	simm.s32 @!p0 $0x0  }
0x12: {  	s1 =	sld [smem:$0x3F84];
	s0 =	simm.s32 @p0 $0x1  }
0x13: {  	[smem:$0x3F9F] =	sst s0;
	s0 =	simm.s32 @!p1 $0x0  }
0x14: {  	s2 =	sld [smem:$0x3F83];
	s0 =	simm.s32 @p1 $0x1  }
0x15: {  	[smem:$0x3FA0] =	sst s0;
	s0 =	simm.s32 @!p2 $0x0  }
0x16: {  	s3 =	sld [smem:$0x3FDB];
	s0 =	simm.s32 @p2 $0x1  }
0x17: {  	s4 =	simm.s32 $0x1BF5;
	[smem:$0x3FA2] =	sst s0  }
0x18: {  	s0 =	sld [smem:$0x3F85];
	_ =	swait.ge [sflag:s4], $0x0  }
0x19: {  	s7 =	sld [smem:$0x3F86]  }
0x1a: {  	s8 =	sadd.s32 $0xFFFFE003, lr  }
0x1b: {  	s9 =	sadd.s32 $0xFFFFFEF7, lr;
	s5 =	simm.s32 $0xFFFFFFFF;
	p2 =	slt.u32 s8, $0xFFFFF086  }
0x1c: {  	p1 =	slt.u32 s9, $0xF7A;
	s5 =	simm.s32 @!p2 $0x0  }
0x1d: {  	s5 =	simm.s32 @p1 $0x1;
	p0 =	seq.s32 s7, s2  }
0x1e: {  	s7 =	smul.u32 @!p0 $0xF7A, s2;
	p2 =	seq.s32 @!p0 s5, $0x0  }
0x1f: {  	s9 =	smul.u32 $0xF7A, s1;
	s8 =	simm.s32 @!p0 $0x1BF5;
	p2 =	por !p2, p0  }
0x20: {  	[sflag:s8] =	ssyncset.s32 @!p0 $0xFFFFF086;
	s6 =	sadd.s32 @!p0 s3, s7;
	s7 =	simm.s32 @!p0 $0x108  }
0x21: {  	s3 =	sadd.s32 s3, s9;
	s6 =	sadd.s32 @!p0 $0x88, s6;
	s7 =	simm.s32 @p2 $0x1082  }
0x22: {  	[simem:s7], [sflag:s8] =	dma.local @!p0 [hbm:s6], $0xF7A  }
0x23: {  	s9 =	sor.u32 $0xD0000000, s2;
	s6 =	simm.s32 $0x108;
	_ =	swait.ge @!p0 [sflag:s8], $0x0  }
0x24: {  	s3 =	sadd.s32 $0x88, s3;
	s6 =	simm.s32 @!p1 $0x1082;
	[sflag:s4] =	ssyncset.s32 $0xFFFFF086  }
0x25: {  	[simem:s6], [sflag:s4] =	dma.local [hbm:s3], $0xF7A  }
0x26: {  	[smem:$0x3F86] =	sst s1;
	(tag) =	ssettag s2;
	_ =	strace s9  }
0x27: {  	s1 =	sld [smem:$0x3F96]  }
0x28: {  	s2 =	sld [smem:$0x3F97]  }
0x29: {  	s4 =	sld [smem:$0x3F99]  }
0x2a: {  	p0 =	seq.s32 s5, $0x0;
	s5 =	sld [smem:$0x3F9A]  }
0x2b: {  	s6 =	sld [smem:$0x3F9B]  }
0x2c: {  	s7 =	sld [smem:$0x3F9C]  }
0x2d: {  	s3 =	simm.s32 $0x108;
	s8 =	sld [smem:$0x3F9D]  }
0x2e: {  	s3 =	simm.s32 @!p0 $0x1082;
	s9 =	sld [smem:$0x3F9E]  }
0x2f: {  	lr =	sadd.s32 s0, s3;
	s0 =	sld [smem:$0x3F95]  }
0x30: {  	s3 =	sld [smem:$0x3F98]  }
0x31: {  	[smem:$0x3FA1] =	sst s10  }
0x32: {  	s10 =	sld [smem:$0x3F9F];
	_ =	sdelay $0x3  }
0x33: {  	p0 =	seq.s32 s10, $0x1;
	s10 =	sld [smem:$0x3FA1];
	_ =	sdelay $0x3  }
0x34: {  	[smem:$0x3FA1] =	sst s10  }
0x35: {  	s10 =	sld [smem:$0x3FA0];
	_ =	sdelay $0x3  }
0x36: {  	p1 =	seq.s32 s10, $0x1;
	s10 =	sld [smem:$0x3FA1];
	_ =	sdelay $0x3  }
0x37: {  	[smem:$0x3FA1] =	sst s10  }
0x38: {  	s10 =	sld [smem:$0x3FA2]  }
0x39: {  	_ = 	snop;
	(pc) =	sbr.ind lr, $3  }
0x3a: {  	_ = 	snop  }
0x3b: {  	_ = 	snop  }
0x3c: {  	p2 =	seq.s32 s10, $0x1;
	s10 =	sld [smem:$0x3FA1]  }
0x3d: {  	_ =	shalt  }
0x3e: {  	_ =	shalt  }
0x3f: {  	_ =	shalt  }
0x40: {  	_ =	shalt  }
0x41: {  	_ =	shalt  }
0x42: {  	_ =	shalt  }
0x43: {  	_ =	shalt  }
0x44: {  	_ =	shalt  }
0x45: {  	_ =	shalt  }
0x46: {  	_ =	shalt  }
0x47: {  	_ =	shalt  }
0x48: {  	_ =	shalt  }
0x49: {  	_ =	shalt  }
0x4a: {  	_ =	shalt  }
0x4b: {  	_ =	shalt  }
0x4c: {  	_ =	shalt  }
0x4d: {  	_ =	shalt  }
0x4e: {  	_ =	shalt  }
0x4f: {  	_ =	shalt  }
0x50: {  	_ =	shalt  }
0x51: {  	_ =	shalt  }
0x52: {  	_ =	shalt  }
0x53: {  	_ =	shalt  }
0x54: {  	_ =	shalt  }
0x55: {  	_ =	shalt  }
0x56: {  	_ =	shalt  }
0x57: {  	_ =	shalt  }
0x58: {  	_ =	shalt  }
0x59: {  	_ =	shalt  }
0x5a: {  	_ =	shalt  }
0x5b: {  	_ =	shalt  }
0x5c: {  	_ =	shalt  }
0x5d: {  	_ =	shalt  }
0x5e: {  	_ =	shalt  }
0x5f: {  	_ =	shalt  }
0x60: {  	_ =	shalt  }
0x61: {  	_ =	shalt  }
0x62: {  	_ =	shalt  }
0x63: {  	_ =	shalt  }
0x64: {  	_ =	shalt  }
0x65: {  	_ =	shalt  }
0x66: {  	_ =	shalt  }
0x67: {  	_ =	shalt  }
0x68: {  	_ =	shalt  }
0x69: {  	_ =	shalt  }
0x6a: {  	_ =	shalt  }
0x6b: {  	_ =	shalt  }
0x6c: {  	_ =	shalt  }
0x6d: {  	_ =	shalt  }
0x6e: {  	_ =	shalt  }
0x6f: {  	_ =	shalt  }
0x70: {  	_ =	shalt  }
0x71: {  	_ =	shalt  }
0x72: {  	_ =	shalt  }
0x73: {  	_ =	shalt  }
0x74: {  	_ =	shalt  }
0x75: {  	_ =	shalt  }
0x76: {  	_ =	shalt  }
0x77: {  	_ =	shalt  }
0x78: {  	_ =	shalt  }
0x79: {  	_ =	shalt  }
0x7a: {  	_ =	shalt  }
0x7b: {  	_ =	shalt  }
0x7c: {  	_ =	shalt  }
0x7d: {  	_ =	shalt  }
0x7e: {  	_ =	shalt  }
0x7f: {  	_ =	shalt  }
0x80: {  	_ =	shalt  }
0x81: {  	_ =	shalt  }
0x82: {  	_ =	shalt  }
0x83: {  	_ =	shalt  }
0x84: {  	_ =	shalt  }
0x85: {  	_ =	shalt  }
0x86: {  	_ =	shalt  }
0x87: {  	_ =	shalt  }
.Lfunc_end0:
.L_simem_size_0:
called_computation.2_lowered:
.L_overlay_start_0:
0x88: {  	s2 =	sld [smem:$0x3FD9]  }
0x89: {  	s3 =	sld [smem:$0x3FFE];
	_ =	sdelay $0x1  }
0x8a: {  	s1 =	srdreg.scid  }
0x8b: {  	s0 =	sand.u32 $0x1, s1  }
0x8c: {  	s17 =	sshll.u32 s0, $0xA;
	s2 =	sadd.s32 s3, s2  }
0x8d: {  	s2 =	sadd.s32 s2, s17  }
0x8e: {  	[smem:$0x3FAD] =	sst s2  }
0x8f: {  	_ = 	snop  }
0x90: {  	(tm) =	ssettm $0x1  }
0x91: {  	s18 =	sld [smem:$0x3FFB];
	_ =	sdelay $0x3  }
0x92: {  	_ =	strace s18  }
0x93: {  	s2 =	sld [smem:$0x3FFC];
	_ =	sdelay $0x3  }
0x94: {  	_ =	strace s2  }
0x95: {  	s2 =	sld [smem:$0x3FFD];
	_ =	sdelay $0x3  }
0x96: {  	_ =	strace s2  }
0x97: {  	_ =	strace $0x8FFFFFFF  }
0x98: {  	s19 =	sld [smem:$0x3FDB];
	_ =	sdelay $0x1  }
0x99: {  	s20 =	simm.s32 $_scs_section_size  }
0x9a: {  	s4 =	simm.s32 $_size__tile_overlayer_lowered;
	s5 =	simm.s32 $_tile_overlayer_lowered  }
0x9b: {  	s6 =	simm.s32 $0x1BFF;
	s21 =	sshll.u32 s5, $0x1;
	s3 =	sadd.s32 s20, s19  }
0x9c: {  	s22 =	simm.s32 $0x0;
	s4 =	sshll.u32 s4, $0x1;
	s5 =	sadd.s32 s21, s3  }
0x9d: {  	[timem:s22], [sflag:s6] =	dma.local [hbm:s5], s4  }
0x9e: {  	_ =	swait.ge [sflag:s6], s4  }
0x9f: {  	s4 =	ssub.s32 $0x0, s4;
	[sflag:s6] =	ssyncset.done $0x0  }
0xa0: {  	[sflag:s6] =	ssyncadd.s32 s4;
	_ =	sdelay $0x1  }
0xa1: {  	s23 =	simm.s32 $0x1B8B  }
0xa2: {  	_ =	swait.ge [sflag:s23], $0x1  }
0xa3: {  	[sflag:s23] =	ssyncset.done $0x0  }
0xa4: {  	[sflag:s23] =	ssyncadd.s32 $0xFFFFFFFF  }
0xa5: {  	s4 =	sld [smem:$0x0]  }
0xa6: {  	s5 =	sand.u32 $0xFFFFFFFE, s1  }
0xa7: {  	p0 =	sne.s32 s1, s5  }
0xa8: {  	s5 =	sshll.u32 @p0 s5, $0xE  }
0xa9: {  	s5 =	sadd.s32 @p0 $0x11B8D, s5;
	s6 =	sshll.u32 @p0 s4, $0x11  }
0xaa: {  	s5 =	sor.u32 @p0 s6, s5  }
0xab: {  	[sflag:s5] =	ssyncadd.remote.s32 @p0 $0x1;
	_ =	sdelay $0x1  }
0xac: {  	s5 =	simm.s32 @p0 $0x1B8D  }
0xad: {  	_ =	swait.eq @p0 [sflag:s5], $0x1  }
0xae: {  	[sflag:s5] =	ssyncadd.s32 @p0 $0xFFFFFFFF  }
0xaf: {  	s6 =	sshll.u32 @!p0 s1, $0xE  }
0xb0: {  	s6 =	sor.u32 @!p0 $0x4000, s6;
	s5 =	simm.s32 @!p0 $0x1B8D  }
0xb1: {  	s4 =	sshll.u32 @!p0 s4, $0x11;
	s6 =	sadd.s32 @!p0 $0x11B8D, s6;
	_ =	swait.eq @!p0 [sflag:s5], $0x1  }
0xb2: {  	s4 =	sor.u32 @!p0 s4, s6;
	[sflag:s5] =	ssyncadd.s32 @!p0 $0xFFFFFFFF  }
0xb3: {  	s25 =	simm.s32 $0x1B8E;
	s24 =	sld [smem:$0x3FFE];
	[sflag:s4] =	ssyncadd.remote.s32 @!p0 $0x1  }
0xb4: {  	s26 =	simm.s32 $execute0_lowered;
	[smem:$0x3FD2] =	sst s25  }
0xb5: {  	s5 =	sshll.u32 s26, $0x1;
	_ =	strace $0x8000004C;
	[dreg:$0x1] =	wrdreg $0xFFFFFFFF  }
0xb6: {  	s28 =	simm.s32 $_size_execute0_lowered;
	s3 =	sadd.s32 s3, s5;
	[dreg:$0x0] =	wrdreg $0x0  }
0xb7: {  	s5 =	sshll.u32 s28, $0x1;
	[dreg:$0x2] =	wrdreg s3  }
0xb8: {  	[dreg:$0x3] =	wrdreg s5  }
0xb9: {  	[dreg:$0x4] =	wrdreg $0xC0  }
0xba: {  	_ =	task [dreg:s22], $0x5FFFF  }
0xbb: {  	[dreg:$0x1] =	wrdreg $0xFFFFFFFF  }
0xbc: {  	[dreg:$0x0] =	wrdreg $0x60  }
0xbd: {  	[dreg:$0x2] =	wrdreg s24  }
0xbe: {  	[dreg:$0x3] =	wrdreg $0xC6200  }
0xbf: {  	[dreg:$0x4] =	wrdreg $0xA  }
0xc0: {  	_ =	task.clear_ibuf [dreg:s22], $0x5FFFF;
	_ =	strace $0x9000004C  }
0xc1: {  	s29 =	simm.s32 $0xA;
	_ =	strace $0x8000004E  }
0xc2: {  	_ =	swait.ge [sflag:s29], $0x1  }
0xc3: {  	[sflag:s29] =	ssyncadd.s32 $0xFFFFFFFF  }
0xc4: {  	_ =	strace $0x9000004E  }
0xc5: {  	_ =	sfence  }
0xc6: {  	s30 =	sld [smem:$0x0];
	_ =	sdelay $0x2  }
0xc7: {  	s31 =	sshll.u32 s1, $0xD;
	s1 =	sshrl.u32 s1, $0x2  }
0xc8: {  	s4 =	sand.u32 $0x4000, s31;
	s1 =	sadd.s32 s1, s30  }
0xc9: {  	s0 =	sor.u32 s4, s0;
	s1 =	sshll.u32 s1, $0x11  }
0xca: {  	s0 =	sor.u32 s1, s0  }
0xcb: {  	s0 =	sadd.s32 $0x8F2B, s0  }
0xcc: {  	[sflag:s0] =	ssyncadd.remote.s32 $0x1  }
0xcd: {  	_ =	sfence.sel $0xFFFF  }
0xce: {  	[dreg:$0x0] =	wrdreg $0xFFFFFFFF;
	(pc) =	sbr.abs _section_cstart, $3  }
0xcf: {  	[dreg:$0x1] =	wrdreg $0xFFFFFFFF  }
0xd0: {  	_ =	task.clear_ibuf [dreg:s22], $0x2FFFF;
	_ =	strace $0x9FFFFFFF  }
0xd1: {  	(tm) =	ssettm $0x7FFFFFFF  }
tec
execute0_lowered:
.L_overlay_start_1:
0x0: {  	(tag) =	ssettag $0x1  }
0x1: {  	s0 =	srdreg.scid;
	s7 =	rddreg [dreg:$0x0]  }
0x2: {  	s2 =	rddreg [dreg:$0x1];
	s3 =	simm.s32 $0x0;
	s18 =	simm.s32 $0x50  }
0x3: {  	s19 =	simm.s32 $0x7620;
	s20 =	simm.s32 $0x9E20;
	s21 =	simm.s32 $0x2  }
0x4: {  	s23 =	simm.s32 $0x0;
	s6 =	sand.u32 $0x1, s0;
	s0 =	stileid.u32  }
0x5: {  	[smem:$0x7FF] =	sst s3;
	s11 =	sadd.s32 $0x124E00, s7;
	s10 =	smul.u32 $0x4E000, s0  }
0x6: {  	s15 =	sadd.s32 $0x124800, s2;
	s1 =	sshll.u32 s6, $0x4;
	s12 =	smul.u32 $0x138800, s6  }
0x7: {  	s9 =	ssub.s32 $0x2, s6;
	s14 =	smul.u32 $0x13800, s0;
	p0 =	seq.s32 s0, $0xF  }
0x8: {  	s4 =	sor.u32 s0, s1;
	s1 =	rddreg [dreg:$0x2];
	_ =	strace $0x8000004D  }
0x9: {  	s28 =	sshrl.u32 s9, $0x1;
	s16 =	sshll.u32 @!p0 s0, $0x6;
	s15 =	sshrl.u32 @p0 s15, $0x3  }
0xa: {  	s5 =	smul.u32 $0x4EC, s4;
	s4 =	sadd.s32 $0x73800, s7;
	s13 =	ssub.s32 s9, s28  }
0xb: {  	s29 =	sshrl.u32 s10, $0x2;
	s30 =	sadd.s32 s14, s12;
	s31 =	sshrl.u32 s12, $0x3  }
0xc: {  	s22 =	sadd.s32 s14, s2;
	s12 =	simm.s32 $0x3;
	s14 =	simm.s32 $0x4EC0  }
0xd: {  	s16 =	sor.u32 @!p0 $0x1C03, s16;
	s17 =	sadd.s32 s29, s2;
	s9 =	sshrl.u32 s30, $0x3  }
0xe: {  	s10 =	sadd.s32 s11, s31;
	s22 =	sshrl.u32 @!p0 s22, $0x3;
	s8 =	sadd.s32 s5, s7  }
0xf: {  	s5 =	sadd.s32 $0x71000, s7;
	s9 =	sadd.s32 s11, s9;
	s10 =	sadd.s32 $0x24900, s10  }
0x10: {  	s11 =	smax.u32 s13, $0x1;
	s13 =	simm.s32 $0x2760;
	s17 =	sshrl.u32 @!p0 s17, $0x3  }
0x11: {  	s6 =	sadd.s32 $0xF000, s8;
	s7 =	sadd.s32 $0x5200, s8;
	s8 =	sadd.s32 $0x18E00, s8  }
.LBB2_1:
0x12: {  	[tilespmem:s3], [sflag:$0x3] =	stream.linear.gather [hbm4b:s6+s3], $0x2760, $0x38;
	[tilespmem:$0x1FEA0] =	vst v63  }
0x13: {  	_ =	swait.ge [sflag:s12], $0x2760  }
0x14: {  	[sflag:s12] =	ssyncset.done $0x0  }
0x15: {  	[sflag:s12] =	ssyncadd.s32 $0xFFFFD8A0  }
0x16: {  	[tilespmem:s13], [sflag:$0x3] =	stream.linear.gather [hbm4b:s7+s3], $0x2760, $0x38;
	[tilespmem:$0x1FEA0] =	vst v63  }
0x17: {  	_ =	swait.ge [sflag:s12], $0x2760  }
0x18: {  	[sflag:s12] =	ssyncset.done $0x0  }
0x19: {  	[sflag:s12] =	ssyncadd.s32 $0xFFFFD8A0  }
0x1a: {  	[tilespmem:s14], [sflag:$0x3] =	stream.linear.gather [hbm4b:s8+s3], $0x2760, $0x38;
	[tilespmem:$0x1FEA0] =	vst v63  }
0x1b: {  	_ =	swait.ge [sflag:s12], $0x2760  }
0x1c: {  	[sflag:s12] =	ssyncset.done $0x0  }
0x1d: {  	s24 =	simm.s32 @p0 $0x1FC3;
	[sflag:s12] =	ssyncadd.s32 $0xFFFFD8A0  }
0x1e: {  	[spmem:s15], [sflag:s24] =	dma.local @p0 [hbm:s5], $0x2800  }
0x1f: {  	s24 =	simm.s32 @p0 $0x3  }
0x20: {  	_ =	swait.ge @p0 [sflag:s24], $0x2800  }
0x21: {  	[sflag:s24] =	ssyncset.done @p0 $0x0  }
0x22: {  	[sflag:s24] =	ssyncadd.s32 @p0 $0xFFFFD800;
	s24 =	simm.s32 @!p0 $0x3  }
0x23: {  	[spmem:s17], [sflag:s16] =	dma.local @!p0 [hbm:s5], $0x2700  }
0x24: {  	_ =	swait.ge @!p0 [sflag:s24], $0x2700  }
0x25: {  	[sflag:s24] =	ssyncset.done @!p0 $0x0  }
0x26: {  	[sflag:s24] =	ssyncadd.s32 @!p0 $0xFFFFD900  }
0x27: {  	s24 =	simm.s32 $0x0;
	[bflag:$0x0] =	sbarrier.arrive $0xFFFF  }
0x28: {  	[tilespmem:s19], [sflag:$0x1] =	stream.indirect.gather [hbm4b:s4+s18], $0x80, s3, s18, $0xb8;
	[tilespmem:$0x1FEA0] =	vst v63  }
.LBB2_2:
0x29: {  	s25 =	sshll.u32 s24, $0x1  }
0x2a: {  	v0 =	vmov s25  }
0x2b: {  	v0 =	vmul.u32 $0x50, v0  }
0x2c: {  	s31 =	simm.s32 $0x1;
	s26 =	sshllo.u32 s24, $0x1  }
0x2d: {  	_ =	swait.ge [sflag:s31], $0x2800;
	s28 =	smul.u32 $0x140, s26;
	v1 =	vmov s31;
	v0 =	vbroadcast v0, $0x0  }
0x2e: {  	[sflag:s31] =	ssyncset.done $0x0;
	v2 =	vand.u32 $0x78, v1  }
0x2f: {  	v1 =	vand.u32 $0x7, v1;
	[sflag:s31] =	ssyncadd.s32 $0xFFFFD800;
	s25 =	sshra.s32 s28, $0x2;
	s28 =	simm.s32 $0x76A0;
	v2 =	vadd.s32 v0, v2  }
0x30: {  	[tilespmem:s20], [sflag:$0x2] =	stream.indirect.gather [hbm4b:s4+s18], $0x80, s25, s18, $0xb8;
	v1 =	vor.u32 v1, v2;
	[tilespmem:$0x1FEA0] =	vst v63  }
0x31: {  	v6 =	vld [tilespmem:s28+$0xFFFFFFF0]  }
0x32: {  	v5 =	vld [tilespmem:s28+$0x60]  }
0x33: {  	s29 =	simm.s32 $0x0;
	v9 =	vld [tilespmem:s28+$0xFFFFFFD0]  }
0x34: {  	v3 =	vmov s29;
	v8 =	vld [tilespmem:s28+$0x20]  }
0x35: {  	v4 =	vand.u32 $0x78, v3;
	v7 =	vld.idx.msk [tilespmem:v1+s14+$0x0], $0xffff  }
0x36: {  	v1 =	vand.u32 $0x6, v3;
	v3 =	vadd.s32 v0, v4;
	v4 =	vld [tilespmem:s28+$0x0]  }
0x37: {  	v10 =	vld [tilespmem:s28+$0x30]  }
0x38: {  	v1 =	vor.u32 v1, v3;
	v3 =	vld [tilespmem:s28+$0x10]  }
0x39: {  	v11 =	vld [tilespmem:s28+$0x40]  }
0x3a: {  	v12 =	vld [tilespmem:s28+$0x70]  }
0x3b: {  	v13 =	vld [tilespmem:s28+$0xFFFFFF80];
	v4 =	vmul.f32 v4, v7  }
0x3c: {  	v2 =	vld [tilespmem:s28+$0x50];
	v63 =	vmul.f32 v5, v7  }
0x3d: {  	v1 =	vld.idx.msk [tilespmem:v1+s14+$0x0], $0xffff;
	v3 =	vmul.f32 v3, v7;
	[tilespmem:s28+$0x0] =	vst v4  }
0x3e: {  	v14 =	vld [tilespmem:s28+$0xFFFFFFA0];
	v4 =	vmul.f32 v8, v7;
	[tilespmem:s28+$0x60] =	vst v63  }
0x3f: {  	v8 =	vmul.f32 v10, v7;
	[tilespmem:s28+$0x10] =	vst v3;
	v3 =	vld [tilespmem:s28+$0xFFFFFFE0]  }
0x40: {  	v10 =	vmul.f32 v11, v7;
	[tilespmem:s28+$0x20] =	vst v4;
	v4 =	vld [tilespmem:s28+$0xFFFFFF90]  }
0x41: {  	v5 =	vld [tilespmem:s28+$0xFFFFFFB0];
	v11 =	vmul.f32 v2, v7;
	v2 =	vmul.f32 v12, v7;
	[tilespmem:s28+$0x30] =	vst v8  }
0x42: {  	[tilespmem:s28+$0x40] =	vst v10;
	v8 =	vmul.f32 v13, v1;
	v10 =	vmul.f32 v6, v1  }
0x43: {  	s30 =	simm.s32 $0x76A0;
	s29 =	simm.s32 $0x3;
	[tilespmem:s28+$0x50] =	vst v11;
	v6 =	vld [tilespmem:s28+$0xFFFFFFC0];
	v7 =	vmul.f32 v14, v1;
	v9 =	vmul.f32 v9, v1  }
.LBB2_3:
0x44: {  	p1 =	sne.s32 s29, $0x4F  }
0x45: {  	v11 =	vmov s29;
	v4 =	vmul.f32 v4, v1;
	v3 =	vmul.f32 v3, v1;
	[tilespmem:s28+$0x70] =	vst v2;
	s30 =	sadd.s32 $0x100, s30;
	s31 =	smov.u32 s29;
	s29 =	sadd.s32 $0x2, s29  }
0x46: {  	v2 =	vand.u32 $0x78, v11;
	v11 =	vand.u32 $0x7, v11;
	v5 =	vmul.f32 v5, v1;
	[tilespmem:s28+$0xFFFFFFF0] =	vst v10  }
0x47: {  	v2 =	vadd.s32 v0, v2;
	[tilespmem:s28+$0xFFFFFF80] =	vst v8  }
0x48: {  	v2 =	vor.u32 v11, v2;
	v1 =	vmul.f32 v6, v1;
	[tilespmem:s28+$0xFFFFFFD0] =	vst v9  }
0x49: {  	v9 =	vld [tilespmem:s30+$0xFFFFFFF0];
	[tilespmem:s28+$0xFFFFFFA0] =	vst v7  }
0x4a: {  	v6 =	vld [tilespmem:s30+$0x60];
	[tilespmem:s28+$0xFFFFFFB0] =	vst v5  }
0x4b: {  	v7 =	vld [tilespmem:s30+$0x50];
	[tilespmem:s28+$0xFFFFFFC0] =	vst v1  }
0x4c: {  	s31 =	sadd.s32 $0xFFFFFFFF, s31;
	v11 =	vld [tilespmem:s30+$0xFFFFFFD0];
	[tilespmem:s28+$0xFFFFFFE0] =	vst v3  }
0x4d: {  	v1 =	vmov s31;
	v3 =	vld [tilespmem:s30+$0x70];
	[tilespmem:s28+$0xFFFFFF90] =	vst v4;
	s28 =	smov.u32 s30  }
0x4e: {  	v4 =	vand.u32 $0x78, v1;
	v8 =	vld.idx.msk [tilespmem:v2+s14+$0x0], $0xffff  }
0x4f: {  	v1 =	vand.u32 $0x6, v1;
	v2 =	vadd.s32 v0, v4;
	v4 =	vld [tilespmem:s30+$0x0]  }
0x50: {  	v1 =	vor.u32 v1, v2;
	v5 =	vld [tilespmem:s30+$0x10]  }
0x51: {  	v10 =	vld [tilespmem:s30+$0x20]  }
0x52: {  	v12 =	vld [tilespmem:s30+$0x30]  }
0x53: {  	v13 =	vld [tilespmem:s30+$0x40]  }
0x54: {  	v2 =	vmul.f32 v3, v8;
	v14 =	vld [tilespmem:s30+$0xFFFFFF80];
	v4 =	vmul.f32 v4, v8  }
0x55: {  	v1 =	vld.idx.msk [tilespmem:v1+s14+$0x0], $0xffff;
	v3 =	vmul.f32 v5, v8  }
0x56: {  	[tilespmem:s30+$0x0] =	vst v4;
	v15 =	vld [tilespmem:s30+$0xFFFFFFA0];
	v5 =	vmul.f32 v10, v8  }
0x57: {  	[tilespmem:s30+$0x10] =	vst v3;
	v10 =	vmul.f32 v12, v8;
	v3 =	vld [tilespmem:s30+$0xFFFFFFE0]  }
.Ltmp0:
0x58: {  	v4 =	vld [tilespmem:s30+$0xFFFFFF90];
	[tilespmem:s30+$0x20] =	vst v5;
	v12 =	vmul.f32 v13, v8;
	(pc) =	sbr.rel @p1 .LBB2_3-.Ltmp0, $4  }
0x59: {  	v7 =	vmul.f32 v7, v8;
	v5 =	vld [tilespmem:s30+$0xFFFFFFB0];
	[tilespmem:s30+$0x30] =	vst v10  }
0x5a: {  	[tilespmem:s30+$0x40] =	vst v12;
	v12 =	vmul.f32 v6, v8  }
0x5b: {  	v8 =	vmul.f32 v14, v1;
	v10 =	vmul.f32 v9, v1;
	v6 =	vld [tilespmem:s30+$0xFFFFFFC0];
	[tilespmem:s30+$0x50] =	vst v7  }
0x5c: {  	v9 =	vmul.f32 v11, v1;
	v7 =	vmul.f32 v15, v1;
	[tilespmem:s30+$0x60] =	vst v12  }
0x5d: {  	[tilespmem:s28+$0x70] =	vst v2  }
0x5e: {  	[tilespmem:s28+$0xFFFFFFF0] =	vst v10  }
0x5f: {  	[tilespmem:s28+$0xFFFFFF80] =	vst v8  }
0x60: {  	v3 =	vmul.f32 v3, v1;
	[tilespmem:s28+$0xFFFFFFD0] =	vst v9  }
0x61: {  	v0 =	vmul.f32 v5, v1;
	[tilespmem:s28+$0xFFFFFFA0] =	vst v7  }
0x62: {  	s29 =	smul.u32 $0x280, s24;
	[tilespmem:s28+$0xFFFFFFE0] =	vst v3;
	v2 =	vmul.f32 v6, v1  }
0x63: {  	[tilespmem:s28+$0xFFFFFFB0] =	vst v0;
	v0 =	vmul.f32 v4, v1  }
0x64: {  	s30 =	sshra.s32 s29, $0x2;
	[tilespmem:s28+$0xFFFFFFC0] =	vst v2  }
0x65: {  	[tilespmem:s28+$0xFFFFFF90] =	vst v0;
	s28 =	sadd.s32 $0x2760, s30  }
0x66: {  	[spmem:s2] =	stream.indirect.scatter.add.f32 [tilespmem:s19], [sflag:$0x3], $0x80, s28, s18, $0xb8;
	[tilespmem:$0x1FEA0] =	vst v63  }
0x67: {  	_ =	swait.ge [sflag:s12], $0x2800  }
0x68: {  	[sflag:s12] =	ssyncset.done $0x0  }
0x69: {  	v0 =	vmov s26;
	[sflag:s12] =	ssyncadd.s32 $0xFFFFD800  }
0x6a: {  	p1 =	seq.s32 s24, $0x3E;
	s26 =	simm.s32 $0x0;
	v0 =	vmul.u32 $0x50, v0;
	_ =	swait.ge [sflag:s21], $0x2800  }
0x6b: {  	v1 =	vmov s26;
	s26 =	sshra.s32 @!p1 s29, $0x2;
	s28 =	simm.s32 @!p1 $0x50;
	[sflag:s21] =	ssyncset.done $0x0  }
0x6c: {  	s29 =	simm.s32 @!p1 $0x7620;
	s26 =	sadd.s32 @!p1 $0xA0, s26;
	v0 =	vbroadcast v0, $0x0;
	[sflag:s21] =	ssyncadd.s32 $0xFFFFD800  }
0x6d: {  	v2 =	vand.u32 $0x78, v1;
	[tilespmem:s29], [sflag:$0x1] =	stream.indirect.gather @!p1 [hbm4b:s4+s28], $0x80, s26, s28, $0xb8;
	[tilespmem:$0x1FEA0] =	vst v63  }
0x6e: {  	v1 =	vand.u32 $0x6, v1;
	v2 =	vadd.s32 v0, v2;
	s26 =	simm.s32 $0x9F10  }
0x6f: {  	v1 =	vor.u32 v1, v2;
	v4 =	vld [tilespmem:s26+$0xFFFFFF80]  }
0x70: {  	v3 =	vld [tilespmem:s26+$0xFFFFFF60]  }
0x71: {  	v5 =	vld [tilespmem:s26+$0xFFFFFF40]  }
0x72: {  	s28 =	simm.s32 $0x1;
	v7 =	vld [tilespmem:s26+$0xFFFFFF10]  }
0x73: {  	v2 =	vmov s28;
	v8 =	vld [tilespmem:s26+$0xFFFFFF20]  }
0x74: {  	v6 =	vld.idx.msk [tilespmem:v1+s14+$0x0], $0xffff;
	v1 =	vand.u32 $0x78, v2  }
0x75: {  	v9 =	vld [tilespmem:s26+$0xFFFFFF30];
	v2 =	vand.u32 $0x7, v2;
	v1 =	vadd.s32 v0, v1  }
0x76: {  	v10 =	vld [tilespmem:s26+$0xFFFFFF50];
	v1 =	vor.u32 v2, v1  }
0x77: {  	v11 =	vld [tilespmem:s26+$0xFFFFFF70]  }
0x78: {  	v12 =	vld [tilespmem:s26+$0xFFFFFFC0]  }
0x79: {  	v13 =	vld [tilespmem:s26+$0xFFFFFFA0]  }
0x7a: {  	v7 =	vmul.f32 v7, v6;
	v14 =	vmul.f32 v4, v6;
	v4 =	vld [tilespmem:s26+$0x0]  }
0x7b: {  	v8 =	vmul.f32 v8, v6;
	v2 =	vld.idx.msk [tilespmem:v1+s14+$0x0], $0xffff  }
0x7c: {  	v5 =	vmul.f32 v5, v6;
	[tilespmem:s26+$0xFFFFFF10] =	vst v7;
	v7 =	vld [tilespmem:s26+$0xFFFFFF90]  }
0x7d: {  	v11 =	vmul.f32 v11, v6;
	[tilespmem:s26+$0xFFFFFF20] =	vst v8;
	v8 =	vmul.f32 v10, v6;
	v10 =	vld [tilespmem:s26+$0xFFFFFFB0]  }
0x7e: {  	v1 =	vmul.f32 v9, v6;
	v9 =	vmul.f32 v3, v6;
	[tilespmem:s26+$0xFFFFFF40] =	vst v5;
	v3 =	vld [tilespmem:s26+$0xFFFFFFE0]  }
0x7f: {  	v5 =	vld [tilespmem:s26+$0xFFFFFFD0];
	[tilespmem:s26+$0xFFFFFF70] =	vst v11  }
0x80: {  	[tilespmem:s26+$0xFFFFFF30] =	vst v1;
	v1 =	vld [tilespmem:s26+$0xFFFFFFF0]  }
0x81: {  	[tilespmem:s26+$0xFFFFFF50] =	vst v8  }
0x82: {  	s31 =	simm.s32 $0x2;
	[tilespmem:s26+$0xFFFFFF60] =	vst v9;
	v9 =	vmul.f32 v7, v2;
	v8 =	vmul.f32 v13, v2  }
0x83: {  	s30 =	simm.s32 $0x5;
	s29 =	simm.s32 $0x9F10;
	s28 =	simm.s32 $0x3;
	[tilespmem:s26+$0xFFFFFF80] =	vst v14;
	v7 =	vmul.f32 v10, v2;
	v6 =	vmul.f32 v12, v2  }
.LBB2_5:
0x84: {  	p1 =	sne.s32 s30, $0x4F;
	v10 =	vmov s31;
	[tilespmem:s26+$0xFFFFFF90] =	vst v9;
	v5 =	vmul.f32 v5, v2;
	v3 =	vmul.f32 v3, v2  }
0x85: {  	v9 =	vand.u32 $0x78, v10;
	[tilespmem:s26+$0xFFFFFFA0] =	vst v8;
	v8 =	vmul.f32 v1, v2;
	v2 =	vmul.f32 v4, v2  }
0x86: {  	v1 =	vand.u32 $0x6, v10;
	s26 =	sadd.s32 $0x100, s26;
	v4 =	vadd.s32 v0, v9;
	[tilespmem:s29+$0xFFFFFFB0] =	vst v7  }
0x87: {  	v4 =	vor.u32 v1, v4;
	v1 =	vld [tilespmem:s26+$0xFFFFFFF0];
	[tilespmem:s29+$0xFFFFFFC0] =	vst v6  }
0x88: {  	v6 =	vld [tilespmem:s26+$0xFFFFFF80];
	[tilespmem:s29+$0xFFFFFFD0] =	vst v5  }
0x89: {  	v5 =	vld [tilespmem:s26+$0xFFFFFF60];
	[tilespmem:s29+$0xFFFFFFE0] =	vst v3  }
0x8a: {  	v7 =	vld [tilespmem:s26+$0xFFFFFF40];
	[tilespmem:s29+$0xFFFFFFF0] =	vst v8  }
0x8b: {  	v8 =	vld [tilespmem:s26+$0xFFFFFF20];
	[tilespmem:s29+$0x0] =	vst v2;
	s29 =	smov.u32 s26  }
0x8c: {  	v2 =	vmov s28;
	s28 =	smov.u32 s30;
	v4 =	vld.idx.msk [tilespmem:v4+s14+$0x0], $0xffff  }
0x8d: {  	v3 =	vand.u32 $0x78, v2;
	v9 =	vld [tilespmem:s26+$0xFFFFFF10]  }
0x8e: {  	v2 =	vand.u32 $0x7, v2;
	v3 =	vadd.s32 v0, v3;
	v10 =	vld [tilespmem:s26+$0xFFFFFF30]  }
0x8f: {  	v2 =	vor.u32 v2, v3;
	v11 =	vld [tilespmem:s26+$0xFFFFFF50]  }
0x90: {  	v12 =	vld [tilespmem:s26+$0xFFFFFF70]  }
0x91: {  	v3 =	vld [tilespmem:s26+$0xFFFFFFE0]  }
0x92: {  	v8 =	vmul.f32 v8, v4;
	v9 =	vmul.f32 v9, v4;
	v13 =	vld [tilespmem:s26+$0xFFFFFFC0]  }
0x93: {  	v7 =	vmul.f32 v7, v4;
	v14 =	vld [tilespmem:s26+$0xFFFFFFA0];
	v10 =	vmul.f32 v10, v4  }
0x94: {  	v2 =	vld.idx.msk [tilespmem:v2+s14+$0x0], $0xffff;
	[tilespmem:s26+$0xFFFFFF10] =	vst v9;
	v9 =	vmul.f32 v11, v4;
	v11 =	vmul.f32 v5, v4  }
0x95: {  	v16 =	vmul.f32 v6, v4;
	v15 =	vld [tilespmem:s26+$0xFFFFFF90];
	[tilespmem:s26+$0xFFFFFF20] =	vst v8;
	v12 =	vmul.f32 v12, v4  }
0x96: {  	[tilespmem:s26+$0xFFFFFF30] =	vst v10;
	v6 =	vld [tilespmem:s26+$0xFFFFFFB0]  }
.Ltmp1:
0x97: {  	[tilespmem:s26+$0xFFFFFF40] =	vst v7;
	v5 =	vld [tilespmem:s26+$0xFFFFFFD0];
	(pc) =	sbr.rel @p1 .LBB2_5-.Ltmp1, $4  }
0x98: {  	[tilespmem:s26+$0xFFFFFF50] =	vst v9;
	v4 =	vld [tilespmem:s26+$0x0]  }
0x99: {  	[tilespmem:s26+$0xFFFFFF60] =	vst v11  }
0x9a: {  	v8 =	vmul.f32 v14, v2;
	v9 =	vmul.f32 v15, v2;
	[tilespmem:s26+$0xFFFFFF70] =	vst v12  }
0x9b: {  	s30 =	sadd.s32 $0x2, s30;
	s31 =	sadd.s32 $0xFFFFFFFF, s28;
	v7 =	vmul.f32 v6, v2;
	v6 =	vmul.f32 v13, v2;
	[tilespmem:s26+$0xFFFFFF80] =	vst v16  }
0x9c: {  	v10 =	vmov s31;
	[tilespmem:s26+$0xFFFFFF90] =	vst v9  }
0x9d: {  	[tilespmem:s26+$0xFFFFFFA0] =	vst v8;
	v39 =	vand.u32 $0x78, v10  }
0x9e: {  	s31 =	sadd.s32 $0x100, s26;
	v5 =	vmul.f32 v5, v2;
	v40 =	vand.u32 $0x6, v10;
	[tilespmem:s29+$0xFFFFFFB0] =	vst v7;
	v9 =	vadd.s32 v0, v39  }
0x9f: {  	v3 =	vmul.f32 v3, v2;
	v41 =	vld [tilespmem:s31+$0xFFFFFFF0];
	[tilespmem:s29+$0xFFFFFFC0] =	vst v6;
	v8 =	vor.u32 v40, v9  }
0xa0: {  	v1 =	vmul.f32 v1, v2;
	[tilespmem:s29+$0xFFFFFFD0] =	vst v5  }
0xa1: {  	v42 =	vmul.f32 v4, v2;
	[tilespmem:s29+$0xFFFFFFE0] =	vst v3  }
0xa2: {  	v43 =	vld [tilespmem:s31+$0xFFFFFF60];
	[tilespmem:s29+$0xFFFFFFF0] =	vst v1  }
0xa3: {  	v44 =	vmov s28;
	v46 =	vld [tilespmem:s31+$0xFFFFFF10];
	[tilespmem:s29+$0x0] =	vst v42  }
0xa4: {  	v45 =	vand.u32 $0x78, v44;
	v3 =	vld.idx.msk [tilespmem:v8+s14+$0x0], $0xffff  }
0xa5: {  	v2 =	vand.u32 $0x7, v44;
	v48 =	vld [tilespmem:s31+$0xFFFFFF20];
	v47 =	vadd.s32 v0, v45  }
0xa6: {  	v49 =	vld [tilespmem:s31+$0xFFFFFF30];
	v0 =	vor.u32 v2, v47  }
0xa7: {  	v50 =	vld [tilespmem:s31+$0xFFFFFF40]  }
0xa8: {  	v51 =	vld [tilespmem:s31+$0xFFFFFF50]  }
0xa9: {  	v52 =	vld [tilespmem:s31+$0xFFFFFF70];
	v5 =	vmul.f32 v46, v3  }
0xaa: {  	v53 =	vld [tilespmem:s31+$0xFFFFFF80];
	v4 =	vmul.f32 v48, v3  }
0xab: {  	v0 =	vld.idx.msk [tilespmem:v0+s14+$0x0], $0xffff;
	v2 =	vmul.f32 v49, v3;
	[tilespmem:s31+$0xFFFFFF10] =	vst v5  }
0xac: {  	v55 =	vld [tilespmem:s31+$0xFFFFFF90];
	v54 =	vmul.f32 v50, v3;
	[tilespmem:s31+$0xFFFFFF20] =	vst v4  }
0xad: {  	v59 =	vld [tilespmem:s31+$0xFFFFFFD0];
	v8 =	vmul.f32 v51, v3;
	[tilespmem:s31+$0xFFFFFF30] =	vst v2  }
0xae: {  	v1 =	vmul.f32 v43, v3;
	[tilespmem:s31+$0xFFFFFF40] =	vst v54  }
0xaf: {  	v56 =	vld [tilespmem:s31+$0xFFFFFFA0];
	v9 =	vmul.f32 v52, v3;
	[tilespmem:s31+$0xFFFFFF50] =	vst v8  }
0xb0: {  	v57 =	vld [tilespmem:s31+$0xFFFFFFB0];
	v3 =	vmul.f32 v53, v3;
	[tilespmem:s31+$0xFFFFFF60] =	vst v1  }
0xb1: {  	v58 =	vld [tilespmem:s31+$0xFFFFFFC0];
	v6 =	vmul.f32 v55, v0;
	[tilespmem:s31+$0xFFFFFF70] =	vst v9  }
0xb2: {  	v60 =	vld [tilespmem:s31+$0xFFFFFFE0];
	v62 =	vmul.f32 v59, v0;
	[tilespmem:s31+$0xFFFFFF80] =	vst v3  }
0xb3: {  	v61 =	vld [tilespmem:s31+$0x0];
	v63 =	vmul.f32 v41, v0;
	[tilespmem:s31+$0xFFFFFF90] =	vst v6  }
0xb4: {  	v4 =	vmul.f32 v56, v0;
	[tilespmem:s31+$0xFFFFFFD0] =	vst v62  }
0xb5: {  	v2 =	vmul.f32 v57, v0;
	[tilespmem:s31+$0xFFFFFFF0] =	vst v63  }
0xb6: {  	v5 =	vmul.f32 v58, v0;
	[tilespmem:s31+$0xFFFFFFA0] =	vst v4  }
0xb7: {  	v1 =	vmul.f32 v60, v0;
	[tilespmem:s31+$0xFFFFFFB0] =	vst v2  }
0xb8: {  	s24 =	sadd.s32 $0x1, s24;
	v0 =	vmul.f32 v61, v0;
	[tilespmem:s31+$0xFFFFFFC0] =	vst v5  }
0xb9: {  	p1 =	sne.s32 s24, $0x3F;
	[tilespmem:s31+$0xFFFFFFE0] =	vst v1  }
.Ltmp2:
0xba: {  	s25 =	sadd.s32 $0x2760, s25;
	[tilespmem:s31+$0x0] =	vst v0;
	(pc) =	sbr.rel @p1 .LBB2_2-.Ltmp2, $4  }
0xbb: {  	[spmem:s2] =	stream.indirect.scatter.add.f32 [tilespmem:s20], [sflag:$0x3], $0x80, s25, s18, $0xb8;
	[tilespmem:$0x1FEA0] =	vst v63  }
0xbc: {  	_ =	swait.ge [sflag:s12], $0x2800  }
0xbd: {  	[sflag:s12] =	ssyncset.done $0x0  }
0xbe: {  	[sflag:s12] =	ssyncadd.s32 $0xFFFFD800  }
0xbf: {  	[bflag:$0x0] =	sbarrier.arrive $0xFFFF;
	s24 =	simm.s32 @p0 $0x1FC3  }
0xc0: {  	[hbm:s10], [sflag:s24] =	dma.local @p0 [spmem:s15], $0x2800  }
0xc1: {  	s24 =	simm.s32 @p0 $0x3  }
0xc2: {  	s23 =	sadd.s32 $0x1, s23;
	_ =	swait.ge @p0 [sflag:s24], $0x2800  }
0xc3: {  	p1 =	sne.s32 s23, s11;
	[sflag:s24] =	ssyncset.done @p0 $0x0  }
.Ltmp3:
0xc4: {  	[sflag:s24] =	ssyncadd.s32 @p0 $0xFFFFD800;
	s24 =	simm.s32 @!p0 $0x3;
	(pc) =	sbr.rel @p1 .LBB2_1-.Ltmp3, $4  }
0xc5: {  	[hbm:s9], [sflag:s16] =	dma.local @!p0 [spmem:s22], $0x2700  }
0xc6: {  	_ =	swait.ge @!p0 [sflag:s24], $0x2700  }
0xc7: {  	[sflag:s24] =	ssyncset.done @!p0 $0x0  }
0xc8: {  	[sflag:s24] =	ssyncadd.s32 @!p0 $0xFFFFD900  }
0xc9: {  	_ =	sfence.sel $0x180000  }
0xca: {  	[bflag:$0x0] =	sbarrier.arrive $0xFFFF  }
0xcb: {  	p0 =	sne.s32 s0, $0x0;
	_ =	strace $0x9000004D  }
0xcc: {  	s0 =	sadd.s32 @!p0 $0x100000, s1;
	[bflag:$0x2] =	sbarrier.arrive $0xFFFF  }
0xcd: {  	[sflag:s0] =	ssyncadd.tile.s32 @!p0 $0x1;
	_ =	shalt  }
.Lfunc_end2:
_tile_overlayer_lowered:
.L_overlay_start_2:
0xce: {  	(tag) =	ssettag $0x2  }
0xcf: {  	s0 =	rddreg [dreg:$0x0];
	s2 =	stileid.u32  }
0xd0: {  	s1 =	rddreg [dreg:$0x1];
	p0 =	sne.s32 s2, $0x0  }
0xd1: {  	s3 =	rddreg [dreg:$0x2];
	[bflag:$0x3] =	sbarrier.arrive $0xFFFF;
	s2 =	simm.s32 @!p0 $0x1C03  }
0xd2: {  	[timem:s3], [sflag:s2] =	dma.local @!p0 [hbm:s0], s1  }
0xd3: {  	s0 =	simm.s32 @!p0 $0x3  }
0xd4: {  	_ =	swait.ge @!p0 [sflag:s0], s1  }
0xd5: {  	s1 =	ssub.s32 @!p0 $0x0, s1;
	[sflag:s0] =	ssyncset.done @!p0 $0x0  }
0xd6: {  	[sflag:s0] =	ssyncadd.s32 @!p0 s1  }
0xd7: {  	[bflag:$0x3] =	sbarrier.arrive $0xFFFF  }
0xd8: {  	_ =	shalt  }

// kernel: kernel.20.cloned.1.call-start
scs
__scs_entry_jumppad:
0x0: {  	(pc) =	sbr.rel $0x88, $3  }
0x1: {  	(tag) =	ssettag $0x0;
	lr =	simm.s32 $0x1  }
0x2: {  	[smem:$0x3F86] =	sst lr;
	_ =	strace $0xD0000000  }
0x3: {  	_ = 	snop  }
0x4: {  	_ = 	snop  }
0x5: {  	_ = 	snop  }
0x6: {  	_ = 	snop  }
0x7: {  	_ = 	snop  }
__scs_overlays_trampoline_lowered:
0x8: {  	[smem:$0x3F95] =	sst s0  }
0x9: {  	[smem:$0x3F96] =	sst s1  }
0xa: {  	[smem:$0x3F97] =	sst s2  }
0xb: {  	[smem:$0x3F98] =	sst s3  }
0xc: {  	[smem:$0x3F99] =	sst s4  }
0xd: {  	[smem:$0x3F9A] =	sst s5  }
0xe: {  	[smem:$0x3F9B] =	sst s6  }
0xf: {  	[smem:$0x3F9C] =	sst s7  }
0x10: {  	[smem:$0x3F9D] =	sst s8  }
0x11: {  	[smem:$0x3F9E] =	sst s9;
	s0 =	simm.s32 @!p0 $0x0  }
0x12: {  	s1 =	sld [smem:$0x3F84];
	s0 =	simm.s32 @p0 $0x1  }
0x13: {  	[smem:$0x3F9F] =	sst s0;
	s0 =	simm.s32 @!p1 $0x0  }
0x14: {  	s2 =	sld [smem:$0x3F83];
	s0 =	simm.s32 @p1 $0x1  }
0x15: {  	[smem:$0x3FA0] =	sst s0;
	s0 =	simm.s32 @!p2 $0x0  }
0x16: {  	s3 =	sld [smem:$0x3FDB];
	s0 =	simm.s32 @p2 $0x1  }
0x17: {  	s4 =	simm.s32 $0x1BF5;
	[smem:$0x3FA2] =	sst s0  }
0x18: {  	s0 =	sld [smem:$0x3F85];
	_ =	swait.ge [sflag:s4], $0x0  }
0x19: {  	s7 =	sld [smem:$0x3F86]  }
0x1a: {  	s8 =	sadd.s32 $0xFFFFE003, lr  }
0x1b: {  	s9 =	sadd.s32 $0xFFFFFEF7, lr;
	s5 =	simm.s32 $0xFFFFFFFF;
	p2 =	slt.u32 s8, $0xFFFFF086  }
0x1c: {  	p1 =	slt.u32 s9, $0xF7A;
	s5 =	simm.s32 @!p2 $0x0  }
0x1d: {  	s5 =	simm.s32 @p1 $0x1;
	p0 =	seq.s32 s7, s2  }
0x1e: {  	s7 =	smul.u32 @!p0 $0xF7A, s2;
	p2 =	seq.s32 @!p0 s5, $0x0  }
0x1f: {  	s9 =	smul.u32 $0xF7A, s1;
	s8 =	simm.s32 @!p0 $0x1BF5;
	p2 =	por !p2, p0  }
0x20: {  	[sflag:s8] =	ssyncset.s32 @!p0 $0xFFFFF086;
	s6 =	sadd.s32 @!p0 s3, s7;
	s7 =	simm.s32 @!p0 $0x108  }
0x21: {  	s3 =	sadd.s32 s3, s9;
	s6 =	sadd.s32 @!p0 $0x88, s6;
	s7 =	simm.s32 @p2 $0x1082  }
0x22: {  	[simem:s7], [sflag:s8] =	dma.local @!p0 [hbm:s6], $0xF7A  }
0x23: {  	s9 =	sor.u32 $0xD0000000, s2;
	s6 =	simm.s32 $0x108;
	_ =	swait.ge @!p0 [sflag:s8], $0x0  }
0x24: {  	s3 =	sadd.s32 $0x88, s3;
	s6 =	simm.s32 @!p1 $0x1082;
	[sflag:s4] =	ssyncset.s32 $0xFFFFF086  }
0x25: {  	[simem:s6], [sflag:s4] =	dma.local [hbm:s3], $0xF7A  }
0x26: {  	[smem:$0x3F86] =	sst s1;
	(tag) =	ssettag s2;
	_ =	strace s9  }
0x27: {  	s1 =	sld [smem:$0x3F96]  }
0x28: {  	s2 =	sld [smem:$0x3F97]  }
0x29: {  	s4 =	sld [smem:$0x3F99]  }
0x2a: {  	p0 =	seq.s32 s5, $0x0;
	s5 =	sld [smem:$0x3F9A]  }
0x2b: {  	s6 =	sld [smem:$0x3F9B]  }
0x2c: {  	s7 =	sld [smem:$0x3F9C]  }
0x2d: {  	s3 =	simm.s32 $0x108;
	s8 =	sld [smem:$0x3F9D]  }
0x2e: {  	s3 =	simm.s32 @!p0 $0x1082;
	s9 =	sld [smem:$0x3F9E]  }
0x2f: {  	lr =	sadd.s32 s0, s3;
	s0 =	sld [smem:$0x3F95]  }
0x30: {  	s3 =	sld [smem:$0x3F98]  }
0x31: {  	[smem:$0x3FA1] =	sst s10  }
0x32: {  	s10 =	sld [smem:$0x3F9F];
	_ =	sdelay $0x3  }
0x33: {  	p0 =	seq.s32 s10, $0x1;
	s10 =	sld [smem:$0x3FA1];
	_ =	sdelay $0x3  }
0x34: {  	[smem:$0x3FA1] =	sst s10  }
0x35: {  	s10 =	sld [smem:$0x3FA0];
	_ =	sdelay $0x3  }
0x36: {  	p1 =	seq.s32 s10, $0x1;
	s10 =	sld [smem:$0x3FA1];
	_ =	sdelay $0x3  }
0x37: {  	[smem:$0x3FA1] =	sst s10  }
0x38: {  	s10 =	sld [smem:$0x3FA2]  }
0x39: {  	_ = 	snop;
	(pc) =	sbr.ind lr, $3  }
0x3a: {  	_ = 	snop  }
0x3b: {  	_ = 	snop  }
0x3c: {  	p2 =	seq.s32 s10, $0x1;
	s10 =	sld [smem:$0x3FA1]  }
0x3d: {  	_ =	shalt  }
0x3e: {  	_ =	shalt  }
0x3f: {  	_ =	shalt  }
0x40: {  	_ =	shalt  }
0x41: {  	_ =	shalt  }
0x42: {  	_ =	shalt  }
0x43: {  	_ =	shalt  }
0x44: {  	_ =	shalt  }
0x45: {  	_ =	shalt  }
0x46: {  	_ =	shalt  }
0x47: {  	_ =	shalt  }
0x48: {  	_ =	shalt  }
0x49: {  	_ =	shalt  }
0x4a: {  	_ =	shalt  }
0x4b: {  	_ =	shalt  }
0x4c: {  	_ =	shalt  }
0x4d: {  	_ =	shalt  }
0x4e: {  	_ =	shalt  }
0x4f: {  	_ =	shalt  }
0x50: {  	_ =	shalt  }
0x51: {  	_ =	shalt  }
0x52: {  	_ =	shalt  }
0x53: {  	_ =	shalt  }
0x54: {  	_ =	shalt  }
0x55: {  	_ =	shalt  }
0x56: {  	_ =	shalt  }
0x57: {  	_ =	shalt  }
0x58: {  	_ =	shalt  }
0x59: {  	_ =	shalt  }
0x5a: {  	_ =	shalt  }
0x5b: {  	_ =	shalt  }
0x5c: {  	_ =	shalt  }
0x5d: {  	_ =	shalt  }
0x5e: {  	_ =	shalt  }
0x5f: {  	_ =	shalt  }
0x60: {  	_ =	shalt  }
0x61: {  	_ =	shalt  }
0x62: {  	_ =	shalt  }
0x63: {  	_ =	shalt  }
0x64: {  	_ =	shalt  }
0x65: {  	_ =	shalt  }
0x66: {  	_ =	shalt  }
0x67: {  	_ =	shalt  }
0x68: {  	_ =	shalt  }
0x69: {  	_ =	shalt  }
0x6a: {  	_ =	shalt  }
0x6b: {  	_ =	shalt  }
0x6c: {  	_ =	shalt  }
0x6d: {  	_ =	shalt  }
0x6e: {  	_ =	shalt  }
0x6f: {  	_ =	shalt  }
0x70: {  	_ =	shalt  }
0x71: {  	_ =	shalt  }
0x72: {  	_ =	shalt  }
0x73: {  	_ =	shalt  }
0x74: {  	_ =	shalt  }
0x75: {  	_ =	shalt  }
0x76: {  	_ =	shalt  }
0x77: {  	_ =	shalt  }
0x78: {  	_ =	shalt  }
0x79: {  	_ =	shalt  }
0x7a: {  	_ =	shalt  }
0x7b: {  	_ =	shalt  }
0x7c: {  	_ =	shalt  }
0x7d: {  	_ =	shalt  }
0x7e: {  	_ =	shalt  }
0x7f: {  	_ =	shalt  }
0x80: {  	_ =	shalt  }
0x81: {  	_ =	shalt  }
0x82: {  	_ =	shalt  }
0x83: {  	_ =	shalt  }
0x84: {  	_ =	shalt  }
0x85: {  	_ =	shalt  }
0x86: {  	_ =	shalt  }
0x87: {  	_ =	shalt  }
.Lfunc_end0:
.L_simem_size_0:
called_computation.3_lowered:
.L_overlay_start_0:
0x88: {  	s2 =	sld [smem:$0x3FD9]  }
0x89: {  	s3 =	sld [smem:$0x3FFE];
	_ =	sdelay $0x1  }
0x8a: {  	s1 =	srdreg.scid  }
0x8b: {  	s0 =	sand.u32 $0x1, s1  }
0x8c: {  	s16 =	sshll.u32 s0, $0xA;
	s2 =	sadd.s32 s3, s2  }
0x8d: {  	s2 =	sadd.s32 s2, s16  }
0x8e: {  	[smem:$0x3FAD] =	sst s2  }
0x8f: {  	_ = 	snop  }
0x90: {  	(tm) =	ssettm $0x1  }
0x91: {  	s17 =	sld [smem:$0x3FFB];
	_ =	sdelay $0x3  }
0x92: {  	_ =	strace s17  }
0x93: {  	s2 =	sld [smem:$0x3FFC];
	_ =	sdelay $0x3  }
0x94: {  	_ =	strace s2  }
0x95: {  	s2 =	sld [smem:$0x3FFD];
	_ =	sdelay $0x3  }
0x96: {  	_ =	strace s2  }
0x97: {  	_ =	strace $0x8FFFFFFF  }
0x98: {  	s18 =	sld [smem:$0x3FDB];
	_ =	sdelay $0x1  }
0x99: {  	s19 =	simm.s32 $_scs_section_size  }
0x9a: {  	s4 =	simm.s32 $_size__tile_overlayer_lowered;
	s5 =	simm.s32 $_tile_overlayer_lowered  }
0x9b: {  	s22 =	simm.s32 $0x1BFF;
	s21 =	sshll.u32 s5, $0x1;
	s2 =	sadd.s32 s19, s18  }
0x9c: {  	s6 =	simm.s32 $0x0;
	s20 =	sshll.u32 s4, $0x1;
	s4 =	sadd.s32 s21, s2  }
0x9d: {  	[timem:s6], [sflag:s22] =	dma.local [hbm:s4], s20  }
0x9e: {  	_ =	swait.ge [sflag:s22], s20  }
0x9f: {  	s3 =	ssub.s32 $0x0, s20;
	[sflag:s22] =	ssyncset.done $0x0  }
0xa0: {  	[sflag:s22] =	ssyncadd.s32 s3;
	_ =	sdelay $0x1  }
0xa1: {  	s23 =	simm.s32 $0x1B8B  }
0xa2: {  	_ =	swait.ge [sflag:s23], $0x1  }
0xa3: {  	[sflag:s23] =	ssyncset.done $0x0  }
0xa4: {  	s25 =	simm.s32 $0x1B8E;
	s24 =	sld [smem:$0x3FFE];
	[sflag:s23] =	ssyncadd.s32 $0xFFFFFFFF  }
0xa5: {  	s26 =	simm.s32 $execute0_lowered;
	[smem:$0x3FD2] =	sst s25  }
0xa6: {  	s4 =	sshll.u32 s26, $0x1;
	_ =	strace $0x8000004F;
	[dreg:$0x1] =	wrdreg $0xFFFFFFFF  }
0xa7: {  	s28 =	simm.s32 $_size_execute0_lowered;
	s2 =	sadd.s32 s2, s4;
	[dreg:$0x0] =	wrdreg $0x0  }
0xa8: {  	s4 =	sshll.u32 s28, $0x1;
	[dreg:$0x2] =	wrdreg s2  }
0xa9: {  	[dreg:$0x3] =	wrdreg s4  }
0xaa: {  	[dreg:$0x4] =	wrdreg $0xC0  }
0xab: {  	_ =	task [dreg:s6], $0x5FFFF  }
0xac: {  	[dreg:$0x1] =	wrdreg $0xFFFFFFFF  }
0xad: {  	[dreg:$0x0] =	wrdreg $0x60  }
0xae: {  	[dreg:$0x2] =	wrdreg s24  }
0xaf: {  	[dreg:$0x3] =	wrdreg $0xC6200  }
0xb0: {  	[dreg:$0x4] =	wrdreg $0x9  }
0xb1: {  	_ =	task.clear_ibuf [dreg:s6], $0x5FFFF;
	_ =	strace $0x9000004F  }
0xb2: {  	s29 =	simm.s32 $0x9;
	_ =	strace $0x80000051  }
0xb3: {  	_ =	swait.ge [sflag:s29], $0x1  }
0xb4: {  	[sflag:s29] =	ssyncadd.s32 $0xFFFFFFFF  }
0xb5: {  	_ =	strace $0x90000051  }
0xb6: {  	_ =	sfence  }
0xb7: {  	s30 =	sld [smem:$0x0];
	_ =	sdelay $0x2  }
0xb8: {  	s31 =	sshll.u32 s1, $0xD;
	s1 =	sshrl.u32 s1, $0x2  }
0xb9: {  	s3 =	sand.u32 $0x4000, s31;
	s1 =	sadd.s32 s1, s30  }
0xba: {  	s0 =	sor.u32 s3, s0;
	s1 =	sshll.u32 s1, $0x11  }
0xbb: {  	s0 =	sor.u32 s1, s0  }
0xbc: {  	s0 =	sadd.s32 $0x8F2B, s0  }
0xbd: {  	[sflag:s0] =	ssyncadd.remote.s32 $0x1  }
0xbe: {  	_ =	sfence.sel $0xFFFF  }
0xbf: {  	[dreg:$0x0] =	wrdreg $0xFFFFFFFF;
	(pc) =	sbr.abs _section_cstart, $3  }
0xc0: {  	[dreg:$0x1] =	wrdreg $0xFFFFFFFF  }
0xc1: {  	_ =	task.clear_ibuf [dreg:s6], $0x2FFFF;
	_ =	strace $0x9FFFFFFF  }
0xc2: {  	(tm) =	ssettm $0x7FFFFFFF  }
0xc3: {  	_ =	shalt  }
tec
execute0_lowered:
.L_overlay_start_1:
0x0: {  	(tag) =	ssettag $0x1  }
0x1: {  	s0 =	srdreg.scid;
	s7 =	rddreg [dreg:$0x0]  }
0x2: {  	s2 =	rddreg [dreg:$0x1];
	s3 =	simm.s32 $0x0;
	s18 =	simm.s32 $0x50  }
0x3: {  	s19 =	simm.s32 $0x7620;
	s20 =	simm.s32 $0x9E20;
	s21 =	simm.s32 $0x2  }
0x4: {  	s23 =	simm.s32 $0x0;
	s6 =	sand.u32 $0x1, s0;
	s0 =	stileid.u32  }
0x5: {  	[smem:$0x7FF] =	sst s3;
	s11 =	sadd.s32 $0x73800, s7;
	s10 =	smul.u32 $0x4E000, s0  }
0x6: {  	s15 =	sadd.s32 $0x124800, s2;
	s1 =	sshll.u32 s6, $0x4;
	s12 =	smul.u32 $0x138800, s6  }
0x7: {  	s9 =	ssub.s32 $0x2, s6;
	s14 =	smul.u32 $0x13800, s0;
	p0 =	seq.s32 s0, $0xF  }
0x8: {  	s4 =	sor.u32 s0, s1;
	s1 =	rddreg [dreg:$0x2];
	_ =	strace $0x80000050  }
0x9: {  	s28 =	sshrl.u32 s9, $0x1;
	s16 =	sshll.u32 @!p0 s0, $0x6;
	s15 =	sshrl.u32 @p0 s15, $0x3  }
0xa: {  	s5 =	smul.u32 $0x4EC, s4;
	s4 =	sadd.s32 $0x22C00, s7;
	s13 =	ssub.s32 s9, s28  }
0xb: {  	s29 =	sshrl.u32 s10, $0x2;
	s30 =	sadd.s32 s14, s12;
	s31 =	sshrl.u32 s12, $0x3  }
0xc: {  	s22 =	sadd.s32 s14, s2;
	s12 =	simm.s32 $0x3;
	s14 =	simm.s32 $0x4EC0  }
0xd: {  	s16 =	sor.u32 @!p0 $0x1C03, s16;
	s17 =	sadd.s32 s29, s2;
	s9 =	sshrl.u32 s30, $0x3  }
0xe: {  	s10 =	sadd.s32 s11, s31;
	s22 =	sshrl.u32 @!p0 s22, $0x3;
	s8 =	sadd.s32 s5, s7  }
0xf: {  	s5 =	sadd.s32 $0x71000, s7;
	s9 =	sadd.s32 s11, s9;
	s10 =	sadd.s32 $0x24900, s10  }
0x10: {  	s11 =	smax.u32 s13, $0x1;
	s13 =	simm.s32 $0x2760;
	s17 =	sshrl.u32 @!p0 s17, $0x3  }
0x11: {  	s6 =	sadd.s32 $0xF000, s8;
	s7 =	sadd.s32 $0x5200, s8;
	s8 =	sadd.s32 $0x18E00, s8  }
.LBB2_1:
0x12: {  	[tilespmem:s3], [sflag:$0x3] =	stream.linear.gather [hbm4b:s6+s3], $0x2760, $0x38;
	[tilespmem:$0x1FEA0] =	vst v63  }
0x13: {  	_ =	swait.ge [sflag:s12], $0x2760  }
0x14: {  	[sflag:s12] =	ssyncset.done $0x0  }
0x15: {  	[sflag:s12] =	ssyncadd.s32 $0xFFFFD8A0  }
0x16: {  	[tilespmem:s13], [sflag:$0x3] =	stream.linear.gather [hbm4b:s7+s3], $0x2760, $0x38;
	[tilespmem:$0x1FEA0] =	vst v63  }
0x17: {  	_ =	swait.ge [sflag:s12], $0x2760  }
0x18: {  	[sflag:s12] =	ssyncset.done $0x0  }
0x19: {  	[sflag:s12] =	ssyncadd.s32 $0xFFFFD8A0  }
0x1a: {  	[tilespmem:s14], [sflag:$0x3] =	stream.linear.gather [hbm4b:s8+s3], $0x2760, $0x38;
	[tilespmem:$0x1FEA0] =	vst v63  }
0x1b: {  	_ =	swait.ge [sflag:s12], $0x2760  }
0x1c: {  	[sflag:s12] =	ssyncset.done $0x0  }
0x1d: {  	s24 =	simm.s32 @p0 $0x1FC3;
	[sflag:s12] =	ssyncadd.s32 $0xFFFFD8A0  }
0x1e: {  	[spmem:s15], [sflag:s24] =	dma.local @p0 [hbm:s5], $0x2800  }
0x1f: {  	s24 =	simm.s32 @p0 $0x3  }
0x20: {  	_ =	swait.ge @p0 [sflag:s24], $0x2800  }
0x21: {  	[sflag:s24] =	ssyncset.done @p0 $0x0  }
0x22: {  	[sflag:s24] =	ssyncadd.s32 @p0 $0xFFFFD800;
	s24 =	simm.s32 @!p0 $0x3  }
0x23: {  	[spmem:s17], [sflag:s16] =	dma.local @!p0 [hbm:s5], $0x2700  }
0x24: {  	_ =	swait.ge @!p0 [sflag:s24], $0x2700  }
0x25: {  	[sflag:s24] =	ssyncset.done @!p0 $0x0  }
0x26: {  	[sflag:s24] =	ssyncadd.s32 @!p0 $0xFFFFD900  }
0x27: {  	s24 =	simm.s32 $0x0;
	[bflag:$0x0] =	sbarrier.arrive $0xFFFF  }
0x28: {  	[tilespmem:s19], [sflag:$0x1] =	stream.indirect.gather [hbm4b:s4+s18], $0x80, s3, s18, $0xb8;
	[tilespmem:$0x1FEA0] =	vst v63  }
.LBB2_2:
0x29: {  	s25 =	sshll.u32 s24, $0x1  }
0x2a: {  	v0 =	vmov s25  }
0x2b: {  	v0 =	vmul.u32 $0x50, v0  }
0x2c: {  	s31 =	simm.s32 $0x1;
	s26 =	sshllo.u32 s24, $0x1  }
0x2d: {  	_ =	swait.ge [sflag:s31], $0x2800;
	s28 =	smul.u32 $0x140, s26;
	v1 =	vmov s31;
	v0 =	vbroadcast v0, $0x0  }
0x2e: {  	[sflag:s31] =	ssyncset.done $0x0;
	v2 =	vand.u32 $0x78, v1  }
0x2f: {  	v1 =	vand.u32 $0x7, v1;
	[sflag:s31] =	ssyncadd.s32 $0xFFFFD800;
	s25 =	sshra.s32 s28, $0x2;
	s28 =	simm.s32 $0x76A0;
	v2 =	vadd.s32 v0, v2  }
0x30: {  	[tilespmem:s20], [sflag:$0x2] =	stream.indirect.gather [hbm4b:s4+s18], $0x80, s25, s18, $0xb8;
	v1 =	vor.u32 v1, v2;
	[tilespmem:$0x1FEA0] =	vst v63  }
0x31: {  	v6 =	vld [tilespmem:s28+$0xFFFFFFF0]  }
0x32: {  	v5 =	vld [tilespmem:s28+$0x60]  }
0x33: {  	s29 =	simm.s32 $0x0;
	v9 =	vld [tilespmem:s28+$0xFFFFFFD0]  }
0x34: {  	v3 =	vmov s29;
	v8 =	vld [tilespmem:s28+$0x20]  }
0x35: {  	v4 =	vand.u32 $0x78, v3;
	v7 =	vld.idx.msk [tilespmem:v1+s14+$0x0], $0xffff  }
0x36: {  	v1 =	vand.u32 $0x6, v3;
	v3 =	vadd.s32 v0, v4;
	v4 =	vld [tilespmem:s28+$0x0]  }
0x37: {  	v10 =	vld [tilespmem:s28+$0x30]  }
0x38: {  	v1 =	vor.u32 v1, v3;
	v3 =	vld [tilespmem:s28+$0x10]  }
0x39: {  	v11 =	vld [tilespmem:s28+$0x40]  }
0x3a: {  	v12 =	vld [tilespmem:s28+$0x70]  }
0x3b: {  	v13 =	vld [tilespmem:s28+$0xFFFFFF80];
	v4 =	vmul.f32 v4, v7  }
0x3c: {  	v2 =	vld [tilespmem:s28+$0x50];
	v63 =	vmul.f32 v5, v7  }
0x3d: {  	v1 =	vld.idx.msk [tilespmem:v1+s14+$0x0], $0xffff;
	v3 =	vmul.f32 v3, v7;
	[tilespmem:s28+$0x0] =	vst v4  }
0x3e: {  	v14 =	vld [tilespmem:s28+$0xFFFFFFA0];
	v4 =	vmul.f32 v8, v7;
	[tilespmem:s28+$0x60] =	vst v63  }
0x3f: {  	v8 =	vmul.f32 v10, v7;
	[tilespmem:s28+$0x10] =	vst v3;
	v3 =	vld [tilespmem:s28+$0xFFFFFFE0]  }
0x40: {  	v10 =	vmul.f32 v11, v7;
	[tilespmem:s28+$0x20] =	vst v4;
	v4 =	vld [tilespmem:s28+$0xFFFFFF90]  }
0x41: {  	v5 =	vld [tilespmem:s28+$0xFFFFFFB0];
	v11 =	vmul.f32 v2, v7;
	v2 =	vmul.f32 v12, v7;
	[tilespmem:s28+$0x30] =	vst v8  }
0x42: {  	[tilespmem:s28+$0x40] =	vst v10;
	v8 =	vmul.f32 v13, v1;
	v10 =	vmul.f32 v6, v1  }
0x43: {  	s30 =	simm.s32 $0x76A0;
	s29 =	simm.s32 $0x3;
	[tilespmem:s28+$0x50] =	vst v11;
	v6 =	vld [tilespmem:s28+$0xFFFFFFC0];
	v7 =	vmul.f32 v14, v1;
	v9 =	vmul.f32 v9, v1  }
.LBB2_3:
0x44: {  	p1 =	sne.s32 s29, $0x4F  }
0x45: {  	v11 =	vmov s29;
	v4 =	vmul.f32 v4, v1;
	v3 =	vmul.f32 v3, v1;
	[tilespmem:s28+$0x70] =	vst v2;
	s30 =	sadd.s32 $0x100, s30;
	s31 =	smov.u32 s29;
	s29 =	sadd.s32 $0x2, s29  }
0x46: {  	v2 =	vand.u32 $0x78, v11;
	v11 =	vand.u32 $0x7, v11;
	v5 =	vmul.f32 v5, v1;
	[tilespmem:s28+$0xFFFFFFF0] =	vst v10  }
0x47: {  	v2 =	vadd.s32 v0, v2;
	[tilespmem:s28+$0xFFFFFF80] =	vst v8  }
0x48: {  	v2 =	vor.u32 v11, v2;
	v1 =	vmul.f32 v6, v1;
	[tilespmem:s28+$0xFFFFFFD0] =	vst v9  }
0x49: {  	v9 =	vld [tilespmem:s30+$0xFFFFFFF0];
	[tilespmem:s28+$0xFFFFFFA0] =	vst v7  }
0x4a: {  	v6 =	vld [tilespmem:s30+$0x60];
	[tilespmem:s28+$0xFFFFFFB0] =	vst v5  }
0x4b: {  	v7 =	vld [tilespmem:s30+$0x50];
	[tilespmem:s28+$0xFFFFFFC0] =	vst v1  }
0x4c: {  	s31 =	sadd.s32 $0xFFFFFFFF, s31;
	v11 =	vld [tilespmem:s30+$0xFFFFFFD0];
	[tilespmem:s28+$0xFFFFFFE0] =	vst v3  }
0x4d: {  	v1 =	vmov s31;
	v3 =	vld [tilespmem:s30+$0x70];
	[tilespmem:s28+$0xFFFFFF90] =	vst v4;
	s28 =	smov.u32 s30  }
0x4e: {  	v4 =	vand.u32 $0x78, v1;
	v8 =	vld.idx.msk [tilespmem:v2+s14+$0x0], $0xffff  }
0x4f: {  	v1 =	vand.u32 $0x6, v1;
	v2 =	vadd.s32 v0, v4;
	v4 =	vld [tilespmem:s30+$0x0]  }
0x50: {  	v1 =	vor.u32 v1, v2;
	v5 =	vld [tilespmem:s30+$0x10]  }
0x51: {  	v10 =	vld [tilespmem:s30+$0x20]  }
0x52: {  	v12 =	vld [tilespmem:s30+$0x30]  }
0x53: {  	v13 =	vld [tilespmem:s30+$0x40]  }
0x54: {  	v2 =	vmul.f32 v3, v8;
	v14 =	vld [tilespmem:s30+$0xFFFFFF80];
	v4 =	vmul.f32 v4, v8  }
0x55: {  	v1 =	vld.idx.msk [tilespmem:v1+s14+$0x0], $0xffff;
	v3 =	vmul.f32 v5, v8  }
0x56: {  	[tilespmem:s30+$0x0] =	vst v4;
	v15 =	vld [tilespmem:s30+$0xFFFFFFA0];
	v5 =	vmul.f32 v10, v8  }
0x57: {  	[tilespmem:s30+$0x10] =	vst v3;
	v10 =	vmul.f32 v12, v8;
	v3 =	vld [tilespmem:s30+$0xFFFFFFE0]  }
.Ltmp0:
0x58: {  	v4 =	vld [tilespmem:s30+$0xFFFFFF90];
	[tilespmem:s30+$0x20] =	vst v5;
	v12 =	vmul.f32 v13, v8;
	(pc) =	sbr.rel @p1 .LBB2_3-.Ltmp0, $4  }
0x59: {  	v7 =	vmul.f32 v7, v8;
	v5 =	vld [tilespmem:s30+$0xFFFFFFB0];
	[tilespmem:s30+$0x30] =	vst v10  }
0x5a: {  	[tilespmem:s30+$0x40] =	vst v12;
	v12 =	vmul.f32 v6, v8  }
0x5b: {  	v8 =	vmul.f32 v14, v1;
	v10 =	vmul.f32 v9, v1;
	v6 =	vld [tilespmem:s30+$0xFFFFFFC0];
	[tilespmem:s30+$0x50] =	vst v7  }
0x5c: {  	v9 =	vmul.f32 v11, v1;
	v7 =	vmul.f32 v15, v1;
	[tilespmem:s30+$0x60] =	vst v12  }
0x5d: {  	[tilespmem:s28+$0x70] =	vst v2  }
0x5e: {  	[tilespmem:s28+$0xFFFFFFF0] =	vst v10  }
0x5f: {  	[tilespmem:s28+$0xFFFFFF80] =	vst v8  }
0x60: {  	v3 =	vmul.f32 v3, v1;
	[tilespmem:s28+$0xFFFFFFD0] =	vst v9  }
0x61: {  	v0 =	vmul.f32 v5, v1;
	[tilespmem:s28+$0xFFFFFFA0] =	vst v7  }
0x62: {  	s29 =	smul.u32 $0x280, s24;
	[tilespmem:s28+$0xFFFFFFE0] =	vst v3;
	v2 =	vmul.f32 v6, v1  }
0x63: {  	[tilespmem:s28+$0xFFFFFFB0] =	vst v0;
	v0 =	vmul.f32 v4, v1  }
0x64: {  	s30 =	sshra.s32 s29, $0x2;
	[tilespmem:s28+$0xFFFFFFC0] =	vst v2  }
0x65: {  	[tilespmem:s28+$0xFFFFFF90] =	vst v0;
	s28 =	sadd.s32 $0x2760, s30  }
0x66: {  	[spmem:s2] =	stream.indirect.scatter.add.f32 [tilespmem:s19], [sflag:$0x3], $0x80, s28, s18, $0xb8;
	[tilespmem:$0x1FEA0] =	vst v63  }
0x67: {  	_ =	swait.ge [sflag:s12], $0x2800  }
0x68: {  	[sflag:s12] =	ssyncset.done $0x0  }
0x69: {  	v0 =	vmov s26;
	[sflag:s12] =	ssyncadd.s32 $0xFFFFD800  }
0x6a: {  	p1 =	seq.s32 s24, $0x3E;
	s26 =	simm.s32 $0x0;
	v0 =	vmul.u32 $0x50, v0;
	_ =	swait.ge [sflag:s21], $0x2800  }
0x6b: {  	v1 =	vmov s26;
	s26 =	sshra.s32 @!p1 s29, $0x2;
	s28 =	simm.s32 @!p1 $0x50;
	[sflag:s21] =	ssyncset.done $0x0  }
0x6c: {  	s29 =	simm.s32 @!p1 $0x7620;
	s26 =	sadd.s32 @!p1 $0xA0, s26;
	v0 =	vbroadcast v0, $0x0;
	[sflag:s21] =	ssyncadd.s32 $0xFFFFD800  }
0x6d: {  	v2 =	vand.u32 $0x78, v1;
	[tilespmem:s29], [sflag:$0x1] =	stream.indirect.gather @!p1 [hbm4b:s4+s28], $0x80, s26, s28, $0xb8;
	[tilespmem:$0x1FEA0] =	vst v63  }
0x6e: {  	v1 =	vand.u32 $0x6, v1;
	v2 =	vadd.s32 v0, v2;
	s26 =	simm.s32 $0x9F10  }
0x6f: {  	v1 =	vor.u32 v1, v2;
	v4 =	vld [tilespmem:s26+$0xFFFFFF80]  }
0x70: {  	v3 =	vld [tilespmem:s26+$0xFFFFFF60]  }
0x71: {  	v5 =	vld [tilespmem:s26+$0xFFFFFF40]  }
0x72: {  	s28 =	simm.s32 $0x1;
	v7 =	vld [tilespmem:s26+$0xFFFFFF10]  }
0x73: {  	v2 =	vmov s28;
	v8 =	vld [tilespmem:s26+$0xFFFFFF20]  }
0x74: {  	v6 =	vld.idx.msk [tilespmem:v1+s14+$0x0], $0xffff;
	v1 =	vand.u32 $0x78, v2  }
0x75: {  	v9 =	vld [tilespmem:s26+$0xFFFFFF30];
	v2 =	vand.u32 $0x7, v2;
	v1 =	vadd.s32 v0, v1  }
0x76: {  	v10 =	vld [tilespmem:s26+$0xFFFFFF50];
	v1 =	vor.u32 v2, v1  }
0x77: {  	v11 =	vld [tilespmem:s26+$0xFFFFFF70]  }
0x78: {  	v12 =	vld [tilespmem:s26+$0xFFFFFFC0]  }
0x79: {  	v13 =	vld [tilespmem:s26+$0xFFFFFFA0]  }
0x7a: {  	v7 =	vmul.f32 v7, v6;
	v14 =	vmul.f32 v4, v6;
	v4 =	vld [tilespmem:s26+$0x0]  }
0x7b: {  	v8 =	vmul.f32 v8, v6;
	v2 =	vld.idx.msk [tilespmem:v1+s14+$0x0], $0xffff  }
0x7c: {  	v5 =	vmul.f32 v5, v6;
	[tilespmem:s26+$0xFFFFFF10] =	vst v7;
	v7 =	vld [tilespmem:s26+$0xFFFFFF90]  }
0x7d: {  	v11 =	vmul.f32 v11, v6;
	[tilespmem:s26+$0xFFFFFF20] =	vst v8;
	v8 =	vmul.f32 v10, v6;
	v10 =	vld [tilespmem:s26+$0xFFFFFFB0]  }
0x7e: {  	v1 =	vmul.f32 v9, v6;
	v9 =	vmul.f32 v3, v6;
	[tilespmem:s26+$0xFFFFFF40] =	vst v5;
	v3 =	vld [tilespmem:s26+$0xFFFFFFE0]  }
0x7f: {  	v5 =	vld [tilespmem:s26+$0xFFFFFFD0];
	[tilespmem:s26+$0xFFFFFF70] =	vst v11  }
0x80: {  	[tilespmem:s26+$0xFFFFFF30] =	vst v1;
	v1 =	vld [tilespmem:s26+$0xFFFFFFF0]  }
0x81: {  	[tilespmem:s26+$0xFFFFFF50] =	vst v8  }
0x82: {  	s31 =	simm.s32 $0x2;
	[tilespmem:s26+$0xFFFFFF60] =	vst v9;
	v9 =	vmul.f32 v7, v2;
	v8 =	vmul.f32 v13, v2  }
0x83: {  	s30 =	simm.s32 $0x5;
	s29 =	simm.s32 $0x9F10;
	s28 =	simm.s32 $0x3;
	[tilespmem:s26+$0xFFFFFF80] =	vst v14;
	v7 =	vmul.f32 v10, v2;
	v6 =	vmul.f32 v12, v2  }
.LBB2_5:
0x84: {  	p1 =	sne.s32 s30, $0x4F;
	v10 =	vmov s31;
	[tilespmem:s26+$0xFFFFFF90] =	vst v9;
	v5 =	vmul.f32 v5, v2;
	v3 =	vmul.f32 v3, v2  }
0x85: {  	v9 =	vand.u32 $0x78, v10;
	[tilespmem:s26+$0xFFFFFFA0] =	vst v8;
	v8 =	vmul.f32 v1, v2;
	v2 =	vmul.f32 v4, v2  }
0x86: {  	v1 =	vand.u32 $0x6, v10;
	s26 =	sadd.s32 $0x100, s26;
	v4 =	vadd.s32 v0, v9;
	[tilespmem:s29+$0xFFFFFFB0] =	vst v7  }
0x87: {  	v4 =	vor.u32 v1, v4;
	v1 =	vld [tilespmem:s26+$0xFFFFFFF0];
	[tilespmem:s29+$0xFFFFFFC0] =	vst v6  }
0x88: {  	v6 =	vld [tilespmem:s26+$0xFFFFFF80];
	[tilespmem:s29+$0xFFFFFFD0] =	vst v5  }
0x89: {  	v5 =	vld [tilespmem:s26+$0xFFFFFF60];
	[tilespmem:s29+$0xFFFFFFE0] =	vst v3  }
0x8a: {  	v7 =	vld [tilespmem:s26+$0xFFFFFF40];
	[tilespmem:s29+$0xFFFFFFF0] =	vst v8  }
0x8b: {  	v8 =	vld [tilespmem:s26+$0xFFFFFF20];
	[tilespmem:s29+$0x0] =	vst v2;
	s29 =	smov.u32 s26  }
0x8c: {  	v2 =	vmov s28;
	s28 =	smov.u32 s30;
	v4 =	vld.idx.msk [tilespmem:v4+s14+$0x0], $0xffff  }
0x8d: {  	v3 =	vand.u32 $0x78, v2;
	v9 =	vld [tilespmem:s26+$0xFFFFFF10]  }
0x8e: {  	v2 =	vand.u32 $0x7, v2;
	v3 =	vadd.s32 v0, v3;
	v10 =	vld [tilespmem:s26+$0xFFFFFF30]  }
0x8f: {  	v2 =	vor.u32 v2, v3;
	v11 =	vld [tilespmem:s26+$0xFFFFFF50]  }
0x90: {  	v12 =	vld [tilespmem:s26+$0xFFFFFF70]  }
0x91: {  	v3 =	vld [tilespmem:s26+$0xFFFFFFE0]  }
0x92: {  	v8 =	vmul.f32 v8, v4;
	v9 =	vmul.f32 v9, v4;
	v13 =	vld [tilespmem:s26+$0xFFFFFFC0]  }
0x93: {  	v7 =	vmul.f32 v7, v4;
	v14 =	vld [tilespmem:s26+$0xFFFFFFA0];
	v10 =	vmul.f32 v10, v4  }
0x94: {  	v2 =	vld.idx.msk [tilespmem:v2+s14+$0x0], $0xffff;
	[tilespmem:s26+$0xFFFFFF10] =	vst v9;
	v9 =	vmul.f32 v11, v4;
	v11 =	vmul.f32 v5, v4  }
0x95: {  	v16 =	vmul.f32 v6, v4;
	v15 =	vld [tilespmem:s26+$0xFFFFFF90];
	[tilespmem:s26+$0xFFFFFF20] =	vst v8;
	v12 =	vmul.f32 v12, v4  }
0x96: {  	[tilespmem:s26+$0xFFFFFF30] =	vst v10;
	v6 =	vld [tilespmem:s26+$0xFFFFFFB0]  }
.Ltmp1:
0x97: {  	[tilespmem:s26+$0xFFFFFF40] =	vst v7;
	v5 =	vld [tilespmem:s26+$0xFFFFFFD0];
	(pc) =	sbr.rel @p1 .LBB2_5-.Ltmp1, $4  }
0x98: {  	[tilespmem:s26+$0xFFFFFF50] =	vst v9;
	v4 =	vld [tilespmem:s26+$0x0]  }
0x99: {  	[tilespmem:s26+$0xFFFFFF60] =	vst v11  }
0x9a: {  	v8 =	vmul.f32 v14, v2;
	v9 =	vmul.f32 v15, v2;
	[tilespmem:s26+$0xFFFFFF70] =	vst v12  }
0x9b: {  	s30 =	sadd.s32 $0x2, s30;
	s31 =	sadd.s32 $0xFFFFFFFF, s28;
	v7 =	vmul.f32 v6, v2;
	v6 =	vmul.f32 v13, v2;
	[tilespmem:s26+$0xFFFFFF80] =	vst v16  }
0x9c: {  	v10 =	vmov s31;
	[tilespmem:s26+$0xFFFFFF90] =	vst v9  }
0x9d: {  	[tilespmem:s26+$0xFFFFFFA0] =	vst v8;
	v39 =	vand.u32 $0x78, v10  }
0x9e: {  	s31 =	sadd.s32 $0x100, s26;
	v5 =	vmul.f32 v5, v2;
	v40 =	vand.u32 $0x6, v10;
	[tilespmem:s29+$0xFFFFFFB0] =	vst v7;
	v9 =	vadd.s32 v0, v39  }
0x9f: {  	v3 =	vmul.f32 v3, v2;
	v41 =	vld [tilespmem:s31+$0xFFFFFFF0];
	[tilespmem:s29+$0xFFFFFFC0] =	vst v6;
	v8 =	vor.u32 v40, v9  }
0xa0: {  	v1 =	vmul.f32 v1, v2;
	[tilespmem:s29+$0xFFFFFFD0] =	vst v5  }
0xa1: {  	v42 =	vmul.f32 v4, v2;
	[tilespmem:s29+$0xFFFFFFE0] =	vst v3  }
0xa2: {  	v43 =	vld [tilespmem:s31+$0xFFFFFF60];
	[tilespmem:s29+$0xFFFFFFF0] =	vst v1  }
0xa3: {  	v44 =	vmov s28;
	v46 =	vld [tilespmem:s31+$0xFFFFFF10];
	[tilespmem:s29+$0x0] =	vst v42  }
0xa4: {  	v45 =	vand.u32 $0x78, v44;
	v3 =	vld.idx.msk [tilespmem:v8+s14+$0x0], $0xffff  }
0xa5: {  	v2 =	vand.u32 $0x7, v44;
	v48 =	vld [tilespmem:s31+$0xFFFFFF20];
	v47 =	vadd.s32 v0, v45  }
0xa6: {  	v49 =	vld [tilespmem:s31+$0xFFFFFF30];
	v0 =	vor.u32 v2, v47  }
0xa7: {  	v50 =	vld [tilespmem:s31+$0xFFFFFF40]  }
0xa8: {  	v51 =	vld [tilespmem:s31+$0xFFFFFF50]  }
0xa9: {  	v52 =	vld [tilespmem:s31+$0xFFFFFF70];
	v5 =	vmul.f32 v46, v3  }
0xaa: {  	v53 =	vld [tilespmem:s31+$0xFFFFFF80];
	v4 =	vmul.f32 v48, v3  }
0xab: {  	v0 =	vld.idx.msk [tilespmem:v0+s14+$0x0], $0xffff;
	v2 =	vmul.f32 v49, v3;
	[tilespmem:s31+$0xFFFFFF10] =	vst v5  }
0xac: {  	v55 =	vld [tilespmem:s31+$0xFFFFFF90];
	v54 =	vmul.f32 v50, v3;
	[tilespmem:s31+$0xFFFFFF20] =	vst v4  }
0xad: {  	v59 =	vld [tilespmem:s31+$0xFFFFFFD0];
	v8 =	vmul.f32 v51, v3;
	[tilespmem:s31+$0xFFFFFF30] =	vst v2  }
0xae: {  	v1 =	vmul.f32 v43, v3;
	[tilespmem:s31+$0xFFFFFF40] =	vst v54  }
0xaf: {  	v56 =	vld [tilespmem:s31+$0xFFFFFFA0];
	v9 =	vmul.f32 v52, v3;
	[tilespmem:s31+$0xFFFFFF50] =	vst v8  }
0xb0: {  	v57 =	vld [tilespmem:s31+$0xFFFFFFB0];
	v3 =	vmul.f32 v53, v3;
	[tilespmem:s31+$0xFFFFFF60] =	vst v1  }
0xb1: {  	v58 =	vld [tilespmem:s31+$0xFFFFFFC0];
	v6 =	vmul.f32 v55, v0;
	[tilespmem:s31+$0xFFFFFF70] =	vst v9  }
0xb2: {  	v60 =	vld [tilespmem:s31+$0xFFFFFFE0];
	v62 =	vmul.f32 v59, v0;
	[tilespmem:s31+$0xFFFFFF80] =	vst v3  }
0xb3: {  	v61 =	vld [tilespmem:s31+$0x0];
	v63 =	vmul.f32 v41, v0;
	[tilespmem:s31+$0xFFFFFF90] =	vst v6  }
0xb4: {  	v4 =	vmul.f32 v56, v0;
	[tilespmem:s31+$0xFFFFFFD0] =	vst v62  }
0xb5: {  	v2 =	vmul.f32 v57, v0;
	[tilespmem:s31+$0xFFFFFFF0] =	vst v63  }
0xb6: {  	v5 =	vmul.f32 v58, v0;
	[tilespmem:s31+$0xFFFFFFA0] =	vst v4  }
0xb7: {  	v1 =	vmul.f32 v60, v0;
	[tilespmem:s31+$0xFFFFFFB0] =	vst v2  }
0xb8: {  	s24 =	sadd.s32 $0x1, s24;
	v0 =	vmul.f32 v61, v0;
	[tilespmem:s31+$0xFFFFFFC0] =	vst v5  }
0xb9: {  	p1 =	sne.s32 s24, $0x3F;
	[tilespmem:s31+$0xFFFFFFE0] =	vst v1  }
.Ltmp2:
0xba: {  	s25 =	sadd.s32 $0x2760, s25;
	[tilespmem:s31+$0x0] =	vst v0;
	(pc) =	sbr.rel @p1 .LBB2_2-.Ltmp2, $4  }
0xbb: {  	[spmem:s2] =	stream.indirect.scatter.add.f32 [tilespmem:s20], [sflag:$0x3], $0x80, s25, s18, $0xb8;
	[tilespmem:$0x1FEA0] =	vst v63  }
0xbc: {  	_ =	swait.ge [sflag:s12], $0x2800  }
0xbd: {  	[sflag:s12] =	ssyncset.done $0x0  }
0xbe: {  	[sflag:s12] =	ssyncadd.s32 $0xFFFFD800  }
0xbf: {  	[bflag:$0x0] =	sbarrier.arrive $0xFFFF;
	s24 =	simm.s32 @p0 $0x1FC3  }
0xc0: {  	[hbm:s10], [sflag:s24] =	dma.local @p0 [spmem:s15], $0x2800  }
0xc1: {  	s24 =	simm.s32 @p0 $0x3  }
0xc2: {  	s23 =	sadd.s32 $0x1, s23;
	_ =	swait.ge @p0 [sflag:s24], $0x2800  }
0xc3: {  	p1 =	sne.s32 s23, s11;
	[sflag:s24] =	ssyncset.done @p0 $0x0  }
.Ltmp3:
0xc4: {  	[sflag:s24] =	ssyncadd.s32 @p0 $0xFFFFD800;
	s24 =	simm.s32 @!p0 $0x3;
	(pc) =	sbr.rel @p1 .LBB2_1-.Ltmp3, $4  }
0xc5: {  	[hbm:s9], [sflag:s16] =	dma.local @!p0 [spmem:s22], $0x2700  }
0xc6: {  	_ =	swait.ge @!p0 [sflag:s24], $0x2700  }
0xc7: {  	[sflag:s24] =	ssyncset.done @!p0 $0x0  }
0xc8: {  	[sflag:s24] =	ssyncadd.s32 @!p0 $0xFFFFD900  }
0xc9: {  	_ =	sfence.sel $0x180000  }
0xca: {  	[bflag:$0x0] =	sbarrier.arrive $0xFFFF  }
0xcb: {  	p0 =	sne.s32 s0, $0x0;
	_ =	strace $0x90000050  }
0xcc: {  	s0 =	sadd.s32 @!p0 $0x100000, s1;
	[bflag:$0x2] =	sbarrier.arrive $0xFFFF  }
0xcd: {  	[sflag:s0] =	ssyncadd.tile.s32 @!p0 $0x1;
	_ =	shalt  }
.Lfunc_end2:
_tile_overlayer_lowered:
.L_overlay_start_2:
0xce: {  	(tag) =	ssettag $0x2  }
0xcf: {  	s0 =	rddreg [dreg:$0x0];
	s2 =	stileid.u32  }
0xd0: {  	s1 =	rddreg [dreg:$0x1];
	p0 =	sne.s32 s2, $0x0  }
0xd1: {  	s3 =	rddreg [dreg:$0x2];
	[bflag:$0x3] =	sbarrier.arrive $0xFFFF;
	s2 =	simm.s32 @!p0 $0x1C03  }
0xd2: {  	[timem:s3], [sflag:s2] =	dma.local @!p0 [hbm:s0], s1  }
0xd3: {  	s0 =	simm.s32 @!p0 $0x3  }
0xd4: {  	_ =	swait.ge @!p0 [sflag:s0], s1  }
0xd5: {  	s1 =	ssub.s32 @!p0 $0x0, s1;
	[sflag:s0] =	ssyncset.done @!p0 $0x0  }
0xd6: {  	[sflag:s0] =	ssyncadd.s32 @!p0 s1  }
0xd7: {  	[bflag:$0x3] =	sbarrier.arrive $0xFFFF  }
0xd8: {  	_ =	shalt  }

</sc_bundles>
